<compile_context>
chip_gen: v7x
topology: tpu7x:2x2x1
jax: 0.10.2.dev20260603
libtpu: 0.0.44.dev20260713+nightly
codegen_flags: <defaults>
</compile_context>

<pallas_src>
import functools

import jax
import jax.numpy as jnp
from jax import lax
from jax.experimental import pallas as pl
from jax.experimental.pallas import tpu as pltpu
from jax.experimental.pallas import tpu_sc as plsc

_BN_EPS = 1e-5

_NC = 2
_NS = 16
_L = 16
_EB = 128


def _segment_sum(tbl2, src_p, dst_p, n_nodes, d=128):
  n_edges = src_p.shape[0]
  nb = n_edges // _EB
  nit = nb // _NS
  zrows = 80
  nblk = n_nodes // zrows

  mesh = plsc.VectorSubcoreMesh(core_axis_name="c", subcore_axis_name="s")

  @functools.partial(
      pl.kernel,
      out_type=jax.ShapeDtypeStruct((2 * n_nodes, d), jnp.float32),
      name="segsum_fsplit",
      mesh=mesh,
      scratch_types=[
          pltpu.VMEM((_EB,), jnp.int32),
          pltpu.VMEM((_EB,), jnp.int32),
          pltpu.VMEM((_EB,), jnp.int32),
          pltpu.VMEM((_EB, d), jnp.float32),
          pltpu.VMEM((_EB,), jnp.int32),
          pltpu.VMEM((_EB,), jnp.int32),
          pltpu.VMEM((_EB,), jnp.int32),
          pltpu.VMEM((_EB, d), jnp.float32),
          pltpu.VMEM((zrows, d), jnp.float32),
          pltpu.VMEM_SHARED((n_nodes + 8, d), jnp.float32),
          pltpu.SemaphoreType.DMA,
          pltpu.SemaphoreType.DMA,
          pltpu.SemaphoreType.DMA,
          pltpu.SemaphoreType.DMA,
      ],
  )
  def seg_kernel(tbl_ref, src_ref, dst_ref, out_ref,
                 src_v0, dst_v0, adj_v0, rows_v0,
                 src_v1, dst_v1, adj_v1, rows_v1,
                 zbuf, acc, sg0, sg1, ss0, ss1):
    c = lax.axis_index("c")
    s = lax.axis_index("s")
    zero16 = jnp.zeros((_L,), jnp.float32)
    src_vs = (src_v0, src_v1)
    dst_vs = (dst_v0, dst_v1)
    adj_vs = (adj_v0, adj_v1)
    rows_vs = (rows_v0, rows_v1)
    sgs = (sg0, sg1)
    sss = (ss0, ss1)

    @pl.loop(0, zrows)
    def _zero_zbuf(i):
      for j in range(d // _L):
        zbuf[i, pl.ds(j * _L, _L)] = zero16

    @pl.loop(s, nblk, step=_NS)
    def _zero_acc(k):
      pltpu.sync_copy(zbuf, acc.at[pl.ds(k * zrows, zrows)])

    plsc.subcore_barrier()

    off16 = jnp.full((_L,), c * n_nodes, jnp.int32)

    def fire_gather(slot, b):
      base = b * _EB
      pltpu.sync_copy(src_ref.at[pl.ds(base, _EB)], src_vs[slot])
      pltpu.sync_copy(dst_ref.at[pl.ds(base, _EB)], dst_vs[slot])
      for j in range(_EB // _L):
        sl = pl.ds(j * _L, _L)
        adj_vs[slot][sl] = src_vs[slot][sl] + off16
      pltpu.async_copy(tbl_ref.at[adj_vs[slot]], rows_vs[slot], sgs[slot])

    def wait_gather(slot):
      pltpu.make_async_copy(tbl_ref.at[pl.ds(0, _EB)],
                            rows_vs[slot], sgs[slot]).wait()

    def fire_scatter(slot):
      pltpu.async_copy(rows_vs[slot], acc.at[dst_vs[slot]], sss[slot],
                       add=True)

    def wait_scatter(slot):
      pltpu.make_async_copy(tbl_ref.at[pl.ds(0, _EB)],
                            rows_vs[slot], sss[slot]).wait()

    fire_gather(0, s)
    fire_gather(1, s + _NS)

    @pl.loop(0, (nit - 2) // 2)
    def _pairs(p):
      b0 = s + (2 * p) * _NS
      wait_gather(0)
      fire_scatter(0)
      wait_gather(1)
      fire_scatter(1)
      wait_scatter(0)
      fire_gather(0, b0 + 2 * _NS)
      wait_scatter(1)
      fire_gather(1, b0 + 3 * _NS)

    wait_gather(0)
    fire_scatter(0)
    wait_gather(1)
    fire_scatter(1)
    wait_scatter(0)
    wait_scatter(1)

    plsc.subcore_barrier()

    @pl.loop(s, nblk, step=_NS)
    def _writeback(k):
      r0 = k * zrows
      pltpu.sync_copy(acc.at[pl.ds(r0, zrows)],
                      out_ref.at[pl.ds(c * n_nodes + r0, zrows)])

  return seg_kernel(tbl2, src_p, dst_p)


def _gather_pair(a_tbl, b_tbl, src, dst):
  n_edges = src.shape[0]
  nb = n_edges // _EB
  d = a_tbl.shape[1]

  mesh = plsc.VectorSubcoreMesh(core_axis_name="c", subcore_axis_name="s")

  @functools.partial(
      pl.kernel,
      out_type=[
          jax.ShapeDtypeStruct((n_edges, d), jnp.uint32),
          jax.ShapeDtypeStruct((n_edges, d), jnp.uint32),
      ],
      name="gather_pair",
      mesh=mesh,
      scratch_types=[
          pltpu.VMEM((_EB,), jnp.int32),
          pltpu.VMEM((_EB,), jnp.int32),
          pltpu.VMEM((_EB, 128), jnp.uint32),
          pltpu.VMEM((_EB, 128), jnp.uint32),
          pltpu.SemaphoreType.DMA,
          pltpu.SemaphoreType.DMA,
      ],
  )
  def ga_kernel(a_ref, b_ref, src_ref, dst_ref, outa_ref, outb_ref,
                src_v, dst_v, arows, brows, sem_a, sem_b):
    c = lax.axis_index("c")
    s = lax.axis_index("s")
    wid = s * _NC + c

    @pl.loop(wid, nb, step=_NC * _NS)
    def _batch(b):
      base = b * _EB
      pltpu.sync_copy(src_ref.at[pl.ds(base, _EB)], src_v)
      pltpu.sync_copy(dst_ref.at[pl.ds(base, _EB)], dst_v)
      cp_a = pltpu.async_copy(a_ref.at[src_v], arows, sem_a)
      cp_b = pltpu.async_copy(b_ref.at[dst_v], brows, sem_b)
      cp_a.wait()
      cp_b.wait()
      pltpu.sync_copy(arows, outa_ref.at[pl.ds(base, _EB)])
      pltpu.sync_copy(brows, outb_ref.at[pl.ds(base, _EB)])

  return ga_kernel(a_tbl, b_tbl, src, dst)


def _full2d(r, c):
  return pl.BlockSpec((r, c), lambda i: (0, 0))


def _node_proj_call(x, wnT, bn):
  n, d_in = x.shape
  h = wnT.shape[1]
  bn_rows = 1000
  grid = n // bn_rows

  def body(x_ref, w_ref, b_ref, o_ref):
    h0 = jnp.dot(x_ref[...], w_ref[...],
                 preferred_element_type=jnp.float32) + b_ref[...]
    o_ref[0] = h0[:, :128]
    o_ref[1] = h0[:, 128:]

  return pl.pallas_call(
      body,
      grid=(grid,),
      in_specs=[
          pl.BlockSpec((bn_rows, d_in), lambda i: (i, 0)),
          _full2d(d_in, h),
          _full2d(1, h),
      ],
      out_specs=pl.BlockSpec((2, bn_rows, 128), lambda i: (0, i, 0)),
      out_shape=jax.ShapeDtypeStruct((2, n, 128), jnp.float32),
  )(x, wnT, bn)


def _gin_mlp_call(h2s, agg2s, ce, waT, ba, wbT, bb, scale, shift,
                  split_out):
  n = h2s.shape[1]
  h = 256
  bn_rows = 1000
  grid = n // bn_rows

  def body(h_ref, a_ref, ce_ref, wa_ref, ba_ref, wb_ref, bb_ref,
           sc_ref, sh_ref, o_ref):
    hcat = jnp.concatenate([h_ref[0], h_ref[1]], axis=1)
    acat = jnp.concatenate([a_ref[0], a_ref[1]], axis=1)
    t = ce_ref[0, 0] * hcat + acat
    t = jnp.maximum(jnp.dot(t, wa_ref[...],
                            preferred_element_type=jnp.float32) + ba_ref[...],
                    0.0)
    t = jnp.maximum(jnp.dot(t, wb_ref[...],
                            preferred_element_type=jnp.float32) + bb_ref[...],
                    0.0)
    t = jnp.maximum(t * sc_ref[...] + sh_ref[...], 0.0)
    if split_out:
      o_ref[0] = t[:, :128]
      o_ref[1] = t[:, 128:]
    else:
      o_ref[...] = t

  if split_out:
    out_spec = pl.BlockSpec((2, bn_rows, 128), lambda i: (0, i, 0))
    out_shape = jax.ShapeDtypeStruct((2, n, 128), jnp.float32)
  else:
    out_spec = pl.BlockSpec((bn_rows, h), lambda i: (i, 0))
    out_shape = jax.ShapeDtypeStruct((n, h), jnp.float32)

  return pl.pallas_call(
      body,
      grid=(grid,),
      in_specs=[
          pl.BlockSpec((2, bn_rows, 128), lambda i: (0, i, 0)),
          pl.BlockSpec((2, bn_rows, 128), lambda i: (0, i, 0)),
          _full2d(1, 1),
          _full2d(h, h),
          _full2d(1, h),
          _full2d(h, h),
          _full2d(1, h),
          _full2d(1, h),
          _full2d(1, h),
      ],
      out_specs=out_spec,
      out_shape=out_shape,
  )(h2s, agg2s, ce, waT, ba, wbT, bb, scale, shift)


def _round_pack_bf16(even, odd):
  ue = lax.bitcast_convert_type(even, jnp.uint32)
  uo = lax.bitcast_convert_type(odd, jnp.uint32)
  ue = ue + jnp.uint32(0x7FFF) + ((ue >> 16) & jnp.uint32(1))
  uo = uo + jnp.uint32(0x7FFF) + ((uo >> 16) & jnp.uint32(1))
  return (ue >> 16) | (uo & jnp.uint32(0xFFFF0000))


def _unpack_bf16(word):
  f_even = lax.bitcast_convert_type(word << 16, jnp.float32)
  f_odd = lax.bitcast_convert_type(word & jnp.uint32(0xFFFF0000), jnp.float32)
  return f_even, f_odd


def _gin2_ab_call(h1s, agg2s, ce, waT, ba, wbT, bb, scale, shift,
                  wAT_e, wAT_o, ca_e, ca_o, wBT_e, wBT_o):
  n = h1s.shape[1]
  h = 256
  hw = h // 2
  bn_rows = 1000
  grid = n // bn_rows

  def body(h_ref, a_ref, ce_ref, wa_ref, ba_ref, wb_ref, bb_ref,
           sc_ref, sh_ref, wae_ref, wao_ref, cae_ref, cao_ref,
           wbe_ref, wbo_ref, oa_ref, ob_ref):
    hcat = jnp.concatenate([h_ref[0], h_ref[1]], axis=1)
    acat = jnp.concatenate([a_ref[0], a_ref[1]], axis=1)
    t = ce_ref[0, 0] * hcat + acat
    t = jnp.maximum(jnp.dot(t, wa_ref[...],
                            preferred_element_type=jnp.float32) + ba_ref[...],
                    0.0)
    t = jnp.maximum(jnp.dot(t, wb_ref[...],
                            preferred_element_type=jnp.float32) + bb_ref[...],
                    0.0)
    h2 = jnp.maximum(t * sc_ref[...] + sh_ref[...], 0.0)
    ae = jnp.dot(h2, wae_ref[...], preferred_element_type=jnp.float32) \
        + cae_ref[...]
    ao = jnp.dot(h2, wao_ref[...], preferred_element_type=jnp.float32) \
        + cao_ref[...]
    be = jnp.dot(h2, wbe_ref[...], preferred_element_type=jnp.float32)
    bo = jnp.dot(h2, wbo_ref[...], preferred_element_type=jnp.float32)
    oa_ref[...] = _round_pack_bf16(ae, ao)
    ob_ref[...] = _round_pack_bf16(be, bo)

  return pl.pallas_call(
      body,
      grid=(grid,),
      in_specs=[
          pl.BlockSpec((2, bn_rows, 128), lambda i: (0, i, 0)),
          pl.BlockSpec((2, bn_rows, 128), lambda i: (0, i, 0)),
          _full2d(1, 1),
          _full2d(h, h),
          _full2d(1, h),
          _full2d(h, h),
          _full2d(1, h),
          _full2d(1, h),
          _full2d(1, h),
          _full2d(h, hw),
          _full2d(h, hw),
          _full2d(1, hw),
          _full2d(1, hw),
          _full2d(h, hw),
          _full2d(h, hw),
      ],
      out_specs=[
          pl.BlockSpec((bn_rows, hw), lambda i: (i, 0)),
          pl.BlockSpec((bn_rows, hw), lambda i: (i, 0)),
      ],
      out_shape=[
          jax.ShapeDtypeStruct((n, hw), jnp.uint32),
          jax.ShapeDtypeStruct((n, hw), jnp.uint32),
      ],
  )(h1s, agg2s, ce, waT, ba, wbT, bb, scale, shift,
    wAT_e, wAT_o, ca_e, ca_o, wBT_e, wBT_o)


def _edge_head_call(ga, gb, edge_attr, wcT_p, w2T_p, b2, w3T, b3):
  e = ga.shape[0]
  be_rows = 2000
  grid = e // be_rows
  d_edge = edge_attr.shape[1]
  h = 2 * ga.shape[1]
  h2 = w2T_p.shape[1]
  c_out = w3T.shape[1]

  def body(ga_ref, gb_ref, ea_ref, wc_ref, w2_ref, b2_ref, w3_ref, b3_ref,
           o_ref):
    ec = jnp.dot(ea_ref[...], wc_ref[...], preferred_element_type=jnp.float32)
    a_even, a_odd = _unpack_bf16(ga_ref[...])
    b_even, b_odd = _unpack_bf16(gb_ref[...])
    gp = jnp.concatenate([a_even + b_even, a_odd + b_odd], axis=1)
    z1 = jnp.maximum(gp + ec, 0.0)
    z2 = jnp.maximum(jnp.dot(z1, w2_ref[...],
                             preferred_element_type=jnp.float32) + b2_ref[...],
                     0.0)
    o_ref[...] = jnp.dot(z2, w3_ref[...],
                         preferred_element_type=jnp.float32) + b3_ref[...]

  return pl.pallas_call(
      body,
      grid=(grid,),
      in_specs=[
          pl.BlockSpec((be_rows, h // 2), lambda i: (i, 0)),
          pl.BlockSpec((be_rows, h // 2), lambda i: (i, 0)),
          pl.BlockSpec((be_rows, d_edge), lambda i: (i, 0)),
          _full2d(d_edge, h),
          _full2d(h, h2),
          _full2d(1, h2),
          _full2d(h2, c_out),
          _full2d(1, c_out),
      ],
      out_specs=pl.BlockSpec((be_rows, c_out), lambda i: (i, 0)),
      out_shape=jax.ShapeDtypeStruct((e, c_out), jnp.float32),
  )(ga, gb, edge_attr, wcT_p, w2T_p, b2, w3T, b3)


def kernel(x, edge_index, edge_attr, W_node, b_node, W_edge, b_edge,
           eps1, W1a, b1a, W1b, b1b, g1, bt1,
           eps2, W2a, b2a, W2b, b2b, g2, bt2,
           Wm1, bm1, gm1, btm1, Wm2, bm2, gm2, btm2, Wm3, bm3):
  n = x.shape[0]
  h = W_node.shape[0]

  src = edge_index[0]
  dst = edge_index[1]

  n_edges = src.shape[0]
  quant = _EB * 2 * _NS
  n_pad = (-n_edges) % quant
  if (n_edges + n_pad) // _EB // _NS < 4:
    n_pad += 2 * quant
  src_p = jnp.concatenate([src, jnp.zeros((n_pad,), jnp.int32)])
  dst_p = jnp.concatenate([dst, jnp.full((n_pad,), n, jnp.int32)])

  inv = 1.0 / jnp.sqrt(jnp.float32(1.0 + _BN_EPS))
  s1 = (g1 * inv).reshape(1, h)
  s2 = (g2 * inv).reshape(1, h)
  sm1 = gm1 * inv
  sm2 = gm2 * inv

  wA = Wm1[:, :h]
  wB = Wm1[:, h:2 * h]
  wE = Wm1[:, 2 * h:]
  wC = wE @ W_edge
  c0 = (bm1 + wE @ b_edge).reshape(1, h)
  w2p = Wm2 * sm1[None, :]
  b2p = (bm2 + Wm2 @ btm1).reshape(1, h // 2)
  w3p = Wm3 * sm2[None, :]
  b3p = (bm3 + Wm3 @ btm2).reshape(1, Wm3.shape[0])

  ce1 = (1.0 + eps1).reshape(1, 1)
  ce2 = (1.0 + eps2).reshape(1, 1)

  h0s = _node_proj_call(x, W_node.T, b_node.reshape(1, h))

  agg1 = _segment_sum(h0s.reshape(2 * n, 128), src_p, dst_p, n)

  h1s = _gin_mlp_call(h0s, agg1.reshape(2, n, 128), ce1,
                      W1a.T, b1a.reshape(1, h), W1b.T, b1b.reshape(1, h),
                      s1, bt1.reshape(1, h), split_out=True)

  agg2 = _segment_sum(h1s.reshape(2 * n, 128), src_p, dst_p, n)

  waT = wA.T
  wbT = wB.T
  a_tbl, b_tbl = _gin2_ab_call(h1s, agg2.reshape(2, n, 128), ce2,
                               W2a.T, b2a.reshape(1, h),
                               W2b.T, b2b.reshape(1, h),
                               s2, bt2.reshape(1, h),
                               waT[:, 0::2], waT[:, 1::2],
                               c0[:, 0::2], c0[:, 1::2],
                               wbT[:, 0::2], wbT[:, 1::2])

  wcT = wC.T
  wcT_p = jnp.concatenate([wcT[:, 0::2], wcT[:, 1::2]], axis=1)
  w2T = w2p.T
  w2T_p = jnp.concatenate([w2T[0::2], w2T[1::2]], axis=0)

  n_chunks = 5
  ch = n_edges // n_chunks
  outs = []
  for i in range(n_chunks):
    sl = slice(i * ch, (i + 1) * ch)
    ga, gb = _gather_pair(a_tbl, b_tbl, src[sl], dst[sl])
    outs.append(_edge_head_call(ga, gb, edge_attr[sl], wcT_p, w2T_p,
                                b2p, w3p.T, b3p))
  return jnp.concatenate(outs, axis=0)

# --- scband reference (transcript-rebuilt; emitter-appended) ---
"""Pipeline reference for scband-enhanced-edge-feature-gnn-1864015806470 (READ-ONLY COPY).

The authoritative reference and input builder live on the scoring server;
editing this copy changes nothing except your own understanding.
"""

import jax, jax.numpy as jnp
import numpy as np

N = 10000
E = 320000
D_IN = 128
D_EDGE = 16
H = 256
C = 4
BN_EPS = 1e-5


def _linear(x, W, b):
    return x @ W.T + b


def _bn(x, g, b):
    # eval-mode BatchNorm1d with running_mean=0, running_var=1
    return x * (g / np.sqrt(1.0 + BN_EPS)) + b


def _gin(x, src, dst, eps, Wa, ba, Wb, bb, g, bt):
    # GINConv: MLP((1+eps)*x + sum_{j->i} x_j), MLP = Lin,ReLU,Lin,ReLU,BN
    agg = jax.ops.segment_sum(x[src], dst, num_segments=N)
    h = (1.0 + eps) * x + agg
    h = jax.nn.relu(_linear(h, Wa, ba))
    h = jax.nn.relu(_linear(h, Wb, bb))
    return _bn(h, g, bt)


def setup_inputs(seed: int = 0) -> dict:
    key = jax.random.key(seed)
    ks = jax.random.split(key, 16)
    s = 0.02
    return {
        "x": jax.random.normal(ks[0], (N, D_IN), jnp.float32),
        "edge_index": jax.random.randint(ks[1], (2, E), 0, N, jnp.int32),
        "edge_attr": jax.random.normal(ks[2], (E, D_EDGE), jnp.float32),
        "W_node": jax.random.normal(ks[3], (H, D_IN), jnp.float32) * s,
        "b_node": jnp.zeros((H,), jnp.float32),
        "W_edge": jax.random.normal(ks[4], (H, D_EDGE), jnp.float32) * s,
        "b_edge": jnp.zeros((H,), jnp.float32),
        "eps1": jnp.zeros((), jnp.float32),
        "W1a": jax.random.normal(ks[5], (H, H), jnp.float32) * s,
        "b1a": jnp.zeros((H,), jnp.float32),
        "W1b": jax.random.normal(ks[6], (H, H), jnp.float32) * s,
        "b1b": jnp.zeros((H,), jnp.float32),
        "g1": jnp.ones((H,), jnp.float32),
        "bt1": jnp.zeros((H,), jnp.float32),
        "eps2": jnp.zeros((), jnp.float32),
        "W2a": jax.random.normal(ks[7], (H, H), jnp.float32) * s,
        "b2a": jnp.zeros((H,), jnp.float32),
        "W2b": jax.random.normal(ks[8], (H, H), jnp.float32) * s,
        "b2b": jnp.zeros((H,), jnp.float32),
        "g2": jnp.ones((H,), jnp.float32),
        "bt2": jnp.zeros((H,), jnp.float32),
        "Wm1": jax.random.normal(ks[9], (H, 3 * H), jnp.float32) * s,
        "bm1": jnp.zeros((H,), jnp.float32),
        "gm1": jnp.ones((H,), jnp.float32),
        "btm1": jnp.zeros((H,), jnp.float32),
        "Wm2": jax.random.normal(ks[10], (H // 2, H), jnp.float32) * s,
        "bm2": jnp.zeros((H // 2,), jnp.float32),
        "gm2": jnp.ones((H // 2,), jnp.float32),
        "btm2": jnp.zeros((H // 2,), jnp.float32),
        "Wm3": jax.random.normal(ks[11], (C, H // 2), jnp.float32) * s,
        "bm3": jnp.zeros((C,), jnp.float32),
    }


def reference(x, edge_index, edge_attr, W_node, b_node, W_edge, b_edge,
              eps1, W1a, b1a, W1b, b1b, g1, bt1,
              eps2, W2a, b2a, W2b, b2b, g2, bt2,
              Wm1, bm1, gm1, btm1, Wm2, bm2, gm2, btm2, Wm3, bm3):
    src = edge_index[0]
    dst = edge_index[1]
    h = _linear(x, W_node, b_node)
    ea = _linear(edge_attr, W_edge, b_edge)
    h = _gin(h, src, dst, eps1, W1a, b1a, W1b, b1b, g1, bt1)
    h = jax.nn.relu(h)  # dropout is identity in eval mode
    h = _gin(h, src, dst, eps2, W2a, b2a, W2b, b2b, g2, bt2)
    h = jax.nn.relu(h)
    edge_src = h[src]
    edge_dst = h[dst]
    ef = jnp.concatenate([edge_src, edge_dst, ea], axis=1)
    z = jax.nn.relu(_linear(ef, Wm1, bm1))
    z = _bn(z, gm1, btm1)
    z = jax.nn.relu(_linear(z, Wm2, bm2))
    z = _bn(z, gm2, btm2)
    return _linear(z, Wm3, bm3)

if __name__ == "__main__":
    import jax
    _d = setup_inputs()
    print(jax.jit(kernel)(*tuple(_d.values())))

</pallas_src>

<mosaic_0001>
#map = affine_map<(d0, d1) -> (0, 0)>
#map1 = affine_map<(d0, d1) -> (0)>
module attributes {stable_mosaic.version = 14 : i64} {
  func.func @gather_pair(%arg0: i32, %arg1: i32, %arg2: memref<10000x128xi32, #tpu.memory_space<hbm>>, %arg3: memref<10000x128xi32, #tpu.memory_space<hbm>>, %arg4: memref<64000xi32, #tpu.memory_space<hbm>>, %arg5: memref<64000xi32, #tpu.memory_space<hbm>>, %arg6: memref<64000x128xi32, #tpu.memory_space<hbm>>, %arg7: memref<64000x128xi32, #tpu.memory_space<hbm>>, %arg8: memref<128xi32, #tpu.memory_space<vmem>>, %arg9: memref<128xi32, #tpu.memory_space<vmem>>, %arg10: memref<128x128xi32, #tpu.memory_space<vmem>>, %arg11: memref<128x128xi32, #tpu.memory_space<vmem>>, %arg12: memref<!tpu.dma_semaphore, #tpu.memory_space<semaphore_mem>>, %arg13: memref<!tpu.dma_semaphore, #tpu.memory_space<semaphore_mem>>) attributes {dimension_semantics = [#tpu.dimension_semantics<core_parallel>, #tpu.dimension_semantics<subcore_parallel>], iteration_bounds = array<i64: 2, 16>, scalar_prefetch = 0 : i64, scratch_operands = 6 : i64, tpu.core_type = #tpu.core_type<sc_vector_subcore>, window_params = [{transform_indices = #map}, {transform_indices = #map}, {transform_indices = #map1}, {transform_indices = #map1}, {transform_indices = #map}, {transform_indices = #map}]} {
    %mul3A = arith.constant 2 : i32
    %mul3A_0 = arith.muli %arg1, %mul3A : i32
    %add3A = arith.addi %mul3A_0, %arg0 : i32
    %sub3A = arith.constant 500 : i32
    %sub3A_1 = arith.subi %sub3A, %add3A : i32
    %sub3A_2 = arith.constant 32 : i32
    %sub3A_3 = arith.constant 1 : i32
    %sub3A_4 = arith.subi %sub3A_2, %sub3A_3 : i32
    %add3A_5 = arith.addi %sub3A_1, %sub3A_4 : i32
    %div3A = arith.constant 32 : i32
    %div3A_6 = arith.divsi %add3A_5, %div3A : i32
    %while3A = arith.constant 32 : i32
    %while3A_7 = arith.constant 0 : i32
    %while3A_8 = arith.subi %div3A_6, %while3A_7 : i32
    %while3A_9 = arith.addi %while3A_7, %while3A_8 : i32
    %while3A_10 = arith.constant 1 : i32
    %while3A_11 = arith.divsi %while3A_8, %while3A_10 : i32
    %while3A_12 = arith.muli %while3A_11, %while3A_10 : i32
    %while3A_13 = arith.addi %while3A_7, %while3A_12 : i32
    %while3A_14 = arith.constant 1 : i32
    scf.for %while3A_16 = %while3A_7 to %while3A_13 step %while3A_14  : i32 {
      %mul3A_17 = arith.muli %while3A_16, %while3A : i32
      %add3A_18 = arith.addi %add3A, %mul3A_17 : i32
      %mul3A_19 = arith.constant 128 : i32
      %mul3A_20 = arith.muli %add3A_18, %mul3A_19 : i32
      "tpu.region"() ({
        %run_scoped3A = tpu.sem_alloc : memref<!tpu.dma_semaphore, #tpu.memory_space<semaphore_mem>>
        %dma_start3A_31 = tpu.memref_slice %arg4[%mul3A_20] : memref<64000xi32, #tpu.memory_space<hbm>> -> memref<128xi32, #tpu.memory_space<hbm>>
        %dma_start3A_32 = tpu.memref_slice %arg4[%mul3A_20] : memref<64000xi32, #tpu.memory_space<hbm>> -> memref<128xi32, #tpu.memory_space<hbm>>
        tpu.enqueue_dma source(%dma_start3A_32 : memref<128xi32, #tpu.memory_space<hbm>>) target(%arg8 : memref<128xi32, #tpu.memory_space<vmem>>) target_semaphore(%run_scoped3A : memref<!tpu.dma_semaphore, #tpu.memory_space<semaphore_mem>>)
        %dma_wait3A_33 = tpu.memref_slice %arg4[%mul3A_20] : memref<64000xi32, #tpu.memory_space<hbm>> -> memref<128xi32, #tpu.memory_space<hbm>>
        %dma_wait3A_34 = tpu.memref_slice %arg4[%mul3A_20] : memref<64000xi32, #tpu.memory_space<hbm>> -> memref<128xi32, #tpu.memory_space<hbm>>
        tpu.wait_dma2 semaphore(%run_scoped3A : memref<!tpu.dma_semaphore, #tpu.memory_space<semaphore_mem>>) src(%dma_wait3A_34 : memref<128xi32, #tpu.memory_space<hbm>>) dst(%arg8 : memref<128xi32, #tpu.memory_space<vmem>>)
        tpu.yield
      }) : () -> ()
      "tpu.region"() ({
        %run_scoped3A = tpu.sem_alloc : memref<!tpu.dma_semaphore, #tpu.memory_space<semaphore_mem>>
        %dma_start3A_31 = tpu.memref_slice %arg5[%mul3A_20] : memref<64000xi32, #tpu.memory_space<hbm>> -> memref<128xi32, #tpu.memory_space<hbm>>
        %dma_start3A_32 = tpu.memref_slice %arg5[%mul3A_20] : memref<64000xi32, #tpu.memory_space<hbm>> -> memref<128xi32, #tpu.memory_space<hbm>>
        tpu.enqueue_dma source(%dma_start3A_32 : memref<128xi32, #tpu.memory_space<hbm>>) target(%arg9 : memref<128xi32, #tpu.memory_space<vmem>>) target_semaphore(%run_scoped3A : memref<!tpu.dma_semaphore, #tpu.memory_space<semaphore_mem>>)
        %dma_wait3A_33 = tpu.memref_slice %arg5[%mul3A_20] : memref<64000xi32, #tpu.memory_space<hbm>> -> memref<128xi32, #tpu.memory_space<hbm>>
        %dma_wait3A_34 = tpu.memref_slice %arg5[%mul3A_20] : memref<64000xi32, #tpu.memory_space<hbm>> -> memref<128xi32, #tpu.memory_space<hbm>>
        tpu.wait_dma2 semaphore(%run_scoped3A : memref<!tpu.dma_semaphore, #tpu.memory_space<semaphore_mem>>) src(%dma_wait3A_34 : memref<128xi32, #tpu.memory_space<hbm>>) dst(%arg9 : memref<128xi32, #tpu.memory_space<vmem>>)
        tpu.yield
      }) : () -> ()
      %dma_start3A = arith.constant 0 : i32
      %dma_start3A_21 = arith.constant 0 : i32
      %dma_start3A_22 = tpu.memref_slice %arg2[%dma_start3A, %dma_start3A_21] : memref<10000x128xi32, #tpu.memory_space<hbm>> -> memref<10000x128xi32, #tpu.memory_space<hbm>>
      tpu.enqueue_indirect_dma source(%dma_start3A_22 : memref<10000x128xi32, #tpu.memory_space<hbm>>) target(%arg10 : memref<128x128xi32, #tpu.memory_space<vmem>>) offsets(%arg8 : memref<128xi32, #tpu.memory_space<vmem>>) semaphore(%arg12 : memref<!tpu.dma_semaphore, #tpu.memory_space<semaphore_mem>>)
      %dma_start3A_23 = arith.constant 0 : i32
      %dma_start3A_24 = arith.constant 0 : i32
      %dma_start3A_25 = tpu.memref_slice %arg3[%dma_start3A_23, %dma_start3A_24] : memref<10000x128xi32, #tpu.memory_space<hbm>> -> memref<10000x128xi32, #tpu.memory_space<hbm>>
      tpu.enqueue_indirect_dma source(%dma_start3A_25 : memref<10000x128xi32, #tpu.memory_space<hbm>>) target(%arg11 : memref<128x128xi32, #tpu.memory_space<vmem>>) offsets(%arg9 : memref<128xi32, #tpu.memory_space<vmem>>) semaphore(%arg13 : memref<!tpu.dma_semaphore, #tpu.memory_space<semaphore_mem>>)
      %dma_wait3A = arith.constant 0 : i32
      %dma_wait3A_26 = arith.constant 0 : i32
      %dma_wait3A_27 = tpu.memref_slice %arg2[%dma_wait3A, %dma_wait3A_26] : memref<10000x128xi32, #tpu.memory_space<hbm>> -> memref<10000x128xi32, #tpu.memory_space<hbm>>
      tpu.wait_indirect_dma semaphore(%arg12 : memref<!tpu.dma_semaphore, #tpu.memory_space<semaphore_mem>>) src(%dma_wait3A_27 : memref<10000x128xi32, #tpu.memory_space<hbm>>) dst(%arg10 : memref<128x128xi32, #tpu.memory_space<vmem>>)
      %dma_wait3A_28 = arith.constant 0 : i32
      %dma_wait3A_29 = arith.constant 0 : i32
      %dma_wait3A_30 = tpu.memref_slice %arg3[%dma_wait3A_28, %dma_wait3A_29] : memref<10000x128xi32, #tpu.memory_space<hbm>> -> memref<10000x128xi32, #tpu.memory_space<hbm>>
      tpu.wait_indirect_dma semaphore(%arg13 : memref<!tpu.dma_semaphore, #tpu.memory_space<semaphore_mem>>) src(%dma_wait3A_30 : memref<10000x128xi32, #tpu.memory_space<hbm>>) dst(%arg11 : memref<128x128xi32, #tpu.memory_space<vmem>>)
      "tpu.region"() ({
        %run_scoped3A = tpu.sem_alloc : memref<!tpu.dma_semaphore, #tpu.memory_space<semaphore_mem>>
        %dma_start3A_31 = arith.constant 0 : i32
        %dma_start3A_32 = tpu.memref_slice %arg6[%mul3A_20, %dma_start3A_31] : memref<64000x128xi32, #tpu.memory_space<hbm>> -> memref<128x128xi32, #tpu.memory_space<hbm>>
        %dma_start3A_33 = arith.constant 0 : i32
        %dma_start3A_34 = tpu.memref_slice %arg6[%mul3A_20, %dma_start3A_33] : memref<64000x128xi32, #tpu.memory_space<hbm>> -> memref<128x128xi32, #tpu.memory_space<hbm>>
        tpu.enqueue_dma source(%arg10 : memref<128x128xi32, #tpu.memory_space<vmem>>) target(%dma_start3A_34 : memref<128x128xi32, #tpu.memory_space<hbm>>) target_semaphore(%run_scoped3A : memref<!tpu.dma_semaphore, #tpu.memory_space<semaphore_mem>>)
        %dma_wait3A_35 = arith.constant 0 : i32
        %dma_wait3A_36 = tpu.memref_slice %arg6[%mul3A_20, %dma_wait3A_35] : memref<64000x128xi32, #tpu.memory_space<hbm>> -> memref<128x128xi32, #tpu.memory_space<hbm>>
        %dma_wait3A_37 = arith.constant 0 : i32
        %dma_wait3A_38 = tpu.memref_slice %arg6[%mul3A_20, %dma_wait3A_37] : memref<64000x128xi32, #tpu.memory_space<hbm>> -> memref<128x128xi32, #tpu.memory_space<hbm>>
        tpu.wait_dma2 semaphore(%run_scoped3A : memref<!tpu.dma_semaphore, #tpu.memory_space<semaphore_mem>>) src(%arg10 : memref<128x128xi32, #tpu.memory_space<vmem>>) dst(%dma_wait3A_38 : memref<128x128xi32, #tpu.memory_space<hbm>>)
        tpu.yield
      }) : () -> ()
      "tpu.region"() ({
        %run_scoped3A = tpu.sem_alloc : memref<!tpu.dma_semaphore, #tpu.memory_space<semaphore_mem>>
        %dma_start3A_31 = arith.constant 0 : i32
        %dma_start3A_32 = tpu.memref_slice %arg7[%mul3A_20, %dma_start3A_31] : memref<64000x128xi32, #tpu.memory_space<hbm>> -> memref<128x128xi32, #tpu.memory_space<hbm>>
        %dma_start3A_33 = arith.constant 0 : i32
        %dma_start3A_34 = tpu.memref_slice %arg7[%mul3A_20, %dma_start3A_33] : memref<64000x128xi32, #tpu.memory_space<hbm>> -> memref<128x128xi32, #tpu.memory_space<hbm>>
        tpu.enqueue_dma source(%arg11 : memref<128x128xi32, #tpu.memory_space<vmem>>) target(%dma_start3A_34 : memref<128x128xi32, #tpu.memory_space<hbm>>) target_semaphore(%run_scoped3A : memref<!tpu.dma_semaphore, #tpu.memory_space<semaphore_mem>>)
        %dma_wait3A_35 = arith.constant 0 : i32
        %dma_wait3A_36 = tpu.memref_slice %arg7[%mul3A_20, %dma_wait3A_35] : memref<64000x128xi32, #tpu.memory_space<hbm>> -> memref<128x128xi32, #tpu.memory_space<hbm>>
        %dma_wait3A_37 = arith.constant 0 : i32
        %dma_wait3A_38 = tpu.memref_slice %arg7[%mul3A_20, %dma_wait3A_37] : memref<64000x128xi32, #tpu.memory_space<hbm>> -> memref<128x128xi32, #tpu.memory_space<hbm>>
        tpu.wait_dma2 semaphore(%run_scoped3A : memref<!tpu.dma_semaphore, #tpu.memory_space<semaphore_mem>>) src(%arg11 : memref<128x128xi32, #tpu.memory_space<vmem>>) dst(%dma_wait3A_38 : memref<128x128xi32, #tpu.memory_space<hbm>>)
        tpu.yield
      }) : () -> ()
    }
    %while3A_15 = arith.constant 1 : i32
    scf.for %while3A_16 = %while3A_13 to %while3A_9 step %while3A_15  : i32 {
      %mul3A_17 = arith.muli %while3A_16, %while3A : i32
      %add3A_18 = arith.addi %add3A, %mul3A_17 : i32
      %mul3A_19 = arith.constant 128 : i32
      %mul3A_20 = arith.muli %add3A_18, %mul3A_19 : i32
      "tpu.region"() ({
        %run_scoped3A = tpu.sem_alloc : memref<!tpu.dma_semaphore, #tpu.memory_space<semaphore_mem>>
        %dma_start3A_31 = tpu.memref_slice %arg4[%mul3A_20] : memref<64000xi32, #tpu.memory_space<hbm>> -> memref<128xi32, #tpu.memory_space<hbm>>
        %dma_start3A_32 = tpu.memref_slice %arg4[%mul3A_20] : memref<64000xi32, #tpu.memory_space<hbm>> -> memref<128xi32, #tpu.memory_space<hbm>>
        tpu.enqueue_dma source(%dma_start3A_32 : memref<128xi32, #tpu.memory_space<hbm>>) target(%arg8 : memref<128xi32, #tpu.memory_space<vmem>>) target_semaphore(%run_scoped3A : memref<!tpu.dma_semaphore, #tpu.memory_space<semaphore_mem>>)
        %dma_wait3A_33 = tpu.memref_slice %arg4[%mul3A_20] : memref<64000xi32, #tpu.memory_space<hbm>> -> memref<128xi32, #tpu.memory_space<hbm>>
        %dma_wait3A_34 = tpu.memref_slice %arg4[%mul3A_20] : memref<64000xi32, #tpu.memory_space<hbm>> -> memref<128xi32, #tpu.memory_space<hbm>>
        tpu.wait_dma2 semaphore(%run_scoped3A : memref<!tpu.dma_semaphore, #tpu.memory_space<semaphore_mem>>) src(%dma_wait3A_34 : memref<128xi32, #tpu.memory_space<hbm>>) dst(%arg8 : memref<128xi32, #tpu.memory_space<vmem>>)
        tpu.yield
      }) : () -> ()
      "tpu.region"() ({
        %run_scoped3A = tpu.sem_alloc : memref<!tpu.dma_semaphore, #tpu.memory_space<semaphore_mem>>
        %dma_start3A_31 = tpu.memref_slice %arg5[%mul3A_20] : memref<64000xi32, #tpu.memory_space<hbm>> -> memref<128xi32, #tpu.memory_space<hbm>>
        %dma_start3A_32 = tpu.memref_slice %arg5[%mul3A_20] : memref<64000xi32, #tpu.memory_space<hbm>> -> memref<128xi32, #tpu.memory_space<hbm>>
        tpu.enqueue_dma source(%dma_start3A_32 : memref<128xi32, #tpu.memory_space<hbm>>) target(%arg9 : memref<128xi32, #tpu.memory_space<vmem>>) target_semaphore(%run_scoped3A : memref<!tpu.dma_semaphore, #tpu.memory_space<semaphore_mem>>)
        %dma_wait3A_33 = tpu.memref_slice %arg5[%mul3A_20] : memref<64000xi32, #tpu.memory_space<hbm>> -> memref<128xi32, #tpu.memory_space<hbm>>
        %dma_wait3A_34 = tpu.memref_slice %arg5[%mul3A_20] : memref<64000xi32, #tpu.memory_space<hbm>> -> memref<128xi32, #tpu.memory_space<hbm>>
        tpu.wait_dma2 semaphore(%run_scoped3A : memref<!tpu.dma_semaphore, #tpu.memory_space<semaphore_mem>>) src(%dma_wait3A_34 : memref<128xi32, #tpu.memory_space<hbm>>) dst(%arg9 : memref<128xi32, #tpu.memory_space<vmem>>)
        tpu.yield
      }) : () -> ()
      %dma_start3A = arith.constant 0 : i32
      %dma_start3A_21 = arith.constant 0 : i32
      %dma_start3A_22 = tpu.memref_slice %arg2[%dma_start3A, %dma_start3A_21] : memref<10000x128xi32, #tpu.memory_space<hbm>> -> memref<10000x128xi32, #tpu.memory_space<hbm>>
      tpu.enqueue_indirect_dma source(%dma_start3A_22 : memref<10000x128xi32, #tpu.memory_space<hbm>>) target(%arg10 : memref<128x128xi32, #tpu.memory_space<vmem>>) offsets(%arg8 : memref<128xi32, #tpu.memory_space<vmem>>) semaphore(%arg12 : memref<!tpu.dma_semaphore, #tpu.memory_space<semaphore_mem>>)
      %dma_start3A_23 = arith.constant 0 : i32
      %dma_start3A_24 = arith.constant 0 : i32
      %dma_start3A_25 = tpu.memref_slice %arg3[%dma_start3A_23, %dma_start3A_24] : memref<10000x128xi32, #tpu.memory_space<hbm>> -> memref<10000x128xi32, #tpu.memory_space<hbm>>
      tpu.enqueue_indirect_dma source(%dma_start3A_25 : memref<10000x128xi32, #tpu.memory_space<hbm>>) target(%arg11 : memref<128x128xi32, #tpu.memory_space<vmem>>) offsets(%arg9 : memref<128xi32, #tpu.memory_space<vmem>>) semaphore(%arg13 : memref<!tpu.dma_semaphore, #tpu.memory_space<semaphore_mem>>)
      %dma_wait3A = arith.constant 0 : i32
      %dma_wait3A_26 = arith.constant 0 : i32
      %dma_wait3A_27 = tpu.memref_slice %arg2[%dma_wait3A, %dma_wait3A_26] : memref<10000x128xi32, #tpu.memory_space<hbm>> -> memref<10000x128xi32, #tpu.memory_space<hbm>>
      tpu.wait_indirect_dma semaphore(%arg12 : memref<!tpu.dma_semaphore, #tpu.memory_space<semaphore_mem>>) src(%dma_wait3A_27 : memref<10000x128xi32, #tpu.memory_space<hbm>>) dst(%arg10 : memref<128x128xi32, #tpu.memory_space<vmem>>)
      %dma_wait3A_28 = arith.constant 0 : i32
      %dma_wait3A_29 = arith.constant 0 : i32
      %dma_wait3A_30 = tpu.memref_slice %arg3[%dma_wait3A_28, %dma_wait3A_29] : memref<10000x128xi32, #tpu.memory_space<hbm>> -> memref<10000x128xi32, #tpu.memory_space<hbm>>
      tpu.wait_indirect_dma semaphore(%arg13 : memref<!tpu.dma_semaphore, #tpu.memory_space<semaphore_mem>>) src(%dma_wait3A_30 : memref<10000x128xi32, #tpu.memory_space<hbm>>) dst(%arg11 : memref<128x128xi32, #tpu.memory_space<vmem>>)
      "tpu.region"() ({
        %run_scoped3A = tpu.sem_alloc : memref<!tpu.dma_semaphore, #tpu.memory_space<semaphore_mem>>
        %dma_start3A_31 = arith.constant 0 : i32
        %dma_start3A_32 = tpu.memref_slice %arg6[%mul3A_20, %dma_start3A_31] : memref<64000x128xi32, #tpu.memory_space<hbm>> -> memref<128x128xi32, #tpu.memory_space<hbm>>
        %dma_start3A_33 = arith.constant 0 : i32
        %dma_start3A_34 = tpu.memref_slice %arg6[%mul3A_20, %dma_start3A_33] : memref<64000x128xi32, #tpu.memory_space<hbm>> -> memref<128x128xi32, #tpu.memory_space<hbm>>
        tpu.enqueue_dma source(%arg10 : memref<128x128xi32, #tpu.memory_space<vmem>>) target(%dma_start3A_34 : memref<128x128xi32, #tpu.memory_space<hbm>>) target_semaphore(%run_scoped3A : memref<!tpu.dma_semaphore, #tpu.memory_space<semaphore_mem>>)
        %dma_wait3A_35 = arith.constant 0 : i32
        %dma_wait3A_36 = tpu.memref_slice %arg6[%mul3A_20, %dma_wait3A_35] : memref<64000x128xi32, #tpu.memory_space<hbm>> -> memref<128x128xi32, #tpu.memory_space<hbm>>
        %dma_wait3A_37 = arith.constant 0 : i32
        %dma_wait3A_38 = tpu.memref_slice %arg6[%mul3A_20, %dma_wait3A_37] : memref<64000x128xi32, #tpu.memory_space<hbm>> -> memref<128x128xi32, #tpu.memory_space<hbm>>
        tpu.wait_dma2 semaphore(%run_scoped3A : memref<!tpu.dma_semaphore, #tpu.memory_space<semaphore_mem>>) src(%arg10 : memref<128x128xi32, #tpu.memory_space<vmem>>) dst(%dma_wait3A_38 : memref<128x128xi32, #tpu.memory_space<hbm>>)
        tpu.yield
      }) : () -> ()
      "tpu.region"() ({
        %run_scoped3A = tpu.sem_alloc : memref<!tpu.dma_semaphore, #tpu.memory_space<semaphore_mem>>
        %dma_start3A_31 = arith.constant 0 : i32
        %dma_start3A_32 = tpu.memref_slice %arg7[%mul3A_20, %dma_start3A_31] : memref<64000x128xi32, #tpu.memory_space<hbm>> -> memref<128x128xi32, #tpu.memory_space<hbm>>
        %dma_start3A_33 = arith.constant 0 : i32
        %dma_start3A_34 = tpu.memref_slice %arg7[%mul3A_20, %dma_start3A_33] : memref<64000x128xi32, #tpu.memory_space<hbm>> -> memref<128x128xi32, #tpu.memory_space<hbm>>
        tpu.enqueue_dma source(%arg11 : memref<128x128xi32, #tpu.memory_space<vmem>>) target(%dma_start3A_34 : memref<128x128xi32, #tpu.memory_space<hbm>>) target_semaphore(%run_scoped3A : memref<!tpu.dma_semaphore, #tpu.memory_space<semaphore_mem>>)
        %dma_wait3A_35 = arith.constant 0 : i32
        %dma_wait3A_36 = tpu.memref_slice %arg7[%mul3A_20, %dma_wait3A_35] : memref<64000x128xi32, #tpu.memory_space<hbm>> -> memref<128x128xi32, #tpu.memory_space<hbm>>
        %dma_wait3A_37 = arith.constant 0 : i32
        %dma_wait3A_38 = tpu.memref_slice %arg7[%mul3A_20, %dma_wait3A_37] : memref<64000x128xi32, #tpu.memory_space<hbm>> -> memref<128x128xi32, #tpu.memory_space<hbm>>
        tpu.wait_dma2 semaphore(%run_scoped3A : memref<!tpu.dma_semaphore, #tpu.memory_space<semaphore_mem>>) src(%arg11 : memref<128x128xi32, #tpu.memory_space<vmem>>) dst(%dma_wait3A_38 : memref<128x128xi32, #tpu.memory_space<hbm>>)
        tpu.yield
      }) : () -> ()
    }
    return
  }
}

#map = affine_map<(d0, d1) -> (0, 0)>
#map1 = affine_map<(d0, d1) -> (0)>
module attributes {stable_mosaic.version = 14 : i64} {
  func.func @segsum_fsplit(%arg0: i32, %arg1: i32, %arg2: memref<20000x128xf32, #tpu.memory_space<hbm>>, %arg3: memref<323584xi32, #tpu.memory_space<hbm>>, %arg4: memref<323584xi32, #tpu.memory_space<hbm>>, %arg5: memref<20000x128xf32, #tpu.memory_space<hbm>>, %arg6: memref<128xi32, #tpu.memory_space<vmem>>, %arg7: memref<128xi32, #tpu.memory_space<vmem>>, %arg8: memref<128xi32, #tpu.memory_space<vmem>>, %arg9: memref<128x128xf32, #tpu.memory_space<vmem>>, %arg10: memref<128xi32, #tpu.memory_space<vmem>>, %arg11: memref<128xi32, #tpu.memory_space<vmem>>, %arg12: memref<128xi32, #tpu.memory_space<vmem>>, %arg13: memref<128x128xf32, #tpu.memory_space<vmem>>, %arg14: memref<80x128xf32, #tpu.memory_space<vmem>>, %arg15: memref<10008x128xf32, #tpu.memory_space<vmem_shared>>, %arg16: memref<!tpu.dma_semaphore, #tpu.memory_space<semaphore_mem>>, %arg17: memref<!tpu.dma_semaphore, #tpu.memory_space<semaphore_mem>>, %arg18: memref<!tpu.dma_semaphore, #tpu.memory_space<semaphore_mem>>, %arg19: memref<!tpu.dma_semaphore, #tpu.memory_space<semaphore_mem>>) attributes {dimension_semantics = [#tpu.dimension_semantics<core_parallel>, #tpu.dimension_semantics<subcore_parallel>], iteration_bounds = array<i64: 2, 16>, scalar_prefetch = 0 : i64, scratch_operands = 14 : i64, tpu.core_type = #tpu.core_type<sc_vector_subcore>, window_params = [{transform_indices = #map}, {transform_indices = #map1}, {transform_indices = #map1}, {transform_indices = #map}]} {
    %broadcast_in_dim3A = arith.constant 0.000000e+00 : f32
    %broadcast_in_dim3A_0 = vector.broadcast %broadcast_in_dim3A : f32 to vector<16xf32>
    %scan3A = arith.constant 0 : i32
    %scan3A_1 = arith.constant 80 : i32
    %scan3A_2 = arith.addi %scan3A, %scan3A_1 : i32
    %scan3A_3 = arith.constant 1 : i32
    scf.for %scan3A_211 = %scan3A to %scan3A_2 step %scan3A_3  : i32 {
      %mul3A_212 = arith.constant 1 : i32
      %mul3A_213 = arith.muli %scan3A_211, %mul3A_212 : i32
      %add3A_214 = arith.constant 0 : i32
      %add3A_215 = arith.addi %add3A_214, %mul3A_213 : i32
      %swap3A_216 = arith.index_cast %add3A_215 : i32 to index
      %swap3A_217 = arith.constant 0 : index
      %swap3A_218 = tpu.vector_load %arg14[%swap3A_216, %swap3A_217] {strides = array<i32>} : memref<80x128xf32, #tpu.memory_space<vmem>>, vector<1x16xf32>,
      %swap3A_219 = vector.shape_cast %swap3A_218 : vector<1x16xf32> to vector<16xf32>
      %swap3A_220 = vector.shape_cast %broadcast_in_dim3A_0 : vector<16xf32> to vector<1x16xf32>
      tpu.vector_store %arg14[%swap3A_216, %swap3A_217], %swap3A_220 {strides = array<i32>} : memref<80x128xf32, #tpu.memory_space<vmem>>, vector<1x16xf32>,
      %swap3A_221 = arith.index_cast %add3A_215 : i32 to index
      %swap3A_222 = arith.constant 16 : index
      %swap3A_223 = tpu.vector_load %arg14[%swap3A_221, %swap3A_222] {strides = array<i32>} : memref<80x128xf32, #tpu.memory_space<vmem>>, vector<1x16xf32>,
      %swap3A_224 = vector.shape_cast %swap3A_223 : vector<1x16xf32> to vector<16xf32>
      %swap3A_225 = vector.shape_cast %broadcast_in_dim3A_0 : vector<16xf32> to vector<1x16xf32>
      tpu.vector_store %arg14[%swap3A_221, %swap3A_222], %swap3A_225 {strides = array<i32>} : memref<80x128xf32, #tpu.memory_space<vmem>>, vector<1x16xf32>,
      %swap3A_226 = arith.index_cast %add3A_215 : i32 to index
      %swap3A_227 = arith.constant 32 : index
      %swap3A_228 = tpu.vector_load %arg14[%swap3A_226, %swap3A_227] {strides = array<i32>} : memref<80x128xf32, #tpu.memory_space<vmem>>, vector<1x16xf32>,
      %swap3A_229 = vector.shape_cast %swap3A_228 : vector<1x16xf32> to vector<16xf32>
      %swap3A_230 = vector.shape_cast %broadcast_in_dim3A_0 : vector<16xf32> to vector<1x16xf32>
      tpu.vector_store %arg14[%swap3A_226, %swap3A_227], %swap3A_230 {strides = array<i32>} : memref<80x128xf32, #tpu.memory_space<vmem>>, vector<1x16xf32>,
      %swap3A_231 = arith.index_cast %add3A_215 : i32 to index
      %swap3A_232 = arith.constant 48 : index
      %swap3A_233 = tpu.vector_load %arg14[%swap3A_231, %swap3A_232] {strides = array<i32>} : memref<80x128xf32, #tpu.memory_space<vmem>>, vector<1x16xf32>,
      %swap3A_234 = vector.shape_cast %swap3A_233 : vector<1x16xf32> to vector<16xf32>
      %swap3A_235 = vector.shape_cast %broadcast_in_dim3A_0 : vector<16xf32> to vector<1x16xf32>
      tpu.vector_store %arg14[%swap3A_231, %swap3A_232], %swap3A_235 {strides = array<i32>} : memref<80x128xf32, #tpu.memory_space<vmem>>, vector<1x16xf32>,
      %swap3A_236 = arith.index_cast %add3A_215 : i32 to index
      %swap3A_237 = arith.constant 64 : index
      %swap3A_238 = tpu.vector_load %arg14[%swap3A_236, %swap3A_237] {strides = array<i32>} : memref<80x128xf32, #tpu.memory_space<vmem>>, vector<1x16xf32>,
      %swap3A_239 = vector.shape_cast %swap3A_238 : vector<1x16xf32> to vector<16xf32>
      %swap3A_240 = vector.shape_cast %broadcast_in_dim3A_0 : vector<16xf32> to vector<1x16xf32>
      tpu.vector_store %arg14[%swap3A_236, %swap3A_237], %swap3A_240 {strides = array<i32>} : memref<80x128xf32, #tpu.memory_space<vmem>>, vector<1x16xf32>,
      %swap3A_241 = arith.index_cast %add3A_215 : i32 to index
      %swap3A_242 = arith.constant 80 : index
      %swap3A_243 = tpu.vector_load %arg14[%swap3A_241, %swap3A_242] {strides = array<i32>} : memref<80x128xf32, #tpu.memory_space<vmem>>, vector<1x16xf32>,
      %swap3A_244 = vector.shape_cast %swap3A_243 : vector<1x16xf32> to vector<16xf32>
      %swap3A_245 = vector.shape_cast %broadcast_in_dim3A_0 : vector<16xf32> to vector<1x16xf32>
      tpu.vector_store %arg14[%swap3A_241, %swap3A_242], %swap3A_245 {strides = array<i32>} : memref<80x128xf32, #tpu.memory_space<vmem>>, vector<1x16xf32>,
      %swap3A_246 = arith.index_cast %add3A_215 : i32 to index
      %swap3A_247 = arith.constant 96 : index
      %swap3A_248 = tpu.vector_load %arg14[%swap3A_246, %swap3A_247] {strides = array<i32>} : memref<80x128xf32, #tpu.memory_space<vmem>>, vector<1x16xf32>,
      %swap3A_249 = vector.shape_cast %swap3A_248 : vector<1x16xf32> to vector<16xf32>
      %swap3A_250 = vector.shape_cast %broadcast_in_dim3A_0 : vector<16xf32> to vector<1x16xf32>
      tpu.vector_store %arg14[%swap3A_246, %swap3A_247], %swap3A_250 {strides = array<i32>} : memref<80x128xf32, #tpu.memory_space<vmem>>, vector<1x16xf32>,
      %swap3A_251 = arith.index_cast %add3A_215 : i32 to index
      %swap3A_252 = arith.constant 112 : index
      %swap3A_253 = tpu.vector_load %arg14[%swap3A_251, %swap3A_252] {strides = array<i32>} : memref<80x128xf32, #tpu.memory_space<vmem>>, vector<1x16xf32>,
      %swap3A_254 = vector.shape_cast %swap3A_253 : vector<1x16xf32> to vector<16xf32>
      %swap3A_255 = vector.shape_cast %broadcast_in_dim3A_0 : vector<16xf32> to vector<1x16xf32>
      tpu.vector_store %arg14[%swap3A_251, %swap3A_252], %swap3A_255 {strides = array<i32>} : memref<80x128xf32, #tpu.memory_space<vmem>>, vector<1x16xf32>,
    }
    %scan3A_4 = arith.constant 80 : i32
    %sub3A = arith.constant 125 : i32
    %sub3A_5 = arith.subi %sub3A, %arg1 : i32
    %sub3A_6 = arith.constant 16 : i32
    %sub3A_7 = arith.constant 1 : i32
    %sub3A_8 = arith.subi %sub3A_6, %sub3A_7 : i32
    %add3A = arith.addi %sub3A_5, %sub3A_8 : i32
    %div3A = arith.constant 16 : i32
    %div3A_9 = arith.divsi %add3A, %div3A : i32
    %while3A = arith.constant 16 : i32
    %while3A_10 = arith.constant 0 : i32
    %while3A_11 = arith.subi %div3A_9, %while3A_10 : i32
    %while3A_12 = arith.addi %while3A_10, %while3A_11 : i32
    %while3A_13 = arith.constant 1 : i32
    %while3A_14 = arith.divsi %while3A_11, %while3A_13 : i32
    %while3A_15 = arith.muli %while3A_14, %while3A_13 : i32
    %while3A_16 = arith.addi %while3A_10, %while3A_15 : i32
    %while3A_17 = arith.constant 1 : i32
    scf.for %while3A_211 = %while3A_10 to %while3A_16 step %while3A_17  : i32 {
      %mul3A_212 = arith.muli %while3A_211, %while3A : i32
      %add3A_213 = arith.addi %arg1, %mul3A_212 : i32
      %mul3A_214 = arith.constant 80 : i32
      %mul3A_215 = arith.muli %add3A_213, %mul3A_214 : i32
      "tpu.region"() ({
        %run_scoped3A = tpu.sem_alloc : memref<!tpu.dma_semaphore, #tpu.memory_space<semaphore_mem>>
        %dma_start3A_216 = arith.constant 0 : i32
        %dma_start3A_217 = tpu.memref_slice %arg15[%mul3A_215, %dma_start3A_216] : memref<10008x128xf32, #tpu.memory_space<vmem_shared>> -> memref<80x128xf32, #tpu.memory_space<vmem_shared>>
        %dma_start3A_218 = arith.constant 0 : i32
        %dma_start3A_219 = tpu.memref_slice %arg15[%mul3A_215, %dma_start3A_218] : memref<10008x128xf32, #tpu.memory_space<vmem_shared>> -> memref<80x128xf32, #tpu.memory_space<vmem_shared>>
        tpu.enqueue_dma source(%arg14 : memref<80x128xf32, #tpu.memory_space<vmem>>) target(%dma_start3A_219 : memref<80x128xf32, #tpu.memory_space<vmem_shared>>) target_semaphore(%run_scoped3A : memref<!tpu.dma_semaphore, #tpu.memory_space<semaphore_mem>>)
        %dma_wait3A_220 = arith.constant 0 : i32
        %dma_wait3A_221 = tpu.memref_slice %arg15[%mul3A_215, %dma_wait3A_220] : memref<10008x128xf32, #tpu.memory_space<vmem_shared>> -> memref<80x128xf32, #tpu.memory_space<vmem_shared>>
        %dma_wait3A_222 = arith.constant 0 : i32
        %dma_wait3A_223 = tpu.memref_slice %arg15[%mul3A_215, %dma_wait3A_222] : memref<10008x128xf32, #tpu.memory_space<vmem_shared>> -> memref<80x128xf32, #tpu.memory_space<vmem_shared>>
        tpu.wait_dma2 semaphore(%run_scoped3A : memref<!tpu.dma_semaphore, #tpu.memory_space<semaphore_mem>>) src(%arg14 : memref<80x128xf32, #tpu.memory_space<vmem>>) dst(%dma_wait3A_223 : memref<80x128xf32, #tpu.memory_space<vmem_shared>>)
        tpu.yield
      }) : () -> ()
    }
    %while3A_18 = arith.constant 1 : i32
    scf.for %while3A_211 = %while3A_16 to %while3A_12 step %while3A_18  : i32 {
      %mul3A_212 = arith.muli %while3A_211, %while3A : i32
      %add3A_213 = arith.addi %arg1, %mul3A_212 : i32
      %mul3A_214 = arith.constant 80 : i32
      %mul3A_215 = arith.muli %add3A_213, %mul3A_214 : i32
      "tpu.region"() ({
        %run_scoped3A = tpu.sem_alloc : memref<!tpu.dma_semaphore, #tpu.memory_space<semaphore_mem>>
        %dma_start3A_216 = arith.constant 0 : i32
        %dma_start3A_217 = tpu.memref_slice %arg15[%mul3A_215, %dma_start3A_216] : memref<10008x128xf32, #tpu.memory_space<vmem_shared>> -> memref<80x128xf32, #tpu.memory_space<vmem_shared>>
        %dma_start3A_218 = arith.constant 0 : i32
        %dma_start3A_219 = tpu.memref_slice %arg15[%mul3A_215, %dma_start3A_218] : memref<10008x128xf32, #tpu.memory_space<vmem_shared>> -> memref<80x128xf32, #tpu.memory_space<vmem_shared>>
        tpu.enqueue_dma source(%arg14 : memref<80x128xf32, #tpu.memory_space<vmem>>) target(%dma_start3A_219 : memref<80x128xf32, #tpu.memory_space<vmem_shared>>) target_semaphore(%run_scoped3A : memref<!tpu.dma_semaphore, #tpu.memory_space<semaphore_mem>>)
        %dma_wait3A_220 = arith.constant 0 : i32
        %dma_wait3A_221 = tpu.memref_slice %arg15[%mul3A_215, %dma_wait3A_220] : memref<10008x128xf32, #tpu.memory_space<vmem_shared>> -> memref<80x128xf32, #tpu.memory_space<vmem_shared>>
        %dma_wait3A_222 = arith.constant 0 : i32
        %dma_wait3A_223 = tpu.memref_slice %arg15[%mul3A_215, %dma_wait3A_222] : memref<10008x128xf32, #tpu.memory_space<vmem_shared>> -> memref<80x128xf32, #tpu.memory_space<vmem_shared>>
        tpu.wait_dma2 semaphore(%run_scoped3A : memref<!tpu.dma_semaphore, #tpu.memory_space<semaphore_mem>>) src(%arg14 : memref<80x128xf32, #tpu.memory_space<vmem>>) dst(%dma_wait3A_223 : memref<80x128xf32, #tpu.memory_space<vmem_shared>>)
        tpu.yield
      }) : () -> ()
    }
    %barrier3A = arith.constant 0 : index
    tpu.barrier barrier_id(%barrier3A)
    %mul3A = arith.constant 10000 : i32
    %mul3A_19 = arith.muli %arg0, %mul3A : i32
    %broadcast_in_dim3A_20 = vector.broadcast %mul3A_19 : i32 to vector<16xi32>
    %mul3A_21 = arith.constant 128 : i32
    %mul3A_22 = arith.muli %arg1, %mul3A_21 : i32
    "tpu.region"() ({
      %run_scoped3A = tpu.sem_alloc : memref<!tpu.dma_semaphore, #tpu.memory_space<semaphore_mem>>
      %dma_start3A_211 = tpu.memref_slice %arg3[%mul3A_22] : memref<323584xi32, #tpu.memory_space<hbm>> -> memref<128xi32, #tpu.memory_space<hbm>>
      %dma_start3A_212 = tpu.memref_slice %arg3[%mul3A_22] : memref<323584xi32, #tpu.memory_space<hbm>> -> memref<128xi32, #tpu.memory_space<hbm>>
      tpu.enqueue_dma source(%dma_start3A_212 : memref<128xi32, #tpu.memory_space<hbm>>) target(%arg6 : memref<128xi32, #tpu.memory_space<vmem>>) target_semaphore(%run_scoped3A : memref<!tpu.dma_semaphore, #tpu.memory_space<semaphore_mem>>)
      %dma_wait3A_213 = tpu.memref_slice %arg3[%mul3A_22] : memref<323584xi32, #tpu.memory_space<hbm>> -> memref<128xi32, #tpu.memory_space<hbm>>
      %dma_wait3A_214 = tpu.memref_slice %arg3[%mul3A_22] : memref<323584xi32, #tpu.memory_space<hbm>> -> memref<128xi32, #tpu.memory_space<hbm>>
      tpu.wait_dma2 semaphore(%run_scoped3A : memref<!tpu.dma_semaphore, #tpu.memory_space<semaphore_mem>>) src(%dma_wait3A_214 : memref<128xi32, #tpu.memory_space<hbm>>) dst(%arg6 : memref<128xi32, #tpu.memory_space<vmem>>)
      tpu.yield
    }) : () -> ()
    "tpu.region"() ({
      %run_scoped3A = tpu.sem_alloc : memref<!tpu.dma_semaphore, #tpu.memory_space<semaphore_mem>>
      %dma_start3A_211 = tpu.memref_slice %arg4[%mul3A_22] : memref<323584xi32, #tpu.memory_space<hbm>> -> memref<128xi32, #tpu.memory_space<hbm>>
      %dma_start3A_212 = tpu.memref_slice %arg4[%mul3A_22] : memref<323584xi32, #tpu.memory_space<hbm>> -> memref<128xi32, #tpu.memory_space<hbm>>
      tpu.enqueue_dma source(%dma_start3A_212 : memref<128xi32, #tpu.memory_space<hbm>>) target(%arg7 : memref<128xi32, #tpu.memory_space<vmem>>) target_semaphore(%run_scoped3A : memref<!tpu.dma_semaphore, #tpu.memory_space<semaphore_mem>>)
      %dma_wait3A_213 = tpu.memref_slice %arg4[%mul3A_22] : memref<323584xi32, #tpu.memory_space<hbm>> -> memref<128xi32, #tpu.memory_space<hbm>>
      %dma_wait3A_214 = tpu.memref_slice %arg4[%mul3A_22] : memref<323584xi32, #tpu.memory_space<hbm>> -> memref<128xi32, #tpu.memory_space<hbm>>
      tpu.wait_dma2 semaphore(%run_scoped3A : memref<!tpu.dma_semaphore, #tpu.memory_space<semaphore_mem>>) src(%dma_wait3A_214 : memref<128xi32, #tpu.memory_space<hbm>>) dst(%arg7 : memref<128xi32, #tpu.memory_space<vmem>>)
      tpu.yield
    }) : () -> ()
    %get3A = arith.constant 0 : index
    %get3A_23 = tpu.vector_load %arg6[%get3A] {strides = array<i32>} : memref<128xi32, #tpu.memory_space<vmem>>, vector<16xi32>,
    %get3A_24 = vector.shape_cast %get3A_23 : vector<16xi32> to vector<16xi32>
    %add3A_25 = arith.addi %get3A_24, %broadcast_in_dim3A_20 : vector<16xi32>
    %swap3A = arith.constant 0 : index
    %swap3A_26 = tpu.vector_load %arg8[%swap3A] {strides = array<i32>} : memref<128xi32, #tpu.memory_space<vmem>>, vector<16xi32>,
    %swap3A_27 = vector.shape_cast %swap3A_26 : vector<16xi32> to vector<16xi32>
    %swap3A_28 = vector.shape_cast %add3A_25 : vector<16xi32> to vector<16xi32>
    tpu.vector_store %arg8[%swap3A], %swap3A_28 {strides = array<i32>} : memref<128xi32, #tpu.memory_space<vmem>>, vector<16xi32>,
    %get3A_29 = arith.constant 16 : index
    %get3A_30 = tpu.vector_load %arg6[%get3A_29] {strides = array<i32>} : memref<128xi32, #tpu.memory_space<vmem>>, vector<16xi32>,
    %get3A_31 = vector.shape_cast %get3A_30 : vector<16xi32> to vector<16xi32>
    %add3A_32 = arith.addi %get3A_31, %broadcast_in_dim3A_20 : vector<16xi32>
    %swap3A_33 = arith.constant 16 : index
    %swap3A_34 = tpu.vector_load %arg8[%swap3A_33] {strides = array<i32>} : memref<128xi32, #tpu.memory_space<vmem>>, vector<16xi32>,
    %swap3A_35 = vector.shape_cast %swap3A_34 : vector<16xi32> to vector<16xi32>
    %swap3A_36 = vector.shape_cast %add3A_32 : vector<16xi32> to vector<16xi32>
    tpu.vector_store %arg8[%swap3A_33], %swap3A_36 {strides = array<i32>} : memref<128xi32, #tpu.memory_space<vmem>>, vector<16xi32>,
    %get3A_37 = arith.constant 32 : index
    %get3A_38 = tpu.vector_load %arg6[%get3A_37] {strides = array<i32>} : memref<128xi32, #tpu.memory_space<vmem>>, vector<16xi32>,
    %get3A_39 = vector.shape_cast %get3A_38 : vector<16xi32> to vector<16xi32>
    %add3A_40 = arith.addi %get3A_39, %broadcast_in_dim3A_20 : vector<16xi32>
    %swap3A_41 = arith.constant 32 : index
    %swap3A_42 = tpu.vector_load %arg8[%swap3A_41] {strides = array<i32>} : memref<128xi32, #tpu.memory_space<vmem>>, vector<16xi32>,
    %swap3A_43 = vector.shape_cast %swap3A_42 : vector<16xi32> to vector<16xi32>
    %swap3A_44 = vector.shape_cast %add3A_40 : vector<16xi32> to vector<16xi32>
    tpu.vector_store %arg8[%swap3A_41], %swap3A_44 {strides = array<i32>} : memref<128xi32, #tpu.memory_space<vmem>>, vector<16xi32>,
    %get3A_45 = arith.constant 48 : index
    %get3A_46 = tpu.vector_load %arg6[%get3A_45] {strides = array<i32>} : memref<128xi32, #tpu.memory_space<vmem>>, vector<16xi32>,
    %get3A_47 = vector.shape_cast %get3A_46 : vector<16xi32> to vector<16xi32>
    %add3A_48 = arith.addi %get3A_47, %broadcast_in_dim3A_20 : vector<16xi32>
    %swap3A_49 = arith.constant 48 : index
    %swap3A_50 = tpu.vector_load %arg8[%swap3A_49] {strides = array<i32>} : memref<128xi32, #tpu.memory_space<vmem>>, vector<16xi32>,
    %swap3A_51 = vector.shape_cast %swap3A_50 : vector<16xi32> to vector<16xi32>
    %swap3A_52 = vector.shape_cast %add3A_48 : vector<16xi32> to vector<16xi32>
    tpu.vector_store %arg8[%swap3A_49], %swap3A_52 {strides = array<i32>} : memref<128xi32, #tpu.memory_space<vmem>>, vector<16xi32>,
    %get3A_53 = arith.constant 64 : index
    %get3A_54 = tpu.vector_load %arg6[%get3A_53] {strides = array<i32>} : memref<128xi32, #tpu.memory_space<vmem>>, vector<16xi32>,
    %get3A_55 = vector.shape_cast %get3A_54 : vector<16xi32> to vector<16xi32>
    %add3A_56 = arith.addi %get3A_55, %broadcast_in_dim3A_20 : vector<16xi32>
    %swap3A_57 = arith.constant 64 : index
    %swap3A_58 = tpu.vector_load %arg8[%swap3A_57] {strides = array<i32>} : memref<128xi32, #tpu.memory_space<vmem>>, vector<16xi32>,
    %swap3A_59 = vector.shape_cast %swap3A_58 : vector<16xi32> to vector<16xi32>
    %swap3A_60 = vector.shape_cast %add3A_56 : vector<16xi32> to vector<16xi32>
    tpu.vector_store %arg8[%swap3A_57], %swap3A_60 {strides = array<i32>} : memref<128xi32, #tpu.memory_space<vmem>>, vector<16xi32>,
    %get3A_61 = arith.constant 80 : index
    %get3A_62 = tpu.vector_load %arg6[%get3A_61] {strides = array<i32>} : memref<128xi32, #tpu.memory_space<vmem>>, vector<16xi32>,
    %get3A_63 = vector.shape_cast %get3A_62 : vector<16xi32> to vector<16xi32>
    %add3A_64 = arith.addi %get3A_63, %broadcast_in_dim3A_20 : vector<16xi32>
    %swap3A_65 = arith.constant 80 : index
    %swap3A_66 = tpu.vector_load %arg8[%swap3A_65] {strides = array<i32>} : memref<128xi32, #tpu.memory_space<vmem>>, vector<16xi32>,
    %swap3A_67 = vector.shape_cast %swap3A_66 : vector<16xi32> to vector<16xi32>
    %swap3A_68 = vector.shape_cast %add3A_64 : vector<16xi32> to vector<16xi32>
    tpu.vector_store %arg8[%swap3A_65], %swap3A_68 {strides = array<i32>} : memref<128xi32, #tpu.memory_space<vmem>>, vector<16xi32>,
    %get3A_69 = arith.constant 96 : index
    %get3A_70 = tpu.vector_load %arg6[%get3A_69] {strides = array<i32>} : memref<128xi32, #tpu.memory_space<vmem>>, vector<16xi32>,
    %get3A_71 = vector.shape_cast %get3A_70 : vector<16xi32> to vector<16xi32>
    %add3A_72 = arith.addi %get3A_71, %broadcast_in_dim3A_20 : vector<16xi32>
    %swap3A_73 = arith.constant 96 : index
    %swap3A_74 = tpu.vector_load %arg8[%swap3A_73] {strides = array<i32>} : memref<128xi32, #tpu.memory_space<vmem>>, vector<16xi32>,
    %swap3A_75 = vector.shape_cast %swap3A_74 : vector<16xi32> to vector<16xi32>
    %swap3A_76 = vector.shape_cast %add3A_72 : vector<16xi32> to vector<16xi32>
    tpu.vector_store %arg8[%swap3A_73], %swap3A_76 {strides = array<i32>} : memref<128xi32, #tpu.memory_space<vmem>>, vector<16xi32>,
    %get3A_77 = arith.constant 112 : index
    %get3A_78 = tpu.vector_load %arg6[%get3A_77] {strides = array<i32>} : memref<128xi32, #tpu.memory_space<vmem>>, vector<16xi32>,
    %get3A_79 = vector.shape_cast %get3A_78 : vector<16xi32> to vector<16xi32>
    %add3A_80 = arith.addi %get3A_79, %broadcast_in_dim3A_20 : vector<16xi32>
    %swap3A_81 = arith.constant 112 : index
    %swap3A_82 = tpu.vector_load %arg8[%swap3A_81] {strides = array<i32>} : memref<128xi32, #tpu.memory_space<vmem>>, vector<16xi32>,
    %swap3A_83 = vector.shape_cast %swap3A_82 : vector<16xi32> to vector<16xi32>
    %swap3A_84 = vector.shape_cast %add3A_80 : vector<16xi32> to vector<16xi32>
    tpu.vector_store %arg8[%swap3A_81], %swap3A_84 {strides = array<i32>} : memref<128xi32, #tpu.memory_space<vmem>>, vector<16xi32>,
    %dma_start3A = arith.constant 0 : i32
    %dma_start3A_85 = arith.constant 0 : i32
    %dma_start3A_86 = tpu.memref_slice %arg2[%dma_start3A, %dma_start3A_85] : memref<20000x128xf32, #tpu.memory_space<hbm>> -> memref<20000x128xf32, #tpu.memory_space<hbm>>
    tpu.enqueue_indirect_dma source(%dma_start3A_86 : memref<20000x128xf32, #tpu.memory_space<hbm>>) target(%arg9 : memref<128x128xf32, #tpu.memory_space<vmem>>) offsets(%arg8 : memref<128xi32, #tpu.memory_space<vmem>>) semaphore(%arg16 : memref<!tpu.dma_semaphore, #tpu.memory_space<semaphore_mem>>)
    %add3A_87 = arith.constant 16 : i32
    %add3A_88 = arith.addi %arg1, %add3A_87 : i32
    %mul3A_89 = arith.constant 128 : i32
    %mul3A_90 = arith.muli %add3A_88, %mul3A_89 : i32
    "tpu.region"() ({
      %run_scoped3A = tpu.sem_alloc : memref<!tpu.dma_semaphore, #tpu.memory_space<semaphore_mem>>
      %dma_start3A_211 = tpu.memref_slice %arg3[%mul3A_90] : memref<323584xi32, #tpu.memory_space<hbm>> -> memref<128xi32, #tpu.memory_space<hbm>>
      %dma_start3A_212 = tpu.memref_slice %arg3[%mul3A_90] : memref<323584xi32, #tpu.memory_space<hbm>> -> memref<128xi32, #tpu.memory_space<hbm>>
      tpu.enqueue_dma source(%dma_start3A_212 : memref<128xi32, #tpu.memory_space<hbm>>) target(%arg10 : memref<128xi32, #tpu.memory_space<vmem>>) target_semaphore(%run_scoped3A : memref<!tpu.dma_semaphore, #tpu.memory_space<semaphore_mem>>)
      %dma_wait3A_213 = tpu.memref_slice %arg3[%mul3A_90] : memref<323584xi32, #tpu.memory_space<hbm>> -> memref<128xi32, #tpu.memory_space<hbm>>
      %dma_wait3A_214 = tpu.memref_slice %arg3[%mul3A_90] : memref<323584xi32, #tpu.memory_space<hbm>> -> memref<128xi32, #tpu.memory_space<hbm>>
      tpu.wait_dma2 semaphore(%run_scoped3A : memref<!tpu.dma_semaphore, #tpu.memory_space<semaphore_mem>>) src(%dma_wait3A_214 : memref<128xi32, #tpu.memory_space<hbm>>) dst(%arg10 : memref<128xi32, #tpu.memory_space<vmem>>)
      tpu.yield
    }) : () -> ()
    "tpu.region"() ({
      %run_scoped3A = tpu.sem_alloc : memref<!tpu.dma_semaphore, #tpu.memory_space<semaphore_mem>>
      %dma_start3A_211 = tpu.memref_slice %arg4[%mul3A_90] : memref<323584xi32, #tpu.memory_space<hbm>> -> memref<128xi32, #tpu.memory_space<hbm>>
      %dma_start3A_212 = tpu.memref_slice %arg4[%mul3A_90] : memref<323584xi32, #tpu.memory_space<hbm>> -> memref<128xi32, #tpu.memory_space<hbm>>
      tpu.enqueue_dma source(%dma_start3A_212 : memref<128xi32, #tpu.memory_space<hbm>>) target(%arg11 : memref<128xi32, #tpu.memory_space<vmem>>) target_semaphore(%run_scoped3A : memref<!tpu.dma_semaphore, #tpu.memory_space<semaphore_mem>>)
      %dma_wait3A_213 = tpu.memref_slice %arg4[%mul3A_90] : memref<323584xi32, #tpu.memory_space<hbm>> -> memref<128xi32, #tpu.memory_space<hbm>>
      %dma_wait3A_214 = tpu.memref_slice %arg4[%mul3A_90] : memref<323584xi32, #tpu.memory_space<hbm>> -> memref<128xi32, #tpu.memory_space<hbm>>
      tpu.wait_dma2 semaphore(%run_scoped3A : memref<!tpu.dma_semaphore, #tpu.memory_space<semaphore_mem>>) src(%dma_wait3A_214 : memref<128xi32, #tpu.memory_space<hbm>>) dst(%arg11 : memref<128xi32, #tpu.memory_space<vmem>>)
      tpu.yield
    }) : () -> ()
    %get3A_91 = arith.constant 0 : index
    %get3A_92 = tpu.vector_load %arg10[%get3A_91] {strides = array<i32>} : memref<128xi32, #tpu.memory_space<vmem>>, vector<16xi32>,
    %get3A_93 = vector.shape_cast %get3A_92 : vector<16xi32> to vector<16xi32>
    %add3A_94 = arith.addi %get3A_93, %broadcast_in_dim3A_20 : vector<16xi32>
    %swap3A_95 = arith.constant 0 : index
    %swap3A_96 = tpu.vector_load %arg12[%swap3A_95] {strides = array<i32>} : memref<128xi32, #tpu.memory_space<vmem>>, vector<16xi32>,
    %swap3A_97 = vector.shape_cast %swap3A_96 : vector<16xi32> to vector<16xi32>
    %swap3A_98 = vector.shape_cast %add3A_94 : vector<16xi32> to vector<16xi32>
    tpu.vector_store %arg12[%swap3A_95], %swap3A_98 {strides = array<i32>} : memref<128xi32, #tpu.memory_space<vmem>>, vector<16xi32>,
    %get3A_99 = arith.constant 16 : index
    %get3A_100 = tpu.vector_load %arg10[%get3A_99] {strides = array<i32>} : memref<128xi32, #tpu.memory_space<vmem>>, vector<16xi32>,
    %get3A_101 = vector.shape_cast %get3A_100 : vector<16xi32> to vector<16xi32>
    %add3A_102 = arith.addi %get3A_101, %broadcast_in_dim3A_20 : vector<16xi32>
    %swap3A_103 = arith.constant 16 : index
    %swap3A_104 = tpu.vector_load %arg12[%swap3A_103] {strides = array<i32>} : memref<128xi32, #tpu.memory_space<vmem>>, vector<16xi32>,
    %swap3A_105 = vector.shape_cast %swap3A_104 : vector<16xi32> to vector<16xi32>
    %swap3A_106 = vector.shape_cast %add3A_102 : vector<16xi32> to vector<16xi32>
    tpu.vector_store %arg12[%swap3A_103], %swap3A_106 {strides = array<i32>} : memref<128xi32, #tpu.memory_space<vmem>>, vector<16xi32>,
    %get3A_107 = arith.constant 32 : index
    %get3A_108 = tpu.vector_load %arg10[%get3A_107] {strides = array<i32>} : memref<128xi32, #tpu.memory_space<vmem>>, vector<16xi32>,
    %get3A_109 = vector.shape_cast %get3A_108 : vector<16xi32> to vector<16xi32>
    %add3A_110 = arith.addi %get3A_109, %broadcast_in_dim3A_20 : vector<16xi32>
    %swap3A_111 = arith.constant 32 : index
    %swap3A_112 = tpu.vector_load %arg12[%swap3A_111] {strides = array<i32>} : memref<128xi32, #tpu.memory_space<vmem>>, vector<16xi32>,
    %swap3A_113 = vector.shape_cast %swap3A_112 : vector<16xi32> to vector<16xi32>
    %swap3A_114 = vector.shape_cast %add3A_110 : vector<16xi32> to vector<16xi32>
    tpu.vector_store %arg12[%swap3A_111], %swap3A_114 {strides = array<i32>} : memref<128xi32, #tpu.memory_space<vmem>>, vector<16xi32>,
    %get3A_115 = arith.constant 48 : index
    %get3A_116 = tpu.vector_load %arg10[%get3A_115] {strides = array<i32>} : memref<128xi32, #tpu.memory_space<vmem>>, vector<16xi32>,
    %get3A_117 = vector.shape_cast %get3A_116 : vector<16xi32> to vector<16xi32>
    %add3A_118 = arith.addi %get3A_117, %broadcast_in_dim3A_20 : vector<16xi32>
    %swap3A_119 = arith.constant 48 : index
    %swap3A_120 = tpu.vector_load %arg12[%swap3A_119] {strides = array<i32>} : memref<128xi32, #tpu.memory_space<vmem>>, vector<16xi32>,
    %swap3A_121 = vector.shape_cast %swap3A_120 : vector<16xi32> to vector<16xi32>
    %swap3A_122 = vector.shape_cast %add3A_118 : vector<16xi32> to vector<16xi32>
    tpu.vector_store %arg12[%swap3A_119], %swap3A_122 {strides = array<i32>} : memref<128xi32, #tpu.memory_space<vmem>>, vector<16xi32>,
    %get3A_123 = arith.constant 64 : index
    %get3A_124 = tpu.vector_load %arg10[%get3A_123] {strides = array<i32>} : memref<128xi32, #tpu.memory_space<vmem>>, vector<16xi32>,
    %get3A_125 = vector.shape_cast %get3A_124 : vector<16xi32> to vector<16xi32>
    %add3A_126 = arith.addi %get3A_125, %broadcast_in_dim3A_20 : vector<16xi32>
    %swap3A_127 = arith.constant 64 : index
    %swap3A_128 = tpu.vector_load %arg12[%swap3A_127] {strides = array<i32>} : memref<128xi32, #tpu.memory_space<vmem>>, vector<16xi32>,
    %swap3A_129 = vector.shape_cast %swap3A_128 : vector<16xi32> to vector<16xi32>
    %swap3A_130 = vector.shape_cast %add3A_126 : vector<16xi32> to vector<16xi32>
    tpu.vector_store %arg12[%swap3A_127], %swap3A_130 {strides = array<i32>} : memref<128xi32, #tpu.memory_space<vmem>>, vector<16xi32>,
    %get3A_131 = arith.constant 80 : index
    %get3A_132 = tpu.vector_load %arg10[%get3A_131] {strides = array<i32>} : memref<128xi32, #tpu.memory_space<vmem>>, vector<16xi32>,
    %get3A_133 = vector.shape_cast %get3A_132 : vector<16xi32> to vector<16xi32>
    %add3A_134 = arith.addi %get3A_133, %broadcast_in_dim3A_20 : vector<16xi32>
    %swap3A_135 = arith.constant 80 : index
    %swap3A_136 = tpu.vector_load %arg12[%swap3A_135] {strides = array<i32>} : memref<128xi32, #tpu.memory_space<vmem>>, vector<16xi32>,
    %swap3A_137 = vector.shape_cast %swap3A_136 : vector<16xi32> to vector<16xi32>
    %swap3A_138 = vector.shape_cast %add3A_134 : vector<16xi32> to vector<16xi32>
    tpu.vector_store %arg12[%swap3A_135], %swap3A_138 {strides = array<i32>} : memref<128xi32, #tpu.memory_space<vmem>>, vector<16xi32>,
    %get3A_139 = arith.constant 96 : index
    %get3A_140 = tpu.vector_load %arg10[%get3A_139] {strides = array<i32>} : memref<128xi32, #tpu.memory_space<vmem>>, vector<16xi32>,
    %get3A_141 = vector.shape_cast %get3A_140 : vector<16xi32> to vector<16xi32>
    %add3A_142 = arith.addi %get3A_141, %broadcast_in_dim3A_20 : vector<16xi32>
    %swap3A_143 = arith.constant 96 : index
    %swap3A_144 = tpu.vector_load %arg12[%swap3A_143] {strides = array<i32>} : memref<128xi32, #tpu.memory_space<vmem>>, vector<16xi32>,
    %swap3A_145 = vector.shape_cast %swap3A_144 : vector<16xi32> to vector<16xi32>
    %swap3A_146 = vector.shape_cast %add3A_142 : vector<16xi32> to vector<16xi32>
    tpu.vector_store %arg12[%swap3A_143], %swap3A_146 {strides = array<i32>} : memref<128xi32, #tpu.memory_space<vmem>>, vector<16xi32>,
    %get3A_147 = arith.constant 112 : index
    %get3A_148 = tpu.vector_load %arg10[%get3A_147] {strides = array<i32>} : memref<128xi32, #tpu.memory_space<vmem>>, vector<16xi32>,
    %get3A_149 = vector.shape_cast %get3A_148 : vector<16xi32> to vector<16xi32>
    %add3A_150 = arith.addi %get3A_149, %broadcast_in_dim3A_20 : vector<16xi32>
    %swap3A_151 = arith.constant 112 : index
    %swap3A_152 = tpu.vector_load %arg12[%swap3A_151] {strides = array<i32>} : memref<128xi32, #tpu.memory_space<vmem>>, vector<16xi32>,
    %swap3A_153 = vector.shape_cast %swap3A_152 : vector<16xi32> to vector<16xi32>
    %swap3A_154 = vector.shape_cast %add3A_150 : vector<16xi32> to vector<16xi32>
    tpu.vector_store %arg12[%swap3A_151], %swap3A_154 {strides = array<i32>} : memref<128xi32, #tpu.memory_space<vmem>>, vector<16xi32>,
    %dma_start3A_155 = arith.constant 0 : i32
    %dma_start3A_156 = arith.constant 0 : i32
    %dma_start3A_157 = tpu.memref_slice %arg2[%dma_start3A_155, %dma_start3A_156] : memref<20000x128xf32, #tpu.memory_space<hbm>> -> memref<20000x128xf32, #tpu.memory_space<hbm>>
    tpu.enqueue_indirect_dma source(%dma_start3A_157 : memref<20000x128xf32, #tpu.memory_space<hbm>>) target(%arg13 : memref<128x128xf32, #tpu.memory_space<vmem>>) offsets(%arg12 : memref<128xi32, #tpu.memory_space<vmem>>) semaphore(%arg17 : memref<!tpu.dma_semaphore, #tpu.memory_space<semaphore_mem>>)
    %scan3A_158 = arith.constant 0 : i32
    %scan3A_159 = arith.constant 78 : i32
    %scan3A_160 = arith.addi %scan3A_158, %scan3A_159 : i32
    %scan3A_161 = arith.constant 1 : i32
    scf.for %scan3A_211 = %scan3A_158 to %scan3A_160 step %scan3A_161  : i32 {
      %mul3A_212 = arith.constant 1 : i32
      %mul3A_213 = arith.muli %scan3A_211, %mul3A_212 : i32
      %add3A_214 = arith.constant 0 : i32
      %add3A_215 = arith.addi %add3A_214, %mul3A_213 : i32
      %mul3A_216 = arith.constant 2 : i32
      %mul3A_217 = arith.muli %mul3A_216, %add3A_215 : i32
      %mul3A_218 = arith.constant 16 : i32
      %mul3A_219 = arith.muli %mul3A_217, %mul3A_218 : i32
      %add3A_220 = arith.addi %arg1, %mul3A_219 : i32
      %dma_wait3A_221 = arith.constant 0 : i32
      %dma_wait3A_222 = arith.constant 0 : i32
      %dma_wait3A_223 = tpu.memref_slice %arg2[%dma_wait3A_221, %dma_wait3A_222] : memref<20000x128xf32, #tpu.memory_space<hbm>> -> memref<128x128xf32, #tpu.memory_space<hbm>>
      %dma_wait3A_224 = arith.constant 0 : i32
      %dma_wait3A_225 = arith.constant 0 : i32
      %dma_wait3A_226 = tpu.memref_slice %arg2[%dma_wait3A_224, %dma_wait3A_225] : memref<20000x128xf32, #tpu.memory_space<hbm>> -> memref<128x128xf32, #tpu.memory_space<hbm>>
      tpu.wait_dma2 semaphore(%arg16 : memref<!tpu.dma_semaphore, #tpu.memory_space<semaphore_mem>>) src(%dma_wait3A_226 : memref<128x128xf32, #tpu.memory_space<hbm>>) dst(%arg9 : memref<128x128xf32, #tpu.memory_space<vmem>>)
      %dma_start3A_227 = arith.constant 0 : i32
      %dma_start3A_228 = arith.constant 0 : i32
      %dma_start3A_229 = tpu.memref_slice %arg15[%dma_start3A_227, %dma_start3A_228] : memref<10008x128xf32, #tpu.memory_space<vmem_shared>> -> memref<10008x128xf32, #tpu.memory_space<vmem_shared>>
      tpu.enqueue_indirect_dma source(%arg9 : memref<128x128xf32, #tpu.memory_space<vmem>>) target(%dma_start3A_229 : memref<10008x128xf32, #tpu.memory_space<vmem_shared>>) offsets(%arg7 : memref<128xi32, #tpu.memory_space<vmem>>) semaphore(%arg18 : memref<!tpu.dma_semaphore, #tpu.memory_space<semaphore_mem>>) {add = true}
      %dma_wait3A_230 = arith.constant 0 : i32
      %dma_wait3A_231 = arith.constant 0 : i32
      %dma_wait3A_232 = tpu.memref_slice %arg2[%dma_wait3A_230, %dma_wait3A_231] : memref<20000x128xf32, #tpu.memory_space<hbm>> -> memref<128x128xf32, #tpu.memory_space<hbm>>
      %dma_wait3A_233 = arith.constant 0 : i32
      %dma_wait3A_234 = arith.constant 0 : i32
      %dma_wait3A_235 = tpu.memref_slice %arg2[%dma_wait3A_233, %dma_wait3A_234] : memref<20000x128xf32, #tpu.memory_space<hbm>> -> memref<128x128xf32, #tpu.memory_space<hbm>>
      tpu.wait_dma2 semaphore(%arg17 : memref<!tpu.dma_semaphore, #tpu.memory_space<semaphore_mem>>) src(%dma_wait3A_235 : memref<128x128xf32, #tpu.memory_space<hbm>>) dst(%arg13 : memref<128x128xf32, #tpu.memory_space<vmem>>)
      %dma_start3A_236 = arith.constant 0 : i32
      %dma_start3A_237 = arith.constant 0 : i32
      %dma_start3A_238 = tpu.memref_slice %arg15[%dma_start3A_236, %dma_start3A_237] : memref<10008x128xf32, #tpu.memory_space<vmem_shared>> -> memref<10008x128xf32, #tpu.memory_space<vmem_shared>>
      tpu.enqueue_indirect_dma source(%arg13 : memref<128x128xf32, #tpu.memory_space<vmem>>) target(%dma_start3A_238 : memref<10008x128xf32, #tpu.memory_space<vmem_shared>>) offsets(%arg11 : memref<128xi32, #tpu.memory_space<vmem>>) semaphore(%arg19 : memref<!tpu.dma_semaphore, #tpu.memory_space<semaphore_mem>>) {add = true}
      %dma_wait3A_239 = arith.constant 0 : i32
      %dma_wait3A_240 = arith.constant 0 : i32
      %dma_wait3A_241 = tpu.memref_slice %arg2[%dma_wait3A_239, %dma_wait3A_240] : memref<20000x128xf32, #tpu.memory_space<hbm>> -> memref<128x128xf32, #tpu.memory_space<hbm>>
      %dma_wait3A_242 = arith.constant 0 : i32
      %dma_wait3A_243 = arith.constant 0 : i32
      %dma_wait3A_244 = tpu.memref_slice %arg2[%dma_wait3A_242, %dma_wait3A_243] : memref<20000x128xf32, #tpu.memory_space<hbm>> -> memref<128x128xf32, #tpu.memory_space<hbm>>
      tpu.wait_dma2 semaphore(%arg18 : memref<!tpu.dma_semaphore, #tpu.memory_space<semaphore_mem>>) src(%dma_wait3A_244 : memref<128x128xf32, #tpu.memory_space<hbm>>) dst(%arg9 : memref<128x128xf32, #tpu.memory_space<vmem>>)
      %add3A_245 = arith.constant 32 : i32
      %add3A_246 = arith.addi %add3A_220, %add3A_245 : i32
      %mul3A_247 = arith.constant 128 : i32
      %mul3A_248 = arith.muli %add3A_246, %mul3A_247 : i32
      "tpu.region"() ({
        %run_scoped3A = tpu.sem_alloc : memref<!tpu.dma_semaphore, #tpu.memory_space<semaphore_mem>>
        %dma_start3A_393 = tpu.memref_slice %arg3[%mul3A_248] : memref<323584xi32, #tpu.memory_space<hbm>> -> memref<128xi32, #tpu.memory_space<hbm>>
        %dma_start3A_394 = tpu.memref_slice %arg3[%mul3A_248] : memref<323584xi32, #tpu.memory_space<hbm>> -> memref<128xi32, #tpu.memory_space<hbm>>
        tpu.enqueue_dma source(%dma_start3A_394 : memref<128xi32, #tpu.memory_space<hbm>>) target(%arg6 : memref<128xi32, #tpu.memory_space<vmem>>) target_semaphore(%run_scoped3A : memref<!tpu.dma_semaphore, #tpu.memory_space<semaphore_mem>>)
        %dma_wait3A_395 = tpu.memref_slice %arg3[%mul3A_248] : memref<323584xi32, #tpu.memory_space<hbm>> -> memref<128xi32, #tpu.memory_space<hbm>>
        %dma_wait3A_396 = tpu.memref_slice %arg3[%mul3A_248] : memref<323584xi32, #tpu.memory_space<hbm>> -> memref<128xi32, #tpu.memory_space<hbm>>
        tpu.wait_dma2 semaphore(%run_scoped3A : memref<!tpu.dma_semaphore, #tpu.memory_space<semaphore_mem>>) src(%dma_wait3A_396 : memref<128xi32, #tpu.memory_space<hbm>>) dst(%arg6 : memref<128xi32, #tpu.memory_space<vmem>>)
        tpu.yield
      }) : () -> ()
      "tpu.region"() ({
        %run_scoped3A = tpu.sem_alloc : memref<!tpu.dma_semaphore, #tpu.memory_space<semaphore_mem>>
        %dma_start3A_393 = tpu.memref_slice %arg4[%mul3A_248] : memref<323584xi32, #tpu.memory_space<hbm>> -> memref<128xi32, #tpu.memory_space<hbm>>
        %dma_start3A_394 = tpu.memref_slice %arg4[%mul3A_248] : memref<323584xi32, #tpu.memory_space<hbm>> -> memref<128xi32, #tpu.memory_space<hbm>>
        tpu.enqueue_dma source(%dma_start3A_394 : memref<128xi32, #tpu.memory_space<hbm>>) target(%arg7 : memref<128xi32, #tpu.memory_space<vmem>>) target_semaphore(%run_scoped3A : memref<!tpu.dma_semaphore, #tpu.memory_space<semaphore_mem>>)
        %dma_wait3A_395 = tpu.memref_slice %arg4[%mul3A_248] : memref<323584xi32, #tpu.memory_space<hbm>> -> memref<128xi32, #tpu.memory_space<hbm>>
        %dma_wait3A_396 = tpu.memref_slice %arg4[%mul3A_248] : memref<323584xi32, #tpu.memory_space<hbm>> -> memref<128xi32, #tpu.memory_space<hbm>>
        tpu.wait_dma2 semaphore(%run_scoped3A : memref<!tpu.dma_semaphore, #tpu.memory_space<semaphore_mem>>) src(%dma_wait3A_396 : memref<128xi32, #tpu.memory_space<hbm>>) dst(%arg7 : memref<128xi32, #tpu.memory_space<vmem>>)
        tpu.yield
      }) : () -> ()
      %get3A_249 = arith.constant 0 : index
      %get3A_250 = tpu.vector_load %arg6[%get3A_249] {strides = array<i32>} : memref<128xi32, #tpu.memory_space<vmem>>, vector<16xi32>,
      %get3A_251 = vector.shape_cast %get3A_250 : vector<16xi32> to vector<16xi32>
      %add3A_252 = arith.addi %get3A_251, %broadcast_in_dim3A_20 : vector<16xi32>
      %swap3A_253 = arith.constant 0 : index
      %swap3A_254 = tpu.vector_load %arg8[%swap3A_253] {strides = array<i32>} : memref<128xi32, #tpu.memory_space<vmem>>, vector<16xi32>,
      %swap3A_255 = vector.shape_cast %swap3A_254 : vector<16xi32> to vector<16xi32>
      %swap3A_256 = vector.shape_cast %add3A_252 : vector<16xi32> to vector<16xi32>
      tpu.vector_store %arg8[%swap3A_253], %swap3A_256 {strides = array<i32>} : memref<128xi32, #tpu.memory_space<vmem>>, vector<16xi32>,
      %get3A_257 = arith.constant 16 : index
      %get3A_258 = tpu.vector_load %arg6[%get3A_257] {strides = array<i32>} : memref<128xi32, #tpu.memory_space<vmem>>, vector<16xi32>,
      %get3A_259 = vector.shape_cast %get3A_258 : vector<16xi32> to vector<16xi32>
      %add3A_260 = arith.addi %get3A_259, %broadcast_in_dim3A_20 : vector<16xi32>
      %swap3A_261 = arith.constant 16 : index
      %swap3A_262 = tpu.vector_load %arg8[%swap3A_261] {strides = array<i32>} : memref<128xi32, #tpu.memory_space<vmem>>, vector<16xi32>,
      %swap3A_263 = vector.shape_cast %swap3A_262 : vector<16xi32> to vector<16xi32>
      %swap3A_264 = vector.shape_cast %add3A_260 : vector<16xi32> to vector<16xi32>
      tpu.vector_store %arg8[%swap3A_261], %swap3A_264 {strides = array<i32>} : memref<128xi32, #tpu.memory_space<vmem>>, vector<16xi32>,
      %get3A_265 = arith.constant 32 : index
      %get3A_266 = tpu.vector_load %arg6[%get3A_265] {strides = array<i32>} : memref<128xi32, #tpu.memory_space<vmem>>, vector<16xi32>,
      %get3A_267 = vector.shape_cast %get3A_266 : vector<16xi32> to vector<16xi32>
      %add3A_268 = arith.addi %get3A_267, %broadcast_in_dim3A_20 : vector<16xi32>
      %swap3A_269 = arith.constant 32 : index
      %swap3A_270 = tpu.vector_load %arg8[%swap3A_269] {strides = array<i32>} : memref<128xi32, #tpu.memory_space<vmem>>, vector<16xi32>,
      %swap3A_271 = vector.shape_cast %swap3A_270 : vector<16xi32> to vector<16xi32>
      %swap3A_272 = vector.shape_cast %add3A_268 : vector<16xi32> to vector<16xi32>
      tpu.vector_store %arg8[%swap3A_269], %swap3A_272 {strides = array<i32>} : memref<128xi32, #tpu.memory_space<vmem>>, vector<16xi32>,
      %get3A_273 = arith.constant 48 : index
      %get3A_274 = tpu.vector_load %arg6[%get3A_273] {strides = array<i32>} : memref<128xi32, #tpu.memory_space<vmem>>, vector<16xi32>,
      %get3A_275 = vector.shape_cast %get3A_274 : vector<16xi32> to vector<16xi32>
      %add3A_276 = arith.addi %get3A_275, %broadcast_in_dim3A_20 : vector<16xi32>
      %swap3A_277 = arith.constant 48 : index
      %swap3A_278 = tpu.vector_load %arg8[%swap3A_277] {strides = array<i32>} : memref<128xi32, #tpu.memory_space<vmem>>, vector<16xi32>,
      %swap3A_279 = vector.shape_cast %swap3A_278 : vector<16xi32> to vector<16xi32>
      %swap3A_280 = vector.shape_cast %add3A_276 : vector<16xi32> to vector<16xi32>
      tpu.vector_store %arg8[%swap3A_277], %swap3A_280 {strides = array<i32>} : memref<128xi32, #tpu.memory_space<vmem>>, vector<16xi32>,
      %get3A_281 = arith.constant 64 : index
      %get3A_282 = tpu.vector_load %arg6[%get3A_281] {strides = array<i32>} : memref<128xi32, #tpu.memory_space<vmem>>, vector<16xi32>,
      %get3A_283 = vector.shape_cast %get3A_282 : vector<16xi32> to vector<16xi32>
      %add3A_284 = arith.addi %get3A_283, %broadcast_in_dim3A_20 : vector<16xi32>
      %swap3A_285 = arith.constant 64 : index
      %swap3A_286 = tpu.vector_load %arg8[%swap3A_285] {strides = array<i32>} : memref<128xi32, #tpu.memory_space<vmem>>, vector<16xi32>,
      %swap3A_287 = vector.shape_cast %swap3A_286 : vector<16xi32> to vector<16xi32>
      %swap3A_288 = vector.shape_cast %add3A_284 : vector<16xi32> to vector<16xi32>
      tpu.vector_store %arg8[%swap3A_285], %swap3A_288 {strides = array<i32>} : memref<128xi32, #tpu.memory_space<vmem>>, vector<16xi32>,
      %get3A_289 = arith.constant 80 : index
      %get3A_290 = tpu.vector_load %arg6[%get3A_289] {strides = array<i32>} : memref<128xi32, #tpu.memory_space<vmem>>, vector<16xi32>,
      %get3A_291 = vector.shape_cast %get3A_290 : vector<16xi32> to vector<16xi32>
      %add3A_292 = arith.addi %get3A_291, %broadcast_in_dim3A_20 : vector<16xi32>
      %swap3A_293 = arith.constant 80 : index
      %swap3A_294 = tpu.vector_load %arg8[%swap3A_293] {strides = array<i32>} : memref<128xi32, #tpu.memory_space<vmem>>, vector<16xi32>,
      %swap3A_295 = vector.shape_cast %swap3A_294 : vector<16xi32> to vector<16xi32>
      %swap3A_296 = vector.shape_cast %add3A_292 : vector<16xi32> to vector<16xi32>
      tpu.vector_store %arg8[%swap3A_293], %swap3A_296 {strides = array<i32>} : memref<128xi32, #tpu.memory_space<vmem>>, vector<16xi32>,
      %get3A_297 = arith.constant 96 : index
      %get3A_298 = tpu.vector_load %arg6[%get3A_297] {strides = array<i32>} : memref<128xi32, #tpu.memory_space<vmem>>, vector<16xi32>,
      %get3A_299 = vector.shape_cast %get3A_298 : vector<16xi32> to vector<16xi32>
      %add3A_300 = arith.addi %get3A_299, %broadcast_in_dim3A_20 : vector<16xi32>
      %swap3A_301 = arith.constant 96 : index
      %swap3A_302 = tpu.vector_load %arg8[%swap3A_301] {strides = array<i32>} : memref<128xi32, #tpu.memory_space<vmem>>, vector<16xi32>,
      %swap3A_303 = vector.shape_cast %swap3A_302 : vector<16xi32> to vector<16xi32>
      %swap3A_304 = vector.shape_cast %add3A_300 : vector<16xi32> to vector<16xi32>
      tpu.vector_store %arg8[%swap3A_301], %swap3A_304 {strides = array<i32>} : memref<128xi32, #tpu.memory_space<vmem>>, vector<16xi32>,
      %get3A_305 = arith.constant 112 : index
      %get3A_306 = tpu.vector_load %arg6[%get3A_305] {strides = array<i32>} : memref<128xi32, #tpu.memory_space<vmem>>, vector<16xi32>,
      %get3A_307 = vector.shape_cast %get3A_306 : vector<16xi32> to vector<16xi32>
      %add3A_308 = arith.addi %get3A_307, %broadcast_in_dim3A_20 : vector<16xi32>
      %swap3A_309 = arith.constant 112 : index
      %swap3A_310 = tpu.vector_load %arg8[%swap3A_309] {strides = array<i32>} : memref<128xi32, #tpu.memory_space<vmem>>, vector<16xi32>,
      %swap3A_311 = vector.shape_cast %swap3A_310 : vector<16xi32> to vector<16xi32>
      %swap3A_312 = vector.shape_cast %add3A_308 : vector<16xi32> to vector<16xi32>
      tpu.vector_store %arg8[%swap3A_309], %swap3A_312 {strides = array<i32>} : memref<128xi32, #tpu.memory_space<vmem>>, vector<16xi32>,
      %dma_start3A_313 = arith.constant 0 : i32
      %dma_start3A_314 = arith.constant 0 : i32
      %dma_start3A_315 = tpu.memref_slice %arg2[%dma_start3A_313, %dma_start3A_314] : memref<20000x128xf32, #tpu.memory_space<hbm>> -> memref<20000x128xf32, #tpu.memory_space<hbm>>
      tpu.enqueue_indirect_dma source(%dma_start3A_315 : memref<20000x128xf32, #tpu.memory_space<hbm>>) target(%arg9 : memref<128x128xf32, #tpu.memory_space<vmem>>) offsets(%arg8 : memref<128xi32, #tpu.memory_space<vmem>>) semaphore(%arg16 : memref<!tpu.dma_semaphore, #tpu.memory_space<semaphore_mem>>)
      %dma_wait3A_316 = arith.constant 0 : i32
      %dma_wait3A_317 = arith.constant 0 : i32
      %dma_wait3A_318 = tpu.memref_slice %arg2[%dma_wait3A_316, %dma_wait3A_317] : memref<20000x128xf32, #tpu.memory_space<hbm>> -> memref<128x128xf32, #tpu.memory_space<hbm>>
      %dma_wait3A_319 = arith.constant 0 : i32
      %dma_wait3A_320 = arith.constant 0 : i32
      %dma_wait3A_321 = tpu.memref_slice %arg2[%dma_wait3A_319, %dma_wait3A_320] : memref<20000x128xf32, #tpu.memory_space<hbm>> -> memref<128x128xf32, #tpu.memory_space<hbm>>
      tpu.wait_dma2 semaphore(%arg19 : memref<!tpu.dma_semaphore, #tpu.memory_space<semaphore_mem>>) src(%dma_wait3A_321 : memref<128x128xf32, #tpu.memory_space<hbm>>) dst(%arg13 : memref<128x128xf32, #tpu.memory_space<vmem>>)
      %add3A_322 = arith.constant 48 : i32
      %add3A_323 = arith.addi %add3A_220, %add3A_322 : i32
      %mul3A_324 = arith.constant 128 : i32
      %mul3A_325 = arith.muli %add3A_323, %mul3A_324 : i32
      "tpu.region"() ({
        %run_scoped3A = tpu.sem_alloc : memref<!tpu.dma_semaphore, #tpu.memory_space<semaphore_mem>>
        %dma_start3A_393 = tpu.memref_slice %arg3[%mul3A_325] : memref<323584xi32, #tpu.memory_space<hbm>> -> memref<128xi32, #tpu.memory_space<hbm>>
        %dma_start3A_394 = tpu.memref_slice %arg3[%mul3A_325] : memref<323584xi32, #tpu.memory_space<hbm>> -> memref<128xi32, #tpu.memory_space<hbm>>
        tpu.enqueue_dma source(%dma_start3A_394 : memref<128xi32, #tpu.memory_space<hbm>>) target(%arg10 : memref<128xi32, #tpu.memory_space<vmem>>) target_semaphore(%run_scoped3A : memref<!tpu.dma_semaphore, #tpu.memory_space<semaphore_mem>>)
        %dma_wait3A_395 = tpu.memref_slice %arg3[%mul3A_325] : memref<323584xi32, #tpu.memory_space<hbm>> -> memref<128xi32, #tpu.memory_space<hbm>>
        %dma_wait3A_396 = tpu.memref_slice %arg3[%mul3A_325] : memref<323584xi32, #tpu.memory_space<hbm>> -> memref<128xi32, #tpu.memory_space<hbm>>
        tpu.wait_dma2 semaphore(%run_scoped3A : memref<!tpu.dma_semaphore, #tpu.memory_space<semaphore_mem>>) src(%dma_wait3A_396 : memref<128xi32, #tpu.memory_space<hbm>>) dst(%arg10 : memref<128xi32, #tpu.memory_space<vmem>>)
        tpu.yield
      }) : () -> ()
      "tpu.region"() ({
        %run_scoped3A = tpu.sem_alloc : memref<!tpu.dma_semaphore, #tpu.memory_space<semaphore_mem>>
        %dma_start3A_393 = tpu.memref_slice %arg4[%mul3A_325] : memref<323584xi32, #tpu.memory_space<hbm>> -> memref<128xi32, #tpu.memory_space<hbm>>
        %dma_start3A_394 = tpu.memref_slice %arg4[%mul3A_325] : memref<323584xi32, #tpu.memory_space<hbm>> -> memref<128xi32, #tpu.memory_space<hbm>>
        tpu.enqueue_dma source(%dma_start3A_394 : memref<128xi32, #tpu.memory_space<hbm>>) target(%arg11 : memref<128xi32, #tpu.memory_space<vmem>>) target_semaphore(%run_scoped3A : memref<!tpu.dma_semaphore, #tpu.memory_space<semaphore_mem>>)
        %dma_wait3A_395 = tpu.memref_slice %arg4[%mul3A_325] : memref<323584xi32, #tpu.memory_space<hbm>> -> memref<128xi32, #tpu.memory_space<hbm>>
        %dma_wait3A_396 = tpu.memref_slice %arg4[%mul3A_325] : memref<323584xi32, #tpu.memory_space<hbm>> -> memref<128xi32, #tpu.memory_space<hbm>>
        tpu.wait_dma2 semaphore(%run_scoped3A : memref<!tpu.dma_semaphore, #tpu.memory_space<semaphore_mem>>) src(%dma_wait3A_396 : memref<128xi32, #tpu.memory_space<hbm>>) dst(%arg11 : memref<128xi32, #tpu.memory_space<vmem>>)
        tpu.yield
      }) : () -> ()
      %get3A_326 = arith.constant 0 : index
      %get3A_327 = tpu.vector_load %arg10[%get3A_326] {strides = array<i32>} : memref<128xi32, #tpu.memory_space<vmem>>, vector<16xi32>,
      %get3A_328 = vector.shape_cast %get3A_327 : vector<16xi32> to vector<16xi32>
      %add3A_329 = arith.addi %get3A_328, %broadcast_in_dim3A_20 : vector<16xi32>
      %swap3A_330 = arith.constant 0 : index
      %swap3A_331 = tpu.vector_load %arg12[%swap3A_330] {strides = array<i32>} : memref<128xi32, #tpu.memory_space<vmem>>, vector<16xi32>,
      %swap3A_332 = vector.shape_cast %swap3A_331 : vector<16xi32> to vector<16xi32>
      %swap3A_333 = vector.shape_cast %add3A_329 : vector<16xi32> to vector<16xi32>
      tpu.vector_store %arg12[%swap3A_330], %swap3A_333 {strides = array<i32>} : memref<128xi32, #tpu.memory_space<vmem>>, vector<16xi32>,
      %get3A_334 = arith.constant 16 : index
      %get3A_335 = tpu.vector_load %arg10[%get3A_334] {strides = array<i32>} : memref<128xi32, #tpu.memory_space<vmem>>, vector<16xi32>,
      %get3A_336 = vector.shape_cast %get3A_335 : vector<16xi32> to vector<16xi32>
      %add3A_337 = arith.addi %get3A_336, %broadcast_in_dim3A_20 : vector<16xi32>
      %swap3A_338 = arith.constant 16 : index
      %swap3A_339 = tpu.vector_load %arg12[%swap3A_338] {strides = array<i32>} : memref<128xi32, #tpu.memory_space<vmem>>, vector<16xi32>,
      %swap3A_340 = vector.shape_cast %swap3A_339 : vector<16xi32> to vector<16xi32>
      %swap3A_341 = vector.shape_cast %add3A_337 : vector<16xi32> to vector<16xi32>
      tpu.vector_store %arg12[%swap3A_338], %swap3A_341 {strides = array<i32>} : memref<128xi32, #tpu.memory_space<vmem>>, vector<16xi32>,
      %get3A_342 = arith.constant 32 : index
      %get3A_343 = tpu.vector_load %arg10[%get3A_342] {strides = array<i32>} : memref<128xi32, #tpu.memory_space<vmem>>, vector<16xi32>,
      %get3A_344 = vector.shape_cast %get3A_343 : vector<16xi32> to vector<16xi32>
      %add3A_345 = arith.addi %get3A_344, %broadcast_in_dim3A_20 : vector<16xi32>
      %swap3A_346 = arith.constant 32 : index
      %swap3A_347 = tpu.vector_load %arg12[%swap3A_346] {strides = array<i32>} : memref<128xi32, #tpu.memory_space<vmem>>, vector<16xi32>,
      %swap3A_348 = vector.shape_cast %swap3A_347 : vector<16xi32> to vector<16xi32>
      %swap3A_349 = vector.shape_cast %add3A_345 : vector<16xi32> to vector<16xi32>
      tpu.vector_store %arg12[%swap3A_346], %swap3A_349 {strides = array<i32>} : memref<128xi32, #tpu.memory_space<vmem>>, vector<16xi32>,
      %get3A_350 = arith.constant 48 : index
      %get3A_351 = tpu.vector_load %arg10[%get3A_350] {strides = array<i32>} : memref<128xi32, #tpu.memory_space<vmem>>, vector<16xi32>,
      %get3A_352 = vector.shape_cast %get3A_351 : vector<16xi32> to vector<16xi32>
      %add3A_353 = arith.addi %get3A_352, %broadcast_in_dim3A_20 : vector<16xi32>
      %swap3A_354 = arith.constant 48 : index
      %swap3A_355 = tpu.vector_load %arg12[%swap3A_354] {strides = array<i32>} : memref<128xi32, #tpu.memory_space<vmem>>, vector<16xi32>,
      %swap3A_356 = vector.shape_cast %swap3A_355 : vector<16xi32> to vector<16xi32>
      %swap3A_357 = vector.shape_cast %add3A_353 : vector<16xi32> to vector<16xi32>
      tpu.vector_store %arg12[%swap3A_354], %swap3A_357 {strides = array<i32>} : memref<128xi32, #tpu.memory_space<vmem>>, vector<16xi32>,
      %get3A_358 = arith.constant 64 : index
      %get3A_359 = tpu.vector_load %arg10[%get3A_358] {strides = array<i32>} : memref<128xi32, #tpu.memory_space<vmem>>, vector<16xi32>,
      %get3A_360 = vector.shape_cast %get3A_359 : vector<16xi32> to vector<16xi32>
      %add3A_361 = arith.addi %get3A_360, %broadcast_in_dim3A_20 : vector<16xi32>
      %swap3A_362 = arith.constant 64 : index
      %swap3A_363 = tpu.vector_load %arg12[%swap3A_362] {strides = array<i32>} : memref<128xi32, #tpu.memory_space<vmem>>, vector<16xi32>,
      %swap3A_364 = vector.shape_cast %swap3A_363 : vector<16xi32> to vector<16xi32>
      %swap3A_365 = vector.shape_cast %add3A_361 : vector<16xi32> to vector<16xi32>
      tpu.vector_store %arg12[%swap3A_362], %swap3A_365 {strides = array<i32>} : memref<128xi32, #tpu.memory_space<vmem>>, vector<16xi32>,
      %get3A_366 = arith.constant 80 : index
      %get3A_367 = tpu.vector_load %arg10[%get3A_366] {strides = array<i32>} : memref<128xi32, #tpu.memory_space<vmem>>, vector<16xi32>,
      %get3A_368 = vector.shape_cast %get3A_367 : vector<16xi32> to vector<16xi32>
      %add3A_369 = arith.addi %get3A_368, %broadcast_in_dim3A_20 : vector<16xi32>
      %swap3A_370 = arith.constant 80 : index
      %swap3A_371 = tpu.vector_load %arg12[%swap3A_370] {strides = array<i32>} : memref<128xi32, #tpu.memory_space<vmem>>, vector<16xi32>,
      %swap3A_372 = vector.shape_cast %swap3A_371 : vector<16xi32> to vector<16xi32>
      %swap3A_373 = vector.shape_cast %add3A_369 : vector<16xi32> to vector<16xi32>
      tpu.vector_store %arg12[%swap3A_370], %swap3A_373 {strides = array<i32>} : memref<128xi32, #tpu.memory_space<vmem>>, vector<16xi32>,
      %get3A_374 = arith.constant 96 : index
      %get3A_375 = tpu.vector_load %arg10[%get3A_374] {strides = array<i32>} : memref<128xi32, #tpu.memory_space<vmem>>, vector<16xi32>,
      %get3A_376 = vector.shape_cast %get3A_375 : vector<16xi32> to vector<16xi32>
      %add3A_377 = arith.addi %get3A_376, %broadcast_in_dim3A_20 : vector<16xi32>
      %swap3A_378 = arith.constant 96 : index
      %swap3A_379 = tpu.vector_load %arg12[%swap3A_378] {strides = array<i32>} : memref<128xi32, #tpu.memory_space<vmem>>, vector<16xi32>,
      %swap3A_380 = vector.shape_cast %swap3A_379 : vector<16xi32> to vector<16xi32>
      %swap3A_381 = vector.shape_cast %add3A_377 : vector<16xi32> to vector<16xi32>
      tpu.vector_store %arg12[%swap3A_378], %swap3A_381 {strides = array<i32>} : memref<128xi32, #tpu.memory_space<vmem>>, vector<16xi32>,
      %get3A_382 = arith.constant 112 : index
      %get3A_383 = tpu.vector_load %arg10[%get3A_382] {strides = array<i32>} : memref<128xi32, #tpu.memory_space<vmem>>, vector<16xi32>,
      %get3A_384 = vector.shape_cast %get3A_383 : vector<16xi32> to vector<16xi32>
      %add3A_385 = arith.addi %get3A_384, %broadcast_in_dim3A_20 : vector<16xi32>
      %swap3A_386 = arith.constant 112 : index
      %swap3A_387 = tpu.vector_load %arg12[%swap3A_386] {strides = array<i32>} : memref<128xi32, #tpu.memory_space<vmem>>, vector<16xi32>,
      %swap3A_388 = vector.shape_cast %swap3A_387 : vector<16xi32> to vector<16xi32>
      %swap3A_389 = vector.shape_cast %add3A_385 : vector<16xi32> to vector<16xi32>
      tpu.vector_store %arg12[%swap3A_386], %swap3A_389 {strides = array<i32>} : memref<128xi32, #tpu.memory_space<vmem>>, vector<16xi32>,
      %dma_start3A_390 = arith.constant 0 : i32
      %dma_start3A_391 = arith.constant 0 : i32
      %dma_start3A_392 = tpu.memref_slice %arg2[%dma_start3A_390, %dma_start3A_391] : memref<20000x128xf32, #tpu.memory_space<hbm>> -> memref<20000x128xf32, #tpu.memory_space<hbm>>
      tpu.enqueue_indirect_dma source(%dma_start3A_392 : memref<20000x128xf32, #tpu.memory_space<hbm>>) target(%arg13 : memref<128x128xf32, #tpu.memory_space<vmem>>) offsets(%arg12 : memref<128xi32, #tpu.memory_space<vmem>>) semaphore(%arg17 : memref<!tpu.dma_semaphore, #tpu.memory_space<semaphore_mem>>)
    }
    %scan3A_162 = arith.constant 78 : i32
    %dma_wait3A = arith.constant 0 : i32
    %dma_wait3A_163 = arith.constant 0 : i32
    %dma_wait3A_164 = tpu.memref_slice %arg2[%dma_wait3A, %dma_wait3A_163] : memref<20000x128xf32, #tpu.memory_space<hbm>> -> memref<128x128xf32, #tpu.memory_space<hbm>>
    %dma_wait3A_165 = arith.constant 0 : i32
    %dma_wait3A_166 = arith.constant 0 : i32
    %dma_wait3A_167 = tpu.memref_slice %arg2[%dma_wait3A_165, %dma_wait3A_166] : memref<20000x128xf32, #tpu.memory_space<hbm>> -> memref<128x128xf32, #tpu.memory_space<hbm>>
    tpu.wait_dma2 semaphore(%arg16 : memref<!tpu.dma_semaphore, #tpu.memory_space<semaphore_mem>>) src(%dma_wait3A_167 : memref<128x128xf32, #tpu.memory_space<hbm>>) dst(%arg9 : memref<128x128xf32, #tpu.memory_space<vmem>>)
    %dma_start3A_168 = arith.constant 0 : i32
    %dma_start3A_169 = arith.constant 0 : i32
    %dma_start3A_170 = tpu.memref_slice %arg15[%dma_start3A_168, %dma_start3A_169] : memref<10008x128xf32, #tpu.memory_space<vmem_shared>> -> memref<10008x128xf32, #tpu.memory_space<vmem_shared>>
    tpu.enqueue_indirect_dma source(%arg9 : memref<128x128xf32, #tpu.memory_space<vmem>>) target(%dma_start3A_170 : memref<10008x128xf32, #tpu.memory_space<vmem_shared>>) offsets(%arg7 : memref<128xi32, #tpu.memory_space<vmem>>) semaphore(%arg18 : memref<!tpu.dma_semaphore, #tpu.memory_space<semaphore_mem>>) {add = true}
    %dma_wait3A_171 = arith.constant 0 : i32
    %dma_wait3A_172 = arith.constant 0 : i32
    %dma_wait3A_173 = tpu.memref_slice %arg2[%dma_wait3A_171, %dma_wait3A_172] : memref<20000x128xf32, #tpu.memory_space<hbm>> -> memref<128x128xf32, #tpu.memory_space<hbm>>
    %dma_wait3A_174 = arith.constant 0 : i32
    %dma_wait3A_175 = arith.constant 0 : i32
    %dma_wait3A_176 = tpu.memref_slice %arg2[%dma_wait3A_174, %dma_wait3A_175] : memref<20000x128xf32, #tpu.memory_space<hbm>> -> memref<128x128xf32, #tpu.memory_space<hbm>>
    tpu.wait_dma2 semaphore(%arg17 : memref<!tpu.dma_semaphore, #tpu.memory_space<semaphore_mem>>) src(%dma_wait3A_176 : memref<128x128xf32, #tpu.memory_space<hbm>>) dst(%arg13 : memref<128x128xf32, #tpu.memory_space<vmem>>)
    %dma_start3A_177 = arith.constant 0 : i32
    %dma_start3A_178 = arith.constant 0 : i32
    %dma_start3A_179 = tpu.memref_slice %arg15[%dma_start3A_177, %dma_start3A_178] : memref<10008x128xf32, #tpu.memory_space<vmem_shared>> -> memref<10008x128xf32, #tpu.memory_space<vmem_shared>>
    tpu.enqueue_indirect_dma source(%arg13 : memref<128x128xf32, #tpu.memory_space<vmem>>) target(%dma_start3A_179 : memref<10008x128xf32, #tpu.memory_space<vmem_shared>>) offsets(%arg11 : memref<128xi32, #tpu.memory_space<vmem>>) semaphore(%arg19 : memref<!tpu.dma_semaphore, #tpu.memory_space<semaphore_mem>>) {add = true}
    %dma_wait3A_180 = arith.constant 0 : i32
    %dma_wait3A_181 = arith.constant 0 : i32
    %dma_wait3A_182 = tpu.memref_slice %arg2[%dma_wait3A_180, %dma_wait3A_181] : memref<20000x128xf32, #tpu.memory_space<hbm>> -> memref<128x128xf32, #tpu.memory_space<hbm>>
    %dma_wait3A_183 = arith.constant 0 : i32
    %dma_wait3A_184 = arith.constant 0 : i32
    %dma_wait3A_185 = tpu.memref_slice %arg2[%dma_wait3A_183, %dma_wait3A_184] : memref<20000x128xf32, #tpu.memory_space<hbm>> -> memref<128x128xf32, #tpu.memory_space<hbm>>
    tpu.wait_dma2 semaphore(%arg18 : memref<!tpu.dma_semaphore, #tpu.memory_space<semaphore_mem>>) src(%dma_wait3A_185 : memref<128x128xf32, #tpu.memory_space<hbm>>) dst(%arg9 : memref<128x128xf32, #tpu.memory_space<vmem>>)
    %dma_wait3A_186 = arith.constant 0 : i32
    %dma_wait3A_187 = arith.constant 0 : i32
    %dma_wait3A_188 = tpu.memref_slice %arg2[%dma_wait3A_186, %dma_wait3A_187] : memref<20000x128xf32, #tpu.memory_space<hbm>> -> memref<128x128xf32, #tpu.memory_space<hbm>>
    %dma_wait3A_189 = arith.constant 0 : i32
    %dma_wait3A_190 = arith.constant 0 : i32
    %dma_wait3A_191 = tpu.memref_slice %arg2[%dma_wait3A_189, %dma_wait3A_190] : memref<20000x128xf32, #tpu.memory_space<hbm>> -> memref<128x128xf32, #tpu.memory_space<hbm>>
    tpu.wait_dma2 semaphore(%arg19 : memref<!tpu.dma_semaphore, #tpu.memory_space<semaphore_mem>>) src(%dma_wait3A_191 : memref<128x128xf32, #tpu.memory_space<hbm>>) dst(%arg13 : memref<128x128xf32, #tpu.memory_space<vmem>>)
    %barrier3A_192 = arith.constant 0 : index
    tpu.barrier barrier_id(%barrier3A_192)
    %sub3A_193 = arith.constant 125 : i32
    %sub3A_194 = arith.subi %sub3A_193, %arg1 : i32
    %sub3A_195 = arith.constant 16 : i32
    %sub3A_196 = arith.constant 1 : i32
    %sub3A_197 = arith.subi %sub3A_195, %sub3A_196 : i32
    %add3A_198 = arith.addi %sub3A_194, %sub3A_197 : i32
    %div3A_199 = arith.constant 16 : i32
    %div3A_200 = arith.divsi %add3A_198, %div3A_199 : i32
    %while3A_201 = arith.constant 16 : i32
    %while3A_202 = arith.constant 0 : i32
    %while3A_203 = arith.subi %div3A_200, %while3A_202 : i32
    %while3A_204 = arith.addi %while3A_202, %while3A_203 : i32
    %while3A_205 = arith.constant 1 : i32
    %while3A_206 = arith.divsi %while3A_203, %while3A_205 : i32
    %while3A_207 = arith.muli %while3A_206, %while3A_205 : i32
    %while3A_208 = arith.addi %while3A_202, %while3A_207 : i32
    %while3A_209 = arith.constant 1 : i32
    scf.for %while3A_211 = %while3A_202 to %while3A_208 step %while3A_209  : i32 {
      %mul3A_212 = arith.muli %while3A_211, %while3A_201 : i32
      %add3A_213 = arith.addi %arg1, %mul3A_212 : i32
      %mul3A_214 = arith.constant 80 : i32
      %mul3A_215 = arith.muli %add3A_213, %mul3A_214 : i32
      %mul3A_216 = arith.constant 10000 : i32
      %mul3A_217 = arith.muli %arg0, %mul3A_216 : i32
      %add3A_218 = arith.addi %mul3A_217, %mul3A_215 : i32
      "tpu.region"() ({
        %run_scoped3A = tpu.sem_alloc : memref<!tpu.dma_semaphore, #tpu.memory_space<semaphore_mem>>
        %dma_start3A_219 = arith.constant 0 : i32
        %dma_start3A_220 = tpu.memref_slice %arg5[%add3A_218, %dma_start3A_219] : memref<20000x128xf32, #tpu.memory_space<hbm>> -> memref<80x128xf32, #tpu.memory_space<hbm>>
        %dma_start3A_221 = arith.constant 0 : i32
        %dma_start3A_222 = tpu.memref_slice %arg15[%mul3A_215, %dma_start3A_221] : memref<10008x128xf32, #tpu.memory_space<vmem_shared>> -> memref<80x128xf32, #tpu.memory_space<vmem_shared>>
        tpu.enqueue_dma source(%dma_start3A_222 : memref<80x128xf32, #tpu.memory_space<vmem_shared>>) target(%dma_start3A_220 : memref<80x128xf32, #tpu.memory_space<hbm>>) target_semaphore(%run_scoped3A : memref<!tpu.dma_semaphore, #tpu.memory_space<semaphore_mem>>)
        %dma_wait3A_223 = arith.constant 0 : i32
        %dma_wait3A_224 = tpu.memref_slice %arg5[%add3A_218, %dma_wait3A_223] : memref<20000x128xf32, #tpu.memory_space<hbm>> -> memref<80x128xf32, #tpu.memory_space<hbm>>
        %dma_wait3A_225 = arith.constant 0 : i32
        %dma_wait3A_226 = tpu.memref_slice %arg15[%mul3A_215, %dma_wait3A_225] : memref<10008x128xf32, #tpu.memory_space<vmem_shared>> -> memref<80x128xf32, #tpu.memory_space<vmem_shared>>
        tpu.wait_dma2 semaphore(%run_scoped3A : memref<!tpu.dma_semaphore, #tpu.memory_space<semaphore_mem>>) src(%dma_wait3A_226 : memref<80x128xf32, #tpu.memory_space<vmem_shared>>) dst(%dma_wait3A_224 : memref<80x128xf32, #tpu.memory_space<hbm>>)
        tpu.yield
      }) : () -> ()
    }
    %while3A_210 = arith.constant 1 : i32
    scf.for %while3A_211 = %while3A_208 to %while3A_204 step %while3A_210  : i32 {
      %mul3A_212 = arith.muli %while3A_211, %while3A_201 : i32
      %add3A_213 = arith.addi %arg1, %mul3A_212 : i32
      %mul3A_214 = arith.constant 80 : i32
      %mul3A_215 = arith.muli %add3A_213, %mul3A_214 : i32
      %mul3A_216 = arith.constant 10000 : i32
      %mul3A_217 = arith.muli %arg0, %mul3A_216 : i32
      %add3A_218 = arith.addi %mul3A_217, %mul3A_215 : i32
      "tpu.region"() ({
        %run_scoped3A = tpu.sem_alloc : memref<!tpu.dma_semaphore, #tpu.memory_space<semaphore_mem>>
        %dma_start3A_219 = arith.constant 0 : i32
        %dma_start3A_220 = tpu.memref_slice %arg5[%add3A_218, %dma_start3A_219] : memref<20000x128xf32, #tpu.memory_space<hbm>> -> memref<80x128xf32, #tpu.memory_space<hbm>>
        %dma_start3A_221 = arith.constant 0 : i32
        %dma_start3A_222 = tpu.memref_slice %arg15[%mul3A_215, %dma_start3A_221] : memref<10008x128xf32, #tpu.memory_space<vmem_shared>> -> memref<80x128xf32, #tpu.memory_space<vmem_shared>>
        tpu.enqueue_dma source(%dma_start3A_222 : memref<80x128xf32, #tpu.memory_space<vmem_shared>>) target(%dma_start3A_220 : memref<80x128xf32, #tpu.memory_space<hbm>>) target_semaphore(%run_scoped3A : memref<!tpu.dma_semaphore, #tpu.memory_space<semaphore_mem>>)
        %dma_wait3A_223 = arith.constant 0 : i32
        %dma_wait3A_224 = tpu.memref_slice %arg5[%add3A_218, %dma_wait3A_223] : memref<20000x128xf32, #tpu.memory_space<hbm>> -> memref<80x128xf32, #tpu.memory_space<hbm>>
        %dma_wait3A_225 = arith.constant 0 : i32
        %dma_wait3A_226 = tpu.memref_slice %arg15[%mul3A_215, %dma_wait3A_225] : memref<10008x128xf32, #tpu.memory_space<vmem_shared>> -> memref<80x128xf32, #tpu.memory_space<vmem_shared>>
        tpu.wait_dma2 semaphore(%run_scoped3A : memref<!tpu.dma_semaphore, #tpu.memory_space<semaphore_mem>>) src(%dma_wait3A_226 : memref<80x128xf32, #tpu.memory_space<vmem_shared>>) dst(%dma_wait3A_224 : memref<80x128xf32, #tpu.memory_space<hbm>>)
        tpu.yield
      }) : () -> ()
    }
    return
  }
}

#map = affine_map<(d0, d1) -> (0, 0)>
#map1 = affine_map<(d0, d1) -> (0)>
module attributes {stable_mosaic.version = 14 : i64} {
  func.func @segsum_fsplit(%arg0: i32, %arg1: i32, %arg2: memref<20000x128xf32, #tpu.memory_space<hbm>>, %arg3: memref<323584xi32, #tpu.memory_space<hbm>>, %arg4: memref<323584xi32, #tpu.memory_space<hbm>>, %arg5: memref<20000x128xf32, #tpu.memory_space<hbm>>, %arg6: memref<128xi32, #tpu.memory_space<vmem>>, %arg7: memref<128xi32, #tpu.memory_space<vmem>>, %arg8: memref<128xi32, #tpu.memory_space<vmem>>, %arg9: memref<128x128xf32, #tpu.memory_space<vmem>>, %arg10: memref<128xi32, #tpu.memory_space<vmem>>, %arg11: memref<128xi32, #tpu.memory_space<vmem>>, %arg12: memref<128xi32, #tpu.memory_space<vmem>>, %arg13: memref<128x128xf32, #tpu.memory_space<vmem>>, %arg14: memref<80x128xf32, #tpu.memory_space<vmem>>, %arg15: memref<10008x128xf32, #tpu.memory_space<vmem_shared>>, %arg16: memref<!tpu.dma_semaphore, #tpu.memory_space<semaphore_mem>>, %arg17: memref<!tpu.dma_semaphore, #tpu.memory_space<semaphore_mem>>, %arg18: memref<!tpu.dma_semaphore, #tpu.memory_space<semaphore_mem>>, %arg19: memref<!tpu.dma_semaphore, #tpu.memory_space<semaphore_mem>>) attributes {dimension_semantics = [#tpu.dimension_semantics<core_parallel>, #tpu.dimension_semantics<subcore_parallel>], iteration_bounds = array<i64: 2, 16>, scalar_prefetch = 0 : i64, scratch_operands = 14 : i64, tpu.core_type = #tpu.core_type<sc_vector_subcore>, window_params = [{transform_indices = #map}, {transform_indices = #map1}, {transform_indices = #map1}, {transform_indices = #map}]} {
    %broadcast_in_dim3A = arith.constant 0.000000e+00 : f32
    %broadcast_in_dim3A_0 = vector.broadcast %broadcast_in_dim3A : f32 to vector<16xf32>
    %scan3A = arith.constant 0 : i32
    %scan3A_1 = arith.constant 80 : i32
    %scan3A_2 = arith.addi %scan3A, %scan3A_1 : i32
    %scan3A_3 = arith.constant 1 : i32
    scf.for %scan3A_211 = %scan3A to %scan3A_2 step %scan3A_3  : i32 {
      %mul3A_212 = arith.constant 1 : i32
      %mul3A_213 = arith.muli %scan3A_211, %mul3A_212 : i32
      %add3A_214 = arith.constant 0 : i32
      %add3A_215 = arith.addi %add3A_214, %mul3A_213 : i32
      %swap3A_216 = arith.index_cast %add3A_215 : i32 to index
      %swap3A_217 = arith.constant 0 : index
      %swap3A_218 = tpu.vector_load %arg14[%swap3A_216, %swap3A_217] {strides = array<i32>} : memref<80x128xf32, #tpu.memory_space<vmem>>, vector<1x16xf32>,
      %swap3A_219 = vector.shape_cast %swap3A_218 : vector<1x16xf32> to vector<16xf32>
      %swap3A_220 = vector.shape_cast %broadcast_in_dim3A_0 : vector<16xf32> to vector<1x16xf32>
      tpu.vector_store %arg14[%swap3A_216, %swap3A_217], %swap3A_220 {strides = array<i32>} : memref<80x128xf32, #tpu.memory_space<vmem>>, vector<1x16xf32>,
      %swap3A_221 = arith.index_cast %add3A_215 : i32 to index
      %swap3A_222 = arith.constant 16 : index
      %swap3A_223 = tpu.vector_load %arg14[%swap3A_221, %swap3A_222] {strides = array<i32>} : memref<80x128xf32, #tpu.memory_space<vmem>>, vector<1x16xf32>,
      %swap3A_224 = vector.shape_cast %swap3A_223 : vector<1x16xf32> to vector<16xf32>
      %swap3A_225 = vector.shape_cast %broadcast_in_dim3A_0 : vector<16xf32> to vector<1x16xf32>
      tpu.vector_store %arg14[%swap3A_221, %swap3A_222], %swap3A_225 {strides = array<i32>} : memref<80x128xf32, #tpu.memory_space<vmem>>, vector<1x16xf32>,
      %swap3A_226 = arith.index_cast %add3A_215 : i32 to index
      %swap3A_227 = arith.constant 32 : index
      %swap3A_228 = tpu.vector_load %arg14[%swap3A_226, %swap3A_227] {strides = array<i32>} : memref<80x128xf32, #tpu.memory_space<vmem>>, vector<1x16xf32>,
      %swap3A_229 = vector.shape_cast %swap3A_228 : vector<1x16xf32> to vector<16xf32>
      %swap3A_230 = vector.shape_cast %broadcast_in_dim3A_0 : vector<16xf32> to vector<1x16xf32>
      tpu.vector_store %arg14[%swap3A_226, %swap3A_227], %swap3A_230 {strides = array<i32>} : memref<80x128xf32, #tpu.memory_space<vmem>>, vector<1x16xf32>,
      %swap3A_231 = arith.index_cast %add3A_215 : i32 to index
      %swap3A_232 = arith.constant 48 : index
      %swap3A_233 = tpu.vector_load %arg14[%swap3A_231, %swap3A_232] {strides = array<i32>} : memref<80x128xf32, #tpu.memory_space<vmem>>, vector<1x16xf32>,
      %swap3A_234 = vector.shape_cast %swap3A_233 : vector<1x16xf32> to vector<16xf32>
      %swap3A_235 = vector.shape_cast %broadcast_in_dim3A_0 : vector<16xf32> to vector<1x16xf32>
      tpu.vector_store %arg14[%swap3A_231, %swap3A_232], %swap3A_235 {strides = array<i32>} : memref<80x128xf32, #tpu.memory_space<vmem>>, vector<1x16xf32>,
      %swap3A_236 = arith.index_cast %add3A_215 : i32 to index
      %swap3A_237 = arith.constant 64 : index
      %swap3A_238 = tpu.vector_load %arg14[%swap3A_236, %swap3A_237] {strides = array<i32>} : memref<80x128xf32, #tpu.memory_space<vmem>>, vector<1x16xf32>,
      %swap3A_239 = vector.shape_cast %swap3A_238 : vector<1x16xf32> to vector<16xf32>
      %swap3A_240 = vector.shape_cast %broadcast_in_dim3A_0 : vector<16xf32> to vector<1x16xf32>
      tpu.vector_store %arg14[%swap3A_236, %swap3A_237], %swap3A_240 {strides = array<i32>} : memref<80x128xf32, #tpu.memory_space<vmem>>, vector<1x16xf32>,
      %swap3A_241 = arith.index_cast %add3A_215 : i32 to index
      %swap3A_242 = arith.constant 80 : index
      %swap3A_243 = tpu.vector_load %arg14[%swap3A_241, %swap3A_242] {strides = array<i32>} : memref<80x128xf32, #tpu.memory_space<vmem>>, vector<1x16xf32>,
      %swap3A_244 = vector.shape_cast %swap3A_243 : vector<1x16xf32> to vector<16xf32>
      %swap3A_245 = vector.shape_cast %broadcast_in_dim3A_0 : vector<16xf32> to vector<1x16xf32>
      tpu.vector_store %arg14[%swap3A_241, %swap3A_242], %swap3A_245 {strides = array<i32>} : memref<80x128xf32, #tpu.memory_space<vmem>>, vector<1x16xf32>,
      %swap3A_246 = arith.index_cast %add3A_215 : i32 to index
      %swap3A_247 = arith.constant 96 : index
      %swap3A_248 = tpu.vector_load %arg14[%swap3A_246, %swap3A_247] {strides = array<i32>} : memref<80x128xf32, #tpu.memory_space<vmem>>, vector<1x16xf32>,
      %swap3A_249 = vector.shape_cast %swap3A_248 : vector<1x16xf32> to vector<16xf32>
      %swap3A_250 = vector.shape_cast %broadcast_in_dim3A_0 : vector<16xf32> to vector<1x16xf32>
      tpu.vector_store %arg14[%swap3A_246, %swap3A_247], %swap3A_250 {strides = array<i32>} : memref<80x128xf32, #tpu.memory_space<vmem>>, vector<1x16xf32>,
      %swap3A_251 = arith.index_cast %add3A_215 : i32 to index
      %swap3A_252 = arith.constant 112 : index
      %swap3A_253 = tpu.vector_load %arg14[%swap3A_251, %swap3A_252] {strides = array<i32>} : memref<80x128xf32, #tpu.memory_space<vmem>>, vector<1x16xf32>,
      %swap3A_254 = vector.shape_cast %swap3A_253 : vector<1x16xf32> to vector<16xf32>
      %swap3A_255 = vector.shape_cast %broadcast_in_dim3A_0 : vector<16xf32> to vector<1x16xf32>
      tpu.vector_store %arg14[%swap3A_251, %swap3A_252], %swap3A_255 {strides = array<i32>} : memref<80x128xf32, #tpu.memory_space<vmem>>, vector<1x16xf32>,
    }
    %scan3A_4 = arith.constant 80 : i32
    %sub3A = arith.constant 125 : i32
    %sub3A_5 = arith.subi %sub3A, %arg1 : i32
    %sub3A_6 = arith.constant 16 : i32
    %sub3A_7 = arith.constant 1 : i32
    %sub3A_8 = arith.subi %sub3A_6, %sub3A_7 : i32
    %add3A = arith.addi %sub3A_5, %sub3A_8 : i32
    %div3A = arith.constant 16 : i32
    %div3A_9 = arith.divsi %add3A, %div3A : i32
    %while3A = arith.constant 16 : i32
    %while3A_10 = arith.constant 0 : i32
    %while3A_11 = arith.subi %div3A_9, %while3A_10 : i32
    %while3A_12 = arith.addi %while3A_10, %while3A_11 : i32
    %while3A_13 = arith.constant 1 : i32
    %while3A_14 = arith.divsi %while3A_11, %while3A_13 : i32
    %while3A_15 = arith.muli %while3A_14, %while3A_13 : i32
    %while3A_16 = arith.addi %while3A_10, %while3A_15 : i32
    %while3A_17 = arith.constant 1 : i32
    scf.for %while3A_211 = %while3A_10 to %while3A_16 step %while3A_17  : i32 {
      %mul3A_212 = arith.muli %while3A_211, %while3A : i32
      %add3A_213 = arith.addi %arg1, %mul3A_212 : i32
      %mul3A_214 = arith.constant 80 : i32
      %mul3A_215 = arith.muli %add3A_213, %mul3A_214 : i32
      "tpu.region"() ({
        %run_scoped3A = tpu.sem_alloc : memref<!tpu.dma_semaphore, #tpu.memory_space<semaphore_mem>>
        %dma_start3A_216 = arith.constant 0 : i32
        %dma_start3A_217 = tpu.memref_slice %arg15[%mul3A_215, %dma_start3A_216] : memref<10008x128xf32, #tpu.memory_space<vmem_shared>> -> memref<80x128xf32, #tpu.memory_space<vmem_shared>>
        %dma_start3A_218 = arith.constant 0 : i32
        %dma_start3A_219 = tpu.memref_slice %arg15[%mul3A_215, %dma_start3A_218] : memref<10008x128xf32, #tpu.memory_space<vmem_shared>> -> memref<80x128xf32, #tpu.memory_space<vmem_shared>>
        tpu.enqueue_dma source(%arg14 : memref<80x128xf32, #tpu.memory_space<vmem>>) target(%dma_start3A_219 : memref<80x128xf32, #tpu.memory_space<vmem_shared>>) target_semaphore(%run_scoped3A : memref<!tpu.dma_semaphore, #tpu.memory_space<semaphore_mem>>)
        %dma_wait3A_220 = arith.constant 0 : i32
        %dma_wait3A_221 = tpu.memref_slice %arg15[%mul3A_215, %dma_wait3A_220] : memref<10008x128xf32, #tpu.memory_space<vmem_shared>> -> memref<80x128xf32, #tpu.memory_space<vmem_shared>>
        %dma_wait3A_222 = arith.constant 0 : i32
        %dma_wait3A_223 = tpu.memref_slice %arg15[%mul3A_215, %dma_wait3A_222] : memref<10008x128xf32, #tpu.memory_space<vmem_shared>> -> memref<80x128xf32, #tpu.memory_space<vmem_shared>>
        tpu.wait_dma2 semaphore(%run_scoped3A : memref<!tpu.dma_semaphore, #tpu.memory_space<semaphore_mem>>) src(%arg14 : memref<80x128xf32, #tpu.memory_space<vmem>>) dst(%dma_wait3A_223 : memref<80x128xf32, #tpu.memory_space<vmem_shared>>)
        tpu.yield
      }) : () -> ()
    }
    %while3A_18 = arith.constant 1 : i32
    scf.for %while3A_211 = %while3A_16 to %while3A_12 step %while3A_18  : i32 {
      %mul3A_212 = arith.muli %while3A_211, %while3A : i32
      %add3A_213 = arith.addi %arg1, %mul3A_212 : i32
      %mul3A_214 = arith.constant 80 : i32
      %mul3A_215 = arith.muli %add3A_213, %mul3A_214 : i32
      "tpu.region"() ({
        %run_scoped3A = tpu.sem_alloc : memref<!tpu.dma_semaphore, #tpu.memory_space<semaphore_mem>>
        %dma_start3A_216 = arith.constant 0 : i32
        %dma_start3A_217 = tpu.memref_slice %arg15[%mul3A_215, %dma_start3A_216] : memref<10008x128xf32, #tpu.memory_space<vmem_shared>> -> memref<80x128xf32, #tpu.memory_space<vmem_shared>>
        %dma_start3A_218 = arith.constant 0 : i32
        %dma_start3A_219 = tpu.memref_slice %arg15[%mul3A_215, %dma_start3A_218] : memref<10008x128xf32, #tpu.memory_space<vmem_shared>> -> memref<80x128xf32, #tpu.memory_space<vmem_shared>>
        tpu.enqueue_dma source(%arg14 : memref<80x128xf32, #tpu.memory_space<vmem>>) target(%dma_start3A_219 : memref<80x128xf32, #tpu.memory_space<vmem_shared>>) target_semaphore(%run_scoped3A : memref<!tpu.dma_semaphore, #tpu.memory_space<semaphore_mem>>)
        %dma_wait3A_220 = arith.constant 0 : i32
        %dma_wait3A_221 = tpu.memref_slice %arg15[%mul3A_215, %dma_wait3A_220] : memref<10008x128xf32, #tpu.memory_space<vmem_shared>> -> memref<80x128xf32, #tpu.memory_space<vmem_shared>>
        %dma_wait3A_222 = arith.constant 0 : i32
        %dma_wait3A_223 = tpu.memref_slice %arg15[%mul3A_215, %dma_wait3A_222] : memref<10008x128xf32, #tpu.memory_space<vmem_shared>> -> memref<80x128xf32, #tpu.memory_space<vmem_shared>>
        tpu.wait_dma2 semaphore(%run_scoped3A : memref<!tpu.dma_semaphore, #tpu.memory_space<semaphore_mem>>) src(%arg14 : memref<80x128xf32, #tpu.memory_space<vmem>>) dst(%dma_wait3A_223 : memref<80x128xf32, #tpu.memory_space<vmem_shared>>)
        tpu.yield
      }) : () -> ()
    }
    %barrier3A = arith.constant 0 : index
    tpu.barrier barrier_id(%barrier3A)
    %mul3A = arith.constant 10000 : i32
    %mul3A_19 = arith.muli %arg0, %mul3A : i32
    %broadcast_in_dim3A_20 = vector.broadcast %mul3A_19 : i32 to vector<16xi32>
    %mul3A_21 = arith.constant 128 : i32
    %mul3A_22 = arith.muli %arg1, %mul3A_21 : i32
    "tpu.region"() ({
      %run_scoped3A = tpu.sem_alloc : memref<!tpu.dma_semaphore, #tpu.memory_space<semaphore_mem>>
      %dma_start3A_211 = tpu.memref_slice %arg3[%mul3A_22] : memref<323584xi32, #tpu.memory_space<hbm>> -> memref<128xi32, #tpu.memory_space<hbm>>
      %dma_start3A_212 = tpu.memref_slice %arg3[%mul3A_22] : memref<323584xi32, #tpu.memory_space<hbm>> -> memref<128xi32, #tpu.memory_space<hbm>>
      tpu.enqueue_dma source(%dma_start3A_212 : memref<128xi32, #tpu.memory_space<hbm>>) target(%arg6 : memref<128xi32, #tpu.memory_space<vmem>>) target_semaphore(%run_scoped3A : memref<!tpu.dma_semaphore, #tpu.memory_space<semaphore_mem>>)
      %dma_wait3A_213 = tpu.memref_slice %arg3[%mul3A_22] : memref<323584xi32, #tpu.memory_space<hbm>> -> memref<128xi32, #tpu.memory_space<hbm>>
      %dma_wait3A_214 = tpu.memref_slice %arg3[%mul3A_22] : memref<323584xi32, #tpu.memory_space<hbm>> -> memref<128xi32, #tpu.memory_space<hbm>>
      tpu.wait_dma2 semaphore(%run_scoped3A : memref<!tpu.dma_semaphore, #tpu.memory_space<semaphore_mem>>) src(%dma_wait3A_214 : memref<128xi32, #tpu.memory_space<hbm>>) dst(%arg6 : memref<128xi32, #tpu.memory_space<vmem>>)
      tpu.yield
    }) : () -> ()
    "tpu.region"() ({
      %run_scoped3A = tpu.sem_alloc : memref<!tpu.dma_semaphore, #tpu.memory_space<semaphore_mem>>
      %dma_start3A_211 = tpu.memref_slice %arg4[%mul3A_22] : memref<323584xi32, #tpu.memory_space<hbm>> -> memref<128xi32, #tpu.memory_space<hbm>>
      %dma_start3A_212 = tpu.memref_slice %arg4[%mul3A_22] : memref<323584xi32, #tpu.memory_space<hbm>> -> memref<128xi32, #tpu.memory_space<hbm>>
      tpu.enqueue_dma source(%dma_start3A_212 : memref<128xi32, #tpu.memory_space<hbm>>) target(%arg7 : memref<128xi32, #tpu.memory_space<vmem>>) target_semaphore(%run_scoped3A : memref<!tpu.dma_semaphore, #tpu.memory_space<semaphore_mem>>)
      %dma_wait3A_213 = tpu.memref_slice %arg4[%mul3A_22] : memref<323584xi32, #tpu.memory_space<hbm>> -> memref<128xi32, #tpu.memory_space<hbm>>
      %dma_wait3A_214 = tpu.memref_slice %arg4[%mul3A_22] : memref<323584xi32, #tpu.memory_space<hbm>> -> memref<128xi32, #tpu.memory_space<hbm>>
      tpu.wait_dma2 semaphore(%run_scoped3A : memref<!tpu.dma_semaphore, #tpu.memory_space<semaphore_mem>>) src(%dma_wait3A_214 : memref<128xi32, #tpu.memory_space<hbm>>) dst(%arg7 : memref<128xi32, #tpu.memory_space<vmem>>)
      tpu.yield
    }) : () -> ()
    %get3A = arith.constant 0 : index
    %get3A_23 = tpu.vector_load %arg6[%get3A] {strides = array<i32>} : memref<128xi32, #tpu.memory_space<vmem>>, vector<16xi32>,
    %get3A_24 = vector.shape_cast %get3A_23 : vector<16xi32> to vector<16xi32>
    %add3A_25 = arith.addi %get3A_24, %broadcast_in_dim3A_20 : vector<16xi32>
    %swap3A = arith.constant 0 : index
    %swap3A_26 = tpu.vector_load %arg8[%swap3A] {strides = array<i32>} : memref<128xi32, #tpu.memory_space<vmem>>, vector<16xi32>,
    %swap3A_27 = vector.shape_cast %swap3A_26 : vector<16xi32> to vector<16xi32>
    %swap3A_28 = vector.shape_cast %add3A_25 : vector<16xi32> to vector<16xi32>
    tpu.vector_store %arg8[%swap3A], %swap3A_28 {strides = array<i32>} : memref<128xi32, #tpu.memory_space<vmem>>, vector<16xi32>,
    %get3A_29 = arith.constant 16 : index
    %get3A_30 = tpu.vector_load %arg6[%get3A_29] {strides = array<i32>} : memref<128xi32, #tpu.memory_space<vmem>>, vector<16xi32>,
    %get3A_31 = vector.shape_cast %get3A_30 : vector<16xi32> to vector<16xi32>
    %add3A_32 = arith.addi %get3A_31, %broadcast_in_dim3A_20 : vector<16xi32>
    %swap3A_33 = arith.constant 16 : index
    %swap3A_34 = tpu.vector_load %arg8[%swap3A_33] {strides = array<i32>} : memref<128xi32, #tpu.memory_space<vmem>>, vector<16xi32>,
    %swap3A_35 = vector.shape_cast %swap3A_34 : vector<16xi32> to vector<16xi32>
    %swap3A_36 = vector.shape_cast %add3A_32 : vector<16xi32> to vector<16xi32>
    tpu.vector_store %arg8[%swap3A_33], %swap3A_36 {strides = array<i32>} : memref<128xi32, #tpu.memory_space<vmem>>, vector<16xi32>,
    %get3A_37 = arith.constant 32 : index
    %get3A_38 = tpu.vector_load %arg6[%get3A_37] {strides = array<i32>} : memref<128xi32, #tpu.memory_space<vmem>>, vector<16xi32>,
    %get3A_39 = vector.shape_cast %get3A_38 : vector<16xi32> to vector<16xi32>
    %add3A_40 = arith.addi %get3A_39, %broadcast_in_dim3A_20 : vector<16xi32>
    %swap3A_41 = arith.constant 32 : index
    %swap3A_42 = tpu.vector_load %arg8[%swap3A_41] {strides = array<i32>} : memref<128xi32, #tpu.memory_space<vmem>>, vector<16xi32>,
    %swap3A_43 = vector.shape_cast %swap3A_42 : vector<16xi32> to vector<16xi32>
    %swap3A_44 = vector.shape_cast %add3A_40 : vector<16xi32> to vector<16xi32>
    tpu.vector_store %arg8[%swap3A_41], %swap3A_44 {strides = array<i32>} : memref<128xi32, #tpu.memory_space<vmem>>, vector<16xi32>,
    %get3A_45 = arith.constant 48 : index
    %get3A_46 = tpu.vector_load %arg6[%get3A_45] {strides = array<i32>} : memref<128xi32, #tpu.memory_space<vmem>>, vector<16xi32>,
    %get3A_47 = vector.shape_cast %get3A_46 : vector<16xi32> to vector<16xi32>
    %add3A_48 = arith.addi %get3A_47, %broadcast_in_dim3A_20 : vector<16xi32>
    %swap3A_49 = arith.constant 48 : index
    %swap3A_50 = tpu.vector_load %arg8[%swap3A_49] {strides = array<i32>} : memref<128xi32, #tpu.memory_space<vmem>>, vector<16xi32>,
    %swap3A_51 = vector.shape_cast %swap3A_50 : vector<16xi32> to vector<16xi32>
    %swap3A_52 = vector.shape_cast %add3A_48 : vector<16xi32> to vector<16xi32>
    tpu.vector_store %arg8[%swap3A_49], %swap3A_52 {strides = array<i32>} : memref<128xi32, #tpu.memory_space<vmem>>, vector<16xi32>,
    %get3A_53 = arith.constant 64 : index
    %get3A_54 = tpu.vector_load %arg6[%get3A_53] {strides = array<i32>} : memref<128xi32, #tpu.memory_space<vmem>>, vector<16xi32>,
    %get3A_55 = vector.shape_cast %get3A_54 : vector<16xi32> to vector<16xi32>
    %add3A_56 = arith.addi %get3A_55, %broadcast_in_dim3A_20 : vector<16xi32>
    %swap3A_57 = arith.constant 64 : index
    %swap3A_58 = tpu.vector_load %arg8[%swap3A_57] {strides = array<i32>} : memref<128xi32, #tpu.memory_space<vmem>>, vector<16xi32>,
    %swap3A_59 = vector.shape_cast %swap3A_58 : vector<16xi32> to vector<16xi32>
    %swap3A_60 = vector.shape_cast %add3A_56 : vector<16xi32> to vector<16xi32>
    tpu.vector_store %arg8[%swap3A_57], %swap3A_60 {strides = array<i32>} : memref<128xi32, #tpu.memory_space<vmem>>, vector<16xi32>,
    %get3A_61 = arith.constant 80 : index
    %get3A_62 = tpu.vector_load %arg6[%get3A_61] {strides = array<i32>} : memref<128xi32, #tpu.memory_space<vmem>>, vector<16xi32>,
    %get3A_63 = vector.shape_cast %get3A_62 : vector<16xi32> to vector<16xi32>
    %add3A_64 = arith.addi %get3A_63, %broadcast_in_dim3A_20 : vector<16xi32>
    %swap3A_65 = arith.constant 80 : index
    %swap3A_66 = tpu.vector_load %arg8[%swap3A_65] {strides = array<i32>} : memref<128xi32, #tpu.memory_space<vmem>>, vector<16xi32>,
    %swap3A_67 = vector.shape_cast %swap3A_66 : vector<16xi32> to vector<16xi32>
    %swap3A_68 = vector.shape_cast %add3A_64 : vector<16xi32> to vector<16xi32>
    tpu.vector_store %arg8[%swap3A_65], %swap3A_68 {strides = array<i32>} : memref<128xi32, #tpu.memory_space<vmem>>, vector<16xi32>,
    %get3A_69 = arith.constant 96 : index
    %get3A_70 = tpu.vector_load %arg6[%get3A_69] {strides = array<i32>} : memref<128xi32, #tpu.memory_space<vmem>>, vector<16xi32>,
    %get3A_71 = vector.shape_cast %get3A_70 : vector<16xi32> to vector<16xi32>
    %add3A_72 = arith.addi %get3A_71, %broadcast_in_dim3A_20 : vector<16xi32>
    %swap3A_73 = arith.constant 96 : index
    %swap3A_74 = tpu.vector_load %arg8[%swap3A_73] {strides = array<i32>} : memref<128xi32, #tpu.memory_space<vmem>>, vector<16xi32>,
    %swap3A_75 = vector.shape_cast %swap3A_74 : vector<16xi32> to vector<16xi32>
    %swap3A_76 = vector.shape_cast %add3A_72 : vector<16xi32> to vector<16xi32>
    tpu.vector_store %arg8[%swap3A_73], %swap3A_76 {strides = array<i32>} : memref<128xi32, #tpu.memory_space<vmem>>, vector<16xi32>,
    %get3A_77 = arith.constant 112 : index
    %get3A_78 = tpu.vector_load %arg6[%get3A_77] {strides = array<i32>} : memref<128xi32, #tpu.memory_space<vmem>>, vector<16xi32>,
    %get3A_79 = vector.shape_cast %get3A_78 : vector<16xi32> to vector<16xi32>
    %add3A_80 = arith.addi %get3A_79, %broadcast_in_dim3A_20 : vector<16xi32>
    %swap3A_81 = arith.constant 112 : index
    %swap3A_82 = tpu.vector_load %arg8[%swap3A_81] {strides = array<i32>} : memref<128xi32, #tpu.memory_space<vmem>>, vector<16xi32>,
    %swap3A_83 = vector.shape_cast %swap3A_82 : vector<16xi32> to vector<16xi32>
    %swap3A_84 = vector.shape_cast %add3A_80 : vector<16xi32> to vector<16xi32>
    tpu.vector_store %arg8[%swap3A_81], %swap3A_84 {strides = array<i32>} : memref<128xi32, #tpu.memory_space<vmem>>, vector<16xi32>,
    %dma_start3A = arith.constant 0 : i32
    %dma_start3A_85 = arith.constant 0 : i32
    %dma_start3A_86 = tpu.memref_slice %arg2[%dma_start3A, %dma_start3A_85] : memref<20000x128xf32, #tpu.memory_space<hbm>> -> memref<20000x128xf32, #tpu.memory_space<hbm>>
    tpu.enqueue_indirect_dma source(%dma_start3A_86 : memref<20000x128xf32, #tpu.memory_space<hbm>>) target(%arg9 : memref<128x128xf32, #tpu.memory_space<vmem>>) offsets(%arg8 : memref<128xi32, #tpu.memory_space<vmem>>) semaphore(%arg16 : memref<!tpu.dma_semaphore, #tpu.memory_space<semaphore_mem>>)
    %add3A_87 = arith.constant 16 : i32
    %add3A_88 = arith.addi %arg1, %add3A_87 : i32
    %mul3A_89 = arith.constant 128 : i32
    %mul3A_90 = arith.muli %add3A_88, %mul3A_89 : i32
    "tpu.region"() ({
      %run_scoped3A = tpu.sem_alloc : memref<!tpu.dma_semaphore, #tpu.memory_space<semaphore_mem>>
      %dma_start3A_211 = tpu.memref_slice %arg3[%mul3A_90] : memref<323584xi32, #tpu.memory_space<hbm>> -> memref<128xi32, #tpu.memory_space<hbm>>
      %dma_start3A_212 = tpu.memref_slice %arg3[%mul3A_90] : memref<323584xi32, #tpu.memory_space<hbm>> -> memref<128xi32, #tpu.memory_space<hbm>>
      tpu.enqueue_dma source(%dma_start3A_212 : memref<128xi32, #tpu.memory_space<hbm>>) target(%arg10 : memref<128xi32, #tpu.memory_space<vmem>>) target_semaphore(%run_scoped3A : memref<!tpu.dma_semaphore, #tpu.memory_space<semaphore_mem>>)
      %dma_wait3A_213 = tpu.memref_slice %arg3[%mul3A_90] : memref<323584xi32, #tpu.memory_space<hbm>> -> memref<128xi32, #tpu.memory_space<hbm>>
      %dma_wait3A_214 = tpu.memref_slice %arg3[%mul3A_90] : memref<323584xi32, #tpu.memory_space<hbm>> -> memref<128xi32, #tpu.memory_space<hbm>>
      tpu.wait_dma2 semaphore(%run_scoped3A : memref<!tpu.dma_semaphore, #tpu.memory_space<semaphore_mem>>) src(%dma_wait3A_214 : memref<128xi32, #tpu.memory_space<hbm>>) dst(%arg10 : memref<128xi32, #tpu.memory_space<vmem>>)
      tpu.yield
    }) : () -> ()
    "tpu.region"() ({
      %run_scoped3A = tpu.sem_alloc : memref<!tpu.dma_semaphore, #tpu.memory_space<semaphore_mem>>
      %dma_start3A_211 = tpu.memref_slice %arg4[%mul3A_90] : memref<323584xi32, #tpu.memory_space<hbm>> -> memref<128xi32, #tpu.memory_space<hbm>>
      %dma_start3A_212 = tpu.memref_slice %arg4[%mul3A_90] : memref<323584xi32, #tpu.memory_space<hbm>> -> memref<128xi32, #tpu.memory_space<hbm>>
      tpu.enqueue_dma source(%dma_start3A_212 : memref<128xi32, #tpu.memory_space<hbm>>) target(%arg11 : memref<128xi32, #tpu.memory_space<vmem>>) target_semaphore(%run_scoped3A : memref<!tpu.dma_semaphore, #tpu.memory_space<semaphore_mem>>)
      %dma_wait3A_213 = tpu.memref_slice %arg4[%mul3A_90] : memref<323584xi32, #tpu.memory_space<hbm>> -> memref<128xi32, #tpu.memory_space<hbm>>
      %dma_wait3A_214 = tpu.memref_slice %arg4[%mul3A_90] : memref<323584xi32, #tpu.memory_space<hbm>> -> memref<128xi32, #tpu.memory_space<hbm>>
      tpu.wait_dma2 semaphore(%run_scoped3A : memref<!tpu.dma_semaphore, #tpu.memory_space<semaphore_mem>>) src(%dma_wait3A_214 : memref<128xi32, #tpu.memory_space<hbm>>) dst(%arg11 : memref<128xi32, #tpu.memory_space<vmem>>)
      tpu.yield
    }) : () -> ()
    %get3A_91 = arith.constant 0 : index
    %get3A_92 = tpu.vector_load %arg10[%get3A_91] {strides = array<i32>} : memref<128xi32, #tpu.memory_space<vmem>>, vector<16xi32>,
    %get3A_93 = vector.shape_cast %get3A_92 : vector<16xi32> to vector<16xi32>
    %add3A_94 = arith.addi %get3A_93, %broadcast_in_dim3A_20 : vector<16xi32>
    %swap3A_95 = arith.constant 0 : index
    %swap3A_96 = tpu.vector_load %arg12[%swap3A_95] {strides = array<i32>} : memref<128xi32, #tpu.memory_space<vmem>>, vector<16xi32>,
    %swap3A_97 = vector.shape_cast %swap3A_96 : vector<16xi32> to vector<16xi32>
    %swap3A_98 = vector.shape_cast %add3A_94 : vector<16xi32> to vector<16xi32>
    tpu.vector_store %arg12[%swap3A_95], %swap3A_98 {strides = array<i32>} : memref<128xi32, #tpu.memory_space<vmem>>, vector<16xi32>,
    %get3A_99 = arith.constant 16 : index
    %get3A_100 = tpu.vector_load %arg10[%get3A_99] {strides = array<i32>} : memref<128xi32, #tpu.memory_space<vmem>>, vector<16xi32>,
    %get3A_101 = vector.shape_cast %get3A_100 : vector<16xi32> to vector<16xi32>
    %add3A_102 = arith.addi %get3A_101, %broadcast_in_dim3A_20 : vector<16xi32>
    %swap3A_103 = arith.constant 16 : index
    %swap3A_104 = tpu.vector_load %arg12[%swap3A_103] {strides = array<i32>} : memref<128xi32, #tpu.memory_space<vmem>>, vector<16xi32>,
    %swap3A_105 = vector.shape_cast %swap3A_104 : vector<16xi32> to vector<16xi32>
    %swap3A_106 = vector.shape_cast %add3A_102 : vector<16xi32> to vector<16xi32>
    tpu.vector_store %arg12[%swap3A_103], %swap3A_106 {strides = array<i32>} : memref<128xi32, #tpu.memory_space<vmem>>, vector<16xi32>,
    %get3A_107 = arith.constant 32 : index
    %get3A_108 = tpu.vector_load %arg10[%get3A_107] {strides = array<i32>} : memref<128xi32, #tpu.memory_space<vmem>>, vector<16xi32>,
    %get3A_109 = vector.shape_cast %get3A_108 : vector<16xi32> to vector<16xi32>
    %add3A_110 = arith.addi %get3A_109, %broadcast_in_dim3A_20 : vector<16xi32>
    %swap3A_111 = arith.constant 32 : index
    %swap3A_112 = tpu.vector_load %arg12[%swap3A_111] {strides = array<i32>} : memref<128xi32, #tpu.memory_space<vmem>>, vector<16xi32>,
    %swap3A_113 = vector.shape_cast %swap3A_112 : vector<16xi32> to vector<16xi32>
    %swap3A_114 = vector.shape_cast %add3A_110 : vector<16xi32> to vector<16xi32>
    tpu.vector_store %arg12[%swap3A_111], %swap3A_114 {strides = array<i32>} : memref<128xi32, #tpu.memory_space<vmem>>, vector<16xi32>,
    %get3A_115 = arith.constant 48 : index
    %get3A_116 = tpu.vector_load %arg10[%get3A_115] {strides = array<i32>} : memref<128xi32, #tpu.memory_space<vmem>>, vector<16xi32>,
    %get3A_117 = vector.shape_cast %get3A_116 : vector<16xi32> to vector<16xi32>
    %add3A_118 = arith.addi %get3A_117, %broadcast_in_dim3A_20 : vector<16xi32>
    %swap3A_119 = arith.constant 48 : index
    %swap3A_120 = tpu.vector_load %arg12[%swap3A_119] {strides = array<i32>} : memref<128xi32, #tpu.memory_space<vmem>>, vector<16xi32>,
    %swap3A_121 = vector.shape_cast %swap3A_120 : vector<16xi32> to vector<16xi32>
    %swap3A_122 = vector.shape_cast %add3A_118 : vector<16xi32> to vector<16xi32>
    tpu.vector_store %arg12[%swap3A_119], %swap3A_122 {strides = array<i32>} : memref<128xi32, #tpu.memory_space<vmem>>, vector<16xi32>,
    %get3A_123 = arith.constant 64 : index
    %get3A_124 = tpu.vector_load %arg10[%get3A_123] {strides = array<i32>} : memref<128xi32, #tpu.memory_space<vmem>>, vector<16xi32>,
    %get3A_125 = vector.shape_cast %get3A_124 : vector<16xi32> to vector<16xi32>
    %add3A_126 = arith.addi %get3A_125, %broadcast_in_dim3A_20 : vector<16xi32>
    %swap3A_127 = arith.constant 64 : index
    %swap3A_128 = tpu.vector_load %arg12[%swap3A_127] {strides = array<i32>} : memref<128xi32, #tpu.memory_space<vmem>>, vector<16xi32>,
    %swap3A_129 = vector.shape_cast %swap3A_128 : vector<16xi32> to vector<16xi32>
    %swap3A_130 = vector.shape_cast %add3A_126 : vector<16xi32> to vector<16xi32>
    tpu.vector_store %arg12[%swap3A_127], %swap3A_130 {strides = array<i32>} : memref<128xi32, #tpu.memory_space<vmem>>, vector<16xi32>,
    %get3A_131 = arith.constant 80 : index
    %get3A_132 = tpu.vector_load %arg10[%get3A_131] {strides = array<i32>} : memref<128xi32, #tpu.memory_space<vmem>>, vector<16xi32>,
    %get3A_133 = vector.shape_cast %get3A_132 : vector<16xi32> to vector<16xi32>
    %add3A_134 = arith.addi %get3A_133, %broadcast_in_dim3A_20 : vector<16xi32>
    %swap3A_135 = arith.constant 80 : index
    %swap3A_136 = tpu.vector_load %arg12[%swap3A_135] {strides = array<i32>} : memref<128xi32, #tpu.memory_space<vmem>>, vector<16xi32>,
    %swap3A_137 = vector.shape_cast %swap3A_136 : vector<16xi32> to vector<16xi32>
    %swap3A_138 = vector.shape_cast %add3A_134 : vector<16xi32> to vector<16xi32>
    tpu.vector_store %arg12[%swap3A_135], %swap3A_138 {strides = array<i32>} : memref<128xi32, #tpu.memory_space<vmem>>, vector<16xi32>,
    %get3A_139 = arith.constant 96 : index
    %get3A_140 = tpu.vector_load %arg10[%get3A_139] {strides = array<i32>} : memref<128xi32, #tpu.memory_space<vmem>>, vector<16xi32>,
    %get3A_141 = vector.shape_cast %get3A_140 : vector<16xi32> to vector<16xi32>
    %add3A_142 = arith.addi %get3A_141, %broadcast_in_dim3A_20 : vector<16xi32>
    %swap3A_143 = arith.constant 96 : index
    %swap3A_144 = tpu.vector_load %arg12[%swap3A_143] {strides = array<i32>} : memref<128xi32, #tpu.memory_space<vmem>>, vector<16xi32>,
    %swap3A_145 = vector.shape_cast %swap3A_144 : vector<16xi32> to vector<16xi32>
    %swap3A_146 = vector.shape_cast %add3A_142 : vector<16xi32> to vector<16xi32>
    tpu.vector_store %arg12[%swap3A_143], %swap3A_146 {strides = array<i32>} : memref<128xi32, #tpu.memory_space<vmem>>, vector<16xi32>,
    %get3A_147 = arith.constant 112 : index
    %get3A_148 = tpu.vector_load %arg10[%get3A_147] {strides = array<i32>} : memref<128xi32, #tpu.memory_space<vmem>>, vector<16xi32>,
    %get3A_149 = vector.shape_cast %get3A_148 : vector<16xi32> to vector<16xi32>
    %add3A_150 = arith.addi %get3A_149, %broadcast_in_dim3A_20 : vector<16xi32>
    %swap3A_151 = arith.constant 112 : index
    %swap3A_152 = tpu.vector_load %arg12[%swap3A_151] {strides = array<i32>} : memref<128xi32, #tpu.memory_space<vmem>>, vector<16xi32>,
    %swap3A_153 = vector.shape_cast %swap3A_152 : vector<16xi32> to vector<16xi32>
    %swap3A_154 = vector.shape_cast %add3A_150 : vector<16xi32> to vector<16xi32>
    tpu.vector_store %arg12[%swap3A_151], %swap3A_154 {strides = array<i32>} : memref<128xi32, #tpu.memory_space<vmem>>, vector<16xi32>,
    %dma_start3A_155 = arith.constant 0 : i32
    %dma_start3A_156 = arith.constant 0 : i32
    %dma_start3A_157 = tpu.memref_slice %arg2[%dma_start3A_155, %dma_start3A_156] : memref<20000x128xf32, #tpu.memory_space<hbm>> -> memref<20000x128xf32, #tpu.memory_space<hbm>>
    tpu.enqueue_indirect_dma source(%dma_start3A_157 : memref<20000x128xf32, #tpu.memory_space<hbm>>) target(%arg13 : memref<128x128xf32, #tpu.memory_space<vmem>>) offsets(%arg12 : memref<128xi32, #tpu.memory_space<vmem>>) semaphore(%arg17 : memref<!tpu.dma_semaphore, #tpu.memory_space<semaphore_mem>>)
    %scan3A_158 = arith.constant 0 : i32
    %scan3A_159 = arith.constant 78 : i32
    %scan3A_160 = arith.addi %scan3A_158, %scan3A_159 : i32
    %scan3A_161 = arith.constant 1 : i32
    scf.for %scan3A_211 = %scan3A_158 to %scan3A_160 step %scan3A_161  : i32 {
      %mul3A_212 = arith.constant 1 : i32
      %mul3A_213 = arith.muli %scan3A_211, %mul3A_212 : i32
      %add3A_214 = arith.constant 0 : i32
      %add3A_215 = arith.addi %add3A_214, %mul3A_213 : i32
      %mul3A_216 = arith.constant 2 : i32
      %mul3A_217 = arith.muli %mul3A_216, %add3A_215 : i32
      %mul3A_218 = arith.constant 16 : i32
      %mul3A_219 = arith.muli %mul3A_217, %mul3A_218 : i32
      %add3A_220 = arith.addi %arg1, %mul3A_219 : i32
      %dma_wait3A_221 = arith.constant 0 : i32
      %dma_wait3A_222 = arith.constant 0 : i32
      %dma_wait3A_223 = tpu.memref_slice %arg2[%dma_wait3A_221, %dma_wait3A_222] : memref<20000x128xf32, #tpu.memory_space<hbm>> -> memref<128x128xf32, #tpu.memory_space<hbm>>
      %dma_wait3A_224 = arith.constant 0 : i32
      %dma_wait3A_225 = arith.constant 0 : i32
      %dma_wait3A_226 = tpu.memref_slice %arg2[%dma_wait3A_224, %dma_wait3A_225] : memref<20000x128xf32, #tpu.memory_space<hbm>> -> memref<128x128xf32, #tpu.memory_space<hbm>>
      tpu.wait_dma2 semaphore(%arg16 : memref<!tpu.dma_semaphore, #tpu.memory_space<semaphore_mem>>) src(%dma_wait3A_226 : memref<128x128xf32, #tpu.memory_space<hbm>>) dst(%arg9 : memref<128x128xf32, #tpu.memory_space<vmem>>)
      %dma_start3A_227 = arith.constant 0 : i32
      %dma_start3A_228 = arith.constant 0 : i32
      %dma_start3A_229 = tpu.memref_slice %arg15[%dma_start3A_227, %dma_start3A_228] : memref<10008x128xf32, #tpu.memory_space<vmem_shared>> -> memref<10008x128xf32, #tpu.memory_space<vmem_shared>>
      tpu.enqueue_indirect_dma source(%arg9 : memref<128x128xf32, #tpu.memory_space<vmem>>) target(%dma_start3A_229 : memref<10008x128xf32, #tpu.memory_space<vmem_shared>>) offsets(%arg7 : memref<128xi32, #tpu.memory_space<vmem>>) semaphore(%arg18 : memref<!tpu.dma_semaphore, #tpu.memory_space<semaphore_mem>>) {add = true}
      %dma_wait3A_230 = arith.constant 0 : i32
      %dma_wait3A_231 = arith.constant 0 : i32
      %dma_wait3A_232 = tpu.memref_slice %arg2[%dma_wait3A_230, %dma_wait3A_231] : memref<20000x128xf32, #tpu.memory_space<hbm>> -> memref<128x128xf32, #tpu.memory_space<hbm>>
      %dma_wait3A_233 = arith.constant 0 : i32
      %dma_wait3A_234 = arith.constant 0 : i32
      %dma_wait3A_235 = tpu.memref_slice %arg2[%dma_wait3A_233, %dma_wait3A_234] : memref<20000x128xf32, #tpu.memory_space<hbm>> -> memref<128x128xf32, #tpu.memory_space<hbm>>
      tpu.wait_dma2 semaphore(%arg17 : memref<!tpu.dma_semaphore, #tpu.memory_space<semaphore_mem>>) src(%dma_wait3A_235 : memref<128x128xf32, #tpu.memory_space<hbm>>) dst(%arg13 : memref<128x128xf32, #tpu.memory_space<vmem>>)
      %dma_start3A_236 = arith.constant 0 : i32
      %dma_start3A_237 = arith.constant 0 : i32
      %dma_start3A_238 = tpu.memref_slice %arg15[%dma_start3A_236, %dma_start3A_237] : memref<10008x128xf32, #tpu.memory_space<vmem_shared>> -> memref<10008x128xf32, #tpu.memory_space<vmem_shared>>
      tpu.enqueue_indirect_dma source(%arg13 : memref<128x128xf32, #tpu.memory_space<vmem>>) target(%dma_start3A_238 : memref<10008x128xf32, #tpu.memory_space<vmem_shared>>) offsets(%arg11 : memref<128xi32, #tpu.memory_space<vmem>>) semaphore(%arg19 : memref<!tpu.dma_semaphore, #tpu.memory_space<semaphore_mem>>) {add = true}
      %dma_wait3A_239 = arith.constant 0 : i32
      %dma_wait3A_240 = arith.constant 0 : i32
      %dma_wait3A_241 = tpu.memref_slice %arg2[%dma_wait3A_239, %dma_wait3A_240] : memref<20000x128xf32, #tpu.memory_space<hbm>> -> memref<128x128xf32, #tpu.memory_space<hbm>>
      %dma_wait3A_242 = arith.constant 0 : i32
      %dma_wait3A_243 = arith.constant 0 : i32
      %dma_wait3A_244 = tpu.memref_slice %arg2[%dma_wait3A_242, %dma_wait3A_243] : memref<20000x128xf32, #tpu.memory_space<hbm>> -> memref<128x128xf32, #tpu.memory_space<hbm>>
      tpu.wait_dma2 semaphore(%arg18 : memref<!tpu.dma_semaphore, #tpu.memory_space<semaphore_mem>>) src(%dma_wait3A_244 : memref<128x128xf32, #tpu.memory_space<hbm>>) dst(%arg9 : memref<128x128xf32, #tpu.memory_space<vmem>>)
      %add3A_245 = arith.constant 32 : i32
      %add3A_246 = arith.addi %add3A_220, %add3A_245 : i32
      %mul3A_247 = arith.constant 128 : i32
      %mul3A_248 = arith.muli %add3A_246, %mul3A_247 : i32
      "tpu.region"() ({
        %run_scoped3A = tpu.sem_alloc : memref<!tpu.dma_semaphore, #tpu.memory_space<semaphore_mem>>
        %dma_start3A_393 = tpu.memref_slice %arg3[%mul3A_248] : memref<323584xi32, #tpu.memory_space<hbm>> -> memref<128xi32, #tpu.memory_space<hbm>>
        %dma_start3A_394 = tpu.memref_slice %arg3[%mul3A_248] : memref<323584xi32, #tpu.memory_space<hbm>> -> memref<128xi32, #tpu.memory_space<hbm>>
        tpu.enqueue_dma source(%dma_start3A_394 : memref<128xi32, #tpu.memory_space<hbm>>) target(%arg6 : memref<128xi32, #tpu.memory_space<vmem>>) target_semaphore(%run_scoped3A : memref<!tpu.dma_semaphore, #tpu.memory_space<semaphore_mem>>)
        %dma_wait3A_395 = tpu.memref_slice %arg3[%mul3A_248] : memref<323584xi32, #tpu.memory_space<hbm>> -> memref<128xi32, #tpu.memory_space<hbm>>
        %dma_wait3A_396 = tpu.memref_slice %arg3[%mul3A_248] : memref<323584xi32, #tpu.memory_space<hbm>> -> memref<128xi32, #tpu.memory_space<hbm>>
        tpu.wait_dma2 semaphore(%run_scoped3A : memref<!tpu.dma_semaphore, #tpu.memory_space<semaphore_mem>>) src(%dma_wait3A_396 : memref<128xi32, #tpu.memory_space<hbm>>) dst(%arg6 : memref<128xi32, #tpu.memory_space<vmem>>)
        tpu.yield
      }) : () -> ()
      "tpu.region"() ({
        %run_scoped3A = tpu.sem_alloc : memref<!tpu.dma_semaphore, #tpu.memory_space<semaphore_mem>>
        %dma_start3A_393 = tpu.memref_slice %arg4[%mul3A_248] : memref<323584xi32, #tpu.memory_space<hbm>> -> memref<128xi32, #tpu.memory_space<hbm>>
        %dma_start3A_394 = tpu.memref_slice %arg4[%mul3A_248] : memref<323584xi32, #tpu.memory_space<hbm>> -> memref<128xi32, #tpu.memory_space<hbm>>
        tpu.enqueue_dma source(%dma_start3A_394 : memref<128xi32, #tpu.memory_space<hbm>>) target(%arg7 : memref<128xi32, #tpu.memory_space<vmem>>) target_semaphore(%run_scoped3A : memref<!tpu.dma_semaphore, #tpu.memory_space<semaphore_mem>>)
        %dma_wait3A_395 = tpu.memref_slice %arg4[%mul3A_248] : memref<323584xi32, #tpu.memory_space<hbm>> -> memref<128xi32, #tpu.memory_space<hbm>>
        %dma_wait3A_396 = tpu.memref_slice %arg4[%mul3A_248] : memref<323584xi32, #tpu.memory_space<hbm>> -> memref<128xi32, #tpu.memory_space<hbm>>
        tpu.wait_dma2 semaphore(%run_scoped3A : memref<!tpu.dma_semaphore, #tpu.memory_space<semaphore_mem>>) src(%dma_wait3A_396 : memref<128xi32, #tpu.memory_space<hbm>>) dst(%arg7 : memref<128xi32, #tpu.memory_space<vmem>>)
        tpu.yield
      }) : () -> ()
      %get3A_249 = arith.constant 0 : index
      %get3A_250 = tpu.vector_load %arg6[%get3A_249] {strides = array<i32>} : memref<128xi32, #tpu.memory_space<vmem>>, vector<16xi32>,
      %get3A_251 = vector.shape_cast %get3A_250 : vector<16xi32> to vector<16xi32>
      %add3A_252 = arith.addi %get3A_251, %broadcast_in_dim3A_20 : vector<16xi32>
      %swap3A_253 = arith.constant 0 : index
      %swap3A_254 = tpu.vector_load %arg8[%swap3A_253] {strides = array<i32>} : memref<128xi32, #tpu.memory_space<vmem>>, vector<16xi32>,
      %swap3A_255 = vector.shape_cast %swap3A_254 : vector<16xi32> to vector<16xi32>
      %swap3A_256 = vector.shape_cast %add3A_252 : vector<16xi32> to vector<16xi32>
      tpu.vector_store %arg8[%swap3A_253], %swap3A_256 {strides = array<i32>} : memref<128xi32, #tpu.memory_space<vmem>>, vector<16xi32>,
      %get3A_257 = arith.constant 16 : index
      %get3A_258 = tpu.vector_load %arg6[%get3A_257] {strides = array<i32>} : memref<128xi32, #tpu.memory_space<vmem>>, vector<16xi32>,
      %get3A_259 = vector.shape_cast %get3A_258 : vector<16xi32> to vector<16xi32>
      %add3A_260 = arith.addi %get3A_259, %broadcast_in_dim3A_20 : vector<16xi32>
      %swap3A_261 = arith.constant 16 : index
      %swap3A_262 = tpu.vector_load %arg8[%swap3A_261] {strides = array<i32>} : memref<128xi32, #tpu.memory_space<vmem>>, vector<16xi32>,
      %swap3A_263 = vector.shape_cast %swap3A_262 : vector<16xi32> to vector<16xi32>
      %swap3A_264 = vector.shape_cast %add3A_260 : vector<16xi32> to vector<16xi32>
      tpu.vector_store %arg8[%swap3A_261], %swap3A_264 {strides = array<i32>} : memref<128xi32, #tpu.memory_space<vmem>>, vector<16xi32>,
      %get3A_265 = arith.constant 32 : index
      %get3A_266 = tpu.vector_load %arg6[%get3A_265] {strides = array<i32>} : memref<128xi32, #tpu.memory_space<vmem>>, vector<16xi32>,
      %get3A_267 = vector.shape_cast %get3A_266 : vector<16xi32> to vector<16xi32>
      %add3A_268 = arith.addi %get3A_267, %broadcast_in_dim3A_20 : vector<16xi32>
      %swap3A_269 = arith.constant 32 : index
      %swap3A_270 = tpu.vector_load %arg8[%swap3A_269] {strides = array<i32>} : memref<128xi32, #tpu.memory_space<vmem>>, vector<16xi32>,
      %swap3A_271 = vector.shape_cast %swap3A_270 : vector<16xi32> to vector<16xi32>
      %swap3A_272 = vector.shape_cast %add3A_268 : vector<16xi32> to vector<16xi32>
      tpu.vector_store %arg8[%swap3A_269], %swap3A_272 {strides = array<i32>} : memref<128xi32, #tpu.memory_space<vmem>>, vector<16xi32>,
      %get3A_273 = arith.constant 48 : index
      %get3A_274 = tpu.vector_load %arg6[%get3A_273] {strides = array<i32>} : memref<128xi32, #tpu.memory_space<vmem>>, vector<16xi32>,
      %get3A_275 = vector.shape_cast %get3A_274 : vector<16xi32> to vector<16xi32>
      %add3A_276 = arith.addi %get3A_275, %broadcast_in_dim3A_20 : vector<16xi32>
      %swap3A_277 = arith.constant 48 : index
      %swap3A_278 = tpu.vector_load %arg8[%swap3A_277] {strides = array<i32>} : memref<128xi32, #tpu.memory_space<vmem>>, vector<16xi32>,
      %swap3A_279 = vector.shape_cast %swap3A_278 : vector<16xi32> to vector<16xi32>
      %swap3A_280 = vector.shape_cast %add3A_276 : vector<16xi32> to vector<16xi32>
      tpu.vector_store %arg8[%swap3A_277], %swap3A_280 {strides = array<i32>} : memref<128xi32, #tpu.memory_space<vmem>>, vector<16xi32>,
      %get3A_281 = arith.constant 64 : index
      %get3A_282 = tpu.vector_load %arg6[%get3A_281] {strides = array<i32>} : memref<128xi32, #tpu.memory_space<vmem>>, vector<16xi32>,
      %get3A_283 = vector.shape_cast %get3A_282 : vector<16xi32> to vector<16xi32>
      %add3A_284 = arith.addi %get3A_283, %broadcast_in_dim3A_20 : vector<16xi32>
      %swap3A_285 = arith.constant 64 : index
      %swap3A_286 = tpu.vector_load %arg8[%swap3A_285] {strides = array<i32>} : memref<128xi32, #tpu.memory_space<vmem>>, vector<16xi32>,
      %swap3A_287 = vector.shape_cast %swap3A_286 : vector<16xi32> to vector<16xi32>
      %swap3A_288 = vector.shape_cast %add3A_284 : vector<16xi32> to vector<16xi32>
      tpu.vector_store %arg8[%swap3A_285], %swap3A_288 {strides = array<i32>} : memref<128xi32, #tpu.memory_space<vmem>>, vector<16xi32>,
      %get3A_289 = arith.constant 80 : index
      %get3A_290 = tpu.vector_load %arg6[%get3A_289] {strides = array<i32>} : memref<128xi32, #tpu.memory_space<vmem>>, vector<16xi32>,
      %get3A_291 = vector.shape_cast %get3A_290 : vector<16xi32> to vector<16xi32>
      %add3A_292 = arith.addi %get3A_291, %broadcast_in_dim3A_20 : vector<16xi32>
      %swap3A_293 = arith.constant 80 : index
      %swap3A_294 = tpu.vector_load %arg8[%swap3A_293] {strides = array<i32>} : memref<128xi32, #tpu.memory_space<vmem>>, vector<16xi32>,
      %swap3A_295 = vector.shape_cast %swap3A_294 : vector<16xi32> to vector<16xi32>
      %swap3A_296 = vector.shape_cast %add3A_292 : vector<16xi32> to vector<16xi32>
      tpu.vector_store %arg8[%swap3A_293], %swap3A_296 {strides = array<i32>} : memref<128xi32, #tpu.memory_space<vmem>>, vector<16xi32>,
      %get3A_297 = arith.constant 96 : index
      %get3A_298 = tpu.vector_load %arg6[%get3A_297] {strides = array<i32>} : memref<128xi32, #tpu.memory_space<vmem>>, vector<16xi32>,
      %get3A_299 = vector.shape_cast %get3A_298 : vector<16xi32> to vector<16xi32>
      %add3A_300 = arith.addi %get3A_299, %broadcast_in_dim3A_20 : vector<16xi32>
      %swap3A_301 = arith.constant 96 : index
      %swap3A_302 = tpu.vector_load %arg8[%swap3A_301] {strides = array<i32>} : memref<128xi32, #tpu.memory_space<vmem>>, vector<16xi32>,
      %swap3A_303 = vector.shape_cast %swap3A_302 : vector<16xi32> to vector<16xi32>
      %swap3A_304 = vector.shape_cast %add3A_300 : vector<16xi32> to vector<16xi32>
      tpu.vector_store %arg8[%swap3A_301], %swap3A_304 {strides = array<i32>} : memref<128xi32, #tpu.memory_space<vmem>>, vector<16xi32>,
      %get3A_305 = arith.constant 112 : index
      %get3A_306 = tpu.vector_load %arg6[%get3A_305] {strides = array<i32>} : memref<128xi32, #tpu.memory_space<vmem>>, vector<16xi32>,
      %get3A_307 = vector.shape_cast %get3A_306 : vector<16xi32> to vector<16xi32>
      %add3A_308 = arith.addi %get3A_307, %broadcast_in_dim3A_20 : vector<16xi32>
      %swap3A_309 = arith.constant 112 : index
      %swap3A_310 = tpu.vector_load %arg8[%swap3A_309] {strides = array<i32>} : memref<128xi32, #tpu.memory_space<vmem>>, vector<16xi32>,
      %swap3A_311 = vector.shape_cast %swap3A_310 : vector<16xi32> to vector<16xi32>
      %swap3A_312 = vector.shape_cast %add3A_308 : vector<16xi32> to vector<16xi32>
      tpu.vector_store %arg8[%swap3A_309], %swap3A_312 {strides = array<i32>} : memref<128xi32, #tpu.memory_space<vmem>>, vector<16xi32>,
      %dma_start3A_313 = arith.constant 0 : i32
      %dma_start3A_314 = arith.constant 0 : i32
      %dma_start3A_315 = tpu.memref_slice %arg2[%dma_start3A_313, %dma_start3A_314] : memref<20000x128xf32, #tpu.memory_space<hbm>> -> memref<20000x128xf32, #tpu.memory_space<hbm>>
      tpu.enqueue_indirect_dma source(%dma_start3A_315 : memref<20000x128xf32, #tpu.memory_space<hbm>>) target(%arg9 : memref<128x128xf32, #tpu.memory_space<vmem>>) offsets(%arg8 : memref<128xi32, #tpu.memory_space<vmem>>) semaphore(%arg16 : memref<!tpu.dma_semaphore, #tpu.memory_space<semaphore_mem>>)
      %dma_wait3A_316 = arith.constant 0 : i32
      %dma_wait3A_317 = arith.constant 0 : i32
      %dma_wait3A_318 = tpu.memref_slice %arg2[%dma_wait3A_316, %dma_wait3A_317] : memref<20000x128xf32, #tpu.memory_space<hbm>> -> memref<128x128xf32, #tpu.memory_space<hbm>>
      %dma_wait3A_319 = arith.constant 0 : i32
      %dma_wait3A_320 = arith.constant 0 : i32
      %dma_wait3A_321 = tpu.memref_slice %arg2[%dma_wait3A_319, %dma_wait3A_320] : memref<20000x128xf32, #tpu.memory_space<hbm>> -> memref<128x128xf32, #tpu.memory_space<hbm>>
      tpu.wait_dma2 semaphore(%arg19 : memref<!tpu.dma_semaphore, #tpu.memory_space<semaphore_mem>>) src(%dma_wait3A_321 : memref<128x128xf32, #tpu.memory_space<hbm>>) dst(%arg13 : memref<128x128xf32, #tpu.memory_space<vmem>>)
      %add3A_322 = arith.constant 48 : i32
      %add3A_323 = arith.addi %add3A_220, %add3A_322 : i32
      %mul3A_324 = arith.constant 128 : i32
      %mul3A_325 = arith.muli %add3A_323, %mul3A_324 : i32
      "tpu.region"() ({
        %run_scoped3A = tpu.sem_alloc : memref<!tpu.dma_semaphore, #tpu.memory_space<semaphore_mem>>
        %dma_start3A_393 = tpu.memref_slice %arg3[%mul3A_325] : memref<323584xi32, #tpu.memory_space<hbm>> -> memref<128xi32, #tpu.memory_space<hbm>>
        %dma_start3A_394 = tpu.memref_slice %arg3[%mul3A_325] : memref<323584xi32, #tpu.memory_space<hbm>> -> memref<128xi32, #tpu.memory_space<hbm>>
        tpu.enqueue_dma source(%dma_start3A_394 : memref<128xi32, #tpu.memory_space<hbm>>) target(%arg10 : memref<128xi32, #tpu.memory_space<vmem>>) target_semaphore(%run_scoped3A : memref<!tpu.dma_semaphore, #tpu.memory_space<semaphore_mem>>)
        %dma_wait3A_395 = tpu.memref_slice %arg3[%mul3A_325] : memref<323584xi32, #tpu.memory_space<hbm>> -> memref<128xi32, #tpu.memory_space<hbm>>
        %dma_wait3A_396 = tpu.memref_slice %arg3[%mul3A_325] : memref<323584xi32, #tpu.memory_space<hbm>> -> memref<128xi32, #tpu.memory_space<hbm>>
        tpu.wait_dma2 semaphore(%run_scoped3A : memref<!tpu.dma_semaphore, #tpu.memory_space<semaphore_mem>>) src(%dma_wait3A_396 : memref<128xi32, #tpu.memory_space<hbm>>) dst(%arg10 : memref<128xi32, #tpu.memory_space<vmem>>)
        tpu.yield
      }) : () -> ()
      "tpu.region"() ({
        %run_scoped3A = tpu.sem_alloc : memref<!tpu.dma_semaphore, #tpu.memory_space<semaphore_mem>>
        %dma_start3A_393 = tpu.memref_slice %arg4[%mul3A_325] : memref<323584xi32, #tpu.memory_space<hbm>> -> memref<128xi32, #tpu.memory_space<hbm>>
        %dma_start3A_394 = tpu.memref_slice %arg4[%mul3A_325] : memref<323584xi32, #tpu.memory_space<hbm>> -> memref<128xi32, #tpu.memory_space<hbm>>
        tpu.enqueue_dma source(%dma_start3A_394 : memref<128xi32, #tpu.memory_space<hbm>>) target(%arg11 : memref<128xi32, #tpu.memory_space<vmem>>) target_semaphore(%run_scoped3A : memref<!tpu.dma_semaphore, #tpu.memory_space<semaphore_mem>>)
        %dma_wait3A_395 = tpu.memref_slice %arg4[%mul3A_325] : memref<323584xi32, #tpu.memory_space<hbm>> -> memref<128xi32, #tpu.memory_space<hbm>>
        %dma_wait3A_396 = tpu.memref_slice %arg4[%mul3A_325] : memref<323584xi32, #tpu.memory_space<hbm>> -> memref<128xi32, #tpu.memory_space<hbm>>
        tpu.wait_dma2 semaphore(%run_scoped3A : memref<!tpu.dma_semaphore, #tpu.memory_space<semaphore_mem>>) src(%dma_wait3A_396 : memref<128xi32, #tpu.memory_space<hbm>>) dst(%arg11 : memref<128xi32, #tpu.memory_space<vmem>>)
        tpu.yield
      }) : () -> ()
      %get3A_326 = arith.constant 0 : index
      %get3A_327 = tpu.vector_load %arg10[%get3A_326] {strides = array<i32>} : memref<128xi32, #tpu.memory_space<vmem>>, vector<16xi32>,
      %get3A_328 = vector.shape_cast %get3A_327 : vector<16xi32> to vector<16xi32>
      %add3A_329 = arith.addi %get3A_328, %broadcast_in_dim3A_20 : vector<16xi32>
      %swap3A_330 = arith.constant 0 : index
      %swap3A_331 = tpu.vector_load %arg12[%swap3A_330] {strides = array<i32>} : memref<128xi32, #tpu.memory_space<vmem>>, vector<16xi32>,
      %swap3A_332 = vector.shape_cast %swap3A_331 : vector<16xi32> to vector<16xi32>
      %swap3A_333 = vector.shape_cast %add3A_329 : vector<16xi32> to vector<16xi32>
      tpu.vector_store %arg12[%swap3A_330], %swap3A_333 {strides = array<i32>} : memref<128xi32, #tpu.memory_space<vmem>>, vector<16xi32>,
      %get3A_334 = arith.constant 16 : index
      %get3A_335 = tpu.vector_load %arg10[%get3A_334] {strides = array<i32>} : memref<128xi32, #tpu.memory_space<vmem>>, vector<16xi32>,
      %get3A_336 = vector.shape_cast %get3A_335 : vector<16xi32> to vector<16xi32>
      %add3A_337 = arith.addi %get3A_336, %broadcast_in_dim3A_20 : vector<16xi32>
      %swap3A_338 = arith.constant 16 : index
      %swap3A_339 = tpu.vector_load %arg12[%swap3A_338] {strides = array<i32>} : memref<128xi32, #tpu.memory_space<vmem>>, vector<16xi32>,
      %swap3A_340 = vector.shape_cast %swap3A_339 : vector<16xi32> to vector<16xi32>
      %swap3A_341 = vector.shape_cast %add3A_337 : vector<16xi32> to vector<16xi32>
      tpu.vector_store %arg12[%swap3A_338], %swap3A_341 {strides = array<i32>} : memref<128xi32, #tpu.memory_space<vmem>>, vector<16xi32>,
      %get3A_342 = arith.constant 32 : index
      %get3A_343 = tpu.vector_load %arg10[%get3A_342] {strides = array<i32>} : memref<128xi32, #tpu.memory_space<vmem>>, vector<16xi32>,
      %get3A_344 = vector.shape_cast %get3A_343 : vector<16xi32> to vector<16xi32>
      %add3A_345 = arith.addi %get3A_344, %broadcast_in_dim3A_20 : vector<16xi32>
      %swap3A_346 = arith.constant 32 : index
      %swap3A_347 = tpu.vector_load %arg12[%swap3A_346] {strides = array<i32>} : memref<128xi32, #tpu.memory_space<vmem>>, vector<16xi32>,
      %swap3A_348 = vector.shape_cast %swap3A_347 : vector<16xi32> to vector<16xi32>
      %swap3A_349 = vector.shape_cast %add3A_345 : vector<16xi32> to vector<16xi32>
      tpu.vector_store %arg12[%swap3A_346], %swap3A_349 {strides = array<i32>} : memref<128xi32, #tpu.memory_space<vmem>>, vector<16xi32>,
      %get3A_350 = arith.constant 48 : index
      %get3A_351 = tpu.vector_load %arg10[%get3A_350] {strides = array<i32>} : memref<128xi32, #tpu.memory_space<vmem>>, vector<16xi32>,
      %get3A_352 = vector.shape_cast %get3A_351 : vector<16xi32> to vector<16xi32>
      %add3A_353 = arith.addi %get3A_352, %broadcast_in_dim3A_20 : vector<16xi32>
      %swap3A_354 = arith.constant 48 : index
      %swap3A_355 = tpu.vector_load %arg12[%swap3A_354] {strides = array<i32>} : memref<128xi32, #tpu.memory_space<vmem>>, vector<16xi32>,
      %swap3A_356 = vector.shape_cast %swap3A_355 : vector<16xi32> to vector<16xi32>
      %swap3A_357 = vector.shape_cast %add3A_353 : vector<16xi32> to vector<16xi32>
      tpu.vector_store %arg12[%swap3A_354], %swap3A_357 {strides = array<i32>} : memref<128xi32, #tpu.memory_space<vmem>>, vector<16xi32>,
      %get3A_358 = arith.constant 64 : index
      %get3A_359 = tpu.vector_load %arg10[%get3A_358] {strides = array<i32>} : memref<128xi32, #tpu.memory_space<vmem>>, vector<16xi32>,
      %get3A_360 = vector.shape_cast %get3A_359 : vector<16xi32> to vector<16xi32>
      %add3A_361 = arith.addi %get3A_360, %broadcast_in_dim3A_20 : vector<16xi32>
      %swap3A_362 = arith.constant 64 : index
      %swap3A_363 = tpu.vector_load %arg12[%swap3A_362] {strides = array<i32>} : memref<128xi32, #tpu.memory_space<vmem>>, vector<16xi32>,
      %swap3A_364 = vector.shape_cast %swap3A_363 : vector<16xi32> to vector<16xi32>
      %swap3A_365 = vector.shape_cast %add3A_361 : vector<16xi32> to vector<16xi32>
      tpu.vector_store %arg12[%swap3A_362], %swap3A_365 {strides = array<i32>} : memref<128xi32, #tpu.memory_space<vmem>>, vector<16xi32>,
      %get3A_366 = arith.constant 80 : index
      %get3A_367 = tpu.vector_load %arg10[%get3A_366] {strides = array<i32>} : memref<128xi32, #tpu.memory_space<vmem>>, vector<16xi32>,
      %get3A_368 = vector.shape_cast %get3A_367 : vector<16xi32> to vector<16xi32>
      %add3A_369 = arith.addi %get3A_368, %broadcast_in_dim3A_20 : vector<16xi32>
      %swap3A_370 = arith.constant 80 : index
      %swap3A_371 = tpu.vector_load %arg12[%swap3A_370] {strides = array<i32>} : memref<128xi32, #tpu.memory_space<vmem>>, vector<16xi32>,
      %swap3A_372 = vector.shape_cast %swap3A_371 : vector<16xi32> to vector<16xi32>
      %swap3A_373 = vector.shape_cast %add3A_369 : vector<16xi32> to vector<16xi32>
      tpu.vector_store %arg12[%swap3A_370], %swap3A_373 {strides = array<i32>} : memref<128xi32, #tpu.memory_space<vmem>>, vector<16xi32>,
      %get3A_374 = arith.constant 96 : index
      %get3A_375 = tpu.vector_load %arg10[%get3A_374] {strides = array<i32>} : memref<128xi32, #tpu.memory_space<vmem>>, vector<16xi32>,
      %get3A_376 = vector.shape_cast %get3A_375 : vector<16xi32> to vector<16xi32>
      %add3A_377 = arith.addi %get3A_376, %broadcast_in_dim3A_20 : vector<16xi32>
      %swap3A_378 = arith.constant 96 : index
      %swap3A_379 = tpu.vector_load %arg12[%swap3A_378] {strides = array<i32>} : memref<128xi32, #tpu.memory_space<vmem>>, vector<16xi32>,
      %swap3A_380 = vector.shape_cast %swap3A_379 : vector<16xi32> to vector<16xi32>
      %swap3A_381 = vector.shape_cast %add3A_377 : vector<16xi32> to vector<16xi32>
      tpu.vector_store %arg12[%swap3A_378], %swap3A_381 {strides = array<i32>} : memref<128xi32, #tpu.memory_space<vmem>>, vector<16xi32>,
      %get3A_382 = arith.constant 112 : index
      %get3A_383 = tpu.vector_load %arg10[%get3A_382] {strides = array<i32>} : memref<128xi32, #tpu.memory_space<vmem>>, vector<16xi32>,
      %get3A_384 = vector.shape_cast %get3A_383 : vector<16xi32> to vector<16xi32>
      %add3A_385 = arith.addi %get3A_384, %broadcast_in_dim3A_20 : vector<16xi32>
      %swap3A_386 = arith.constant 112 : index
      %swap3A_387 = tpu.vector_load %arg12[%swap3A_386] {strides = array<i32>} : memref<128xi32, #tpu.memory_space<vmem>>, vector<16xi32>,
      %swap3A_388 = vector.shape_cast %swap3A_387 : vector<16xi32> to vector<16xi32>
      %swap3A_389 = vector.shape_cast %add3A_385 : vector<16xi32> to vector<16xi32>
      tpu.vector_store %arg12[%swap3A_386], %swap3A_389 {strides = array<i32>} : memref<128xi32, #tpu.memory_space<vmem>>, vector<16xi32>,
      %dma_start3A_390 = arith.constant 0 : i32
      %dma_start3A_391 = arith.constant 0 : i32
      %dma_start3A_392 = tpu.memref_slice %arg2[%dma_start3A_390, %dma_start3A_391] : memref<20000x128xf32, #tpu.memory_space<hbm>> -> memref<20000x128xf32, #tpu.memory_space<hbm>>
      tpu.enqueue_indirect_dma source(%dma_start3A_392 : memref<20000x128xf32, #tpu.memory_space<hbm>>) target(%arg13 : memref<128x128xf32, #tpu.memory_space<vmem>>) offsets(%arg12 : memref<128xi32, #tpu.memory_space<vmem>>) semaphore(%arg17 : memref<!tpu.dma_semaphore, #tpu.memory_space<semaphore_mem>>)
    }
    %scan3A_162 = arith.constant 78 : i32
    %dma_wait3A = arith.constant 0 : i32
    %dma_wait3A_163 = arith.constant 0 : i32
    %dma_wait3A_164 = tpu.memref_slice %arg2[%dma_wait3A, %dma_wait3A_163] : memref<20000x128xf32, #tpu.memory_space<hbm>> -> memref<128x128xf32, #tpu.memory_space<hbm>>
    %dma_wait3A_165 = arith.constant 0 : i32
    %dma_wait3A_166 = arith.constant 0 : i32
    %dma_wait3A_167 = tpu.memref_slice %arg2[%dma_wait3A_165, %dma_wait3A_166] : memref<20000x128xf32, #tpu.memory_space<hbm>> -> memref<128x128xf32, #tpu.memory_space<hbm>>
    tpu.wait_dma2 semaphore(%arg16 : memref<!tpu.dma_semaphore, #tpu.memory_space<semaphore_mem>>) src(%dma_wait3A_167 : memref<128x128xf32, #tpu.memory_space<hbm>>) dst(%arg9 : memref<128x128xf32, #tpu.memory_space<vmem>>)
    %dma_start3A_168 = arith.constant 0 : i32
    %dma_start3A_169 = arith.constant 0 : i32
    %dma_start3A_170 = tpu.memref_slice %arg15[%dma_start3A_168, %dma_start3A_169] : memref<10008x128xf32, #tpu.memory_space<vmem_shared>> -> memref<10008x128xf32, #tpu.memory_space<vmem_shared>>
    tpu.enqueue_indirect_dma source(%arg9 : memref<128x128xf32, #tpu.memory_space<vmem>>) target(%dma_start3A_170 : memref<10008x128xf32, #tpu.memory_space<vmem_shared>>) offsets(%arg7 : memref<128xi32, #tpu.memory_space<vmem>>) semaphore(%arg18 : memref<!tpu.dma_semaphore, #tpu.memory_space<semaphore_mem>>) {add = true}
    %dma_wait3A_171 = arith.constant 0 : i32
    %dma_wait3A_172 = arith.constant 0 : i32
    %dma_wait3A_173 = tpu.memref_slice %arg2[%dma_wait3A_171, %dma_wait3A_172] : memref<20000x128xf32, #tpu.memory_space<hbm>> -> memref<128x128xf32, #tpu.memory_space<hbm>>
    %dma_wait3A_174 = arith.constant 0 : i32
    %dma_wait3A_175 = arith.constant 0 : i32
    %dma_wait3A_176 = tpu.memref_slice %arg2[%dma_wait3A_174, %dma_wait3A_175] : memref<20000x128xf32, #tpu.memory_space<hbm>> -> memref<128x128xf32, #tpu.memory_space<hbm>>
    tpu.wait_dma2 semaphore(%arg17 : memref<!tpu.dma_semaphore, #tpu.memory_space<semaphore_mem>>) src(%dma_wait3A_176 : memref<128x128xf32, #tpu.memory_space<hbm>>) dst(%arg13 : memref<128x128xf32, #tpu.memory_space<vmem>>)
    %dma_start3A_177 = arith.constant 0 : i32
    %dma_start3A_178 = arith.constant 0 : i32
    %dma_start3A_179 = tpu.memref_slice %arg15[%dma_start3A_177, %dma_start3A_178] : memref<10008x128xf32, #tpu.memory_space<vmem_shared>> -> memref<10008x128xf32, #tpu.memory_space<vmem_shared>>
    tpu.enqueue_indirect_dma source(%arg13 : memref<128x128xf32, #tpu.memory_space<vmem>>) target(%dma_start3A_179 : memref<10008x128xf32, #tpu.memory_space<vmem_shared>>) offsets(%arg11 : memref<128xi32, #tpu.memory_space<vmem>>) semaphore(%arg19 : memref<!tpu.dma_semaphore, #tpu.memory_space<semaphore_mem>>) {add = true}
    %dma_wait3A_180 = arith.constant 0 : i32
    %dma_wait3A_181 = arith.constant 0 : i32
    %dma_wait3A_182 = tpu.memref_slice %arg2[%dma_wait3A_180, %dma_wait3A_181] : memref<20000x128xf32, #tpu.memory_space<hbm>> -> memref<128x128xf32, #tpu.memory_space<hbm>>
    %dma_wait3A_183 = arith.constant 0 : i32
    %dma_wait3A_184 = arith.constant 0 : i32
    %dma_wait3A_185 = tpu.memref_slice %arg2[%dma_wait3A_183, %dma_wait3A_184] : memref<20000x128xf32, #tpu.memory_space<hbm>> -> memref<128x128xf32, #tpu.memory_space<hbm>>
    tpu.wait_dma2 semaphore(%arg18 : memref<!tpu.dma_semaphore, #tpu.memory_space<semaphore_mem>>) src(%dma_wait3A_185 : memref<128x128xf32, #tpu.memory_space<hbm>>) dst(%arg9 : memref<128x128xf32, #tpu.memory_space<vmem>>)
    %dma_wait3A_186 = arith.constant 0 : i32
    %dma_wait3A_187 = arith.constant 0 : i32
    %dma_wait3A_188 = tpu.memref_slice %arg2[%dma_wait3A_186, %dma_wait3A_187] : memref<20000x128xf32, #tpu.memory_space<hbm>> -> memref<128x128xf32, #tpu.memory_space<hbm>>
    %dma_wait3A_189 = arith.constant 0 : i32
    %dma_wait3A_190 = arith.constant 0 : i32
    %dma_wait3A_191 = tpu.memref_slice %arg2[%dma_wait3A_189, %dma_wait3A_190] : memref<20000x128xf32, #tpu.memory_space<hbm>> -> memref<128x128xf32, #tpu.memory_space<hbm>>
    tpu.wait_dma2 semaphore(%arg19 : memref<!tpu.dma_semaphore, #tpu.memory_space<semaphore_mem>>) src(%dma_wait3A_191 : memref<128x128xf32, #tpu.memory_space<hbm>>) dst(%arg13 : memref<128x128xf32, #tpu.memory_space<vmem>>)
    %barrier3A_192 = arith.constant 0 : index
    tpu.barrier barrier_id(%barrier3A_192)
    %sub3A_193 = arith.constant 125 : i32
    %sub3A_194 = arith.subi %sub3A_193, %arg1 : i32
    %sub3A_195 = arith.constant 16 : i32
    %sub3A_196 = arith.constant 1 : i32
    %sub3A_197 = arith.subi %sub3A_195, %sub3A_196 : i32
    %add3A_198 = arith.addi %sub3A_194, %sub3A_197 : i32
    %div3A_199 = arith.constant 16 : i32
    %div3A_200 = arith.divsi %add3A_198, %div3A_199 : i32
    %while3A_201 = arith.constant 16 : i32
    %while3A_202 = arith.constant 0 : i32
    %while3A_203 = arith.subi %div3A_200, %while3A_202 : i32
    %while3A_204 = arith.addi %while3A_202, %while3A_203 : i32
    %while3A_205 = arith.constant 1 : i32
    %while3A_206 = arith.divsi %while3A_203, %while3A_205 : i32
    %while3A_207 = arith.muli %while3A_206, %while3A_205 : i32
    %while3A_208 = arith.addi %while3A_202, %while3A_207 : i32
    %while3A_209 = arith.constant 1 : i32
    scf.for %while3A_211 = %while3A_202 to %while3A_208 step %while3A_209  : i32 {
      %mul3A_212 = arith.muli %while3A_211, %while3A_201 : i32
      %add3A_213 = arith.addi %arg1, %mul3A_212 : i32
      %mul3A_214 = arith.constant 80 : i32
      %mul3A_215 = arith.muli %add3A_213, %mul3A_214 : i32
      %mul3A_216 = arith.constant 10000 : i32
      %mul3A_217 = arith.muli %arg0, %mul3A_216 : i32
      %add3A_218 = arith.addi %mul3A_217, %mul3A_215 : i32
      "tpu.region"() ({
        %run_scoped3A = tpu.sem_alloc : memref<!tpu.dma_semaphore, #tpu.memory_space<semaphore_mem>>
        %dma_start3A_219 = arith.constant 0 : i32
        %dma_start3A_220 = tpu.memref_slice %arg5[%add3A_218, %dma_start3A_219] : memref<20000x128xf32, #tpu.memory_space<hbm>> -> memref<80x128xf32, #tpu.memory_space<hbm>>
        %dma_start3A_221 = arith.constant 0 : i32
        %dma_start3A_222 = tpu.memref_slice %arg15[%mul3A_215, %dma_start3A_221] : memref<10008x128xf32, #tpu.memory_space<vmem_shared>> -> memref<80x128xf32, #tpu.memory_space<vmem_shared>>
        tpu.enqueue_dma source(%dma_start3A_222 : memref<80x128xf32, #tpu.memory_space<vmem_shared>>) target(%dma_start3A_220 : memref<80x128xf32, #tpu.memory_space<hbm>>) target_semaphore(%run_scoped3A : memref<!tpu.dma_semaphore, #tpu.memory_space<semaphore_mem>>)
        %dma_wait3A_223 = arith.constant 0 : i32
        %dma_wait3A_224 = tpu.memref_slice %arg5[%add3A_218, %dma_wait3A_223] : memref<20000x128xf32, #tpu.memory_space<hbm>> -> memref<80x128xf32, #tpu.memory_space<hbm>>
        %dma_wait3A_225 = arith.constant 0 : i32
        %dma_wait3A_226 = tpu.memref_slice %arg15[%mul3A_215, %dma_wait3A_225] : memref<10008x128xf32, #tpu.memory_space<vmem_shared>> -> memref<80x128xf32, #tpu.memory_space<vmem_shared>>
        tpu.wait_dma2 semaphore(%run_scoped3A : memref<!tpu.dma_semaphore, #tpu.memory_space<semaphore_mem>>) src(%dma_wait3A_226 : memref<80x128xf32, #tpu.memory_space<vmem_shared>>) dst(%dma_wait3A_224 : memref<80x128xf32, #tpu.memory_space<hbm>>)
        tpu.yield
      }) : () -> ()
    }
    %while3A_210 = arith.constant 1 : i32
    scf.for %while3A_211 = %while3A_208 to %while3A_204 step %while3A_210  : i32 {
      %mul3A_212 = arith.muli %while3A_211, %while3A_201 : i32
      %add3A_213 = arith.addi %arg1, %mul3A_212 : i32
      %mul3A_214 = arith.constant 80 : i32
      %mul3A_215 = arith.muli %add3A_213, %mul3A_214 : i32
      %mul3A_216 = arith.constant 10000 : i32
      %mul3A_217 = arith.muli %arg0, %mul3A_216 : i32
      %add3A_218 = arith.addi %mul3A_217, %mul3A_215 : i32
      "tpu.region"() ({
        %run_scoped3A = tpu.sem_alloc : memref<!tpu.dma_semaphore, #tpu.memory_space<semaphore_mem>>
        %dma_start3A_219 = arith.constant 0 : i32
        %dma_start3A_220 = tpu.memref_slice %arg5[%add3A_218, %dma_start3A_219] : memref<20000x128xf32, #tpu.memory_space<hbm>> -> memref<80x128xf32, #tpu.memory_space<hbm>>
        %dma_start3A_221 = arith.constant 0 : i32
        %dma_start3A_222 = tpu.memref_slice %arg15[%mul3A_215, %dma_start3A_221] : memref<10008x128xf32, #tpu.memory_space<vmem_shared>> -> memref<80x128xf32, #tpu.memory_space<vmem_shared>>
        tpu.enqueue_dma source(%dma_start3A_222 : memref<80x128xf32, #tpu.memory_space<vmem_shared>>) target(%dma_start3A_220 : memref<80x128xf32, #tpu.memory_space<hbm>>) target_semaphore(%run_scoped3A : memref<!tpu.dma_semaphore, #tpu.memory_space<semaphore_mem>>)
        %dma_wait3A_223 = arith.constant 0 : i32
        %dma_wait3A_224 = tpu.memref_slice %arg5[%add3A_218, %dma_wait3A_223] : memref<20000x128xf32, #tpu.memory_space<hbm>> -> memref<80x128xf32, #tpu.memory_space<hbm>>
        %dma_wait3A_225 = arith.constant 0 : i32
        %dma_wait3A_226 = tpu.memref_slice %arg15[%mul3A_215, %dma_wait3A_225] : memref<10008x128xf32, #tpu.memory_space<vmem_shared>> -> memref<80x128xf32, #tpu.memory_space<vmem_shared>>
        tpu.wait_dma2 semaphore(%run_scoped3A : memref<!tpu.dma_semaphore, #tpu.memory_space<semaphore_mem>>) src(%dma_wait3A_226 : memref<80x128xf32, #tpu.memory_space<vmem_shared>>) dst(%dma_wait3A_224 : memref<80x128xf32, #tpu.memory_space<hbm>>)
        tpu.yield
      }) : () -> ()
    }
    return
  }
}

#map = affine_map<(d0, d1) -> (0, 0)>
#map1 = affine_map<(d0, d1) -> (0)>
module attributes {stable_mosaic.version = 14 : i64} {
  func.func @gather_pair(%arg0: i32, %arg1: i32, %arg2: memref<10000x128xi32, #tpu.memory_space<hbm>>, %arg3: memref<10000x128xi32, #tpu.memory_space<hbm>>, %arg4: memref<64000xi32, #tpu.memory_space<hbm>>, %arg5: memref<64000xi32, #tpu.memory_space<hbm>>, %arg6: memref<64000x128xi32, #tpu.memory_space<hbm>>, %arg7: memref<64000x128xi32, #tpu.memory_space<hbm>>, %arg8: memref<128xi32, #tpu.memory_space<vmem>>, %arg9: memref<128xi32, #tpu.memory_space<vmem>>, %arg10: memref<128x128xi32, #tpu.memory_space<vmem>>, %arg11: memref<128x128xi32, #tpu.memory_space<vmem>>, %arg12: memref<!tpu.dma_semaphore, #tpu.memory_space<semaphore_mem>>, %arg13: memref<!tpu.dma_semaphore, #tpu.memory_space<semaphore_mem>>) attributes {dimension_semantics = [#tpu.dimension_semantics<core_parallel>, #tpu.dimension_semantics<subcore_parallel>], iteration_bounds = array<i64: 2, 16>, scalar_prefetch = 0 : i64, scratch_operands = 6 : i64, tpu.core_type = #tpu.core_type<sc_vector_subcore>, window_params = [{transform_indices = #map}, {transform_indices = #map}, {transform_indices = #map1}, {transform_indices = #map1}, {transform_indices = #map}, {transform_indices = #map}]} {
    %mul3A = arith.constant 2 : i32
    %mul3A_0 = arith.muli %arg1, %mul3A : i32
    %add3A = arith.addi %mul3A_0, %arg0 : i32
    %sub3A = arith.constant 500 : i32
    %sub3A_1 = arith.subi %sub3A, %add3A : i32
    %sub3A_2 = arith.constant 32 : i32
    %sub3A_3 = arith.constant 1 : i32
    %sub3A_4 = arith.subi %sub3A_2, %sub3A_3 : i32
    %add3A_5 = arith.addi %sub3A_1, %sub3A_4 : i32
    %div3A = arith.constant 32 : i32
    %div3A_6 = arith.divsi %add3A_5, %div3A : i32
    %while3A = arith.constant 32 : i32
    %while3A_7 = arith.constant 0 : i32
    %while3A_8 = arith.subi %div3A_6, %while3A_7 : i32
    %while3A_9 = arith.addi %while3A_7, %while3A_8 : i32
    %while3A_10 = arith.constant 1 : i32
    %while3A_11 = arith.divsi %while3A_8, %while3A_10 : i32
    %while3A_12 = arith.muli %while3A_11, %while3A_10 : i32
    %while3A_13 = arith.addi %while3A_7, %while3A_12 : i32
    %while3A_14 = arith.constant 1 : i32
    scf.for %while3A_16 = %while3A_7 to %while3A_13 step %while3A_14  : i32 {
      %mul3A_17 = arith.muli %while3A_16, %while3A : i32
      %add3A_18 = arith.addi %add3A, %mul3A_17 : i32
      %mul3A_19 = arith.constant 128 : i32
      %mul3A_20 = arith.muli %add3A_18, %mul3A_19 : i32
      "tpu.region"() ({
        %run_scoped3A = tpu.sem_alloc : memref<!tpu.dma_semaphore, #tpu.memory_space<semaphore_mem>>
        %dma_start3A_31 = tpu.memref_slice %arg4[%mul3A_20] : memref<64000xi32, #tpu.memory_space<hbm>> -> memref<128xi32, #tpu.memory_space<hbm>>
        %dma_start3A_32 = tpu.memref_slice %arg4[%mul3A_20] : memref<64000xi32, #tpu.memory_space<hbm>> -> memref<128xi32, #tpu.memory_space<hbm>>
        tpu.enqueue_dma source(%dma_start3A_32 : memref<128xi32, #tpu.memory_space<hbm>>) target(%arg8 : memref<128xi32, #tpu.memory_space<vmem>>) target_semaphore(%run_scoped3A : memref<!tpu.dma_semaphore, #tpu.memory_space<semaphore_mem>>)
        %dma_wait3A_33 = tpu.memref_slice %arg4[%mul3A_20] : memref<64000xi32, #tpu.memory_space<hbm>> -> memref<128xi32, #tpu.memory_space<hbm>>
        %dma_wait3A_34 = tpu.memref_slice %arg4[%mul3A_20] : memref<64000xi32, #tpu.memory_space<hbm>> -> memref<128xi32, #tpu.memory_space<hbm>>
        tpu.wait_dma2 semaphore(%run_scoped3A : memref<!tpu.dma_semaphore, #tpu.memory_space<semaphore_mem>>) src(%dma_wait3A_34 : memref<128xi32, #tpu.memory_space<hbm>>) dst(%arg8 : memref<128xi32, #tpu.memory_space<vmem>>)
        tpu.yield
      }) : () -> ()
      "tpu.region"() ({
        %run_scoped3A = tpu.sem_alloc : memref<!tpu.dma_semaphore, #tpu.memory_space<semaphore_mem>>
        %dma_start3A_31 = tpu.memref_slice %arg5[%mul3A_20] : memref<64000xi32, #tpu.memory_space<hbm>> -> memref<128xi32, #tpu.memory_space<hbm>>
        %dma_start3A_32 = tpu.memref_slice %arg5[%mul3A_20] : memref<64000xi32, #tpu.memory_space<hbm>> -> memref<128xi32, #tpu.memory_space<hbm>>
        tpu.enqueue_dma source(%dma_start3A_32 : memref<128xi32, #tpu.memory_space<hbm>>) target(%arg9 : memref<128xi32, #tpu.memory_space<vmem>>) target_semaphore(%run_scoped3A : memref<!tpu.dma_semaphore, #tpu.memory_space<semaphore_mem>>)
        %dma_wait3A_33 = tpu.memref_slice %arg5[%mul3A_20] : memref<64000xi32, #tpu.memory_space<hbm>> -> memref<128xi32, #tpu.memory_space<hbm>>
        %dma_wait3A_34 = tpu.memref_slice %arg5[%mul3A_20] : memref<64000xi32, #tpu.memory_space<hbm>> -> memref<128xi32, #tpu.memory_space<hbm>>
        tpu.wait_dma2 semaphore(%run_scoped3A : memref<!tpu.dma_semaphore, #tpu.memory_space<semaphore_mem>>) src(%dma_wait3A_34 : memref<128xi32, #tpu.memory_space<hbm>>) dst(%arg9 : memref<128xi32, #tpu.memory_space<vmem>>)
        tpu.yield
      }) : () -> ()
      %dma_start3A = arith.constant 0 : i32
      %dma_start3A_21 = arith.constant 0 : i32
      %dma_start3A_22 = tpu.memref_slice %arg2[%dma_start3A, %dma_start3A_21] : memref<10000x128xi32, #tpu.memory_space<hbm>> -> memref<10000x128xi32, #tpu.memory_space<hbm>>
      tpu.enqueue_indirect_dma source(%dma_start3A_22 : memref<10000x128xi32, #tpu.memory_space<hbm>>) target(%arg10 : memref<128x128xi32, #tpu.memory_space<vmem>>) offsets(%arg8 : memref<128xi32, #tpu.memory_space<vmem>>) semaphore(%arg12 : memref<!tpu.dma_semaphore, #tpu.memory_space<semaphore_mem>>)
      %dma_start3A_23 = arith.constant 0 : i32
      %dma_start3A_24 = arith.constant 0 : i32
      %dma_start3A_25 = tpu.memref_slice %arg3[%dma_start3A_23, %dma_start3A_24] : memref<10000x128xi32, #tpu.memory_space<hbm>> -> memref<10000x128xi32, #tpu.memory_space<hbm>>
      tpu.enqueue_indirect_dma source(%dma_start3A_25 : memref<10000x128xi32, #tpu.memory_space<hbm>>) target(%arg11 : memref<128x128xi32, #tpu.memory_space<vmem>>) offsets(%arg9 : memref<128xi32, #tpu.memory_space<vmem>>) semaphore(%arg13 : memref<!tpu.dma_semaphore, #tpu.memory_space<semaphore_mem>>)
      %dma_wait3A = arith.constant 0 : i32
      %dma_wait3A_26 = arith.constant 0 : i32
      %dma_wait3A_27 = tpu.memref_slice %arg2[%dma_wait3A, %dma_wait3A_26] : memref<10000x128xi32, #tpu.memory_space<hbm>> -> memref<10000x128xi32, #tpu.memory_space<hbm>>
      tpu.wait_indirect_dma semaphore(%arg12 : memref<!tpu.dma_semaphore, #tpu.memory_space<semaphore_mem>>) src(%dma_wait3A_27 : memref<10000x128xi32, #tpu.memory_space<hbm>>) dst(%arg10 : memref<128x128xi32, #tpu.memory_space<vmem>>)
      %dma_wait3A_28 = arith.constant 0 : i32
      %dma_wait3A_29 = arith.constant 0 : i32
      %dma_wait3A_30 = tpu.memref_slice %arg3[%dma_wait3A_28, %dma_wait3A_29] : memref<10000x128xi32, #tpu.memory_space<hbm>> -> memref<10000x128xi32, #tpu.memory_space<hbm>>
      tpu.wait_indirect_dma semaphore(%arg13 : memref<!tpu.dma_semaphore, #tpu.memory_space<semaphore_mem>>) src(%dma_wait3A_30 : memref<10000x128xi32, #tpu.memory_space<hbm>>) dst(%arg11 : memref<128x128xi32, #tpu.memory_space<vmem>>)
      "tpu.region"() ({
        %run_scoped3A = tpu.sem_alloc : memref<!tpu.dma_semaphore, #tpu.memory_space<semaphore_mem>>
        %dma_start3A_31 = arith.constant 0 : i32
        %dma_start3A_32 = tpu.memref_slice %arg6[%mul3A_20, %dma_start3A_31] : memref<64000x128xi32, #tpu.memory_space<hbm>> -> memref<128x128xi32, #tpu.memory_space<hbm>>
        %dma_start3A_33 = arith.constant 0 : i32
        %dma_start3A_34 = tpu.memref_slice %arg6[%mul3A_20, %dma_start3A_33] : memref<64000x128xi32, #tpu.memory_space<hbm>> -> memref<128x128xi32, #tpu.memory_space<hbm>>
        tpu.enqueue_dma source(%arg10 : memref<128x128xi32, #tpu.memory_space<vmem>>) target(%dma_start3A_34 : memref<128x128xi32, #tpu.memory_space<hbm>>) target_semaphore(%run_scoped3A : memref<!tpu.dma_semaphore, #tpu.memory_space<semaphore_mem>>)
        %dma_wait3A_35 = arith.constant 0 : i32
        %dma_wait3A_36 = tpu.memref_slice %arg6[%mul3A_20, %dma_wait3A_35] : memref<64000x128xi32, #tpu.memory_space<hbm>> -> memref<128x128xi32, #tpu.memory_space<hbm>>
        %dma_wait3A_37 = arith.constant 0 : i32
        %dma_wait3A_38 = tpu.memref_slice %arg6[%mul3A_20, %dma_wait3A_37] : memref<64000x128xi32, #tpu.memory_space<hbm>> -> memref<128x128xi32, #tpu.memory_space<hbm>>
        tpu.wait_dma2 semaphore(%run_scoped3A : memref<!tpu.dma_semaphore, #tpu.memory_space<semaphore_mem>>) src(%arg10 : memref<128x128xi32, #tpu.memory_space<vmem>>) dst(%dma_wait3A_38 : memref<128x128xi32, #tpu.memory_space<hbm>>)
        tpu.yield
      }) : () -> ()
      "tpu.region"() ({
        %run_scoped3A = tpu.sem_alloc : memref<!tpu.dma_semaphore, #tpu.memory_space<semaphore_mem>>
        %dma_start3A_31 = arith.constant 0 : i32
        %dma_start3A_32 = tpu.memref_slice %arg7[%mul3A_20, %dma_start3A_31] : memref<64000x128xi32, #tpu.memory_space<hbm>> -> memref<128x128xi32, #tpu.memory_space<hbm>>
        %dma_start3A_33 = arith.constant 0 : i32
        %dma_start3A_34 = tpu.memref_slice %arg7[%mul3A_20, %dma_start3A_33] : memref<64000x128xi32, #tpu.memory_space<hbm>> -> memref<128x128xi32, #tpu.memory_space<hbm>>
        tpu.enqueue_dma source(%arg11 : memref<128x128xi32, #tpu.memory_space<vmem>>) target(%dma_start3A_34 : memref<128x128xi32, #tpu.memory_space<hbm>>) target_semaphore(%run_scoped3A : memref<!tpu.dma_semaphore, #tpu.memory_space<semaphore_mem>>)
        %dma_wait3A_35 = arith.constant 0 : i32
        %dma_wait3A_36 = tpu.memref_slice %arg7[%mul3A_20, %dma_wait3A_35] : memref<64000x128xi32, #tpu.memory_space<hbm>> -> memref<128x128xi32, #tpu.memory_space<hbm>>
        %dma_wait3A_37 = arith.constant 0 : i32
        %dma_wait3A_38 = tpu.memref_slice %arg7[%mul3A_20, %dma_wait3A_37] : memref<64000x128xi32, #tpu.memory_space<hbm>> -> memref<128x128xi32, #tpu.memory_space<hbm>>
        tpu.wait_dma2 semaphore(%run_scoped3A : memref<!tpu.dma_semaphore, #tpu.memory_space<semaphore_mem>>) src(%arg11 : memref<128x128xi32, #tpu.memory_space<vmem>>) dst(%dma_wait3A_38 : memref<128x128xi32, #tpu.memory_space<hbm>>)
        tpu.yield
      }) : () -> ()
    }
    %while3A_15 = arith.constant 1 : i32
    scf.for %while3A_16 = %while3A_13 to %while3A_9 step %while3A_15  : i32 {
      %mul3A_17 = arith.muli %while3A_16, %while3A : i32
      %add3A_18 = arith.addi %add3A, %mul3A_17 : i32
      %mul3A_19 = arith.constant 128 : i32
      %mul3A_20 = arith.muli %add3A_18, %mul3A_19 : i32
      "tpu.region"() ({
        %run_scoped3A = tpu.sem_alloc : memref<!tpu.dma_semaphore, #tpu.memory_space<semaphore_mem>>
        %dma_start3A_31 = tpu.memref_slice %arg4[%mul3A_20] : memref<64000xi32, #tpu.memory_space<hbm>> -> memref<128xi32, #tpu.memory_space<hbm>>
        %dma_start3A_32 = tpu.memref_slice %arg4[%mul3A_20] : memref<64000xi32, #tpu.memory_space<hbm>> -> memref<128xi32, #tpu.memory_space<hbm>>
        tpu.enqueue_dma source(%dma_start3A_32 : memref<128xi32, #tpu.memory_space<hbm>>) target(%arg8 : memref<128xi32, #tpu.memory_space<vmem>>) target_semaphore(%run_scoped3A : memref<!tpu.dma_semaphore, #tpu.memory_space<semaphore_mem>>)
        %dma_wait3A_33 = tpu.memref_slice %arg4[%mul3A_20] : memref<64000xi32, #tpu.memory_space<hbm>> -> memref<128xi32, #tpu.memory_space<hbm>>
        %dma_wait3A_34 = tpu.memref_slice %arg4[%mul3A_20] : memref<64000xi32, #tpu.memory_space<hbm>> -> memref<128xi32, #tpu.memory_space<hbm>>
        tpu.wait_dma2 semaphore(%run_scoped3A : memref<!tpu.dma_semaphore, #tpu.memory_space<semaphore_mem>>) src(%dma_wait3A_34 : memref<128xi32, #tpu.memory_space<hbm>>) dst(%arg8 : memref<128xi32, #tpu.memory_space<vmem>>)
        tpu.yield
      }) : () -> ()
      "tpu.region"() ({
        %run_scoped3A = tpu.sem_alloc : memref<!tpu.dma_semaphore, #tpu.memory_space<semaphore_mem>>
        %dma_start3A_31 = tpu.memref_slice %arg5[%mul3A_20] : memref<64000xi32, #tpu.memory_space<hbm>> -> memref<128xi32, #tpu.memory_space<hbm>>
        %dma_start3A_32 = tpu.memref_slice %arg5[%mul3A_20] : memref<64000xi32, #tpu.memory_space<hbm>> -> memref<128xi32, #tpu.memory_space<hbm>>
        tpu.enqueue_dma source(%dma_start3A_32 : memref<128xi32, #tpu.memory_space<hbm>>) target(%arg9 : memref<128xi32, #tpu.memory_space<vmem>>) target_semaphore(%run_scoped3A : memref<!tpu.dma_semaphore, #tpu.memory_space<semaphore_mem>>)
        %dma_wait3A_33 = tpu.memref_slice %arg5[%mul3A_20] : memref<64000xi32, #tpu.memory_space<hbm>> -> memref<128xi32, #tpu.memory_space<hbm>>
        %dma_wait3A_34 = tpu.memref_slice %arg5[%mul3A_20] : memref<64000xi32, #tpu.memory_space<hbm>> -> memref<128xi32, #tpu.memory_space<hbm>>
        tpu.wait_dma2 semaphore(%run_scoped3A : memref<!tpu.dma_semaphore, #tpu.memory_space<semaphore_mem>>) src(%dma_wait3A_34 : memref<128xi32, #tpu.memory_space<hbm>>) dst(%arg9 : memref<128xi32, #tpu.memory_space<vmem>>)
        tpu.yield
      }) : () -> ()
      %dma_start3A = arith.constant 0 : i32
      %dma_start3A_21 = arith.constant 0 : i32
      %dma_start3A_22 = tpu.memref_slice %arg2[%dma_start3A, %dma_start3A_21] : memref<10000x128xi32, #tpu.memory_space<hbm>> -> memref<10000x128xi32, #tpu.memory_space<hbm>>
      tpu.enqueue_indirect_dma source(%dma_start3A_22 : memref<10000x128xi32, #tpu.memory_space<hbm>>) target(%arg10 : memref<128x128xi32, #tpu.memory_space<vmem>>) offsets(%arg8 : memref<128xi32, #tpu.memory_space<vmem>>) semaphore(%arg12 : memref<!tpu.dma_semaphore, #tpu.memory_space<semaphore_mem>>)
      %dma_start3A_23 = arith.constant 0 : i32
      %dma_start3A_24 = arith.constant 0 : i32
      %dma_start3A_25 = tpu.memref_slice %arg3[%dma_start3A_23, %dma_start3A_24] : memref<10000x128xi32, #tpu.memory_space<hbm>> -> memref<10000x128xi32, #tpu.memory_space<hbm>>
      tpu.enqueue_indirect_dma source(%dma_start3A_25 : memref<10000x128xi32, #tpu.memory_space<hbm>>) target(%arg11 : memref<128x128xi32, #tpu.memory_space<vmem>>) offsets(%arg9 : memref<128xi32, #tpu.memory_space<vmem>>) semaphore(%arg13 : memref<!tpu.dma_semaphore, #tpu.memory_space<semaphore_mem>>)
      %dma_wait3A = arith.constant 0 : i32
      %dma_wait3A_26 = arith.constant 0 : i32
      %dma_wait3A_27 = tpu.memref_slice %arg2[%dma_wait3A, %dma_wait3A_26] : memref<10000x128xi32, #tpu.memory_space<hbm>> -> memref<10000x128xi32, #tpu.memory_space<hbm>>
      tpu.wait_indirect_dma semaphore(%arg12 : memref<!tpu.dma_semaphore, #tpu.memory_space<semaphore_mem>>) src(%dma_wait3A_27 : memref<10000x128xi32, #tpu.memory_space<hbm>>) dst(%arg10 : memref<128x128xi32, #tpu.memory_space<vmem>>)
      %dma_wait3A_28 = arith.constant 0 : i32
      %dma_wait3A_29 = arith.constant 0 : i32
      %dma_wait3A_30 = tpu.memref_slice %arg3[%dma_wait3A_28, %dma_wait3A_29] : memref<10000x128xi32, #tpu.memory_space<hbm>> -> memref<10000x128xi32, #tpu.memory_space<hbm>>
      tpu.wait_indirect_dma semaphore(%arg13 : memref<!tpu.dma_semaphore, #tpu.memory_space<semaphore_mem>>) src(%dma_wait3A_30 : memref<10000x128xi32, #tpu.memory_space<hbm>>) dst(%arg11 : memref<128x128xi32, #tpu.memory_space<vmem>>)
      "tpu.region"() ({
        %run_scoped3A = tpu.sem_alloc : memref<!tpu.dma_semaphore, #tpu.memory_space<semaphore_mem>>
        %dma_start3A_31 = arith.constant 0 : i32
        %dma_start3A_32 = tpu.memref_slice %arg6[%mul3A_20, %dma_start3A_31] : memref<64000x128xi32, #tpu.memory_space<hbm>> -> memref<128x128xi32, #tpu.memory_space<hbm>>
        %dma_start3A_33 = arith.constant 0 : i32
        %dma_start3A_34 = tpu.memref_slice %arg6[%mul3A_20, %dma_start3A_33] : memref<64000x128xi32, #tpu.memory_space<hbm>> -> memref<128x128xi32, #tpu.memory_space<hbm>>
        tpu.enqueue_dma source(%arg10 : memref<128x128xi32, #tpu.memory_space<vmem>>) target(%dma_start3A_34 : memref<128x128xi32, #tpu.memory_space<hbm>>) target_semaphore(%run_scoped3A : memref<!tpu.dma_semaphore, #tpu.memory_space<semaphore_mem>>)
        %dma_wait3A_35 = arith.constant 0 : i32
        %dma_wait3A_36 = tpu.memref_slice %arg6[%mul3A_20, %dma_wait3A_35] : memref<64000x128xi32, #tpu.memory_space<hbm>> -> memref<128x128xi32, #tpu.memory_space<hbm>>
        %dma_wait3A_37 = arith.constant 0 : i32
        %dma_wait3A_38 = tpu.memref_slice %arg6[%mul3A_20, %dma_wait3A_37] : memref<64000x128xi32, #tpu.memory_space<hbm>> -> memref<128x128xi32, #tpu.memory_space<hbm>>
        tpu.wait_dma2 semaphore(%run_scoped3A : memref<!tpu.dma_semaphore, #tpu.memory_space<semaphore_mem>>) src(%arg10 : memref<128x128xi32, #tpu.memory_space<vmem>>) dst(%dma_wait3A_38 : memref<128x128xi32, #tpu.memory_space<hbm>>)
        tpu.yield
      }) : () -> ()
      "tpu.region"() ({
        %run_scoped3A = tpu.sem_alloc : memref<!tpu.dma_semaphore, #tpu.memory_space<semaphore_mem>>
        %dma_start3A_31 = arith.constant 0 : i32
        %dma_start3A_32 = tpu.memref_slice %arg7[%mul3A_20, %dma_start3A_31] : memref<64000x128xi32, #tpu.memory_space<hbm>> -> memref<128x128xi32, #tpu.memory_space<hbm>>
        %dma_start3A_33 = arith.constant 0 : i32
        %dma_start3A_34 = tpu.memref_slice %arg7[%mul3A_20, %dma_start3A_33] : memref<64000x128xi32, #tpu.memory_space<hbm>> -> memref<128x128xi32, #tpu.memory_space<hbm>>
        tpu.enqueue_dma source(%arg11 : memref<128x128xi32, #tpu.memory_space<vmem>>) target(%dma_start3A_34 : memref<128x128xi32, #tpu.memory_space<hbm>>) target_semaphore(%run_scoped3A : memref<!tpu.dma_semaphore, #tpu.memory_space<semaphore_mem>>)
        %dma_wait3A_35 = arith.constant 0 : i32
        %dma_wait3A_36 = tpu.memref_slice %arg7[%mul3A_20, %dma_wait3A_35] : memref<64000x128xi32, #tpu.memory_space<hbm>> -> memref<128x128xi32, #tpu.memory_space<hbm>>
        %dma_wait3A_37 = arith.constant 0 : i32
        %dma_wait3A_38 = tpu.memref_slice %arg7[%mul3A_20, %dma_wait3A_37] : memref<64000x128xi32, #tpu.memory_space<hbm>> -> memref<128x128xi32, #tpu.memory_space<hbm>>
        tpu.wait_dma2 semaphore(%run_scoped3A : memref<!tpu.dma_semaphore, #tpu.memory_space<semaphore_mem>>) src(%arg11 : memref<128x128xi32, #tpu.memory_space<vmem>>) dst(%dma_wait3A_38 : memref<128x128xi32, #tpu.memory_space<hbm>>)
        tpu.yield
      }) : () -> ()
    }
    return
  }
}

#map = affine_map<(d0, d1) -> (0, 0)>
#map1 = affine_map<(d0, d1) -> (0)>
module attributes {stable_mosaic.version = 14 : i64} {
  func.func @gather_pair(%arg0: i32, %arg1: i32, %arg2: memref<10000x128xi32, #tpu.memory_space<hbm>>, %arg3: memref<10000x128xi32, #tpu.memory_space<hbm>>, %arg4: memref<64000xi32, #tpu.memory_space<hbm>>, %arg5: memref<64000xi32, #tpu.memory_space<hbm>>, %arg6: memref<64000x128xi32, #tpu.memory_space<hbm>>, %arg7: memref<64000x128xi32, #tpu.memory_space<hbm>>, %arg8: memref<128xi32, #tpu.memory_space<vmem>>, %arg9: memref<128xi32, #tpu.memory_space<vmem>>, %arg10: memref<128x128xi32, #tpu.memory_space<vmem>>, %arg11: memref<128x128xi32, #tpu.memory_space<vmem>>, %arg12: memref<!tpu.dma_semaphore, #tpu.memory_space<semaphore_mem>>, %arg13: memref<!tpu.dma_semaphore, #tpu.memory_space<semaphore_mem>>) attributes {dimension_semantics = [#tpu.dimension_semantics<core_parallel>, #tpu.dimension_semantics<subcore_parallel>], iteration_bounds = array<i64: 2, 16>, scalar_prefetch = 0 : i64, scratch_operands = 6 : i64, tpu.core_type = #tpu.core_type<sc_vector_subcore>, window_params = [{transform_indices = #map}, {transform_indices = #map}, {transform_indices = #map1}, {transform_indices = #map1}, {transform_indices = #map}, {transform_indices = #map}]} {
    %mul3A = arith.constant 2 : i32
    %mul3A_0 = arith.muli %arg1, %mul3A : i32
    %add3A = arith.addi %mul3A_0, %arg0 : i32
    %sub3A = arith.constant 500 : i32
    %sub3A_1 = arith.subi %sub3A, %add3A : i32
    %sub3A_2 = arith.constant 32 : i32
    %sub3A_3 = arith.constant 1 : i32
    %sub3A_4 = arith.subi %sub3A_2, %sub3A_3 : i32
    %add3A_5 = arith.addi %sub3A_1, %sub3A_4 : i32
    %div3A = arith.constant 32 : i32
    %div3A_6 = arith.divsi %add3A_5, %div3A : i32
    %while3A = arith.constant 32 : i32
    %while3A_7 = arith.constant 0 : i32
    %while3A_8 = arith.subi %div3A_6, %while3A_7 : i32
    %while3A_9 = arith.addi %while3A_7, %while3A_8 : i32
    %while3A_10 = arith.constant 1 : i32
    %while3A_11 = arith.divsi %while3A_8, %while3A_10 : i32
    %while3A_12 = arith.muli %while3A_11, %while3A_10 : i32
    %while3A_13 = arith.addi %while3A_7, %while3A_12 : i32
    %while3A_14 = arith.constant 1 : i32
    scf.for %while3A_16 = %while3A_7 to %while3A_13 step %while3A_14  : i32 {
      %mul3A_17 = arith.muli %while3A_16, %while3A : i32
      %add3A_18 = arith.addi %add3A, %mul3A_17 : i32
      %mul3A_19 = arith.constant 128 : i32
      %mul3A_20 = arith.muli %add3A_18, %mul3A_19 : i32
      "tpu.region"() ({
        %run_scoped3A = tpu.sem_alloc : memref<!tpu.dma_semaphore, #tpu.memory_space<semaphore_mem>>
        %dma_start3A_31 = tpu.memref_slice %arg4[%mul3A_20] : memref<64000xi32, #tpu.memory_space<hbm>> -> memref<128xi32, #tpu.memory_space<hbm>>
        %dma_start3A_32 = tpu.memref_slice %arg4[%mul3A_20] : memref<64000xi32, #tpu.memory_space<hbm>> -> memref<128xi32, #tpu.memory_space<hbm>>
        tpu.enqueue_dma source(%dma_start3A_32 : memref<128xi32, #tpu.memory_space<hbm>>) target(%arg8 : memref<128xi32, #tpu.memory_space<vmem>>) target_semaphore(%run_scoped3A : memref<!tpu.dma_semaphore, #tpu.memory_space<semaphore_mem>>)
        %dma_wait3A_33 = tpu.memref_slice %arg4[%mul3A_20] : memref<64000xi32, #tpu.memory_space<hbm>> -> memref<128xi32, #tpu.memory_space<hbm>>
        %dma_wait3A_34 = tpu.memref_slice %arg4[%mul3A_20] : memref<64000xi32, #tpu.memory_space<hbm>> -> memref<128xi32, #tpu.memory_space<hbm>>
        tpu.wait_dma2 semaphore(%run_scoped3A : memref<!tpu.dma_semaphore, #tpu.memory_space<semaphore_mem>>) src(%dma_wait3A_34 : memref<128xi32, #tpu.memory_space<hbm>>) dst(%arg8 : memref<128xi32, #tpu.memory_space<vmem>>)
        tpu.yield
      }) : () -> ()
      "tpu.region"() ({
        %run_scoped3A = tpu.sem_alloc : memref<!tpu.dma_semaphore, #tpu.memory_space<semaphore_mem>>
        %dma_start3A_31 = tpu.memref_slice %arg5[%mul3A_20] : memref<64000xi32, #tpu.memory_space<hbm>> -> memref<128xi32, #tpu.memory_space<hbm>>
        %dma_start3A_32 = tpu.memref_slice %arg5[%mul3A_20] : memref<64000xi32, #tpu.memory_space<hbm>> -> memref<128xi32, #tpu.memory_space<hbm>>
        tpu.enqueue_dma source(%dma_start3A_32 : memref<128xi32, #tpu.memory_space<hbm>>) target(%arg9 : memref<128xi32, #tpu.memory_space<vmem>>) target_semaphore(%run_scoped3A : memref<!tpu.dma_semaphore, #tpu.memory_space<semaphore_mem>>)
        %dma_wait3A_33 = tpu.memref_slice %arg5[%mul3A_20] : memref<64000xi32, #tpu.memory_space<hbm>> -> memref<128xi32, #tpu.memory_space<hbm>>
        %dma_wait3A_34 = tpu.memref_slice %arg5[%mul3A_20] : memref<64000xi32, #tpu.memory_space<hbm>> -> memref<128xi32, #tpu.memory_space<hbm>>
        tpu.wait_dma2 semaphore(%run_scoped3A : memref<!tpu.dma_semaphore, #tpu.memory_space<semaphore_mem>>) src(%dma_wait3A_34 : memref<128xi32, #tpu.memory_space<hbm>>) dst(%arg9 : memref<128xi32, #tpu.memory_space<vmem>>)
        tpu.yield
      }) : () -> ()
      %dma_start3A = arith.constant 0 : i32
      %dma_start3A_21 = arith.constant 0 : i32
      %dma_start3A_22 = tpu.memref_slice %arg2[%dma_start3A, %dma_start3A_21] : memref<10000x128xi32, #tpu.memory_space<hbm>> -> memref<10000x128xi32, #tpu.memory_space<hbm>>
      tpu.enqueue_indirect_dma source(%dma_start3A_22 : memref<10000x128xi32, #tpu.memory_space<hbm>>) target(%arg10 : memref<128x128xi32, #tpu.memory_space<vmem>>) offsets(%arg8 : memref<128xi32, #tpu.memory_space<vmem>>) semaphore(%arg12 : memref<!tpu.dma_semaphore, #tpu.memory_space<semaphore_mem>>)
      %dma_start3A_23 = arith.constant 0 : i32
      %dma_start3A_24 = arith.constant 0 : i32
      %dma_start3A_25 = tpu.memref_slice %arg3[%dma_start3A_23, %dma_start3A_24] : memref<10000x128xi32, #tpu.memory_space<hbm>> -> memref<10000x128xi32, #tpu.memory_space<hbm>>
      tpu.enqueue_indirect_dma source(%dma_start3A_25 : memref<10000x128xi32, #tpu.memory_space<hbm>>) target(%arg11 : memref<128x128xi32, #tpu.memory_space<vmem>>) offsets(%arg9 : memref<128xi32, #tpu.memory_space<vmem>>) semaphore(%arg13 : memref<!tpu.dma_semaphore, #tpu.memory_space<semaphore_mem>>)
      %dma_wait3A = arith.constant 0 : i32
      %dma_wait3A_26 = arith.constant 0 : i32
      %dma_wait3A_27 = tpu.memref_slice %arg2[%dma_wait3A, %dma_wait3A_26] : memref<10000x128xi32, #tpu.memory_space<hbm>> -> memref<10000x128xi32, #tpu.memory_space<hbm>>
      tpu.wait_indirect_dma semaphore(%arg12 : memref<!tpu.dma_semaphore, #tpu.memory_space<semaphore_mem>>) src(%dma_wait3A_27 : memref<10000x128xi32, #tpu.memory_space<hbm>>) dst(%arg10 : memref<128x128xi32, #tpu.memory_space<vmem>>)
      %dma_wait3A_28 = arith.constant 0 : i32
      %dma_wait3A_29 = arith.constant 0 : i32
      %dma_wait3A_30 = tpu.memref_slice %arg3[%dma_wait3A_28, %dma_wait3A_29] : memref<10000x128xi32, #tpu.memory_space<hbm>> -> memref<10000x128xi32, #tpu.memory_space<hbm>>
      tpu.wait_indirect_dma semaphore(%arg13 : memref<!tpu.dma_semaphore, #tpu.memory_space<semaphore_mem>>) src(%dma_wait3A_30 : memref<10000x128xi32, #tpu.memory_space<hbm>>) dst(%arg11 : memref<128x128xi32, #tpu.memory_space<vmem>>)
      "tpu.region"() ({
        %run_scoped3A = tpu.sem_alloc : memref<!tpu.dma_semaphore, #tpu.memory_space<semaphore_mem>>
        %dma_start3A_31 = arith.constant 0 : i32
        %dma_start3A_32 = tpu.memref_slice %arg6[%mul3A_20, %dma_start3A_31] : memref<64000x128xi32, #tpu.memory_space<hbm>> -> memref<128x128xi32, #tpu.memory_space<hbm>>
        %dma_start3A_33 = arith.constant 0 : i32
        %dma_start3A_34 = tpu.memref_slice %arg6[%mul3A_20, %dma_start3A_33] : memref<64000x128xi32, #tpu.memory_space<hbm>> -> memref<128x128xi32, #tpu.memory_space<hbm>>
        tpu.enqueue_dma source(%arg10 : memref<128x128xi32, #tpu.memory_space<vmem>>) target(%dma_start3A_34 : memref<128x128xi32, #tpu.memory_space<hbm>>) target_semaphore(%run_scoped3A : memref<!tpu.dma_semaphore, #tpu.memory_space<semaphore_mem>>)
        %dma_wait3A_35 = arith.constant 0 : i32
        %dma_wait3A_36 = tpu.memref_slice %arg6[%mul3A_20, %dma_wait3A_35] : memref<64000x128xi32, #tpu.memory_space<hbm>> -> memref<128x128xi32, #tpu.memory_space<hbm>>
        %dma_wait3A_37 = arith.constant 0 : i32
        %dma_wait3A_38 = tpu.memref_slice %arg6[%mul3A_20, %dma_wait3A_37] : memref<64000x128xi32, #tpu.memory_space<hbm>> -> memref<128x128xi32, #tpu.memory_space<hbm>>
        tpu.wait_dma2 semaphore(%run_scoped3A : memref<!tpu.dma_semaphore, #tpu.memory_space<semaphore_mem>>) src(%arg10 : memref<128x128xi32, #tpu.memory_space<vmem>>) dst(%dma_wait3A_38 : memref<128x128xi32, #tpu.memory_space<hbm>>)
        tpu.yield
      }) : () -> ()
      "tpu.region"() ({
        %run_scoped3A = tpu.sem_alloc : memref<!tpu.dma_semaphore, #tpu.memory_space<semaphore_mem>>
        %dma_start3A_31 = arith.constant 0 : i32
        %dma_start3A_32 = tpu.memref_slice %arg7[%mul3A_20, %dma_start3A_31] : memref<64000x128xi32, #tpu.memory_space<hbm>> -> memref<128x128xi32, #tpu.memory_space<hbm>>
        %dma_start3A_33 = arith.constant 0 : i32
        %dma_start3A_34 = tpu.memref_slice %arg7[%mul3A_20, %dma_start3A_33] : memref<64000x128xi32, #tpu.memory_space<hbm>> -> memref<128x128xi32, #tpu.memory_space<hbm>>
        tpu.enqueue_dma source(%arg11 : memref<128x128xi32, #tpu.memory_space<vmem>>) target(%dma_start3A_34 : memref<128x128xi32, #tpu.memory_space<hbm>>) target_semaphore(%run_scoped3A : memref<!tpu.dma_semaphore, #tpu.memory_space<semaphore_mem>>)
        %dma_wait3A_35 = arith.constant 0 : i32
        %dma_wait3A_36 = tpu.memref_slice %arg7[%mul3A_20, %dma_wait3A_35] : memref<64000x128xi32, #tpu.memory_space<hbm>> -> memref<128x128xi32, #tpu.memory_space<hbm>>
        %dma_wait3A_37 = arith.constant 0 : i32
        %dma_wait3A_38 = tpu.memref_slice %arg7[%mul3A_20, %dma_wait3A_37] : memref<64000x128xi32, #tpu.memory_space<hbm>> -> memref<128x128xi32, #tpu.memory_space<hbm>>
        tpu.wait_dma2 semaphore(%run_scoped3A : memref<!tpu.dma_semaphore, #tpu.memory_space<semaphore_mem>>) src(%arg11 : memref<128x128xi32, #tpu.memory_space<vmem>>) dst(%dma_wait3A_38 : memref<128x128xi32, #tpu.memory_space<hbm>>)
        tpu.yield
      }) : () -> ()
    }
    %while3A_15 = arith.constant 1 : i32
    scf.for %while3A_16 = %while3A_13 to %while3A_9 step %while3A_15  : i32 {
      %mul3A_17 = arith.muli %while3A_16, %while3A : i32
      %add3A_18 = arith.addi %add3A, %mul3A_17 : i32
      %mul3A_19 = arith.constant 128 : i32
      %mul3A_20 = arith.muli %add3A_18, %mul3A_19 : i32
      "tpu.region"() ({
        %run_scoped3A = tpu.sem_alloc : memref<!tpu.dma_semaphore, #tpu.memory_space<semaphore_mem>>
        %dma_start3A_31 = tpu.memref_slice %arg4[%mul3A_20] : memref<64000xi32, #tpu.memory_space<hbm>> -> memref<128xi32, #tpu.memory_space<hbm>>
        %dma_start3A_32 = tpu.memref_slice %arg4[%mul3A_20] : memref<64000xi32, #tpu.memory_space<hbm>> -> memref<128xi32, #tpu.memory_space<hbm>>
        tpu.enqueue_dma source(%dma_start3A_32 : memref<128xi32, #tpu.memory_space<hbm>>) target(%arg8 : memref<128xi32, #tpu.memory_space<vmem>>) target_semaphore(%run_scoped3A : memref<!tpu.dma_semaphore, #tpu.memory_space<semaphore_mem>>)
        %dma_wait3A_33 = tpu.memref_slice %arg4[%mul3A_20] : memref<64000xi32, #tpu.memory_space<hbm>> -> memref<128xi32, #tpu.memory_space<hbm>>
        %dma_wait3A_34 = tpu.memref_slice %arg4[%mul3A_20] : memref<64000xi32, #tpu.memory_space<hbm>> -> memref<128xi32, #tpu.memory_space<hbm>>
        tpu.wait_dma2 semaphore(%run_scoped3A : memref<!tpu.dma_semaphore, #tpu.memory_space<semaphore_mem>>) src(%dma_wait3A_34 : memref<128xi32, #tpu.memory_space<hbm>>) dst(%arg8 : memref<128xi32, #tpu.memory_space<vmem>>)
        tpu.yield
      }) : () -> ()
      "tpu.region"() ({
        %run_scoped3A = tpu.sem_alloc : memref<!tpu.dma_semaphore, #tpu.memory_space<semaphore_mem>>
        %dma_start3A_31 = tpu.memref_slice %arg5[%mul3A_20] : memref<64000xi32, #tpu.memory_space<hbm>> -> memref<128xi32, #tpu.memory_space<hbm>>
        %dma_start3A_32 = tpu.memref_slice %arg5[%mul3A_20] : memref<64000xi32, #tpu.memory_space<hbm>> -> memref<128xi32, #tpu.memory_space<hbm>>
        tpu.enqueue_dma source(%dma_start3A_32 : memref<128xi32, #tpu.memory_space<hbm>>) target(%arg9 : memref<128xi32, #tpu.memory_space<vmem>>) target_semaphore(%run_scoped3A : memref<!tpu.dma_semaphore, #tpu.memory_space<semaphore_mem>>)
        %dma_wait3A_33 = tpu.memref_slice %arg5[%mul3A_20] : memref<64000xi32, #tpu.memory_space<hbm>> -> memref<128xi32, #tpu.memory_space<hbm>>
        %dma_wait3A_34 = tpu.memref_slice %arg5[%mul3A_20] : memref<64000xi32, #tpu.memory_space<hbm>> -> memref<128xi32, #tpu.memory_space<hbm>>
        tpu.wait_dma2 semaphore(%run_scoped3A : memref<!tpu.dma_semaphore, #tpu.memory_space<semaphore_mem>>) src(%dma_wait3A_34 : memref<128xi32, #tpu.memory_space<hbm>>) dst(%arg9 : memref<128xi32, #tpu.memory_space<vmem>>)
        tpu.yield
      }) : () -> ()
      %dma_start3A = arith.constant 0 : i32
      %dma_start3A_21 = arith.constant 0 : i32
      %dma_start3A_22 = tpu.memref_slice %arg2[%dma_start3A, %dma_start3A_21] : memref<10000x128xi32, #tpu.memory_space<hbm>> -> memref<10000x128xi32, #tpu.memory_space<hbm>>
      tpu.enqueue_indirect_dma source(%dma_start3A_22 : memref<10000x128xi32, #tpu.memory_space<hbm>>) target(%arg10 : memref<128x128xi32, #tpu.memory_space<vmem>>) offsets(%arg8 : memref<128xi32, #tpu.memory_space<vmem>>) semaphore(%arg12 : memref<!tpu.dma_semaphore, #tpu.memory_space<semaphore_mem>>)
      %dma_start3A_23 = arith.constant 0 : i32
      %dma_start3A_24 = arith.constant 0 : i32
      %dma_start3A_25 = tpu.memref_slice %arg3[%dma_start3A_23, %dma_start3A_24] : memref<10000x128xi32, #tpu.memory_space<hbm>> -> memref<10000x128xi32, #tpu.memory_space<hbm>>
      tpu.enqueue_indirect_dma source(%dma_start3A_25 : memref<10000x128xi32, #tpu.memory_space<hbm>>) target(%arg11 : memref<128x128xi32, #tpu.memory_space<vmem>>) offsets(%arg9 : memref<128xi32, #tpu.memory_space<vmem>>) semaphore(%arg13 : memref<!tpu.dma_semaphore, #tpu.memory_space<semaphore_mem>>)
      %dma_wait3A = arith.constant 0 : i32
      %dma_wait3A_26 = arith.constant 0 : i32
      %dma_wait3A_27 = tpu.memref_slice %arg2[%dma_wait3A, %dma_wait3A_26] : memref<10000x128xi32, #tpu.memory_space<hbm>> -> memref<10000x128xi32, #tpu.memory_space<hbm>>
      tpu.wait_indirect_dma semaphore(%arg12 : memref<!tpu.dma_semaphore, #tpu.memory_space<semaphore_mem>>) src(%dma_wait3A_27 : memref<10000x128xi32, #tpu.memory_space<hbm>>) dst(%arg10 : memref<128x128xi32, #tpu.memory_space<vmem>>)
      %dma_wait3A_28 = arith.constant 0 : i32
      %dma_wait3A_29 = arith.constant 0 : i32
      %dma_wait3A_30 = tpu.memref_slice %arg3[%dma_wait3A_28, %dma_wait3A_29] : memref<10000x128xi32, #tpu.memory_space<hbm>> -> memref<10000x128xi32, #tpu.memory_space<hbm>>
      tpu.wait_indirect_dma semaphore(%arg13 : memref<!tpu.dma_semaphore, #tpu.memory_space<semaphore_mem>>) src(%dma_wait3A_30 : memref<10000x128xi32, #tpu.memory_space<hbm>>) dst(%arg11 : memref<128x128xi32, #tpu.memory_space<vmem>>)
      "tpu.region"() ({
        %run_scoped3A = tpu.sem_alloc : memref<!tpu.dma_semaphore, #tpu.memory_space<semaphore_mem>>
        %dma_start3A_31 = arith.constant 0 : i32
        %dma_start3A_32 = tpu.memref_slice %arg6[%mul3A_20, %dma_start3A_31] : memref<64000x128xi32, #tpu.memory_space<hbm>> -> memref<128x128xi32, #tpu.memory_space<hbm>>
        %dma_start3A_33 = arith.constant 0 : i32
        %dma_start3A_34 = tpu.memref_slice %arg6[%mul3A_20, %dma_start3A_33] : memref<64000x128xi32, #tpu.memory_space<hbm>> -> memref<128x128xi32, #tpu.memory_space<hbm>>
        tpu.enqueue_dma source(%arg10 : memref<128x128xi32, #tpu.memory_space<vmem>>) target(%dma_start3A_34 : memref<128x128xi32, #tpu.memory_space<hbm>>) target_semaphore(%run_scoped3A : memref<!tpu.dma_semaphore, #tpu.memory_space<semaphore_mem>>)
        %dma_wait3A_35 = arith.constant 0 : i32
        %dma_wait3A_36 = tpu.memref_slice %arg6[%mul3A_20, %dma_wait3A_35] : memref<64000x128xi32, #tpu.memory_space<hbm>> -> memref<128x128xi32, #tpu.memory_space<hbm>>
        %dma_wait3A_37 = arith.constant 0 : i32
        %dma_wait3A_38 = tpu.memref_slice %arg6[%mul3A_20, %dma_wait3A_37] : memref<64000x128xi32, #tpu.memory_space<hbm>> -> memref<128x128xi32, #tpu.memory_space<hbm>>
        tpu.wait_dma2 semaphore(%run_scoped3A : memref<!tpu.dma_semaphore, #tpu.memory_space<semaphore_mem>>) src(%arg10 : memref<128x128xi32, #tpu.memory_space<vmem>>) dst(%dma_wait3A_38 : memref<128x128xi32, #tpu.memory_space<hbm>>)
        tpu.yield
      }) : () -> ()
      "tpu.region"() ({
        %run_scoped3A = tpu.sem_alloc : memref<!tpu.dma_semaphore, #tpu.memory_space<semaphore_mem>>
        %dma_start3A_31 = arith.constant 0 : i32
        %dma_start3A_32 = tpu.memref_slice %arg7[%mul3A_20, %dma_start3A_31] : memref<64000x128xi32, #tpu.memory_space<hbm>> -> memref<128x128xi32, #tpu.memory_space<hbm>>
        %dma_start3A_33 = arith.constant 0 : i32
        %dma_start3A_34 = tpu.memref_slice %arg7[%mul3A_20, %dma_start3A_33] : memref<64000x128xi32, #tpu.memory_space<hbm>> -> memref<128x128xi32, #tpu.memory_space<hbm>>
        tpu.enqueue_dma source(%arg11 : memref<128x128xi32, #tpu.memory_space<vmem>>) target(%dma_start3A_34 : memref<128x128xi32, #tpu.memory_space<hbm>>) target_semaphore(%run_scoped3A : memref<!tpu.dma_semaphore, #tpu.memory_space<semaphore_mem>>)
        %dma_wait3A_35 = arith.constant 0 : i32
        %dma_wait3A_36 = tpu.memref_slice %arg7[%mul3A_20, %dma_wait3A_35] : memref<64000x128xi32, #tpu.memory_space<hbm>> -> memref<128x128xi32, #tpu.memory_space<hbm>>
        %dma_wait3A_37 = arith.constant 0 : i32
        %dma_wait3A_38 = tpu.memref_slice %arg7[%mul3A_20, %dma_wait3A_37] : memref<64000x128xi32, #tpu.memory_space<hbm>> -> memref<128x128xi32, #tpu.memory_space<hbm>>
        tpu.wait_dma2 semaphore(%run_scoped3A : memref<!tpu.dma_semaphore, #tpu.memory_space<semaphore_mem>>) src(%arg11 : memref<128x128xi32, #tpu.memory_space<vmem>>) dst(%dma_wait3A_38 : memref<128x128xi32, #tpu.memory_space<hbm>>)
        tpu.yield
      }) : () -> ()
    }
    return
  }
}

#map = affine_map<(d0, d1) -> (0, 0)>
#map1 = affine_map<(d0, d1) -> (0)>
module attributes {stable_mosaic.version = 14 : i64} {
  func.func @gather_pair(%arg0: i32, %arg1: i32, %arg2: memref<10000x128xi32, #tpu.memory_space<hbm>>, %arg3: memref<10000x128xi32, #tpu.memory_space<hbm>>, %arg4: memref<64000xi32, #tpu.memory_space<hbm>>, %arg5: memref<64000xi32, #tpu.memory_space<hbm>>, %arg6: memref<64000x128xi32, #tpu.memory_space<hbm>>, %arg7: memref<64000x128xi32, #tpu.memory_space<hbm>>, %arg8: memref<128xi32, #tpu.memory_space<vmem>>, %arg9: memref<128xi32, #tpu.memory_space<vmem>>, %arg10: memref<128x128xi32, #tpu.memory_space<vmem>>, %arg11: memref<128x128xi32, #tpu.memory_space<vmem>>, %arg12: memref<!tpu.dma_semaphore, #tpu.memory_space<semaphore_mem>>, %arg13: memref<!tpu.dma_semaphore, #tpu.memory_space<semaphore_mem>>) attributes {dimension_semantics = [#tpu.dimension_semantics<core_parallel>, #tpu.dimension_semantics<subcore_parallel>], iteration_bounds = array<i64: 2, 16>, scalar_prefetch = 0 : i64, scratch_operands = 6 : i64, tpu.core_type = #tpu.core_type<sc_vector_subcore>, window_params = [{transform_indices = #map}, {transform_indices = #map}, {transform_indices = #map1}, {transform_indices = #map1}, {transform_indices = #map}, {transform_indices = #map}]} {
    %mul3A = arith.constant 2 : i32
    %mul3A_0 = arith.muli %arg1, %mul3A : i32
    %add3A = arith.addi %mul3A_0, %arg0 : i32
    %sub3A = arith.constant 500 : i32
    %sub3A_1 = arith.subi %sub3A, %add3A : i32
    %sub3A_2 = arith.constant 32 : i32
    %sub3A_3 = arith.constant 1 : i32
    %sub3A_4 = arith.subi %sub3A_2, %sub3A_3 : i32
    %add3A_5 = arith.addi %sub3A_1, %sub3A_4 : i32
    %div3A = arith.constant 32 : i32
    %div3A_6 = arith.divsi %add3A_5, %div3A : i32
    %while3A = arith.constant 32 : i32
    %while3A_7 = arith.constant 0 : i32
    %while3A_8 = arith.subi %div3A_6, %while3A_7 : i32
    %while3A_9 = arith.addi %while3A_7, %while3A_8 : i32
    %while3A_10 = arith.constant 1 : i32
    %while3A_11 = arith.divsi %while3A_8, %while3A_10 : i32
    %while3A_12 = arith.muli %while3A_11, %while3A_10 : i32
    %while3A_13 = arith.addi %while3A_7, %while3A_12 : i32
    %while3A_14 = arith.constant 1 : i32
    scf.for %while3A_16 = %while3A_7 to %while3A_13 step %while3A_14  : i32 {
      %mul3A_17 = arith.muli %while3A_16, %while3A : i32
      %add3A_18 = arith.addi %add3A, %mul3A_17 : i32
      %mul3A_19 = arith.constant 128 : i32
      %mul3A_20 = arith.muli %add3A_18, %mul3A_19 : i32
      "tpu.region"() ({
        %run_scoped3A = tpu.sem_alloc : memref<!tpu.dma_semaphore, #tpu.memory_space<semaphore_mem>>
        %dma_start3A_31 = tpu.memref_slice %arg4[%mul3A_20] : memref<64000xi32, #tpu.memory_space<hbm>> -> memref<128xi32, #tpu.memory_space<hbm>>
        %dma_start3A_32 = tpu.memref_slice %arg4[%mul3A_20] : memref<64000xi32, #tpu.memory_space<hbm>> -> memref<128xi32, #tpu.memory_space<hbm>>
        tpu.enqueue_dma source(%dma_start3A_32 : memref<128xi32, #tpu.memory_space<hbm>>) target(%arg8 : memref<128xi32, #tpu.memory_space<vmem>>) target_semaphore(%run_scoped3A : memref<!tpu.dma_semaphore, #tpu.memory_space<semaphore_mem>>)
        %dma_wait3A_33 = tpu.memref_slice %arg4[%mul3A_20] : memref<64000xi32, #tpu.memory_space<hbm>> -> memref<128xi32, #tpu.memory_space<hbm>>
        %dma_wait3A_34 = tpu.memref_slice %arg4[%mul3A_20] : memref<64000xi32, #tpu.memory_space<hbm>> -> memref<128xi32, #tpu.memory_space<hbm>>
        tpu.wait_dma2 semaphore(%run_scoped3A : memref<!tpu.dma_semaphore, #tpu.memory_space<semaphore_mem>>) src(%dma_wait3A_34 : memref<128xi32, #tpu.memory_space<hbm>>) dst(%arg8 : memref<128xi32, #tpu.memory_space<vmem>>)
        tpu.yield
      }) : () -> ()
      "tpu.region"() ({
        %run_scoped3A = tpu.sem_alloc : memref<!tpu.dma_semaphore, #tpu.memory_space<semaphore_mem>>
        %dma_start3A_31 = tpu.memref_slice %arg5[%mul3A_20] : memref<64000xi32, #tpu.memory_space<hbm>> -> memref<128xi32, #tpu.memory_space<hbm>>
        %dma_start3A_32 = tpu.memref_slice %arg5[%mul3A_20] : memref<64000xi32, #tpu.memory_space<hbm>> -> memref<128xi32, #tpu.memory_space<hbm>>
        tpu.enqueue_dma source(%dma_start3A_32 : memref<128xi32, #tpu.memory_space<hbm>>) target(%arg9 : memref<128xi32, #tpu.memory_space<vmem>>) target_semaphore(%run_scoped3A : memref<!tpu.dma_semaphore, #tpu.memory_space<semaphore_mem>>)
        %dma_wait3A_33 = tpu.memref_slice %arg5[%mul3A_20] : memref<64000xi32, #tpu.memory_space<hbm>> -> memref<128xi32, #tpu.memory_space<hbm>>
        %dma_wait3A_34 = tpu.memref_slice %arg5[%mul3A_20] : memref<64000xi32, #tpu.memory_space<hbm>> -> memref<128xi32, #tpu.memory_space<hbm>>
        tpu.wait_dma2 semaphore(%run_scoped3A : memref<!tpu.dma_semaphore, #tpu.memory_space<semaphore_mem>>) src(%dma_wait3A_34 : memref<128xi32, #tpu.memory_space<hbm>>) dst(%arg9 : memref<128xi32, #tpu.memory_space<vmem>>)
        tpu.yield
      }) : () -> ()
      %dma_start3A = arith.constant 0 : i32
      %dma_start3A_21 = arith.constant 0 : i32
      %dma_start3A_22 = tpu.memref_slice %arg2[%dma_start3A, %dma_start3A_21] : memref<10000x128xi32, #tpu.memory_space<hbm>> -> memref<10000x128xi32, #tpu.memory_space<hbm>>
      tpu.enqueue_indirect_dma source(%dma_start3A_22 : memref<10000x128xi32, #tpu.memory_space<hbm>>) target(%arg10 : memref<128x128xi32, #tpu.memory_space<vmem>>) offsets(%arg8 : memref<128xi32, #tpu.memory_space<vmem>>) semaphore(%arg12 : memref<!tpu.dma_semaphore, #tpu.memory_space<semaphore_mem>>)
      %dma_start3A_23 = arith.constant 0 : i32
      %dma_start3A_24 = arith.constant 0 : i32
      %dma_start3A_25 = tpu.memref_slice %arg3[%dma_start3A_23, %dma_start3A_24] : memref<10000x128xi32, #tpu.memory_space<hbm>> -> memref<10000x128xi32, #tpu.memory_space<hbm>>
      tpu.enqueue_indirect_dma source(%dma_start3A_25 : memref<10000x128xi32, #tpu.memory_space<hbm>>) target(%arg11 : memref<128x128xi32, #tpu.memory_space<vmem>>) offsets(%arg9 : memref<128xi32, #tpu.memory_space<vmem>>) semaphore(%arg13 : memref<!tpu.dma_semaphore, #tpu.memory_space<semaphore_mem>>)
      %dma_wait3A = arith.constant 0 : i32
      %dma_wait3A_26 = arith.constant 0 : i32
      %dma_wait3A_27 = tpu.memref_slice %arg2[%dma_wait3A, %dma_wait3A_26] : memref<10000x128xi32, #tpu.memory_space<hbm>> -> memref<10000x128xi32, #tpu.memory_space<hbm>>
      tpu.wait_indirect_dma semaphore(%arg12 : memref<!tpu.dma_semaphore, #tpu.memory_space<semaphore_mem>>) src(%dma_wait3A_27 : memref<10000x128xi32, #tpu.memory_space<hbm>>) dst(%arg10 : memref<128x128xi32, #tpu.memory_space<vmem>>)
      %dma_wait3A_28 = arith.constant 0 : i32
      %dma_wait3A_29 = arith.constant 0 : i32
      %dma_wait3A_30 = tpu.memref_slice %arg3[%dma_wait3A_28, %dma_wait3A_29] : memref<10000x128xi32, #tpu.memory_space<hbm>> -> memref<10000x128xi32, #tpu.memory_space<hbm>>
      tpu.wait_indirect_dma semaphore(%arg13 : memref<!tpu.dma_semaphore, #tpu.memory_space<semaphore_mem>>) src(%dma_wait3A_30 : memref<10000x128xi32, #tpu.memory_space<hbm>>) dst(%arg11 : memref<128x128xi32, #tpu.memory_space<vmem>>)
      "tpu.region"() ({
        %run_scoped3A = tpu.sem_alloc : memref<!tpu.dma_semaphore, #tpu.memory_space<semaphore_mem>>
        %dma_start3A_31 = arith.constant 0 : i32
        %dma_start3A_32 = tpu.memref_slice %arg6[%mul3A_20, %dma_start3A_31] : memref<64000x128xi32, #tpu.memory_space<hbm>> -> memref<128x128xi32, #tpu.memory_space<hbm>>
        %dma_start3A_33 = arith.constant 0 : i32
        %dma_start3A_34 = tpu.memref_slice %arg6[%mul3A_20, %dma_start3A_33] : memref<64000x128xi32, #tpu.memory_space<hbm>> -> memref<128x128xi32, #tpu.memory_space<hbm>>
        tpu.enqueue_dma source(%arg10 : memref<128x128xi32, #tpu.memory_space<vmem>>) target(%dma_start3A_34 : memref<128x128xi32, #tpu.memory_space<hbm>>) target_semaphore(%run_scoped3A : memref<!tpu.dma_semaphore, #tpu.memory_space<semaphore_mem>>)
        %dma_wait3A_35 = arith.constant 0 : i32
        %dma_wait3A_36 = tpu.memref_slice %arg6[%mul3A_20, %dma_wait3A_35] : memref<64000x128xi32, #tpu.memory_space<hbm>> -> memref<128x128xi32, #tpu.memory_space<hbm>>
        %dma_wait3A_37 = arith.constant 0 : i32
        %dma_wait3A_38 = tpu.memref_slice %arg6[%mul3A_20, %dma_wait3A_37] : memref<64000x128xi32, #tpu.memory_space<hbm>> -> memref<128x128xi32, #tpu.memory_space<hbm>>
        tpu.wait_dma2 semaphore(%run_scoped3A : memref<!tpu.dma_semaphore, #tpu.memory_space<semaphore_mem>>) src(%arg10 : memref<128x128xi32, #tpu.memory_space<vmem>>) dst(%dma_wait3A_38 : memref<128x128xi32, #tpu.memory_space<hbm>>)
        tpu.yield
      }) : () -> ()
      "tpu.region"() ({
        %run_scoped3A = tpu.sem_alloc : memref<!tpu.dma_semaphore, #tpu.memory_space<semaphore_mem>>
        %dma_start3A_31 = arith.constant 0 : i32
        %dma_start3A_32 = tpu.memref_slice %arg7[%mul3A_20, %dma_start3A_31] : memref<64000x128xi32, #tpu.memory_space<hbm>> -> memref<128x128xi32, #tpu.memory_space<hbm>>
        %dma_start3A_33 = arith.constant 0 : i32
        %dma_start3A_34 = tpu.memref_slice %arg7[%mul3A_20, %dma_start3A_33] : memref<64000x128xi32, #tpu.memory_space<hbm>> -> memref<128x128xi32, #tpu.memory_space<hbm>>
        tpu.enqueue_dma source(%arg11 : memref<128x128xi32, #tpu.memory_space<vmem>>) target(%dma_start3A_34 : memref<128x128xi32, #tpu.memory_space<hbm>>) target_semaphore(%run_scoped3A : memref<!tpu.dma_semaphore, #tpu.memory_space<semaphore_mem>>)
        %dma_wait3A_35 = arith.constant 0 : i32
        %dma_wait3A_36 = tpu.memref_slice %arg7[%mul3A_20, %dma_wait3A_35] : memref<64000x128xi32, #tpu.memory_space<hbm>> -> memref<128x128xi32, #tpu.memory_space<hbm>>
        %dma_wait3A_37 = arith.constant 0 : i32
        %dma_wait3A_38 = tpu.memref_slice %arg7[%mul3A_20, %dma_wait3A_37] : memref<64000x128xi32, #tpu.memory_space<hbm>> -> memref<128x128xi32, #tpu.memory_space<hbm>>
        tpu.wait_dma2 semaphore(%run_scoped3A : memref<!tpu.dma_semaphore, #tpu.memory_space<semaphore_mem>>) src(%arg11 : memref<128x128xi32, #tpu.memory_space<vmem>>) dst(%dma_wait3A_38 : memref<128x128xi32, #tpu.memory_space<hbm>>)
        tpu.yield
      }) : () -> ()
    }
    %while3A_15 = arith.constant 1 : i32
    scf.for %while3A_16 = %while3A_13 to %while3A_9 step %while3A_15  : i32 {
      %mul3A_17 = arith.muli %while3A_16, %while3A : i32
      %add3A_18 = arith.addi %add3A, %mul3A_17 : i32
      %mul3A_19 = arith.constant 128 : i32
      %mul3A_20 = arith.muli %add3A_18, %mul3A_19 : i32
      "tpu.region"() ({
        %run_scoped3A = tpu.sem_alloc : memref<!tpu.dma_semaphore, #tpu.memory_space<semaphore_mem>>
        %dma_start3A_31 = tpu.memref_slice %arg4[%mul3A_20] : memref<64000xi32, #tpu.memory_space<hbm>> -> memref<128xi32, #tpu.memory_space<hbm>>
        %dma_start3A_32 = tpu.memref_slice %arg4[%mul3A_20] : memref<64000xi32, #tpu.memory_space<hbm>> -> memref<128xi32, #tpu.memory_space<hbm>>
        tpu.enqueue_dma source(%dma_start3A_32 : memref<128xi32, #tpu.memory_space<hbm>>) target(%arg8 : memref<128xi32, #tpu.memory_space<vmem>>) target_semaphore(%run_scoped3A : memref<!tpu.dma_semaphore, #tpu.memory_space<semaphore_mem>>)
        %dma_wait3A_33 = tpu.memref_slice %arg4[%mul3A_20] : memref<64000xi32, #tpu.memory_space<hbm>> -> memref<128xi32, #tpu.memory_space<hbm>>
        %dma_wait3A_34 = tpu.memref_slice %arg4[%mul3A_20] : memref<64000xi32, #tpu.memory_space<hbm>> -> memref<128xi32, #tpu.memory_space<hbm>>
        tpu.wait_dma2 semaphore(%run_scoped3A : memref<!tpu.dma_semaphore, #tpu.memory_space<semaphore_mem>>) src(%dma_wait3A_34 : memref<128xi32, #tpu.memory_space<hbm>>) dst(%arg8 : memref<128xi32, #tpu.memory_space<vmem>>)
        tpu.yield
      }) : () -> ()
      "tpu.region"() ({
        %run_scoped3A = tpu.sem_alloc : memref<!tpu.dma_semaphore, #tpu.memory_space<semaphore_mem>>
        %dma_start3A_31 = tpu.memref_slice %arg5[%mul3A_20] : memref<64000xi32, #tpu.memory_space<hbm>> -> memref<128xi32, #tpu.memory_space<hbm>>
        %dma_start3A_32 = tpu.memref_slice %arg5[%mul3A_20] : memref<64000xi32, #tpu.memory_space<hbm>> -> memref<128xi32, #tpu.memory_space<hbm>>
        tpu.enqueue_dma source(%dma_start3A_32 : memref<128xi32, #tpu.memory_space<hbm>>) target(%arg9 : memref<128xi32, #tpu.memory_space<vmem>>) target_semaphore(%run_scoped3A : memref<!tpu.dma_semaphore, #tpu.memory_space<semaphore_mem>>)
        %dma_wait3A_33 = tpu.memref_slice %arg5[%mul3A_20] : memref<64000xi32, #tpu.memory_space<hbm>> -> memref<128xi32, #tpu.memory_space<hbm>>
        %dma_wait3A_34 = tpu.memref_slice %arg5[%mul3A_20] : memref<64000xi32, #tpu.memory_space<hbm>> -> memref<128xi32, #tpu.memory_space<hbm>>
        tpu.wait_dma2 semaphore(%run_scoped3A : memref<!tpu.dma_semaphore, #tpu.memory_space<semaphore_mem>>) src(%dma_wait3A_34 : memref<128xi32, #tpu.memory_space<hbm>>) dst(%arg9 : memref<128xi32, #tpu.memory_space<vmem>>)
        tpu.yield
      }) : () -> ()
      %dma_start3A = arith.constant 0 : i32
      %dma_start3A_21 = arith.constant 0 : i32
      %dma_start3A_22 = tpu.memref_slice %arg2[%dma_start3A, %dma_start3A_21] : memref<10000x128xi32, #tpu.memory_space<hbm>> -> memref<10000x128xi32, #tpu.memory_space<hbm>>
      tpu.enqueue_indirect_dma source(%dma_start3A_22 : memref<10000x128xi32, #tpu.memory_space<hbm>>) target(%arg10 : memref<128x128xi32, #tpu.memory_space<vmem>>) offsets(%arg8 : memref<128xi32, #tpu.memory_space<vmem>>) semaphore(%arg12 : memref<!tpu.dma_semaphore, #tpu.memory_space<semaphore_mem>>)
      %dma_start3A_23 = arith.constant 0 : i32
      %dma_start3A_24 = arith.constant 0 : i32
      %dma_start3A_25 = tpu.memref_slice %arg3[%dma_start3A_23, %dma_start3A_24] : memref<10000x128xi32, #tpu.memory_space<hbm>> -> memref<10000x128xi32, #tpu.memory_space<hbm>>
      tpu.enqueue_indirect_dma source(%dma_start3A_25 : memref<10000x128xi32, #tpu.memory_space<hbm>>) target(%arg11 : memref<128x128xi32, #tpu.memory_space<vmem>>) offsets(%arg9 : memref<128xi32, #tpu.memory_space<vmem>>) semaphore(%arg13 : memref<!tpu.dma_semaphore, #tpu.memory_space<semaphore_mem>>)
      %dma_wait3A = arith.constant 0 : i32
      %dma_wait3A_26 = arith.constant 0 : i32
      %dma_wait3A_27 = tpu.memref_slice %arg2[%dma_wait3A, %dma_wait3A_26] : memref<10000x128xi32, #tpu.memory_space<hbm>> -> memref<10000x128xi32, #tpu.memory_space<hbm>>
      tpu.wait_indirect_dma semaphore(%arg12 : memref<!tpu.dma_semaphore, #tpu.memory_space<semaphore_mem>>) src(%dma_wait3A_27 : memref<10000x128xi32, #tpu.memory_space<hbm>>) dst(%arg10 : memref<128x128xi32, #tpu.memory_space<vmem>>)
      %dma_wait3A_28 = arith.constant 0 : i32
      %dma_wait3A_29 = arith.constant 0 : i32
      %dma_wait3A_30 = tpu.memref_slice %arg3[%dma_wait3A_28, %dma_wait3A_29] : memref<10000x128xi32, #tpu.memory_space<hbm>> -> memref<10000x128xi32, #tpu.memory_space<hbm>>
      tpu.wait_indirect_dma semaphore(%arg13 : memref<!tpu.dma_semaphore, #tpu.memory_space<semaphore_mem>>) src(%dma_wait3A_30 : memref<10000x128xi32, #tpu.memory_space<hbm>>) dst(%arg11 : memref<128x128xi32, #tpu.memory_space<vmem>>)
      "tpu.region"() ({
        %run_scoped3A = tpu.sem_alloc : memref<!tpu.dma_semaphore, #tpu.memory_space<semaphore_mem>>
        %dma_start3A_31 = arith.constant 0 : i32
        %dma_start3A_32 = tpu.memref_slice %arg6[%mul3A_20, %dma_start3A_31] : memref<64000x128xi32, #tpu.memory_space<hbm>> -> memref<128x128xi32, #tpu.memory_space<hbm>>
        %dma_start3A_33 = arith.constant 0 : i32
        %dma_start3A_34 = tpu.memref_slice %arg6[%mul3A_20, %dma_start3A_33] : memref<64000x128xi32, #tpu.memory_space<hbm>> -> memref<128x128xi32, #tpu.memory_space<hbm>>
        tpu.enqueue_dma source(%arg10 : memref<128x128xi32, #tpu.memory_space<vmem>>) target(%dma_start3A_34 : memref<128x128xi32, #tpu.memory_space<hbm>>) target_semaphore(%run_scoped3A : memref<!tpu.dma_semaphore, #tpu.memory_space<semaphore_mem>>)
        %dma_wait3A_35 = arith.constant 0 : i32
        %dma_wait3A_36 = tpu.memref_slice %arg6[%mul3A_20, %dma_wait3A_35] : memref<64000x128xi32, #tpu.memory_space<hbm>> -> memref<128x128xi32, #tpu.memory_space<hbm>>
        %dma_wait3A_37 = arith.constant 0 : i32
        %dma_wait3A_38 = tpu.memref_slice %arg6[%mul3A_20, %dma_wait3A_37] : memref<64000x128xi32, #tpu.memory_space<hbm>> -> memref<128x128xi32, #tpu.memory_space<hbm>>
        tpu.wait_dma2 semaphore(%run_scoped3A : memref<!tpu.dma_semaphore, #tpu.memory_space<semaphore_mem>>) src(%arg10 : memref<128x128xi32, #tpu.memory_space<vmem>>) dst(%dma_wait3A_38 : memref<128x128xi32, #tpu.memory_space<hbm>>)
        tpu.yield
      }) : () -> ()
      "tpu.region"() ({
        %run_scoped3A = tpu.sem_alloc : memref<!tpu.dma_semaphore, #tpu.memory_space<semaphore_mem>>
        %dma_start3A_31 = arith.constant 0 : i32
        %dma_start3A_32 = tpu.memref_slice %arg7[%mul3A_20, %dma_start3A_31] : memref<64000x128xi32, #tpu.memory_space<hbm>> -> memref<128x128xi32, #tpu.memory_space<hbm>>
        %dma_start3A_33 = arith.constant 0 : i32
        %dma_start3A_34 = tpu.memref_slice %arg7[%mul3A_20, %dma_start3A_33] : memref<64000x128xi32, #tpu.memory_space<hbm>> -> memref<128x128xi32, #tpu.memory_space<hbm>>
        tpu.enqueue_dma source(%arg11 : memref<128x128xi32, #tpu.memory_space<vmem>>) target(%dma_start3A_34 : memref<128x128xi32, #tpu.memory_space<hbm>>) target_semaphore(%run_scoped3A : memref<!tpu.dma_semaphore, #tpu.memory_space<semaphore_mem>>)
        %dma_wait3A_35 = arith.constant 0 : i32
        %dma_wait3A_36 = tpu.memref_slice %arg7[%mul3A_20, %dma_wait3A_35] : memref<64000x128xi32, #tpu.memory_space<hbm>> -> memref<128x128xi32, #tpu.memory_space<hbm>>
        %dma_wait3A_37 = arith.constant 0 : i32
        %dma_wait3A_38 = tpu.memref_slice %arg7[%mul3A_20, %dma_wait3A_37] : memref<64000x128xi32, #tpu.memory_space<hbm>> -> memref<128x128xi32, #tpu.memory_space<hbm>>
        tpu.wait_dma2 semaphore(%run_scoped3A : memref<!tpu.dma_semaphore, #tpu.memory_space<semaphore_mem>>) src(%arg11 : memref<128x128xi32, #tpu.memory_space<vmem>>) dst(%dma_wait3A_38 : memref<128x128xi32, #tpu.memory_space<hbm>>)
        tpu.yield
      }) : () -> ()
    }
    return
  }
}

#map = affine_map<(d0, d1) -> (0, 0)>
#map1 = affine_map<(d0, d1) -> (0)>
module attributes {stable_mosaic.version = 14 : i64} {
  func.func @gather_pair(%arg0: i32, %arg1: i32, %arg2: memref<10000x128xi32, #tpu.memory_space<hbm>>, %arg3: memref<10000x128xi32, #tpu.memory_space<hbm>>, %arg4: memref<64000xi32, #tpu.memory_space<hbm>>, %arg5: memref<64000xi32, #tpu.memory_space<hbm>>, %arg6: memref<64000x128xi32, #tpu.memory_space<hbm>>, %arg7: memref<64000x128xi32, #tpu.memory_space<hbm>>, %arg8: memref<128xi32, #tpu.memory_space<vmem>>, %arg9: memref<128xi32, #tpu.memory_space<vmem>>, %arg10: memref<128x128xi32, #tpu.memory_space<vmem>>, %arg11: memref<128x128xi32, #tpu.memory_space<vmem>>, %arg12: memref<!tpu.dma_semaphore, #tpu.memory_space<semaphore_mem>>, %arg13: memref<!tpu.dma_semaphore, #tpu.memory_space<semaphore_mem>>) attributes {dimension_semantics = [#tpu.dimension_semantics<core_parallel>, #tpu.dimension_semantics<subcore_parallel>], iteration_bounds = array<i64: 2, 16>, scalar_prefetch = 0 : i64, scratch_operands = 6 : i64, tpu.core_type = #tpu.core_type<sc_vector_subcore>, window_params = [{transform_indices = #map}, {transform_indices = #map}, {transform_indices = #map1}, {transform_indices = #map1}, {transform_indices = #map}, {transform_indices = #map}]} {
    %mul3A = arith.constant 2 : i32
    %mul3A_0 = arith.muli %arg1, %mul3A : i32
    %add3A = arith.addi %mul3A_0, %arg0 : i32
    %sub3A = arith.constant 500 : i32
    %sub3A_1 = arith.subi %sub3A, %add3A : i32
    %sub3A_2 = arith.constant 32 : i32
    %sub3A_3 = arith.constant 1 : i32
    %sub3A_4 = arith.subi %sub3A_2, %sub3A_3 : i32
    %add3A_5 = arith.addi %sub3A_1, %sub3A_4 : i32
    %div3A = arith.constant 32 : i32
    %div3A_6 = arith.divsi %add3A_5, %div3A : i32
    %while3A = arith.constant 32 : i32
    %while3A_7 = arith.constant 0 : i32
    %while3A_8 = arith.subi %div3A_6, %while3A_7 : i32
    %while3A_9 = arith.addi %while3A_7, %while3A_8 : i32
    %while3A_10 = arith.constant 1 : i32
    %while3A_11 = arith.divsi %while3A_8, %while3A_10 : i32
    %while3A_12 = arith.muli %while3A_11, %while3A_10 : i32
    %while3A_13 = arith.addi %while3A_7, %while3A_12 : i32
    %while3A_14 = arith.constant 1 : i32
    scf.for %while3A_16 = %while3A_7 to %while3A_13 step %while3A_14  : i32 {
      %mul3A_17 = arith.muli %while3A_16, %while3A : i32
      %add3A_18 = arith.addi %add3A, %mul3A_17 : i32
      %mul3A_19 = arith.constant 128 : i32
      %mul3A_20 = arith.muli %add3A_18, %mul3A_19 : i32
      "tpu.region"() ({
        %run_scoped3A = tpu.sem_alloc : memref<!tpu.dma_semaphore, #tpu.memory_space<semaphore_mem>>
        %dma_start3A_31 = tpu.memref_slice %arg4[%mul3A_20] : memref<64000xi32, #tpu.memory_space<hbm>> -> memref<128xi32, #tpu.memory_space<hbm>>
        %dma_start3A_32 = tpu.memref_slice %arg4[%mul3A_20] : memref<64000xi32, #tpu.memory_space<hbm>> -> memref<128xi32, #tpu.memory_space<hbm>>
        tpu.enqueue_dma source(%dma_start3A_32 : memref<128xi32, #tpu.memory_space<hbm>>) target(%arg8 : memref<128xi32, #tpu.memory_space<vmem>>) target_semaphore(%run_scoped3A : memref<!tpu.dma_semaphore, #tpu.memory_space<semaphore_mem>>)
        %dma_wait3A_33 = tpu.memref_slice %arg4[%mul3A_20] : memref<64000xi32, #tpu.memory_space<hbm>> -> memref<128xi32, #tpu.memory_space<hbm>>
        %dma_wait3A_34 = tpu.memref_slice %arg4[%mul3A_20] : memref<64000xi32, #tpu.memory_space<hbm>> -> memref<128xi32, #tpu.memory_space<hbm>>
        tpu.wait_dma2 semaphore(%run_scoped3A : memref<!tpu.dma_semaphore, #tpu.memory_space<semaphore_mem>>) src(%dma_wait3A_34 : memref<128xi32, #tpu.memory_space<hbm>>) dst(%arg8 : memref<128xi32, #tpu.memory_space<vmem>>)
        tpu.yield
      }) : () -> ()
      "tpu.region"() ({
        %run_scoped3A = tpu.sem_alloc : memref<!tpu.dma_semaphore, #tpu.memory_space<semaphore_mem>>
        %dma_start3A_31 = tpu.memref_slice %arg5[%mul3A_20] : memref<64000xi32, #tpu.memory_space<hbm>> -> memref<128xi32, #tpu.memory_space<hbm>>
        %dma_start3A_32 = tpu.memref_slice %arg5[%mul3A_20] : memref<64000xi32, #tpu.memory_space<hbm>> -> memref<128xi32, #tpu.memory_space<hbm>>
        tpu.enqueue_dma source(%dma_start3A_32 : memref<128xi32, #tpu.memory_space<hbm>>) target(%arg9 : memref<128xi32, #tpu.memory_space<vmem>>) target_semaphore(%run_scoped3A : memref<!tpu.dma_semaphore, #tpu.memory_space<semaphore_mem>>)
        %dma_wait3A_33 = tpu.memref_slice %arg5[%mul3A_20] : memref<64000xi32, #tpu.memory_space<hbm>> -> memref<128xi32, #tpu.memory_space<hbm>>
        %dma_wait3A_34 = tpu.memref_slice %arg5[%mul3A_20] : memref<64000xi32, #tpu.memory_space<hbm>> -> memref<128xi32, #tpu.memory_space<hbm>>
        tpu.wait_dma2 semaphore(%run_scoped3A : memref<!tpu.dma_semaphore, #tpu.memory_space<semaphore_mem>>) src(%dma_wait3A_34 : memref<128xi32, #tpu.memory_space<hbm>>) dst(%arg9 : memref<128xi32, #tpu.memory_space<vmem>>)
        tpu.yield
      }) : () -> ()
      %dma_start3A = arith.constant 0 : i32
      %dma_start3A_21 = arith.constant 0 : i32
      %dma_start3A_22 = tpu.memref_slice %arg2[%dma_start3A, %dma_start3A_21] : memref<10000x128xi32, #tpu.memory_space<hbm>> -> memref<10000x128xi32, #tpu.memory_space<hbm>>
      tpu.enqueue_indirect_dma source(%dma_start3A_22 : memref<10000x128xi32, #tpu.memory_space<hbm>>) target(%arg10 : memref<128x128xi32, #tpu.memory_space<vmem>>) offsets(%arg8 : memref<128xi32, #tpu.memory_space<vmem>>) semaphore(%arg12 : memref<!tpu.dma_semaphore, #tpu.memory_space<semaphore_mem>>)
      %dma_start3A_23 = arith.constant 0 : i32
      %dma_start3A_24 = arith.constant 0 : i32
      %dma_start3A_25 = tpu.memref_slice %arg3[%dma_start3A_23, %dma_start3A_24] : memref<10000x128xi32, #tpu.memory_space<hbm>> -> memref<10000x128xi32, #tpu.memory_space<hbm>>
      tpu.enqueue_indirect_dma source(%dma_start3A_25 : memref<10000x128xi32, #tpu.memory_space<hbm>>) target(%arg11 : memref<128x128xi32, #tpu.memory_space<vmem>>) offsets(%arg9 : memref<128xi32, #tpu.memory_space<vmem>>) semaphore(%arg13 : memref<!tpu.dma_semaphore, #tpu.memory_space<semaphore_mem>>)
      %dma_wait3A = arith.constant 0 : i32
      %dma_wait3A_26 = arith.constant 0 : i32
      %dma_wait3A_27 = tpu.memref_slice %arg2[%dma_wait3A, %dma_wait3A_26] : memref<10000x128xi32, #tpu.memory_space<hbm>> -> memref<10000x128xi32, #tpu.memory_space<hbm>>
      tpu.wait_indirect_dma semaphore(%arg12 : memref<!tpu.dma_semaphore, #tpu.memory_space<semaphore_mem>>) src(%dma_wait3A_27 : memref<10000x128xi32, #tpu.memory_space<hbm>>) dst(%arg10 : memref<128x128xi32, #tpu.memory_space<vmem>>)
      %dma_wait3A_28 = arith.constant 0 : i32
      %dma_wait3A_29 = arith.constant 0 : i32
      %dma_wait3A_30 = tpu.memref_slice %arg3[%dma_wait3A_28, %dma_wait3A_29] : memref<10000x128xi32, #tpu.memory_space<hbm>> -> memref<10000x128xi32, #tpu.memory_space<hbm>>
      tpu.wait_indirect_dma semaphore(%arg13 : memref<!tpu.dma_semaphore, #tpu.memory_space<semaphore_mem>>) src(%dma_wait3A_30 : memref<10000x128xi32, #tpu.memory_space<hbm>>) dst(%arg11 : memref<128x128xi32, #tpu.memory_space<vmem>>)
      "tpu.region"() ({
        %run_scoped3A = tpu.sem_alloc : memref<!tpu.dma_semaphore, #tpu.memory_space<semaphore_mem>>
        %dma_start3A_31 = arith.constant 0 : i32
        %dma_start3A_32 = tpu.memref_slice %arg6[%mul3A_20, %dma_start3A_31] : memref<64000x128xi32, #tpu.memory_space<hbm>> -> memref<128x128xi32, #tpu.memory_space<hbm>>
        %dma_start3A_33 = arith.constant 0 : i32
        %dma_start3A_34 = tpu.memref_slice %arg6[%mul3A_20, %dma_start3A_33] : memref<64000x128xi32, #tpu.memory_space<hbm>> -> memref<128x128xi32, #tpu.memory_space<hbm>>
        tpu.enqueue_dma source(%arg10 : memref<128x128xi32, #tpu.memory_space<vmem>>) target(%dma_start3A_34 : memref<128x128xi32, #tpu.memory_space<hbm>>) target_semaphore(%run_scoped3A : memref<!tpu.dma_semaphore, #tpu.memory_space<semaphore_mem>>)
        %dma_wait3A_35 = arith.constant 0 : i32
        %dma_wait3A_36 = tpu.memref_slice %arg6[%mul3A_20, %dma_wait3A_35] : memref<64000x128xi32, #tpu.memory_space<hbm>> -> memref<128x128xi32, #tpu.memory_space<hbm>>
        %dma_wait3A_37 = arith.constant 0 : i32
        %dma_wait3A_38 = tpu.memref_slice %arg6[%mul3A_20, %dma_wait3A_37] : memref<64000x128xi32, #tpu.memory_space<hbm>> -> memref<128x128xi32, #tpu.memory_space<hbm>>
        tpu.wait_dma2 semaphore(%run_scoped3A : memref<!tpu.dma_semaphore, #tpu.memory_space<semaphore_mem>>) src(%arg10 : memref<128x128xi32, #tpu.memory_space<vmem>>) dst(%dma_wait3A_38 : memref<128x128xi32, #tpu.memory_space<hbm>>)
        tpu.yield
      }) : () -> ()
      "tpu.region"() ({
        %run_scoped3A = tpu.sem_alloc : memref<!tpu.dma_semaphore, #tpu.memory_space<semaphore_mem>>
        %dma_start3A_31 = arith.constant 0 : i32
        %dma_start3A_32 = tpu.memref_slice %arg7[%mul3A_20, %dma_start3A_31] : memref<64000x128xi32, #tpu.memory_space<hbm>> -> memref<128x128xi32, #tpu.memory_space<hbm>>
        %dma_start3A_33 = arith.constant 0 : i32
        %dma_start3A_34 = tpu.memref_slice %arg7[%mul3A_20, %dma_start3A_33] : memref<64000x128xi32, #tpu.memory_space<hbm>> -> memref<128x128xi32, #tpu.memory_space<hbm>>
        tpu.enqueue_dma source(%arg11 : memref<128x128xi32, #tpu.memory_space<vmem>>) target(%dma_start3A_34 : memref<128x128xi32, #tpu.memory_space<hbm>>) target_semaphore(%run_scoped3A : memref<!tpu.dma_semaphore, #tpu.memory_space<semaphore_mem>>)
        %dma_wait3A_35 = arith.constant 0 : i32
        %dma_wait3A_36 = tpu.memref_slice %arg7[%mul3A_20, %dma_wait3A_35] : memref<64000x128xi32, #tpu.memory_space<hbm>> -> memref<128x128xi32, #tpu.memory_space<hbm>>
        %dma_wait3A_37 = arith.constant 0 : i32
        %dma_wait3A_38 = tpu.memref_slice %arg7[%mul3A_20, %dma_wait3A_37] : memref<64000x128xi32, #tpu.memory_space<hbm>> -> memref<128x128xi32, #tpu.memory_space<hbm>>
        tpu.wait_dma2 semaphore(%run_scoped3A : memref<!tpu.dma_semaphore, #tpu.memory_space<semaphore_mem>>) src(%arg11 : memref<128x128xi32, #tpu.memory_space<vmem>>) dst(%dma_wait3A_38 : memref<128x128xi32, #tpu.memory_space<hbm>>)
        tpu.yield
      }) : () -> ()
    }
    %while3A_15 = arith.constant 1 : i32
    scf.for %while3A_16 = %while3A_13 to %while3A_9 step %while3A_15  : i32 {
      %mul3A_17 = arith.muli %while3A_16, %while3A : i32
      %add3A_18 = arith.addi %add3A, %mul3A_17 : i32
      %mul3A_19 = arith.constant 128 : i32
      %mul3A_20 = arith.muli %add3A_18, %mul3A_19 : i32
      "tpu.region"() ({
        %run_scoped3A = tpu.sem_alloc : memref<!tpu.dma_semaphore, #tpu.memory_space<semaphore_mem>>
        %dma_start3A_31 = tpu.memref_slice %arg4[%mul3A_20] : memref<64000xi32, #tpu.memory_space<hbm>> -> memref<128xi32, #tpu.memory_space<hbm>>
        %dma_start3A_32 = tpu.memref_slice %arg4[%mul3A_20] : memref<64000xi32, #tpu.memory_space<hbm>> -> memref<128xi32, #tpu.memory_space<hbm>>
        tpu.enqueue_dma source(%dma_start3A_32 : memref<128xi32, #tpu.memory_space<hbm>>) target(%arg8 : memref<128xi32, #tpu.memory_space<vmem>>) target_semaphore(%run_scoped3A : memref<!tpu.dma_semaphore, #tpu.memory_space<semaphore_mem>>)
        %dma_wait3A_33 = tpu.memref_slice %arg4[%mul3A_20] : memref<64000xi32, #tpu.memory_space<hbm>> -> memref<128xi32, #tpu.memory_space<hbm>>
        %dma_wait3A_34 = tpu.memref_slice %arg4[%mul3A_20] : memref<64000xi32, #tpu.memory_space<hbm>> -> memref<128xi32, #tpu.memory_space<hbm>>
        tpu.wait_dma2 semaphore(%run_scoped3A : memref<!tpu.dma_semaphore, #tpu.memory_space<semaphore_mem>>) src(%dma_wait3A_34 : memref<128xi32, #tpu.memory_space<hbm>>) dst(%arg8 : memref<128xi32, #tpu.memory_space<vmem>>)
        tpu.yield
      }) : () -> ()
      "tpu.region"() ({
        %run_scoped3A = tpu.sem_alloc : memref<!tpu.dma_semaphore, #tpu.memory_space<semaphore_mem>>
        %dma_start3A_31 = tpu.memref_slice %arg5[%mul3A_20] : memref<64000xi32, #tpu.memory_space<hbm>> -> memref<128xi32, #tpu.memory_space<hbm>>
        %dma_start3A_32 = tpu.memref_slice %arg5[%mul3A_20] : memref<64000xi32, #tpu.memory_space<hbm>> -> memref<128xi32, #tpu.memory_space<hbm>>
        tpu.enqueue_dma source(%dma_start3A_32 : memref<128xi32, #tpu.memory_space<hbm>>) target(%arg9 : memref<128xi32, #tpu.memory_space<vmem>>) target_semaphore(%run_scoped3A : memref<!tpu.dma_semaphore, #tpu.memory_space<semaphore_mem>>)
        %dma_wait3A_33 = tpu.memref_slice %arg5[%mul3A_20] : memref<64000xi32, #tpu.memory_space<hbm>> -> memref<128xi32, #tpu.memory_space<hbm>>
        %dma_wait3A_34 = tpu.memref_slice %arg5[%mul3A_20] : memref<64000xi32, #tpu.memory_space<hbm>> -> memref<128xi32, #tpu.memory_space<hbm>>
        tpu.wait_dma2 semaphore(%run_scoped3A : memref<!tpu.dma_semaphore, #tpu.memory_space<semaphore_mem>>) src(%dma_wait3A_34 : memref<128xi32, #tpu.memory_space<hbm>>) dst(%arg9 : memref<128xi32, #tpu.memory_space<vmem>>)
        tpu.yield
      }) : () -> ()
      %dma_start3A = arith.constant 0 : i32
      %dma_start3A_21 = arith.constant 0 : i32
      %dma_start3A_22 = tpu.memref_slice %arg2[%dma_start3A, %dma_start3A_21] : memref<10000x128xi32, #tpu.memory_space<hbm>> -> memref<10000x128xi32, #tpu.memory_space<hbm>>
      tpu.enqueue_indirect_dma source(%dma_start3A_22 : memref<10000x128xi32, #tpu.memory_space<hbm>>) target(%arg10 : memref<128x128xi32, #tpu.memory_space<vmem>>) offsets(%arg8 : memref<128xi32, #tpu.memory_space<vmem>>) semaphore(%arg12 : memref<!tpu.dma_semaphore, #tpu.memory_space<semaphore_mem>>)
      %dma_start3A_23 = arith.constant 0 : i32
      %dma_start3A_24 = arith.constant 0 : i32
      %dma_start3A_25 = tpu.memref_slice %arg3[%dma_start3A_23, %dma_start3A_24] : memref<10000x128xi32, #tpu.memory_space<hbm>> -> memref<10000x128xi32, #tpu.memory_space<hbm>>
      tpu.enqueue_indirect_dma source(%dma_start3A_25 : memref<10000x128xi32, #tpu.memory_space<hbm>>) target(%arg11 : memref<128x128xi32, #tpu.memory_space<vmem>>) offsets(%arg9 : memref<128xi32, #tpu.memory_space<vmem>>) semaphore(%arg13 : memref<!tpu.dma_semaphore, #tpu.memory_space<semaphore_mem>>)
      %dma_wait3A = arith.constant 0 : i32
      %dma_wait3A_26 = arith.constant 0 : i32
      %dma_wait3A_27 = tpu.memref_slice %arg2[%dma_wait3A, %dma_wait3A_26] : memref<10000x128xi32, #tpu.memory_space<hbm>> -> memref<10000x128xi32, #tpu.memory_space<hbm>>
      tpu.wait_indirect_dma semaphore(%arg12 : memref<!tpu.dma_semaphore, #tpu.memory_space<semaphore_mem>>) src(%dma_wait3A_27 : memref<10000x128xi32, #tpu.memory_space<hbm>>) dst(%arg10 : memref<128x128xi32, #tpu.memory_space<vmem>>)
      %dma_wait3A_28 = arith.constant 0 : i32
      %dma_wait3A_29 = arith.constant 0 : i32
      %dma_wait3A_30 = tpu.memref_slice %arg3[%dma_wait3A_28, %dma_wait3A_29] : memref<10000x128xi32, #tpu.memory_space<hbm>> -> memref<10000x128xi32, #tpu.memory_space<hbm>>
      tpu.wait_indirect_dma semaphore(%arg13 : memref<!tpu.dma_semaphore, #tpu.memory_space<semaphore_mem>>) src(%dma_wait3A_30 : memref<10000x128xi32, #tpu.memory_space<hbm>>) dst(%arg11 : memref<128x128xi32, #tpu.memory_space<vmem>>)
      "tpu.region"() ({
        %run_scoped3A = tpu.sem_alloc : memref<!tpu.dma_semaphore, #tpu.memory_space<semaphore_mem>>
        %dma_start3A_31 = arith.constant 0 : i32
        %dma_start3A_32 = tpu.memref_slice %arg6[%mul3A_20, %dma_start3A_31] : memref<64000x128xi32, #tpu.memory_space<hbm>> -> memref<128x128xi32, #tpu.memory_space<hbm>>
        %dma_start3A_33 = arith.constant 0 : i32
        %dma_start3A_34 = tpu.memref_slice %arg6[%mul3A_20, %dma_start3A_33] : memref<64000x128xi32, #tpu.memory_space<hbm>> -> memref<128x128xi32, #tpu.memory_space<hbm>>
        tpu.enqueue_dma source(%arg10 : memref<128x128xi32, #tpu.memory_space<vmem>>) target(%dma_start3A_34 : memref<128x128xi32, #tpu.memory_space<hbm>>) target_semaphore(%run_scoped3A : memref<!tpu.dma_semaphore, #tpu.memory_space<semaphore_mem>>)
        %dma_wait3A_35 = arith.constant 0 : i32
        %dma_wait3A_36 = tpu.memref_slice %arg6[%mul3A_20, %dma_wait3A_35] : memref<64000x128xi32, #tpu.memory_space<hbm>> -> memref<128x128xi32, #tpu.memory_space<hbm>>
        %dma_wait3A_37 = arith.constant 0 : i32
        %dma_wait3A_38 = tpu.memref_slice %arg6[%mul3A_20, %dma_wait3A_37] : memref<64000x128xi32, #tpu.memory_space<hbm>> -> memref<128x128xi32, #tpu.memory_space<hbm>>
        tpu.wait_dma2 semaphore(%run_scoped3A : memref<!tpu.dma_semaphore, #tpu.memory_space<semaphore_mem>>) src(%arg10 : memref<128x128xi32, #tpu.memory_space<vmem>>) dst(%dma_wait3A_38 : memref<128x128xi32, #tpu.memory_space<hbm>>)
        tpu.yield
      }) : () -> ()
      "tpu.region"() ({
        %run_scoped3A = tpu.sem_alloc : memref<!tpu.dma_semaphore, #tpu.memory_space<semaphore_mem>>
        %dma_start3A_31 = arith.constant 0 : i32
        %dma_start3A_32 = tpu.memref_slice %arg7[%mul3A_20, %dma_start3A_31] : memref<64000x128xi32, #tpu.memory_space<hbm>> -> memref<128x128xi32, #tpu.memory_space<hbm>>
        %dma_start3A_33 = arith.constant 0 : i32
        %dma_start3A_34 = tpu.memref_slice %arg7[%mul3A_20, %dma_start3A_33] : memref<64000x128xi32, #tpu.memory_space<hbm>> -> memref<128x128xi32, #tpu.memory_space<hbm>>
        tpu.enqueue_dma source(%arg11 : memref<128x128xi32, #tpu.memory_space<vmem>>) target(%dma_start3A_34 : memref<128x128xi32, #tpu.memory_space<hbm>>) target_semaphore(%run_scoped3A : memref<!tpu.dma_semaphore, #tpu.memory_space<semaphore_mem>>)
        %dma_wait3A_35 = arith.constant 0 : i32
        %dma_wait3A_36 = tpu.memref_slice %arg7[%mul3A_20, %dma_wait3A_35] : memref<64000x128xi32, #tpu.memory_space<hbm>> -> memref<128x128xi32, #tpu.memory_space<hbm>>
        %dma_wait3A_37 = arith.constant 0 : i32
        %dma_wait3A_38 = tpu.memref_slice %arg7[%mul3A_20, %dma_wait3A_37] : memref<64000x128xi32, #tpu.memory_space<hbm>> -> memref<128x128xi32, #tpu.memory_space<hbm>>
        tpu.wait_dma2 semaphore(%run_scoped3A : memref<!tpu.dma_semaphore, #tpu.memory_space<semaphore_mem>>) src(%arg11 : memref<128x128xi32, #tpu.memory_space<vmem>>) dst(%dma_wait3A_38 : memref<128x128xi32, #tpu.memory_space<hbm>>)
        tpu.yield
      }) : () -> ()
    }
    return
  }
}

module attributes {stable_mosaic.version = 14 : i64} {
  func.func @body(%arg0: i32, %arg1: memref<1000x128xf32, #tpu.memory_space<vmem>>, %arg2: memref<128x256xf32, #tpu.memory_space<vmem>>, %arg3: memref<1x256xf32, #tpu.memory_space<vmem>>, %arg4: memref<2x1000x128xf32, #tpu.memory_space<vmem>>) attributes {dimension_semantics = [#tpu.dimension_semantics<arbitrary>], iteration_bounds = array<i64: 10>, scalar_prefetch = 0 : i64, scratch_operands = 0 : i64, tpu.core_type = #tpu.core_type<tc>, window_params = [{transform_indices = @transform_0, window_bounds = array<i64: 1000, 128>}, {pipeline_mode = #tpu.pipeline_mode<synchronous>, transform_indices = @transform_1, window_bounds = array<i64: 128, 256>}, {pipeline_mode = #tpu.pipeline_mode<synchronous>, transform_indices = @transform_2, window_bounds = array<i64: 1, 256>}, {transform_indices = @transform_3, window_bounds = array<i64: 2, 1000, 128>}]} {
    %get3A = arith.constant 0 : index
    %get3A_0 = arith.constant 0 : index
    %get3A_1 = vector.load %arg1[%get3A, %get3A_0] : memref<1000x128xf32, #tpu.memory_space<vmem>>, vector<1000x128xf32>
    %get3A_2 = arith.constant 0 : index
    %get3A_3 = arith.constant 0 : index
    %get3A_4 = vector.load %arg2[%get3A_2, %get3A_3] : memref<128x256xf32, #tpu.memory_space<vmem>>, vector<128x256xf32>
    %dot_general3A = arith.constant dense<0.000000e+00> : vector<1000x256xf32>
    %dot_general3A_5 = tpu.matmul %get3A_1, %get3A_4, %dot_general3A {dimension_numbers = #tpu.dot_dimension_numbers<[1], [0], [0], [1], [0, 0, 1, 1], [], []>, transpose_lhs_hint = false} : vector<1000x128xf32>, vector<128x256xf32>, vector<1000x256xf32> -> vector<1000x256xf32>
    %get3A_6 = arith.constant 0 : index
    %get3A_7 = arith.constant 0 : index
    %get3A_8 = vector.load %arg3[%get3A_6, %get3A_7] : memref<1x256xf32, #tpu.memory_space<vmem>>, vector<1x256xf32>
    %add3A = vector.broadcast %get3A_8 : vector<1x256xf32> to vector<1000x256xf32>
    %add3A_9 = arith.addf %dot_general3A_5, %add3A : vector<1000x256xf32>
    %slice3A = vector.extract_strided_slice %add3A_9 {offsets = [0, 0], sizes = [1000, 128], strides = [1, 1]} : vector<1000x256xf32> to vector<1000x128xf32>
    %swap3A = arith.constant 0 : index
    %swap3A_10 = arith.constant 0 : index
    %swap3A_11 = arith.constant 0 : index
    %swap3A_12 = vector.load %arg4[%swap3A, %swap3A_10, %swap3A_11] : memref<2x1000x128xf32, #tpu.memory_space<vmem>>, vector<1x1000x128xf32>
    %swap3A_13 = vector.shape_cast %swap3A_12 : vector<1x1000x128xf32> to vector<1000x128xf32>
    %swap3A_14 = vector.shape_cast %slice3A : vector<1000x128xf32> to vector<1x1000x128xf32>
    tpu.vector_store %arg4[%swap3A, %swap3A_10, %swap3A_11], %swap3A_14 {strides = array<i32>} : memref<2x1000x128xf32, #tpu.memory_space<vmem>>, vector<1x1000x128xf32>,
    %slice3A_15 = vector.extract_strided_slice %add3A_9 {offsets = [0, 128], sizes = [1000, 128], strides = [1, 1]} : vector<1000x256xf32> to vector<1000x128xf32>
    %swap3A_16 = arith.constant 1 : index
    %swap3A_17 = arith.constant 0 : index
    %swap3A_18 = arith.constant 0 : index
    %swap3A_19 = vector.load %arg4[%swap3A_16, %swap3A_17, %swap3A_18] : memref<2x1000x128xf32, #tpu.memory_space<vmem>>, vector<1x1000x128xf32>
    %swap3A_20 = vector.shape_cast %swap3A_19 : vector<1x1000x128xf32> to vector<1000x128xf32>
    %swap3A_21 = vector.shape_cast %slice3A_15 : vector<1000x128xf32> to vector<1x1000x128xf32>
    tpu.vector_store %arg4[%swap3A_16, %swap3A_17, %swap3A_18], %swap3A_21 {strides = array<i32>} : memref<2x1000x128xf32, #tpu.memory_space<vmem>>, vector<1x1000x128xf32>,
    return
  }
  func.func @transform_0(%arg0: i32) -> (i32, i32) {
    %c0_i32 = arith.constant 0 : i32
    %c0_i32_0 = arith.constant 0 : i32
    return %arg0, %c0_i32 : i32, i32
  }
  func.func @transform_1(%arg0: i32) -> (i32, i32) {
    %c0_i32 = arith.constant 0 : i32
    %c0_i32_0 = arith.constant 0 : i32
    %c0_i32_1 = arith.constant 0 : i32
    return %c0_i32, %c0_i32_0 : i32, i32
  }
  func.func @transform_2(%arg0: i32) -> (i32, i32) {
    %c0_i32 = arith.constant 0 : i32
    %c0_i32_0 = arith.constant 0 : i32
    %c0_i32_1 = arith.constant 0 : i32
    return %c0_i32, %c0_i32_0 : i32, i32
  }
  func.func @transform_3(%arg0: i32) -> (i32, i32, i32) {
    %c0_i32 = arith.constant 0 : i32
    %c0_i32_0 = arith.constant 0 : i32
    %c0_i32_1 = arith.constant 0 : i32
    return %c0_i32, %arg0, %c0_i32_0 : i32, i32, i32
  }
}

module attributes {stable_mosaic.version = 14 : i64} {
  func.func @body(%arg0: i32, %arg1: memref<2x1000x128xf32, #tpu.memory_space<vmem>>, %arg2: memref<2x1000x128xf32, #tpu.memory_space<vmem>>, %arg3: memref<1x1xf32, #tpu.memory_space<vmem>>, %arg4: memref<256x256xf32, #tpu.memory_space<vmem>>, %arg5: memref<1x256xf32, #tpu.memory_space<vmem>>, %arg6: memref<256x256xf32, #tpu.memory_space<vmem>>, %arg7: memref<1x256xf32, #tpu.memory_space<vmem>>, %arg8: memref<1x256xf32, #tpu.memory_space<vmem>>, %arg9: memref<1x256xf32, #tpu.memory_space<vmem>>, %arg10: memref<2x1000x128xf32, #tpu.memory_space<vmem>>) attributes {dimension_semantics = [#tpu.dimension_semantics<arbitrary>], iteration_bounds = array<i64: 10>, scalar_prefetch = 0 : i64, scratch_operands = 0 : i64, tpu.core_type = #tpu.core_type<tc>, window_params = [{transform_indices = @transform_0, window_bounds = array<i64: 2, 1000, 128>}, {transform_indices = @transform_1, window_bounds = array<i64: 2, 1000, 128>}, {pipeline_mode = #tpu.pipeline_mode<synchronous>, transform_indices = @transform_2, window_bounds = array<i64: 1, 1>}, {pipeline_mode = #tpu.pipeline_mode<synchronous>, transform_indices = @transform_3, window_bounds = array<i64: 256, 256>}, {pipeline_mode = #tpu.pipeline_mode<synchronous>, transform_indices = @transform_4, window_bounds = array<i64: 1, 256>}, {pipeline_mode = #tpu.pipeline_mode<synchronous>, transform_indices = @transform_5, window_bounds = array<i64: 256, 256>}, {pipeline_mode = #tpu.pipeline_mode<synchronous>, transform_indices = @transform_6, window_bounds = array<i64: 1, 256>}, {pipeline_mode = #tpu.pipeline_mode<synchronous>, transform_indices = @transform_7, window_bounds = array<i64: 1, 256>}, {pipeline_mode = #tpu.pipeline_mode<synchronous>, transform_indices = @transform_8, window_bounds = array<i64: 1, 256>}, {transform_indices = @transform_9, window_bounds = array<i64: 2, 1000, 128>}]} {
    %get3A = arith.constant 0 : index
    %get3A_0 = arith.constant 0 : index
    %get3A_1 = arith.constant 0 : index
    %get3A_2 = vector.load %arg1[%get3A, %get3A_0, %get3A_1] : memref<2x1000x128xf32, #tpu.memory_space<vmem>>, vector<1x1000x128xf32>
    %get3A_3 = vector.shape_cast %get3A_2 : vector<1x1000x128xf32> to vector<1000x128xf32>
    %get3A_4 = arith.constant 1 : index
    %get3A_5 = arith.constant 0 : index
    %get3A_6 = arith.constant 0 : index
    %get3A_7 = vector.load %arg1[%get3A_4, %get3A_5, %get3A_6] : memref<2x1000x128xf32, #tpu.memory_space<vmem>>, vector<1x1000x128xf32>
    %get3A_8 = vector.shape_cast %get3A_7 : vector<1x1000x128xf32> to vector<1000x128xf32>
    %concatenate3A = tpu.concatenate %get3A_3, %get3A_8 in 1 : vector<1000x128xf32>, vector<1000x128xf32> -> vector<1000x256xf32>
    %get3A_9 = arith.constant 0 : index
    %get3A_10 = arith.constant 0 : index
    %get3A_11 = arith.constant 0 : index
    %get3A_12 = vector.load %arg2[%get3A_9, %get3A_10, %get3A_11] : memref<2x1000x128xf32, #tpu.memory_space<vmem>>, vector<1x1000x128xf32>
    %get3A_13 = vector.shape_cast %get3A_12 : vector<1x1000x128xf32> to vector<1000x128xf32>
    %get3A_14 = arith.constant 1 : index
    %get3A_15 = arith.constant 0 : index
    %get3A_16 = arith.constant 0 : index
    %get3A_17 = vector.load %arg2[%get3A_14, %get3A_15, %get3A_16] : memref<2x1000x128xf32, #tpu.memory_space<vmem>>, vector<1x1000x128xf32>
    %get3A_18 = vector.shape_cast %get3A_17 : vector<1x1000x128xf32> to vector<1000x128xf32>
    %concatenate3A_19 = tpu.concatenate %get3A_13, %get3A_18 in 1 : vector<1000x128xf32>, vector<1000x128xf32> -> vector<1000x256xf32>
    %get3A_20 = arith.constant 0 : index
    %get3A_21 = arith.constant 0 : index
    %get3A_22 = vector.load %arg3[%get3A_20, %get3A_21] : memref<1x1xf32, #tpu.memory_space<vmem>>, vector<1x1xf32>
    %get3A_23 = vector.extract %get3A_22[0, 0] : f32 from vector<1x1xf32>
    %mul3A = vector.broadcast %get3A_23 : f32 to vector<1000x256xf32>
    %mul3A_24 = arith.mulf %mul3A, %concatenate3A : vector<1000x256xf32>
    %add3A = arith.addf %mul3A_24, %concatenate3A_19 : vector<1000x256xf32>
    %get3A_25 = arith.constant 0 : index
    %get3A_26 = arith.constant 0 : index
    %get3A_27 = vector.load %arg4[%get3A_25, %get3A_26] : memref<256x256xf32, #tpu.memory_space<vmem>>, vector<256x256xf32>
    %dot_general3A = arith.constant dense<0.000000e+00> : vector<1000x256xf32>
    %dot_general3A_28 = tpu.matmul %add3A, %get3A_27, %dot_general3A {dimension_numbers = #tpu.dot_dimension_numbers<[1], [0], [0], [1], [0, 0, 1, 1], [], []>, transpose_lhs_hint = false} : vector<1000x256xf32>, vector<256x256xf32>, vector<1000x256xf32> -> vector<1000x256xf32>
    %get3A_29 = arith.constant 0 : index
    %get3A_30 = arith.constant 0 : index
    %get3A_31 = vector.load %arg5[%get3A_29, %get3A_30] : memref<1x256xf32, #tpu.memory_space<vmem>>, vector<1x256xf32>
    %add3A_32 = vector.broadcast %get3A_31 : vector<1x256xf32> to vector<1000x256xf32>
    %add3A_33 = arith.addf %dot_general3A_28, %add3A_32 : vector<1000x256xf32>
    %max3A = arith.constant 0.000000e+00 : f32
    %max3A_34 = vector.broadcast %max3A : f32 to vector<1000x256xf32>
    %max3A_35 = arith.maximumf %add3A_33, %max3A_34 : vector<1000x256xf32>
    %get3A_36 = arith.constant 0 : index
    %get3A_37 = arith.constant 0 : index
    %get3A_38 = vector.load %arg6[%get3A_36, %get3A_37] : memref<256x256xf32, #tpu.memory_space<vmem>>, vector<256x256xf32>
    %dot_general3A_39 = arith.constant dense<0.000000e+00> : vector<1000x256xf32>
    %dot_general3A_40 = tpu.matmul %max3A_35, %get3A_38, %dot_general3A_39 {dimension_numbers = #tpu.dot_dimension_numbers<[1], [0], [0], [1], [0, 0, 1, 1], [], []>, transpose_lhs_hint = false} : vector<1000x256xf32>, vector<256x256xf32>, vector<1000x256xf32> -> vector<1000x256xf32>
    %get3A_41 = arith.constant 0 : index
    %get3A_42 = arith.constant 0 : index
    %get3A_43 = vector.load %arg7[%get3A_41, %get3A_42] : memref<1x256xf32, #tpu.memory_space<vmem>>, vector<1x256xf32>
    %add3A_44 = vector.broadcast %get3A_43 : vector<1x256xf32> to vector<1000x256xf32>
    %add3A_45 = arith.addf %dot_general3A_40, %add3A_44 : vector<1000x256xf32>
    %max3A_46 = arith.constant 0.000000e+00 : f32
    %max3A_47 = vector.broadcast %max3A_46 : f32 to vector<1000x256xf32>
    %max3A_48 = arith.maximumf %add3A_45, %max3A_47 : vector<1000x256xf32>
    %get3A_49 = arith.constant 0 : index
    %get3A_50 = arith.constant 0 : index
    %get3A_51 = vector.load %arg8[%get3A_49, %get3A_50] : memref<1x256xf32, #tpu.memory_space<vmem>>, vector<1x256xf32>
    %mul3A_52 = vector.broadcast %get3A_51 : vector<1x256xf32> to vector<1000x256xf32>
    %mul3A_53 = arith.mulf %max3A_48, %mul3A_52 : vector<1000x256xf32>
    %get3A_54 = arith.constant 0 : index
    %get3A_55 = arith.constant 0 : index
    %get3A_56 = vector.load %arg9[%get3A_54, %get3A_55] : memref<1x256xf32, #tpu.memory_space<vmem>>, vector<1x256xf32>
    %add3A_57 = vector.broadcast %get3A_56 : vector<1x256xf32> to vector<1000x256xf32>
    %add3A_58 = arith.addf %mul3A_53, %add3A_57 : vector<1000x256xf32>
    %max3A_59 = arith.constant 0.000000e+00 : f32
    %max3A_60 = vector.broadcast %max3A_59 : f32 to vector<1000x256xf32>
    %max3A_61 = arith.maximumf %add3A_58, %max3A_60 : vector<1000x256xf32>
    %slice3A = vector.extract_strided_slice %max3A_61 {offsets = [0, 0], sizes = [1000, 128], strides = [1, 1]} : vector<1000x256xf32> to vector<1000x128xf32>
    %swap3A = arith.constant 0 : index
    %swap3A_62 = arith.constant 0 : index
    %swap3A_63 = arith.constant 0 : index
    %swap3A_64 = vector.load %arg10[%swap3A, %swap3A_62, %swap3A_63] : memref<2x1000x128xf32, #tpu.memory_space<vmem>>, vector<1x1000x128xf32>
    %swap3A_65 = vector.shape_cast %swap3A_64 : vector<1x1000x128xf32> to vector<1000x128xf32>
    %swap3A_66 = vector.shape_cast %slice3A : vector<1000x128xf32> to vector<1x1000x128xf32>
    tpu.vector_store %arg10[%swap3A, %swap3A_62, %swap3A_63], %swap3A_66 {strides = array<i32>} : memref<2x1000x128xf32, #tpu.memory_space<vmem>>, vector<1x1000x128xf32>,
    %slice3A_67 = vector.extract_strided_slice %max3A_61 {offsets = [0, 128], sizes = [1000, 128], strides = [1, 1]} : vector<1000x256xf32> to vector<1000x128xf32>
    %swap3A_68 = arith.constant 1 : index
    %swap3A_69 = arith.constant 0 : index
    %swap3A_70 = arith.constant 0 : index
    %swap3A_71 = vector.load %arg10[%swap3A_68, %swap3A_69, %swap3A_70] : memref<2x1000x128xf32, #tpu.memory_space<vmem>>, vector<1x1000x128xf32>
    %swap3A_72 = vector.shape_cast %swap3A_71 : vector<1x1000x128xf32> to vector<1000x128xf32>
    %swap3A_73 = vector.shape_cast %slice3A_67 : vector<1000x128xf32> to vector<1x1000x128xf32>
    tpu.vector_store %arg10[%swap3A_68, %swap3A_69, %swap3A_70], %swap3A_73 {strides = array<i32>} : memref<2x1000x128xf32, #tpu.memory_space<vmem>>, vector<1x1000x128xf32>,
    return
  }
  func.func @transform_0(%arg0: i32) -> (i32, i32, i32) {
    %c0_i32 = arith.constant 0 : i32
    %c0_i32_0 = arith.constant 0 : i32
    %c0_i32_1 = arith.constant 0 : i32
    return %c0_i32, %arg0, %c0_i32_0 : i32, i32, i32
  }
  func.func @transform_1(%arg0: i32) -> (i32, i32, i32) {
    %c0_i32 = arith.constant 0 : i32
    %c0_i32_0 = arith.constant 0 : i32
    %c0_i32_1 = arith.constant 0 : i32
    return %c0_i32, %arg0, %c0_i32_0 : i32, i32, i32
  }
  func.func @transform_2(%arg0: i32) -> (i32, i32) {
    %c0_i32 = arith.constant 0 : i32
    %c0_i32_0 = arith.constant 0 : i32
    %c0_i32_1 = arith.constant 0 : i32
    return %c0_i32, %c0_i32_0 : i32, i32
  }
  func.func @transform_3(%arg0: i32) -> (i32, i32) {
    %c0_i32 = arith.constant 0 : i32
    %c0_i32_0 = arith.constant 0 : i32
    %c0_i32_1 = arith.constant 0 : i32
    return %c0_i32, %c0_i32_0 : i32, i32
  }
  func.func @transform_4(%arg0: i32) -> (i32, i32) {
    %c0_i32 = arith.constant 0 : i32
    %c0_i32_0 = arith.constant 0 : i32
    %c0_i32_1 = arith.constant 0 : i32
    return %c0_i32, %c0_i32_0 : i32, i32
  }
  func.func @transform_5(%arg0: i32) -> (i32, i32) {
    %c0_i32 = arith.constant 0 : i32
    %c0_i32_0 = arith.constant 0 : i32
    %c0_i32_1 = arith.constant 0 : i32
    return %c0_i32, %c0_i32_0 : i32, i32
  }
  func.func @transform_6(%arg0: i32) -> (i32, i32) {
    %c0_i32 = arith.constant 0 : i32
    %c0_i32_0 = arith.constant 0 : i32
    %c0_i32_1 = arith.constant 0 : i32
    return %c0_i32, %c0_i32_0 : i32, i32
  }
  func.func @transform_7(%arg0: i32) -> (i32, i32) {
    %c0_i32 = arith.constant 0 : i32
    %c0_i32_0 = arith.constant 0 : i32
    %c0_i32_1 = arith.constant 0 : i32
    return %c0_i32, %c0_i32_0 : i32, i32
  }
  func.func @transform_8(%arg0: i32) -> (i32, i32) {
    %c0_i32 = arith.constant 0 : i32
    %c0_i32_0 = arith.constant 0 : i32
    %c0_i32_1 = arith.constant 0 : i32
    return %c0_i32, %c0_i32_0 : i32, i32
  }
  func.func @transform_9(%arg0: i32) -> (i32, i32, i32) {
    %c0_i32 = arith.constant 0 : i32
    %c0_i32_0 = arith.constant 0 : i32
    %c0_i32_1 = arith.constant 0 : i32
    return %c0_i32, %arg0, %c0_i32_0 : i32, i32, i32
  }
}

module attributes {stable_mosaic.version = 14 : i64} {
  func.func @body(%arg0: i32, %arg1: memref<2x1000x128xf32, #tpu.memory_space<vmem>>, %arg2: memref<2x1000x128xf32, #tpu.memory_space<vmem>>, %arg3: memref<1x1xf32, #tpu.memory_space<vmem>>, %arg4: memref<256x256xf32, #tpu.memory_space<vmem>>, %arg5: memref<1x256xf32, #tpu.memory_space<vmem>>, %arg6: memref<256x256xf32, #tpu.memory_space<vmem>>, %arg7: memref<1x256xf32, #tpu.memory_space<vmem>>, %arg8: memref<1x256xf32, #tpu.memory_space<vmem>>, %arg9: memref<1x256xf32, #tpu.memory_space<vmem>>, %arg10: memref<256x128xf32, #tpu.memory_space<vmem>>, %arg11: memref<256x128xf32, #tpu.memory_space<vmem>>, %arg12: memref<1x128xf32, #tpu.memory_space<vmem>>, %arg13: memref<1x128xf32, #tpu.memory_space<vmem>>, %arg14: memref<256x128xf32, #tpu.memory_space<vmem>>, %arg15: memref<256x128xf32, #tpu.memory_space<vmem>>, %arg16: memref<1000x128xi32, #tpu.memory_space<vmem>>, %arg17: memref<1000x128xi32, #tpu.memory_space<vmem>>) attributes {dimension_semantics = [#tpu.dimension_semantics<arbitrary>], iteration_bounds = array<i64: 10>, scalar_prefetch = 0 : i64, scratch_operands = 0 : i64, tpu.core_type = #tpu.core_type<tc>, window_params = [{transform_indices = @transform_0, window_bounds = array<i64: 2, 1000, 128>}, {transform_indices = @transform_1, window_bounds = array<i64: 2, 1000, 128>}, {pipeline_mode = #tpu.pipeline_mode<synchronous>, transform_indices = @transform_2, window_bounds = array<i64: 1, 1>}, {pipeline_mode = #tpu.pipeline_mode<synchronous>, transform_indices = @transform_3, window_bounds = array<i64: 256, 256>}, {pipeline_mode = #tpu.pipeline_mode<synchronous>, transform_indices = @transform_4, window_bounds = array<i64: 1, 256>}, {pipeline_mode = #tpu.pipeline_mode<synchronous>, transform_indices = @transform_5, window_bounds = array<i64: 256, 256>}, {pipeline_mode = #tpu.pipeline_mode<synchronous>, transform_indices = @transform_6, window_bounds = array<i64: 1, 256>}, {pipeline_mode = #tpu.pipeline_mode<synchronous>, transform_indices = @transform_7, window_bounds = array<i64: 1, 256>}, {pipeline_mode = #tpu.pipeline_mode<synchronous>, transform_indices = @transform_8, window_bounds = array<i64: 1, 256>}, {pipeline_mode = #tpu.pipeline_mode<synchronous>, transform_indices = @transform_9, window_bounds = array<i64: 256, 128>}, {pipeline_mode = #tpu.pipeline_mode<synchronous>, transform_indices = @transform_10, window_bounds = array<i64: 256, 128>}, {pipeline_mode = #tpu.pipeline_mode<synchronous>, transform_indices = @transform_11, window_bounds = array<i64: 1, 128>}, {pipeline_mode = #tpu.pipeline_mode<synchronous>, transform_indices = @transform_12, window_bounds = array<i64: 1, 128>}, {pipeline_mode = #tpu.pipeline_mode<synchronous>, transform_indices = @transform_13, window_bounds = array<i64: 256, 128>}, {pipeline_mode = #tpu.pipeline_mode<synchronous>, transform_indices = @transform_14, window_bounds = array<i64: 256, 128>}, {transform_indices = @transform_15, window_bounds = array<i64: 1000, 128>}, {transform_indices = @transform_16, window_bounds = array<i64: 1000, 128>}]} {
    %get3A = arith.constant 0 : index
    %get3A_0 = arith.constant 0 : index
    %get3A_1 = arith.constant 0 : index
    %get3A_2 = vector.load %arg1[%get3A, %get3A_0, %get3A_1] : memref<2x1000x128xf32, #tpu.memory_space<vmem>>, vector<1x1000x128xf32>
    %get3A_3 = vector.shape_cast %get3A_2 : vector<1x1000x128xf32> to vector<1000x128xf32>
    %get3A_4 = arith.constant 1 : index
    %get3A_5 = arith.constant 0 : index
    %get3A_6 = arith.constant 0 : index
    %get3A_7 = vector.load %arg1[%get3A_4, %get3A_5, %get3A_6] : memref<2x1000x128xf32, #tpu.memory_space<vmem>>, vector<1x1000x128xf32>
    %get3A_8 = vector.shape_cast %get3A_7 : vector<1x1000x128xf32> to vector<1000x128xf32>
    %concatenate3A = tpu.concatenate %get3A_3, %get3A_8 in 1 : vector<1000x128xf32>, vector<1000x128xf32> -> vector<1000x256xf32>
    %get3A_9 = arith.constant 0 : index
    %get3A_10 = arith.constant 0 : index
    %get3A_11 = arith.constant 0 : index
    %get3A_12 = vector.load %arg2[%get3A_9, %get3A_10, %get3A_11] : memref<2x1000x128xf32, #tpu.memory_space<vmem>>, vector<1x1000x128xf32>
    %get3A_13 = vector.shape_cast %get3A_12 : vector<1x1000x128xf32> to vector<1000x128xf32>
    %get3A_14 = arith.constant 1 : index
    %get3A_15 = arith.constant 0 : index
    %get3A_16 = arith.constant 0 : index
    %get3A_17 = vector.load %arg2[%get3A_14, %get3A_15, %get3A_16] : memref<2x1000x128xf32, #tpu.memory_space<vmem>>, vector<1x1000x128xf32>
    %get3A_18 = vector.shape_cast %get3A_17 : vector<1x1000x128xf32> to vector<1000x128xf32>
    %concatenate3A_19 = tpu.concatenate %get3A_13, %get3A_18 in 1 : vector<1000x128xf32>, vector<1000x128xf32> -> vector<1000x256xf32>
    %get3A_20 = arith.constant 0 : index
    %get3A_21 = arith.constant 0 : index
    %get3A_22 = vector.load %arg3[%get3A_20, %get3A_21] : memref<1x1xf32, #tpu.memory_space<vmem>>, vector<1x1xf32>
    %get3A_23 = vector.extract %get3A_22[0, 0] : f32 from vector<1x1xf32>
    %mul3A = vector.broadcast %get3A_23 : f32 to vector<1000x256xf32>
    %mul3A_24 = arith.mulf %mul3A, %concatenate3A : vector<1000x256xf32>
    %add3A = arith.addf %mul3A_24, %concatenate3A_19 : vector<1000x256xf32>
    %get3A_25 = arith.constant 0 : index
    %get3A_26 = arith.constant 0 : index
    %get3A_27 = vector.load %arg4[%get3A_25, %get3A_26] : memref<256x256xf32, #tpu.memory_space<vmem>>, vector<256x256xf32>
    %dot_general3A = arith.constant dense<0.000000e+00> : vector<1000x256xf32>
    %dot_general3A_28 = tpu.matmul %add3A, %get3A_27, %dot_general3A {dimension_numbers = #tpu.dot_dimension_numbers<[1], [0], [0], [1], [0, 0, 1, 1], [], []>, transpose_lhs_hint = false} : vector<1000x256xf32>, vector<256x256xf32>, vector<1000x256xf32> -> vector<1000x256xf32>
    %get3A_29 = arith.constant 0 : index
    %get3A_30 = arith.constant 0 : index
    %get3A_31 = vector.load %arg5[%get3A_29, %get3A_30] : memref<1x256xf32, #tpu.memory_space<vmem>>, vector<1x256xf32>
    %add3A_32 = vector.broadcast %get3A_31 : vector<1x256xf32> to vector<1000x256xf32>
    %add3A_33 = arith.addf %dot_general3A_28, %add3A_32 : vector<1000x256xf32>
    %max3A = arith.constant 0.000000e+00 : f32
    %max3A_34 = vector.broadcast %max3A : f32 to vector<1000x256xf32>
    %max3A_35 = arith.maximumf %add3A_33, %max3A_34 : vector<1000x256xf32>
    %get3A_36 = arith.constant 0 : index
    %get3A_37 = arith.constant 0 : index
    %get3A_38 = vector.load %arg6[%get3A_36, %get3A_37] : memref<256x256xf32, #tpu.memory_space<vmem>>, vector<256x256xf32>
    %dot_general3A_39 = arith.constant dense<0.000000e+00> : vector<1000x256xf32>
    %dot_general3A_40 = tpu.matmul %max3A_35, %get3A_38, %dot_general3A_39 {dimension_numbers = #tpu.dot_dimension_numbers<[1], [0], [0], [1], [0, 0, 1, 1], [], []>, transpose_lhs_hint = false} : vector<1000x256xf32>, vector<256x256xf32>, vector<1000x256xf32> -> vector<1000x256xf32>
    %get3A_41 = arith.constant 0 : index
    %get3A_42 = arith.constant 0 : index
    %get3A_43 = vector.load %arg7[%get3A_41, %get3A_42] : memref<1x256xf32, #tpu.memory_space<vmem>>, vector<1x256xf32>
    %add3A_44 = vector.broadcast %get3A_43 : vector<1x256xf32> to vector<1000x256xf32>
    %add3A_45 = arith.addf %dot_general3A_40, %add3A_44 : vector<1000x256xf32>
    %max3A_46 = arith.constant 0.000000e+00 : f32
    %max3A_47 = vector.broadcast %max3A_46 : f32 to vector<1000x256xf32>
    %max3A_48 = arith.maximumf %add3A_45, %max3A_47 : vector<1000x256xf32>
    %get3A_49 = arith.constant 0 : index
    %get3A_50 = arith.constant 0 : index
    %get3A_51 = vector.load %arg8[%get3A_49, %get3A_50] : memref<1x256xf32, #tpu.memory_space<vmem>>, vector<1x256xf32>
    %mul3A_52 = vector.broadcast %get3A_51 : vector<1x256xf32> to vector<1000x256xf32>
    %mul3A_53 = arith.mulf %max3A_48, %mul3A_52 : vector<1000x256xf32>
    %get3A_54 = arith.constant 0 : index
    %get3A_55 = arith.constant 0 : index
    %get3A_56 = vector.load %arg9[%get3A_54, %get3A_55] : memref<1x256xf32, #tpu.memory_space<vmem>>, vector<1x256xf32>
    %add3A_57 = vector.broadcast %get3A_56 : vector<1x256xf32> to vector<1000x256xf32>
    %add3A_58 = arith.addf %mul3A_53, %add3A_57 : vector<1000x256xf32>
    %max3A_59 = arith.constant 0.000000e+00 : f32
    %max3A_60 = vector.broadcast %max3A_59 : f32 to vector<1000x256xf32>
    %max3A_61 = arith.maximumf %add3A_58, %max3A_60 : vector<1000x256xf32>
    %get3A_62 = arith.constant 0 : index
    %get3A_63 = arith.constant 0 : index
    %get3A_64 = vector.load %arg10[%get3A_62, %get3A_63] : memref<256x128xf32, #tpu.memory_space<vmem>>, vector<256x128xf32>
    %dot_general3A_65 = arith.constant dense<0.000000e+00> : vector<1000x128xf32>
    %dot_general3A_66 = tpu.matmul %max3A_61, %get3A_64, %dot_general3A_65 {dimension_numbers = #tpu.dot_dimension_numbers<[1], [0], [0], [1], [0, 0, 1, 1], [], []>, transpose_lhs_hint = false} : vector<1000x256xf32>, vector<256x128xf32>, vector<1000x128xf32> -> vector<1000x128xf32>
    %get3A_67 = arith.constant 0 : index
    %get3A_68 = arith.constant 0 : index
    %get3A_69 = vector.load %arg12[%get3A_67, %get3A_68] : memref<1x128xf32, #tpu.memory_space<vmem>>, vector<1x128xf32>
    %add3A_70 = vector.broadcast %get3A_69 : vector<1x128xf32> to vector<1000x128xf32>
    %add3A_71 = arith.addf %dot_general3A_66, %add3A_70 : vector<1000x128xf32>
    %get3A_72 = arith.constant 0 : index
    %get3A_73 = arith.constant 0 : index
    %get3A_74 = vector.load %arg11[%get3A_72, %get3A_73] : memref<256x128xf32, #tpu.memory_space<vmem>>, vector<256x128xf32>
    %dot_general3A_75 = arith.constant dense<0.000000e+00> : vector<1000x128xf32>
    %dot_general3A_76 = tpu.matmul %max3A_61, %get3A_74, %dot_general3A_75 {dimension_numbers = #tpu.dot_dimension_numbers<[1], [0], [0], [1], [0, 0, 1, 1], [], []>, transpose_lhs_hint = false} : vector<1000x256xf32>, vector<256x128xf32>, vector<1000x128xf32> -> vector<1000x128xf32>
    %get3A_77 = arith.constant 0 : index
    %get3A_78 = arith.constant 0 : index
    %get3A_79 = vector.load %arg13[%get3A_77, %get3A_78] : memref<1x128xf32, #tpu.memory_space<vmem>>, vector<1x128xf32>
    %add3A_80 = vector.broadcast %get3A_79 : vector<1x128xf32> to vector<1000x128xf32>
    %add3A_81 = arith.addf %dot_general3A_76, %add3A_80 : vector<1000x128xf32>
    %get3A_82 = arith.constant 0 : index
    %get3A_83 = arith.constant 0 : index
    %get3A_84 = vector.load %arg14[%get3A_82, %get3A_83] : memref<256x128xf32, #tpu.memory_space<vmem>>, vector<256x128xf32>
    %dot_general3A_85 = arith.constant dense<0.000000e+00> : vector<1000x128xf32>
    %dot_general3A_86 = tpu.matmul %max3A_61, %get3A_84, %dot_general3A_85 {dimension_numbers = #tpu.dot_dimension_numbers<[1], [0], [0], [1], [0, 0, 1, 1], [], []>, transpose_lhs_hint = false} : vector<1000x256xf32>, vector<256x128xf32>, vector<1000x128xf32> -> vector<1000x128xf32>
    %get3A_87 = arith.constant 0 : index
    %get3A_88 = arith.constant 0 : index
    %get3A_89 = vector.load %arg15[%get3A_87, %get3A_88] : memref<256x128xf32, #tpu.memory_space<vmem>>, vector<256x128xf32>
    %dot_general3A_90 = arith.constant dense<0.000000e+00> : vector<1000x128xf32>
    %dot_general3A_91 = tpu.matmul %max3A_61, %get3A_89, %dot_general3A_90 {dimension_numbers = #tpu.dot_dimension_numbers<[1], [0], [0], [1], [0, 0, 1, 1], [], []>, transpose_lhs_hint = false} : vector<1000x256xf32>, vector<256x128xf32>, vector<1000x128xf32> -> vector<1000x128xf32>
    %bitcast_convert_type3A = tpu.bitcast %add3A_71 : vector<1000x128xf32> -> vector<1000x128xi32>
    %bitcast_convert_type3A_92 = tpu.bitcast %add3A_81 : vector<1000x128xf32> -> vector<1000x128xi32>
    %add3A_93 = arith.constant 32767 : i32
    %add3A_94 = vector.broadcast %add3A_93 : i32 to vector<1000x128xi32>
    %add3A_95 = arith.addi %bitcast_convert_type3A, %add3A_94 : vector<1000x128xi32>
    %shift_right_logical3A = arith.constant 16 : i32
    %shift_right_logical3A_96 = vector.broadcast %shift_right_logical3A : i32 to vector<1000x128xi32>
    %shift_right_logical3A_97 = arith.shrui %bitcast_convert_type3A, %shift_right_logical3A_96 : vector<1000x128xi32>
    %and3A = arith.constant 1 : i32
    %and3A_98 = vector.broadcast %and3A : i32 to vector<1000x128xi32>
    %and3A_99 = arith.andi %shift_right_logical3A_97, %and3A_98 : vector<1000x128xi32>
    %add3A_100 = arith.addi %add3A_95, %and3A_99 : vector<1000x128xi32>
    %add3A_101 = arith.constant 32767 : i32
    %add3A_102 = vector.broadcast %add3A_101 : i32 to vector<1000x128xi32>
    %add3A_103 = arith.addi %bitcast_convert_type3A_92, %add3A_102 : vector<1000x128xi32>
    %shift_right_logical3A_104 = arith.constant 16 : i32
    %shift_right_logical3A_105 = vector.broadcast %shift_right_logical3A_104 : i32 to vector<1000x128xi32>
    %shift_right_logical3A_106 = arith.shrui %bitcast_convert_type3A_92, %shift_right_logical3A_105 : vector<1000x128xi32>
    %and3A_107 = arith.constant 1 : i32
    %and3A_108 = vector.broadcast %and3A_107 : i32 to vector<1000x128xi32>
    %and3A_109 = arith.andi %shift_right_logical3A_106, %and3A_108 : vector<1000x128xi32>
    %add3A_110 = arith.addi %add3A_103, %and3A_109 : vector<1000x128xi32>
    %shift_right_logical3A_111 = arith.constant 16 : i32
    %shift_right_logical3A_112 = vector.broadcast %shift_right_logical3A_111 : i32 to vector<1000x128xi32>
    %shift_right_logical3A_113 = arith.shrui %add3A_100, %shift_right_logical3A_112 : vector<1000x128xi32>
    %and3A_114 = arith.constant -65536 : i32
    %and3A_115 = vector.broadcast %and3A_114 : i32 to vector<1000x128xi32>
    %and3A_116 = arith.andi %add3A_110, %and3A_115 : vector<1000x128xi32>
    %or3A = arith.ori %shift_right_logical3A_113, %and3A_116 : vector<1000x128xi32>
    %swap3A = arith.constant 0 : index
    %swap3A_117 = arith.constant 0 : index
    %swap3A_118 = vector.load %arg16[%swap3A, %swap3A_117] : memref<1000x128xi32, #tpu.memory_space<vmem>>, vector<1000x128xi32>
    tpu.vector_store %arg16[%swap3A, %swap3A_117], %or3A {strides = array<i32>} : memref<1000x128xi32, #tpu.memory_space<vmem>>, vector<1000x128xi32>,
    %bitcast_convert_type3A_119 = tpu.bitcast %dot_general3A_86 : vector<1000x128xf32> -> vector<1000x128xi32>
    %bitcast_convert_type3A_120 = tpu.bitcast %dot_general3A_91 : vector<1000x128xf32> -> vector<1000x128xi32>
    %add3A_121 = arith.constant 32767 : i32
    %add3A_122 = vector.broadcast %add3A_121 : i32 to vector<1000x128xi32>
    %add3A_123 = arith.addi %bitcast_convert_type3A_119, %add3A_122 : vector<1000x128xi32>
    %shift_right_logical3A_124 = arith.constant 16 : i32
    %shift_right_logical3A_125 = vector.broadcast %shift_right_logical3A_124 : i32 to vector<1000x128xi32>
    %shift_right_logical3A_126 = arith.shrui %bitcast_convert_type3A_119, %shift_right_logical3A_125 : vector<1000x128xi32>
    %and3A_127 = arith.constant 1 : i32
    %and3A_128 = vector.broadcast %and3A_127 : i32 to vector<1000x128xi32>
    %and3A_129 = arith.andi %shift_right_logical3A_126, %and3A_128 : vector<1000x128xi32>
    %add3A_130 = arith.addi %add3A_123, %and3A_129 : vector<1000x128xi32>
    %add3A_131 = arith.constant 32767 : i32
    %add3A_132 = vector.broadcast %add3A_131 : i32 to vector<1000x128xi32>
    %add3A_133 = arith.addi %bitcast_convert_type3A_120, %add3A_132 : vector<1000x128xi32>
    %shift_right_logical3A_134 = arith.constant 16 : i32
    %shift_right_logical3A_135 = vector.broadcast %shift_right_logical3A_134 : i32 to vector<1000x128xi32>
    %shift_right_logical3A_136 = arith.shrui %bitcast_convert_type3A_120, %shift_right_logical3A_135 : vector<1000x128xi32>
    %and3A_137 = arith.constant 1 : i32
    %and3A_138 = vector.broadcast %and3A_137 : i32 to vector<1000x128xi32>
    %and3A_139 = arith.andi %shift_right_logical3A_136, %and3A_138 : vector<1000x128xi32>
    %add3A_140 = arith.addi %add3A_133, %and3A_139 : vector<1000x128xi32>
    %shift_right_logical3A_141 = arith.constant 16 : i32
    %shift_right_logical3A_142 = vector.broadcast %shift_right_logical3A_141 : i32 to vector<1000x128xi32>
    %shift_right_logical3A_143 = arith.shrui %add3A_130, %shift_right_logical3A_142 : vector<1000x128xi32>
    %and3A_144 = arith.constant -65536 : i32
    %and3A_145 = vector.broadcast %and3A_144 : i32 to vector<1000x128xi32>
    %and3A_146 = arith.andi %add3A_140, %and3A_145 : vector<1000x128xi32>
    %or3A_147 = arith.ori %shift_right_logical3A_143, %and3A_146 : vector<1000x128xi32>
    %swap3A_148 = arith.constant 0 : index
    %swap3A_149 = arith.constant 0 : index
    %swap3A_150 = vector.load %arg17[%swap3A_148, %swap3A_149] : memref<1000x128xi32, #tpu.memory_space<vmem>>, vector<1000x128xi32>
    tpu.vector_store %arg17[%swap3A_148, %swap3A_149], %or3A_147 {strides = array<i32>} : memref<1000x128xi32, #tpu.memory_space<vmem>>, vector<1000x128xi32>,
    return
  }
  func.func @transform_0(%arg0: i32) -> (i32, i32, i32) {
    %c0_i32 = arith.constant 0 : i32
    %c0_i32_0 = arith.constant 0 : i32
    %c0_i32_1 = arith.constant 0 : i32
    return %c0_i32, %arg0, %c0_i32_0 : i32, i32, i32
  }
  func.func @transform_1(%arg0: i32) -> (i32, i32, i32) {
    %c0_i32 = arith.constant 0 : i32
    %c0_i32_0 = arith.constant 0 : i32
    %c0_i32_1 = arith.constant 0 : i32
    return %c0_i32, %arg0, %c0_i32_0 : i32, i32, i32
  }
  func.func @transform_2(%arg0: i32) -> (i32, i32) {
    %c0_i32 = arith.constant 0 : i32
    %c0_i32_0 = arith.constant 0 : i32
    %c0_i32_1 = arith.constant 0 : i32
    return %c0_i32, %c0_i32_0 : i32, i32
  }
  func.func @transform_3(%arg0: i32) -> (i32, i32) {
    %c0_i32 = arith.constant 0 : i32
    %c0_i32_0 = arith.constant 0 : i32
    %c0_i32_1 = arith.constant 0 : i32
    return %c0_i32, %c0_i32_0 : i32, i32
  }
  func.func @transform_4(%arg0: i32) -> (i32, i32) {
    %c0_i32 = arith.constant 0 : i32
    %c0_i32_0 = arith.constant 0 : i32
    %c0_i32_1 = arith.constant 0 : i32
    return %c0_i32, %c0_i32_0 : i32, i32
  }
  func.func @transform_5(%arg0: i32) -> (i32, i32) {
    %c0_i32 = arith.constant 0 : i32
    %c0_i32_0 = arith.constant 0 : i32
    %c0_i32_1 = arith.constant 0 : i32
    return %c0_i32, %c0_i32_0 : i32, i32
  }
  func.func @transform_6(%arg0: i32) -> (i32, i32) {
    %c0_i32 = arith.constant 0 : i32
    %c0_i32_0 = arith.constant 0 : i32
    %c0_i32_1 = arith.constant 0 : i32
    return %c0_i32, %c0_i32_0 : i32, i32
  }
  func.func @transform_7(%arg0: i32) -> (i32, i32) {
    %c0_i32 = arith.constant 0 : i32
    %c0_i32_0 = arith.constant 0 : i32
    %c0_i32_1 = arith.constant 0 : i32
    return %c0_i32, %c0_i32_0 : i32, i32
  }
  func.func @transform_8(%arg0: i32) -> (i32, i32) {
    %c0_i32 = arith.constant 0 : i32
    %c0_i32_0 = arith.constant 0 : i32
    %c0_i32_1 = arith.constant 0 : i32
    return %c0_i32, %c0_i32_0 : i32, i32
  }
  func.func @transform_9(%arg0: i32) -> (i32, i32) {
    %c0_i32 = arith.constant 0 : i32
    %c0_i32_0 = arith.constant 0 : i32
    %c0_i32_1 = arith.constant 0 : i32
    return %c0_i32, %c0_i32_0 : i32, i32
  }
  func.func @transform_10(%arg0: i32) -> (i32, i32) {
    %c0_i32 = arith.constant 0 : i32
    %c0_i32_0 = arith.constant 0 : i32
    %c0_i32_1 = arith.constant 0 : i32
    return %c0_i32, %c0_i32_0 : i32, i32
  }
  func.func @transform_11(%arg0: i32) -> (i32, i32) {
    %c0_i32 = arith.constant 0 : i32
    %c0_i32_0 = arith.constant 0 : i32
    %c0_i32_1 = arith.constant 0 : i32
    return %c0_i32, %c0_i32_0 : i32, i32
  }
  func.func @transform_12(%arg0: i32) -> (i32, i32) {
    %c0_i32 = arith.constant 0 : i32
    %c0_i32_0 = arith.constant 0 : i32
    %c0_i32_1 = arith.constant 0 : i32
    return %c0_i32, %c0_i32_0 : i32, i32
  }
  func.func @transform_13(%arg0: i32) -> (i32, i32) {
    %c0_i32 = arith.constant 0 : i32
    %c0_i32_0 = arith.constant 0 : i32
    %c0_i32_1 = arith.constant 0 : i32
    return %c0_i32, %c0_i32_0 : i32, i32
  }
  func.func @transform_14(%arg0: i32) -> (i32, i32) {
    %c0_i32 = arith.constant 0 : i32
    %c0_i32_0 = arith.constant 0 : i32
    %c0_i32_1 = arith.constant 0 : i32
    return %c0_i32, %c0_i32_0 : i32, i32
  }
  func.func @transform_15(%arg0: i32) -> (i32, i32) {
    %c0_i32 = arith.constant 0 : i32
    %c0_i32_0 = arith.constant 0 : i32
    return %arg0, %c0_i32 : i32, i32
  }
  func.func @transform_16(%arg0: i32) -> (i32, i32) {
    %c0_i32 = arith.constant 0 : i32
    %c0_i32_0 = arith.constant 0 : i32
    return %arg0, %c0_i32 : i32, i32
  }
}

module attributes {stable_mosaic.version = 14 : i64} {
  func.func @body(%arg0: i32, %arg1: memref<2000x128xi32, #tpu.memory_space<vmem>>, %arg2: memref<2000x128xi32, #tpu.memory_space<vmem>>, %arg3: memref<2000x16xf32, #tpu.memory_space<vmem>>, %arg4: memref<16x256xf32, #tpu.memory_space<vmem>>, %arg5: memref<256x128xf32, #tpu.memory_space<vmem>>, %arg6: memref<1x128xf32, #tpu.memory_space<vmem>>, %arg7: memref<128x4xf32, #tpu.memory_space<vmem>>, %arg8: memref<1x4xf32, #tpu.memory_space<vmem>>, %arg9: memref<2000x4xf32, #tpu.memory_space<vmem>>) attributes {dimension_semantics = [#tpu.dimension_semantics<arbitrary>], iteration_bounds = array<i64: 32>, scalar_prefetch = 0 : i64, scratch_operands = 0 : i64, tpu.core_type = #tpu.core_type<tc>, window_params = [{transform_indices = @transform_0, window_bounds = array<i64: 2000, 128>}, {transform_indices = @transform_1, window_bounds = array<i64: 2000, 128>}, {transform_indices = @transform_2, window_bounds = array<i64: 2000, 16>}, {pipeline_mode = #tpu.pipeline_mode<synchronous>, transform_indices = @transform_3, window_bounds = array<i64: 16, 256>}, {pipeline_mode = #tpu.pipeline_mode<synchronous>, transform_indices = @transform_4, window_bounds = array<i64: 256, 128>}, {pipeline_mode = #tpu.pipeline_mode<synchronous>, transform_indices = @transform_5, window_bounds = array<i64: 1, 128>}, {pipeline_mode = #tpu.pipeline_mode<synchronous>, transform_indices = @transform_6, window_bounds = array<i64: 128, 4>}, {pipeline_mode = #tpu.pipeline_mode<synchronous>, transform_indices = @transform_7, window_bounds = array<i64: 1, 4>}, {transform_indices = @transform_8, window_bounds = array<i64: 2000, 4>}]} {
    %get3A = arith.constant 0 : index
    %get3A_0 = arith.constant 0 : index
    %get3A_1 = vector.load %arg3[%get3A, %get3A_0] : memref<2000x16xf32, #tpu.memory_space<vmem>>, vector<2000x16xf32>
    %get3A_2 = arith.constant 0 : index
    %get3A_3 = arith.constant 0 : index
    %get3A_4 = vector.load %arg4[%get3A_2, %get3A_3] : memref<16x256xf32, #tpu.memory_space<vmem>>, vector<16x256xf32>
    %dot_general3A = arith.constant dense<0.000000e+00> : vector<2000x256xf32>
    %dot_general3A_5 = tpu.matmul %get3A_1, %get3A_4, %dot_general3A {dimension_numbers = #tpu.dot_dimension_numbers<[1], [0], [0], [1], [0, 0, 1, 1], [], []>, transpose_lhs_hint = false} : vector<2000x16xf32>, vector<16x256xf32>, vector<2000x256xf32> -> vector<2000x256xf32>
    %get3A_6 = arith.constant 0 : index
    %get3A_7 = arith.constant 0 : index
    %get3A_8 = vector.load %arg1[%get3A_6, %get3A_7] : memref<2000x128xi32, #tpu.memory_space<vmem>>, vector<2000x128xi32>
    %shift_left3A = arith.constant 16 : i32
    %shift_left3A_9 = vector.broadcast %shift_left3A : i32 to vector<2000x128xi32>
    %shift_left3A_10 = arith.shli %get3A_8, %shift_left3A_9 : vector<2000x128xi32>
    %bitcast_convert_type3A = tpu.bitcast %shift_left3A_10 : vector<2000x128xi32> -> vector<2000x128xf32>
    %and3A = arith.constant -65536 : i32
    %and3A_11 = vector.broadcast %and3A : i32 to vector<2000x128xi32>
    %and3A_12 = arith.andi %get3A_8, %and3A_11 : vector<2000x128xi32>
    %bitcast_convert_type3A_13 = tpu.bitcast %and3A_12 : vector<2000x128xi32> -> vector<2000x128xf32>
    %get3A_14 = arith.constant 0 : index
    %get3A_15 = arith.constant 0 : index
    %get3A_16 = vector.load %arg2[%get3A_14, %get3A_15] : memref<2000x128xi32, #tpu.memory_space<vmem>>, vector<2000x128xi32>
    %shift_left3A_17 = arith.constant 16 : i32
    %shift_left3A_18 = vector.broadcast %shift_left3A_17 : i32 to vector<2000x128xi32>
    %shift_left3A_19 = arith.shli %get3A_16, %shift_left3A_18 : vector<2000x128xi32>
    %bitcast_convert_type3A_20 = tpu.bitcast %shift_left3A_19 : vector<2000x128xi32> -> vector<2000x128xf32>
    %and3A_21 = arith.constant -65536 : i32
    %and3A_22 = vector.broadcast %and3A_21 : i32 to vector<2000x128xi32>
    %and3A_23 = arith.andi %get3A_16, %and3A_22 : vector<2000x128xi32>
    %bitcast_convert_type3A_24 = tpu.bitcast %and3A_23 : vector<2000x128xi32> -> vector<2000x128xf32>
    %add3A = arith.addf %bitcast_convert_type3A, %bitcast_convert_type3A_20 : vector<2000x128xf32>
    %add3A_25 = arith.addf %bitcast_convert_type3A_13, %bitcast_convert_type3A_24 : vector<2000x128xf32>
    %concatenate3A = tpu.concatenate %add3A, %add3A_25 in 1 : vector<2000x128xf32>, vector<2000x128xf32> -> vector<2000x256xf32>
    %add3A_26 = arith.addf %concatenate3A, %dot_general3A_5 : vector<2000x256xf32>
    %max3A = arith.constant 0.000000e+00 : f32
    %max3A_27 = vector.broadcast %max3A : f32 to vector<2000x256xf32>
    %max3A_28 = arith.maximumf %add3A_26, %max3A_27 : vector<2000x256xf32>
    %get3A_29 = arith.constant 0 : index
    %get3A_30 = arith.constant 0 : index
    %get3A_31 = vector.load %arg5[%get3A_29, %get3A_30] : memref<256x128xf32, #tpu.memory_space<vmem>>, vector<256x128xf32>
    %dot_general3A_32 = arith.constant dense<0.000000e+00> : vector<2000x128xf32>
    %dot_general3A_33 = tpu.matmul %max3A_28, %get3A_31, %dot_general3A_32 {dimension_numbers = #tpu.dot_dimension_numbers<[1], [0], [0], [1], [0, 0, 1, 1], [], []>, transpose_lhs_hint = false} : vector<2000x256xf32>, vector<256x128xf32>, vector<2000x128xf32> -> vector<2000x128xf32>
    %get3A_34 = arith.constant 0 : index
    %get3A_35 = arith.constant 0 : index
    %get3A_36 = vector.load %arg6[%get3A_34, %get3A_35] : memref<1x128xf32, #tpu.memory_space<vmem>>, vector<1x128xf32>
    %add3A_37 = vector.broadcast %get3A_36 : vector<1x128xf32> to vector<2000x128xf32>
    %add3A_38 = arith.addf %dot_general3A_33, %add3A_37 : vector<2000x128xf32>
    %max3A_39 = arith.constant 0.000000e+00 : f32
    %max3A_40 = vector.broadcast %max3A_39 : f32 to vector<2000x128xf32>
    %max3A_41 = arith.maximumf %add3A_38, %max3A_40 : vector<2000x128xf32>
    %get3A_42 = arith.constant 0 : index
    %get3A_43 = arith.constant 0 : index
    %get3A_44 = vector.load %arg7[%get3A_42, %get3A_43] : memref<128x4xf32, #tpu.memory_space<vmem>>, vector<128x4xf32>
    %dot_general3A_45 = arith.constant dense<0.000000e+00> : vector<2000x4xf32>
    %dot_general3A_46 = tpu.matmul %max3A_41, %get3A_44, %dot_general3A_45 {dimension_numbers = #tpu.dot_dimension_numbers<[1], [0], [0], [1], [0, 0, 1, 1], [], []>, transpose_lhs_hint = false} : vector<2000x128xf32>, vector<128x4xf32>, vector<2000x4xf32> -> vector<2000x4xf32>
    %get3A_47 = arith.constant 0 : index
    %get3A_48 = arith.constant 0 : index
    %get3A_49 = vector.load %arg8[%get3A_47, %get3A_48] : memref<1x4xf32, #tpu.memory_space<vmem>>, vector<1x4xf32>
    %add3A_50 = vector.broadcast %get3A_49 : vector<1x4xf32> to vector<2000x4xf32>
    %add3A_51 = arith.addf %dot_general3A_46, %add3A_50 : vector<2000x4xf32>
    %swap3A = arith.constant 0 : index
    %swap3A_52 = arith.constant 0 : index
    %swap3A_53 = vector.load %arg9[%swap3A, %swap3A_52] : memref<2000x4xf32, #tpu.memory_space<vmem>>, vector<2000x4xf32>
    tpu.vector_store %arg9[%swap3A, %swap3A_52], %add3A_51 {strides = array<i32>} : memref<2000x4xf32, #tpu.memory_space<vmem>>, vector<2000x4xf32>,
    return
  }
  func.func @transform_0(%arg0: i32) -> (i32, i32) {
    %c0_i32 = arith.constant 0 : i32
    %c0_i32_0 = arith.constant 0 : i32
    return %arg0, %c0_i32 : i32, i32
  }
  func.func @transform_1(%arg0: i32) -> (i32, i32) {
    %c0_i32 = arith.constant 0 : i32
    %c0_i32_0 = arith.constant 0 : i32
    return %arg0, %c0_i32 : i32, i32
  }
  func.func @transform_2(%arg0: i32) -> (i32, i32) {
    %c0_i32 = arith.constant 0 : i32
    %c0_i32_0 = arith.constant 0 : i32
    return %arg0, %c0_i32 : i32, i32
  }
  func.func @transform_3(%arg0: i32) -> (i32, i32) {
    %c0_i32 = arith.constant 0 : i32
    %c0_i32_0 = arith.constant 0 : i32
    %c0_i32_1 = arith.constant 0 : i32
    return %c0_i32, %c0_i32_0 : i32, i32
  }
  func.func @transform_4(%arg0: i32) -> (i32, i32) {
    %c0_i32 = arith.constant 0 : i32
    %c0_i32_0 = arith.constant 0 : i32
    %c0_i32_1 = arith.constant 0 : i32
    return %c0_i32, %c0_i32_0 : i32, i32
  }
  func.func @transform_5(%arg0: i32) -> (i32, i32) {
    %c0_i32 = arith.constant 0 : i32
    %c0_i32_0 = arith.constant 0 : i32
    %c0_i32_1 = arith.constant 0 : i32
    return %c0_i32, %c0_i32_0 : i32, i32
  }
  func.func @transform_6(%arg0: i32) -> (i32, i32) {
    %c0_i32 = arith.constant 0 : i32
    %c0_i32_0 = arith.constant 0 : i32
    %c0_i32_1 = arith.constant 0 : i32
    return %c0_i32, %c0_i32_0 : i32, i32
  }
  func.func @transform_7(%arg0: i32) -> (i32, i32) {
    %c0_i32 = arith.constant 0 : i32
    %c0_i32_0 = arith.constant 0 : i32
    %c0_i32_1 = arith.constant 0 : i32
    return %c0_i32, %c0_i32_0 : i32, i32
  }
  func.func @transform_8(%arg0: i32) -> (i32, i32) {
    %c0_i32 = arith.constant 0 : i32
    %c0_i32_0 = arith.constant 0 : i32
    return %arg0, %c0_i32 : i32, i32
  }
}

</mosaic_0001>

<sc_bundles>
// kernel: gather_pair.10.cloned.1.call-start
scs
__scs_entry_jumppad:
0x0: {  	(pc) =	sbr.rel $0x88, $3  }
0x1: {  	(tag) =	ssettag $0x0;
	lr =	simm.s32 $0x1  }
0x2: {  	[smem:$0x3F82] =	sst lr;
	_ =	strace $0xD0000000  }
0x3: {  	_ = 	snop  }
0x4: {  	_ = 	snop  }
0x5: {  	_ = 	snop  }
0x6: {  	_ = 	snop  }
0x7: {  	_ = 	snop  }
__scs_overlays_trampoline_lowered:
0x8: {  	[smem:$0x3F91] =	sst s0  }
0x9: {  	[smem:$0x3F92] =	sst s1  }
0xa: {  	[smem:$0x3F93] =	sst s2  }
0xb: {  	[smem:$0x3F94] =	sst s3  }
0xc: {  	[smem:$0x3F95] =	sst s4  }
0xd: {  	[smem:$0x3F96] =	sst s5  }
0xe: {  	[smem:$0x3F97] =	sst s6  }
0xf: {  	[smem:$0x3F98] =	sst s7  }
0x10: {  	[smem:$0x3F99] =	sst s8  }
0x11: {  	[smem:$0x3F9A] =	sst s9;
	s0 =	simm.s32 @!p0 $0x0  }
0x12: {  	s1 =	sld [smem:$0x3F80];
	s0 =	simm.s32 @p0 $0x1  }
0x13: {  	[smem:$0x3F9B] =	sst s0;
	s0 =	simm.s32 @!p1 $0x0  }
0x14: {  	s2 =	sld [smem:$0x3F7F];
	s0 =	simm.s32 @p1 $0x1  }
0x15: {  	[smem:$0x3F9C] =	sst s0;
	s0 =	simm.s32 @!p2 $0x0  }
0x16: {  	s3 =	sld [smem:$0x3FDB];
	s0 =	simm.s32 @p2 $0x1  }
0x17: {  	s4 =	simm.s32 $0x1BF5;
	[smem:$0x3F9E] =	sst s0  }
0x18: {  	s0 =	sld [smem:$0x3F81];
	_ =	swait.ge [sflag:s4], $0x0  }
0x19: {  	s7 =	sld [smem:$0x3F82]  }
0x1a: {  	s8 =	sadd.s32 $0xFFFFE003, lr  }
0x1b: {  	s9 =	sadd.s32 $0xFFFFFEF7, lr;
	s5 =	simm.s32 $0xFFFFFFFF;
	p2 =	slt.u32 s8, $0xFFFFF086  }
0x1c: {  	p1 =	slt.u32 s9, $0xF7A;
	s5 =	simm.s32 @!p2 $0x0  }
0x1d: {  	s5 =	simm.s32 @p1 $0x1;
	p0 =	seq.s32 s7, s2  }
0x1e: {  	s7 =	smul.u32 @!p0 $0xF7A, s2;
	p2 =	seq.s32 @!p0 s5, $0x0  }
0x1f: {  	s9 =	smul.u32 $0xF7A, s1;
	s8 =	simm.s32 @!p0 $0x1BF5;
	p2 =	por !p2, p0  }
0x20: {  	[sflag:s8] =	ssyncset.s32 @!p0 $0xFFFFF086;
	s6 =	sadd.s32 @!p0 s3, s7;
	s7 =	simm.s32 @!p0 $0x108  }
0x21: {  	s3 =	sadd.s32 s3, s9;
	s6 =	sadd.s32 @!p0 $0x88, s6;
	s7 =	simm.s32 @p2 $0x1082  }
0x22: {  	[simem:s7], [sflag:s8] =	dma.local @!p0 [hbm:s6], $0xF7A  }
0x23: {  	s9 =	sor.u32 $0xD0000000, s2;
	s6 =	simm.s32 $0x108;
	_ =	swait.ge @!p0 [sflag:s8], $0x0  }
0x24: {  	s3 =	sadd.s32 $0x88, s3;
	s6 =	simm.s32 @!p1 $0x1082;
	[sflag:s4] =	ssyncset.s32 $0xFFFFF086  }
0x25: {  	[simem:s6], [sflag:s4] =	dma.local [hbm:s3], $0xF7A  }
0x26: {  	[smem:$0x3F82] =	sst s1;
	(tag) =	ssettag s2;
	_ =	strace s9  }
0x27: {  	s1 =	sld [smem:$0x3F92]  }
0x28: {  	s2 =	sld [smem:$0x3F93]  }
0x29: {  	s4 =	sld [smem:$0x3F95]  }
0x2a: {  	p0 =	seq.s32 s5, $0x0;
	s5 =	sld [smem:$0x3F96]  }
0x2b: {  	s6 =	sld [smem:$0x3F97]  }
0x2c: {  	s7 =	sld [smem:$0x3F98]  }
0x2d: {  	s3 =	simm.s32 $0x108;
	s8 =	sld [smem:$0x3F99]  }
0x2e: {  	s3 =	simm.s32 @!p0 $0x1082;
	s9 =	sld [smem:$0x3F9A]  }
0x2f: {  	lr =	sadd.s32 s0, s3;
	s0 =	sld [smem:$0x3F91]  }
0x30: {  	s3 =	sld [smem:$0x3F94]  }
0x31: {  	[smem:$0x3F9D] =	sst s10  }
0x32: {  	s10 =	sld [smem:$0x3F9B];
	_ =	sdelay $0x3  }
0x33: {  	p0 =	seq.s32 s10, $0x1;
	s10 =	sld [smem:$0x3F9D];
	_ =	sdelay $0x3  }
0x34: {  	[smem:$0x3F9D] =	sst s10  }
0x35: {  	s10 =	sld [smem:$0x3F9C];
	_ =	sdelay $0x3  }
0x36: {  	p1 =	seq.s32 s10, $0x1;
	s10 =	sld [smem:$0x3F9D];
	_ =	sdelay $0x3  }
0x37: {  	[smem:$0x3F9D] =	sst s10  }
0x38: {  	s10 =	sld [smem:$0x3F9E]  }
0x39: {  	_ = 	snop;
	(pc) =	sbr.ind lr, $3  }
0x3a: {  	_ = 	snop  }
0x3b: {  	_ = 	snop  }
0x3c: {  	p2 =	seq.s32 s10, $0x1;
	s10 =	sld [smem:$0x3F9D]  }
0x3d: {  	_ =	shalt  }
0x3e: {  	_ =	shalt  }
0x3f: {  	_ =	shalt  }
0x40: {  	_ =	shalt  }
0x41: {  	_ =	shalt  }
0x42: {  	_ =	shalt  }
0x43: {  	_ =	shalt  }
0x44: {  	_ =	shalt  }
0x45: {  	_ =	shalt  }
0x46: {  	_ =	shalt  }
0x47: {  	_ =	shalt  }
0x48: {  	_ =	shalt  }
0x49: {  	_ =	shalt  }
0x4a: {  	_ =	shalt  }
0x4b: {  	_ =	shalt  }
0x4c: {  	_ =	shalt  }
0x4d: {  	_ =	shalt  }
0x4e: {  	_ =	shalt  }
0x4f: {  	_ =	shalt  }
0x50: {  	_ =	shalt  }
0x51: {  	_ =	shalt  }
0x52: {  	_ =	shalt  }
0x53: {  	_ =	shalt  }
0x54: {  	_ =	shalt  }
0x55: {  	_ =	shalt  }
0x56: {  	_ =	shalt  }
0x57: {  	_ =	shalt  }
0x58: {  	_ =	shalt  }
0x59: {  	_ =	shalt  }
0x5a: {  	_ =	shalt  }
0x5b: {  	_ =	shalt  }
0x5c: {  	_ =	shalt  }
0x5d: {  	_ =	shalt  }
0x5e: {  	_ =	shalt  }
0x5f: {  	_ =	shalt  }
0x60: {  	_ =	shalt  }
0x61: {  	_ =	shalt  }
0x62: {  	_ =	shalt  }
0x63: {  	_ =	shalt  }
0x64: {  	_ =	shalt  }
0x65: {  	_ =	shalt  }
0x66: {  	_ =	shalt  }
0x67: {  	_ =	shalt  }
0x68: {  	_ =	shalt  }
0x69: {  	_ =	shalt  }
0x6a: {  	_ =	shalt  }
0x6b: {  	_ =	shalt  }
0x6c: {  	_ =	shalt  }
0x6d: {  	_ =	shalt  }
0x6e: {  	_ =	shalt  }
0x6f: {  	_ =	shalt  }
0x70: {  	_ =	shalt  }
0x71: {  	_ =	shalt  }
0x72: {  	_ =	shalt  }
0x73: {  	_ =	shalt  }
0x74: {  	_ =	shalt  }
0x75: {  	_ =	shalt  }
0x76: {  	_ =	shalt  }
0x77: {  	_ =	shalt  }
0x78: {  	_ =	shalt  }
0x79: {  	_ =	shalt  }
0x7a: {  	_ =	shalt  }
0x7b: {  	_ =	shalt  }
0x7c: {  	_ =	shalt  }
0x7d: {  	_ =	shalt  }
0x7e: {  	_ =	shalt  }
0x7f: {  	_ =	shalt  }
0x80: {  	_ =	shalt  }
0x81: {  	_ =	shalt  }
0x82: {  	_ =	shalt  }
0x83: {  	_ =	shalt  }
0x84: {  	_ =	shalt  }
0x85: {  	_ =	shalt  }
0x86: {  	_ =	shalt  }
0x87: {  	_ =	shalt  }
.Lfunc_end0:
.L_simem_size_0:
called_computation.3_lowered:
.L_overlay_start_0:
0x88: {  	s2 =	sld [smem:$0x3FD9]  }
0x89: {  	s3 =	sld [smem:$0x3FFE];
	_ =	sdelay $0x1  }
0x8a: {  	s1 =	srdreg.scid  }
0x8b: {  	s0 =	sand.u32 $0x1, s1  }
0x8c: {  	s17 =	sshll.u32 s0, $0xA;
	s2 =	sadd.s32 s3, s2  }
0x8d: {  	s2 =	sadd.s32 s2, s17  }
0x8e: {  	[smem:$0x3FA9] =	sst s2  }
0x8f: {  	_ = 	snop  }
0x90: {  	s18 =	sld [smem:$0x3FD0];
	(tm) =	ssettm $0x1  }
0x91: {  	s19 =	sld [smem:$0x3FFB];
	_ =	sdelay $0x3  }
0x92: {  	_ =	strace s19  }
0x93: {  	s2 =	sld [smem:$0x3FFC];
	_ =	sdelay $0x3  }
0x94: {  	_ =	strace s2  }
0x95: {  	s2 =	sld [smem:$0x3FFD];
	_ =	sdelay $0x3  }
0x96: {  	_ =	strace s2  }
0x97: {  	_ =	strace $0x8FFFFFFF  }
0x98: {  	s20 =	sld [smem:$0x3FDB];
	_ =	sdelay $0x1  }
0x99: {  	s4 =	simm.s32 $_scs_section_size  }
0x9a: {  	s5 =	simm.s32 $_size__tile_overlayer_lowered;
	s6 =	simm.s32 $_tile_overlayer_lowered  }
0x9b: {  	s7 =	simm.s32 $0x1BFF;
	s21 =	sshll.u32 s6, $0x1;
	s4 =	sadd.s32 s4, s20  }
0x9c: {  	s22 =	simm.s32 $0x0;
	s5 =	sshll.u32 s5, $0x1;
	s6 =	sadd.s32 s21, s4  }
0x9d: {  	[timem:s22], [sflag:s7] =	dma.local [hbm:s6], s5  }
0x9e: {  	_ =	swait.ge [sflag:s7], s5  }
0x9f: {  	s5 =	ssub.s32 $0x0, s5;
	[sflag:s7] =	ssyncset.done $0x0  }
0xa0: {  	[sflag:s7] =	ssyncadd.s32 s5;
	_ =	sdelay $0x1  }
0xa1: {  	s23 =	simm.s32 $0x1B8B  }
0xa2: {  	_ =	swait.ge [sflag:s23], $0x1  }
0xa3: {  	[sflag:s23] =	ssyncset.done $0x0  }
0xa4: {  	[sflag:s23] =	ssyncadd.s32 $0xFFFFFFFF  }
0xa5: {  	s5 =	sld [smem:$0x0]  }
0xa6: {  	s6 =	sand.u32 $0xFFFFFFFE, s1  }
0xa7: {  	p0 =	sne.s32 s1, s6  }
0xa8: {  	s6 =	sshll.u32 @p0 s6, $0xE  }
0xa9: {  	s6 =	sadd.s32 @p0 $0x11B8D, s6;
	s7 =	sshll.u32 @p0 s5, $0x11  }
0xaa: {  	s6 =	sor.u32 @p0 s7, s6  }
0xab: {  	[sflag:s6] =	ssyncadd.remote.s32 @p0 $0x1;
	_ =	sdelay $0x1  }
0xac: {  	s6 =	simm.s32 @p0 $0x1B8D  }
0xad: {  	_ =	swait.eq @p0 [sflag:s6], $0x1  }
0xae: {  	[sflag:s6] =	ssyncadd.s32 @p0 $0xFFFFFFFF  }
0xaf: {  	s7 =	sshll.u32 @!p0 s1, $0xE  }
0xb0: {  	s7 =	sor.u32 @!p0 $0x4000, s7;
	s6 =	simm.s32 @!p0 $0x1B8D  }
0xb1: {  	s5 =	sshll.u32 @!p0 s5, $0x11;
	s7 =	sadd.s32 @!p0 $0x11B8D, s7;
	_ =	swait.eq @!p0 [sflag:s6], $0x1  }
0xb2: {  	s5 =	sor.u32 @!p0 s5, s7;
	[sflag:s6] =	ssyncadd.s32 @!p0 $0xFFFFFFFF  }
0xb3: {  	s25 =	simm.s32 $0x1B8E;
	s24 =	sld [smem:$0x3FFE];
	[sflag:s5] =	ssyncadd.remote.s32 @!p0 $0x1  }
0xb4: {  	s26 =	simm.s32 $execute0_lowered;
	[smem:$0x3FD2] =	sst s25  }
0xb5: {  	s6 =	sshll.u32 s26, $0x1;
	_ =	strace $0x8000004F;
	[dreg:$0x1] =	wrdreg $0xFFFFFFFF  }
0xb6: {  	s28 =	simm.s32 $_size_execute0_lowered;
	s4 =	sadd.s32 s4, s6;
	[dreg:$0x0] =	wrdreg $0x0  }
0xb7: {  	s6 =	sshll.u32 s28, $0x1;
	[dreg:$0x2] =	wrdreg s4  }
0xb8: {  	[dreg:$0x3] =	wrdreg s6  }
0xb9: {  	[dreg:$0x4] =	wrdreg $0xC0  }
0xba: {  	_ =	task [dreg:s22], $0x5FFFF  }
0xbb: {  	[dreg:$0x1] =	wrdreg $0xFFFFFFFF  }
0xbc: {  	[dreg:$0x0] =	wrdreg $0x60  }
0xbd: {  	[dreg:$0x2] =	wrdreg s18  }
0xbe: {  	[dreg:$0x3] =	wrdreg s24  }
0xbf: {  	[dreg:$0x4] =	wrdreg $0xA  }
0xc0: {  	_ =	task.clear_ibuf [dreg:s22], $0x5FFFF;
	_ =	strace $0x9000004F  }
0xc1: {  	s29 =	simm.s32 $0xA;
	_ =	strace $0x80000051  }
0xc2: {  	_ =	swait.ge [sflag:s29], $0x1  }
0xc3: {  	[sflag:s29] =	ssyncadd.s32 $0xFFFFFFFF  }
0xc4: {  	_ =	strace $0x90000051  }
0xc5: {  	_ =	sfence  }
0xc6: {  	s30 =	sld [smem:$0x0];
	_ =	sdelay $0x2  }
0xc7: {  	s31 =	sshll.u32 s1, $0xD;
	s1 =	sshrl.u32 s1, $0x2  }
0xc8: {  	s4 =	sand.u32 $0x4000, s31;
	s1 =	sadd.s32 s1, s30  }
0xc9: {  	s0 =	sor.u32 s4, s0;
	s1 =	sshll.u32 s1, $0x11  }
0xca: {  	s0 =	sor.u32 s1, s0  }
0xcb: {  	s0 =	sadd.s32 $0x8F2B, s0  }
0xcc: {  	[sflag:s0] =	ssyncadd.remote.s32 $0x1  }
0xcd: {  	_ =	sfence.sel $0xFFFF  }
0xce: {  	[dreg:$0x0] =	wrdreg $0xFFFFFFFF;
	(pc) =	sbr.abs _section_cstart, $3  }
0xcf: {  	[dreg:$0x1] =	wrdreg $0xFFFFFFFF  }
0xd0: {  	_ =	task.clear_ibuf [dreg:s22], $0x2FFFF;
	_ =	strace $0x9FFFFFFF  }
0xd1: {  	(tm) =	ssettm $0x7FFFFFFF  }
tec
execute0_lowered:
.L_overlay_start_1:
0x0: {  	(tag) =	ssettag $0x1  }
0x1: {  	s1 =	rddreg [dreg:$0x0]  }
0x2: {  	s7 =	rddreg [dreg:$0x1]  }
0x3: {  	s0 =	rddreg [dreg:$0x2]  }
0x4: {  	s2 =	simm.s32 $0x0;
	s3 =	srdreg.scid;
	s14 =	simm.s32 $0x100  }
0x5: {  	s15 =	simm.s32 $0x4100;
	s16 =	simm.s32 $0x1;
	s17 =	simm.s32 $0x2  }
0x6: {  	s18 =	simm.s32 $0x0;
	[smem:$0x7FF] =	sst s2;
	s4 =	sadd.s32 $0x9800, s7  }
0x7: {  	s8 =	sand.u32 $0x1, s3;
	s5 =	sadd.s32 $0xB5C00, s7;
	s3 =	stileid.u32  }
0x8: {  	s6 =	sadd.s32 $0xB3C00, s7;
	_ =	strace $0x80000050;
	s9 =	ssub.s32 $0x2, s8  }
0x9: {  	s11 =	sshll.u32 s3, $0x1;
	s12 =	sshll.u32 s3, $0xC;
	s30 =	sshll.u32 s3, $0x8  }
0xa: {  	s31 =	sshll.u32 s8, $0x7;
	s13 =	sshll.u32 s8, $0xB;
	s10 =	sshrl.u32 s9, $0x1  }
0xb: {  	s26 =	sor.u32 s11, s8;
	s28 =	sadd.s32 s12, s7;
	s12 =	simm.s32 $0x3  }
0xc: {  	s9 =	ssub.s32 s9, s10;
	s29 =	ssub.s32 $0x213, s26;
	s11 =	sadd.s32 s13, s28  }
0xd: {  	s13 =	simm.s32 $0x80;
	s7 =	smax.u32 s9, $0x1;
	s8 =	sshrl.u32 s29, $0x5  }
0xe: {  	s9 =	sor.u32 s31, s30;
	s10 =	sadd.s32 $0x2B3C00, s11;
	s11 =	sadd.s32 $0x3ADC00, s11  }
.LBB2_1:
0xf: {  	p1 =	sne.s32 s8, $0x1  }
.Ltmp0:
0x10: {  	_ = 	snop;
	(pc) =	sbr.rel @!p1 .LBB2_2-.Ltmp0, $2  }
0x11: {  	_ =	sdelay $0x2  }
0x12: {  	s19 =	sadd.s32 $0xFFFFFFFF, s8;
	s23 =	sshrl.u32 s9, $0x3;
	p0 =	por $0x0, $0x0  }
0x13: {  	s20 =	sadd.s32 s5, s23  }
0x14: {  	[tilespmem:s2], [sflag:$0x3] =	stream.linear.gather [hbm4b:s20+s2], $0x80, $0x38;
	[tilespmem:$0x8100] =	vst v63  }
0x15: {  	_ =	swait.ge [sflag:s12], $0x80  }
0x16: {  	[sflag:s12] =	ssyncset.done $0x0  }
0x17: {  	s31 =	sadd.s32 s6, s23;
	[sflag:s12] =	ssyncadd.s32 $0xFFFFFF80  }
0x18: {  	[tilespmem:s13], [sflag:$0x3] =	stream.linear.gather [hbm4b:s31+s2], $0x80, $0x38;
	[tilespmem:$0x8100] =	vst v63  }
0x19: {  	_ =	swait.ge [sflag:s12], $0x80  }
0x1a: {  	[sflag:s12] =	ssyncset.done $0x0  }
0x1b: {  	[sflag:s12] =	ssyncadd.s32 $0xFFFFFF80  }
0x1c: {  	[tilespmem:s14], [sflag:$0x1] =	stream.indirect.gather [hbm4b:s1+s13], $0x80, s2, s13, $0xb8;
	[tilespmem:$0x8100] =	vst v63  }
0x1d: {  	_ = 	snop  }
0x1e: {  	[tilespmem:s15], [sflag:$0x2] =	stream.indirect.gather [hbm4b:s4+s13], $0x80, s13, s13, $0xb8;
	[tilespmem:$0x8100] =	vst v63  }
0x1f: {  	_ =	swait.ge [sflag:s16], $0x4000  }
0x20: {  	[sflag:s16] =	ssyncset.done $0x0  }
0x21: {  	[sflag:s16] =	ssyncadd.s32 $0xFFFFC000  }
0x22: {  	_ =	swait.ge [sflag:s17], $0x4000  }
0x23: {  	[sflag:s17] =	ssyncset.done $0x0  }
0x24: {  	[sflag:s17] =	ssyncadd.s32 $0xFFFFC000  }
0x25: {  	[hbm4b:s10+s2] =	stream.linear.scatter [tilespmem:s14], [sflag:$0x3], $0x4000, $0x38;
	[tilespmem:$0x8100] =	vst v63  }
0x26: {  	p1 =	sne.s32 s19, $0x1;
	_ =	swait.ge [sflag:s12], $0x4000  }
.Ltmp1:
0x27: {  	[sflag:s12] =	ssyncset.done $0x0;
	(pc) =	sbr.rel @!p1 .LBB2_4-.Ltmp1, $4  }
0x28: {  	s21 =	sadd.s32 $0x1000, s9;
	s22 =	sadd.s32 $0xFFFFFFFF, s19;
	[sflag:s12] =	ssyncadd.s32 $0xFFFFC000  }
0x29: {  	[hbm4b:s11+s2] =	stream.linear.scatter [tilespmem:s15], [sflag:$0x3], $0x4000, $0x38;
	[tilespmem:$0x8100] =	vst v63  }
0x2a: {  	s19 =	sadd.s32 $0x10000, s11;
	p0 =	por $0x1, $0x1;
	_ =	swait.ge [sflag:s12], $0x4000  }
0x2b: {  	s23 =	sshrl.u32 s21, $0x3;
	s20 =	smov.u32 s10;
	[sflag:s12] =	ssyncset.done $0x0  }
.LBB2_5:
0x2c: {  	s24 =	sadd.s32 s5, s23;
	[sflag:s12] =	ssyncadd.s32 $0xFFFFC000;
	s20 =	sadd.s32 $0x10000, s20  }
0x2d: {  	[tilespmem:s2], [sflag:$0x3] =	stream.linear.gather [hbm4b:s24+s2], $0x80, $0x38;
	[tilespmem:$0x8100] =	vst v63  }
0x2e: {  	p1 =	sne.s32 s22, $0x1;
	s22 =	sadd.s32 $0xFFFFFFFF, s22;
	_ =	swait.ge [sflag:s12], $0x80  }
0x2f: {  	[sflag:s12] =	ssyncset.done $0x0  }
0x30: {  	s23 =	sadd.s32 s6, s23;
	[sflag:s12] =	ssyncadd.s32 $0xFFFFFF80  }
0x31: {  	[tilespmem:s13], [sflag:$0x3] =	stream.linear.gather [hbm4b:s23+s2], $0x80, $0x38;
	[tilespmem:$0x8100] =	vst v63  }
0x32: {  	_ =	swait.ge [sflag:s12], $0x80  }
0x33: {  	[sflag:s12] =	ssyncset.done $0x0  }
0x34: {  	[sflag:s12] =	ssyncadd.s32 $0xFFFFFF80  }
0x35: {  	[tilespmem:s14], [sflag:$0x1] =	stream.indirect.gather [hbm4b:s1+s13], $0x80, s2, s13, $0xb8;
	[tilespmem:$0x8100] =	vst v63  }
0x36: {  	_ = 	snop  }
0x37: {  	[tilespmem:s15], [sflag:$0x2] =	stream.indirect.gather [hbm4b:s4+s13], $0x80, s13, s13, $0xb8;
	[tilespmem:$0x8100] =	vst v63  }
0x38: {  	_ =	swait.ge [sflag:s16], $0x4000  }
0x39: {  	[sflag:s16] =	ssyncset.done $0x0  }
0x3a: {  	[sflag:s16] =	ssyncadd.s32 $0xFFFFC000  }
0x3b: {  	_ =	swait.ge [sflag:s17], $0x4000  }
0x3c: {  	[sflag:s17] =	ssyncset.done $0x0  }
0x3d: {  	[sflag:s17] =	ssyncadd.s32 $0xFFFFC000  }
0x3e: {  	[hbm4b:s20+s2] =	stream.linear.scatter [tilespmem:s14], [sflag:$0x3], $0x4000, $0x38;
	[tilespmem:$0x8100] =	vst v63  }
0x3f: {  	_ =	swait.ge [sflag:s12], $0x4000  }
.Ltmp2:
0x40: {  	[sflag:s12] =	ssyncset.done $0x0;
	(pc) =	sbr.rel @p1 .LBB2_5-.Ltmp2, $4  }
0x41: {  	[sflag:s12] =	ssyncadd.s32 $0xFFFFC000  }
0x42: {  	[hbm4b:s19+s2] =	stream.linear.scatter [tilespmem:s15], [sflag:$0x3], $0x4000, $0x38;
	[tilespmem:$0x8100] =	vst v63  }
0x43: {  	s21 =	sadd.s32 $0x1000, s21;
	_ =	swait.ge [sflag:s12], $0x4000  }
0x44: {  	s23 =	sshrl.u32 s21, $0x3;
	s19 =	sadd.s32 $0x10000, s19;
	[sflag:s12] =	ssyncset.done $0x0  }
.LBB2_6:
0x45: {  	s21 =	sadd.s32 s5, s23;
	[sflag:s12] =	ssyncadd.s32 @p0 $0xFFFFC000  }
0x46: {  	[tilespmem:s2], [sflag:$0x3] =	stream.linear.gather [hbm4b:s21+s2], $0x80, $0x38;
	[tilespmem:$0x8100] =	vst v63  }
0x47: {  	_ =	swait.ge [sflag:s12], $0x80  }
0x48: {  	[sflag:s12] =	ssyncset.done $0x0  }
0x49: {  	s31 =	sadd.s32 s6, s23;
	[sflag:s12] =	ssyncadd.s32 $0xFFFFFF80  }
0x4a: {  	[tilespmem:s13], [sflag:$0x3] =	stream.linear.gather [hbm4b:s31+s2], $0x80, $0x38;
	[tilespmem:$0x8100] =	vst v63  }
0x4b: {  	_ =	swait.ge [sflag:s12], $0x80  }
0x4c: {  	[sflag:s12] =	ssyncset.done $0x0  }
0x4d: {  	[sflag:s12] =	ssyncadd.s32 $0xFFFFFF80  }
0x4e: {  	[tilespmem:s14], [sflag:$0x1] =	stream.indirect.gather [hbm4b:s1+s13], $0x80, s2, s13, $0xb8;
	[tilespmem:$0x8100] =	vst v63  }
0x4f: {  	_ = 	snop  }
0x50: {  	[tilespmem:s15], [sflag:$0x2] =	stream.indirect.gather [hbm4b:s4+s13], $0x80, s13, s13, $0xb8;
	[tilespmem:$0x8100] =	vst v63  }
0x51: {  	_ =	swait.ge [sflag:s16], $0x4000  }
0x52: {  	[sflag:s16] =	ssyncset.done $0x0  }
0x53: {  	[sflag:s16] =	ssyncadd.s32 $0xFFFFC000  }
0x54: {  	_ =	swait.ge [sflag:s17], $0x4000  }
0x55: {  	s20 =	sadd.s32 @p0 $0x10000, s20;
	s21 =	smov.u32 s10;
	[sflag:s17] =	ssyncset.done $0x0  }
0x56: {  	s21 =	smov.u32 @p0 s20;
	[sflag:s17] =	ssyncadd.s32 $0xFFFFC000  }
0x57: {  	[hbm4b:s21+s2] =	stream.linear.scatter [tilespmem:s14], [sflag:$0x3], $0x4000, $0x38;
	[tilespmem:$0x8100] =	vst v63  }
0x58: {  	_ =	swait.ge [sflag:s12], $0x4000  }
0x59: {  	s18 =	sadd.s32 $0x1, s18;
	[sflag:s12] =	ssyncset.done $0x0  }
0x5a: {  	p0 =	sne.s32 s18, s7;
	[sflag:s12] =	ssyncadd.s32 $0xFFFFC000  }
0x5b: {  	[hbm4b:s19+s2] =	stream.linear.scatter [tilespmem:s15], [sflag:$0x3], $0x4000, $0x38;
	[tilespmem:$0x8100] =	vst v63  }
.Ltmp3:
0x5c: {  	_ = 	snop;
	(pc) =	sbr.rel @p0 .LBB2_1-.Ltmp3, $4  }
.Ltmp4:
0x5d: {  	_ = 	snop;
	(pc) =	sbr.rel @!p0 .LBB2_7-.Ltmp4, $4  }
0x5e: {  	_ =	swait.ge [sflag:s12], $0x4000  }
0x5f: {  	[sflag:s12] =	ssyncset.done $0x0  }
0x60: {  	[sflag:s12] =	ssyncadd.s32 $0xFFFFC000  }
0x61: {  	_ = 	snop  }
.LBB2_2:
.Ltmp5:
0x62: {  	(pc) =	sbr.rel .LBB2_6-.Ltmp5, $2  }
0x63: {  	_ =	sdelay $0x2  }
0x64: {  	s20 =	smov.u32 s10;
	s19 =	smov.u32 s11  }
.LBB2_4:
.Ltmp6:
0x65: {  	(pc) =	sbr.rel .LBB2_6-.Ltmp6, $2  }
0x66: {  	_ =	sdelay $0x2  }
0x67: {  	s20 =	smov.u32 s10  }
.LBB2_7:
0x68: {  	_ =	sfence.sel $0x180000  }
0x69: {  	[bflag:$0x0] =	sbarrier.arrive $0xFFFF  }
0x6a: {  	p0 =	sne.s32 s3, $0x0;
	_ =	strace $0x90000050  }
0x6b: {  	s0 =	sadd.s32 @!p0 $0x100000, s0;
	[bflag:$0x2] =	sbarrier.arrive $0xFFFF  }
0x6c: {  	[sflag:s0] =	ssyncadd.tile.s32 @!p0 $0x1;
	_ =	shalt  }
.Lfunc_end2:
_tile_overlayer_lowered:
.L_overlay_start_2:
0x6d: {  	(tag) =	ssettag $0x2  }
0x6e: {  	s0 =	rddreg [dreg:$0x0];
	s2 =	stileid.u32  }
0x6f: {  	s1 =	rddreg [dreg:$0x1];
	p0 =	sne.s32 s2, $0x0  }
0x70: {  	s3 =	rddreg [dreg:$0x2];
	[bflag:$0x3] =	sbarrier.arrive $0xFFFF;
	s2 =	simm.s32 @!p0 $0x1C03  }
0x71: {  	[timem:s3], [sflag:s2] =	dma.local @!p0 [hbm:s0], s1  }
0x72: {  	s0 =	simm.s32 @!p0 $0x3  }
0x73: {  	_ =	swait.ge @!p0 [sflag:s0], s1  }
0x74: {  	s1 =	ssub.s32 @!p0 $0x0, s1;
	[sflag:s0] =	ssyncset.done @!p0 $0x0  }
0x75: {  	[sflag:s0] =	ssyncadd.s32 @!p0 s1  }
0x76: {  	[bflag:$0x3] =	sbarrier.arrive $0xFFFF  }
0x77: {  	_ =	shalt  }

// kernel: gather_pair.13.cloned.1.call-start
scs
__scs_entry_jumppad:
0x0: {  	(pc) =	sbr.rel $0x88, $3  }
0x1: {  	(tag) =	ssettag $0x0;
	lr =	simm.s32 $0x1  }
0x2: {  	[smem:$0x3F82] =	sst lr;
	_ =	strace $0xD0000000  }
0x3: {  	_ = 	snop  }
0x4: {  	_ = 	snop  }
0x5: {  	_ = 	snop  }
0x6: {  	_ = 	snop  }
0x7: {  	_ = 	snop  }
__scs_overlays_trampoline_lowered:
0x8: {  	[smem:$0x3F91] =	sst s0  }
0x9: {  	[smem:$0x3F92] =	sst s1  }
0xa: {  	[smem:$0x3F93] =	sst s2  }
0xb: {  	[smem:$0x3F94] =	sst s3  }
0xc: {  	[smem:$0x3F95] =	sst s4  }
0xd: {  	[smem:$0x3F96] =	sst s5  }
0xe: {  	[smem:$0x3F97] =	sst s6  }
0xf: {  	[smem:$0x3F98] =	sst s7  }
0x10: {  	[smem:$0x3F99] =	sst s8  }
0x11: {  	[smem:$0x3F9A] =	sst s9;
	s0 =	simm.s32 @!p0 $0x0  }
0x12: {  	s1 =	sld [smem:$0x3F80];
	s0 =	simm.s32 @p0 $0x1  }
0x13: {  	[smem:$0x3F9B] =	sst s0;
	s0 =	simm.s32 @!p1 $0x0  }
0x14: {  	s2 =	sld [smem:$0x3F7F];
	s0 =	simm.s32 @p1 $0x1  }
0x15: {  	[smem:$0x3F9C] =	sst s0;
	s0 =	simm.s32 @!p2 $0x0  }
0x16: {  	s3 =	sld [smem:$0x3FDB];
	s0 =	simm.s32 @p2 $0x1  }
0x17: {  	s4 =	simm.s32 $0x1BF5;
	[smem:$0x3F9E] =	sst s0  }
0x18: {  	s0 =	sld [smem:$0x3F81];
	_ =	swait.ge [sflag:s4], $0x0  }
0x19: {  	s7 =	sld [smem:$0x3F82]  }
0x1a: {  	s8 =	sadd.s32 $0xFFFFE003, lr  }
0x1b: {  	s9 =	sadd.s32 $0xFFFFFEF7, lr;
	s5 =	simm.s32 $0xFFFFFFFF;
	p2 =	slt.u32 s8, $0xFFFFF086  }
0x1c: {  	p1 =	slt.u32 s9, $0xF7A;
	s5 =	simm.s32 @!p2 $0x0  }
0x1d: {  	s5 =	simm.s32 @p1 $0x1;
	p0 =	seq.s32 s7, s2  }
0x1e: {  	s7 =	smul.u32 @!p0 $0xF7A, s2;
	p2 =	seq.s32 @!p0 s5, $0x0  }
0x1f: {  	s9 =	smul.u32 $0xF7A, s1;
	s8 =	simm.s32 @!p0 $0x1BF5;
	p2 =	por !p2, p0  }
0x20: {  	[sflag:s8] =	ssyncset.s32 @!p0 $0xFFFFF086;
	s6 =	sadd.s32 @!p0 s3, s7;
	s7 =	simm.s32 @!p0 $0x108  }
0x21: {  	s3 =	sadd.s32 s3, s9;
	s6 =	sadd.s32 @!p0 $0x88, s6;
	s7 =	simm.s32 @p2 $0x1082  }
0x22: {  	[simem:s7], [sflag:s8] =	dma.local @!p0 [hbm:s6], $0xF7A  }
0x23: {  	s9 =	sor.u32 $0xD0000000, s2;
	s6 =	simm.s32 $0x108;
	_ =	swait.ge @!p0 [sflag:s8], $0x0  }
0x24: {  	s3 =	sadd.s32 $0x88, s3;
	s6 =	simm.s32 @!p1 $0x1082;
	[sflag:s4] =	ssyncset.s32 $0xFFFFF086  }
0x25: {  	[simem:s6], [sflag:s4] =	dma.local [hbm:s3], $0xF7A  }
0x26: {  	[smem:$0x3F82] =	sst s1;
	(tag) =	ssettag s2;
	_ =	strace s9  }
0x27: {  	s1 =	sld [smem:$0x3F92]  }
0x28: {  	s2 =	sld [smem:$0x3F93]  }
0x29: {  	s4 =	sld [smem:$0x3F95]  }
0x2a: {  	p0 =	seq.s32 s5, $0x0;
	s5 =	sld [smem:$0x3F96]  }
0x2b: {  	s6 =	sld [smem:$0x3F97]  }
0x2c: {  	s7 =	sld [smem:$0x3F98]  }
0x2d: {  	s3 =	simm.s32 $0x108;
	s8 =	sld [smem:$0x3F99]  }
0x2e: {  	s3 =	simm.s32 @!p0 $0x1082;
	s9 =	sld [smem:$0x3F9A]  }
0x2f: {  	lr =	sadd.s32 s0, s3;
	s0 =	sld [smem:$0x3F91]  }
0x30: {  	s3 =	sld [smem:$0x3F94]  }
0x31: {  	[smem:$0x3F9D] =	sst s10  }
0x32: {  	s10 =	sld [smem:$0x3F9B];
	_ =	sdelay $0x3  }
0x33: {  	p0 =	seq.s32 s10, $0x1;
	s10 =	sld [smem:$0x3F9D];
	_ =	sdelay $0x3  }
0x34: {  	[smem:$0x3F9D] =	sst s10  }
0x35: {  	s10 =	sld [smem:$0x3F9C];
	_ =	sdelay $0x3  }
0x36: {  	p1 =	seq.s32 s10, $0x1;
	s10 =	sld [smem:$0x3F9D];
	_ =	sdelay $0x3  }
0x37: {  	[smem:$0x3F9D] =	sst s10  }
0x38: {  	s10 =	sld [smem:$0x3F9E]  }
0x39: {  	_ = 	snop;
	(pc) =	sbr.ind lr, $3  }
0x3a: {  	_ = 	snop  }
0x3b: {  	_ = 	snop  }
0x3c: {  	p2 =	seq.s32 s10, $0x1;
	s10 =	sld [smem:$0x3F9D]  }
0x3d: {  	_ =	shalt  }
0x3e: {  	_ =	shalt  }
0x3f: {  	_ =	shalt  }
0x40: {  	_ =	shalt  }
0x41: {  	_ =	shalt  }
0x42: {  	_ =	shalt  }
0x43: {  	_ =	shalt  }
0x44: {  	_ =	shalt  }
0x45: {  	_ =	shalt  }
0x46: {  	_ =	shalt  }
0x47: {  	_ =	shalt  }
0x48: {  	_ =	shalt  }
0x49: {  	_ =	shalt  }
0x4a: {  	_ =	shalt  }
0x4b: {  	_ =	shalt  }
0x4c: {  	_ =	shalt  }
0x4d: {  	_ =	shalt  }
0x4e: {  	_ =	shalt  }
0x4f: {  	_ =	shalt  }
0x50: {  	_ =	shalt  }
0x51: {  	_ =	shalt  }
0x52: {  	_ =	shalt  }
0x53: {  	_ =	shalt  }
0x54: {  	_ =	shalt  }
0x55: {  	_ =	shalt  }
0x56: {  	_ =	shalt  }
0x57: {  	_ =	shalt  }
0x58: {  	_ =	shalt  }
0x59: {  	_ =	shalt  }
0x5a: {  	_ =	shalt  }
0x5b: {  	_ =	shalt  }
0x5c: {  	_ =	shalt  }
0x5d: {  	_ =	shalt  }
0x5e: {  	_ =	shalt  }
0x5f: {  	_ =	shalt  }
0x60: {  	_ =	shalt  }
0x61: {  	_ =	shalt  }
0x62: {  	_ =	shalt  }
0x63: {  	_ =	shalt  }
0x64: {  	_ =	shalt  }
0x65: {  	_ =	shalt  }
0x66: {  	_ =	shalt  }
0x67: {  	_ =	shalt  }
0x68: {  	_ =	shalt  }
0x69: {  	_ =	shalt  }
0x6a: {  	_ =	shalt  }
0x6b: {  	_ =	shalt  }
0x6c: {  	_ =	shalt  }
0x6d: {  	_ =	shalt  }
0x6e: {  	_ =	shalt  }
0x6f: {  	_ =	shalt  }
0x70: {  	_ =	shalt  }
0x71: {  	_ =	shalt  }
0x72: {  	_ =	shalt  }
0x73: {  	_ =	shalt  }
0x74: {  	_ =	shalt  }
0x75: {  	_ =	shalt  }
0x76: {  	_ =	shalt  }
0x77: {  	_ =	shalt  }
0x78: {  	_ =	shalt  }
0x79: {  	_ =	shalt  }
0x7a: {  	_ =	shalt  }
0x7b: {  	_ =	shalt  }
0x7c: {  	_ =	shalt  }
0x7d: {  	_ =	shalt  }
0x7e: {  	_ =	shalt  }
0x7f: {  	_ =	shalt  }
0x80: {  	_ =	shalt  }
0x81: {  	_ =	shalt  }
0x82: {  	_ =	shalt  }
0x83: {  	_ =	shalt  }
0x84: {  	_ =	shalt  }
0x85: {  	_ =	shalt  }
0x86: {  	_ =	shalt  }
0x87: {  	_ =	shalt  }
.Lfunc_end0:
.L_simem_size_0:
called_computation.4_lowered:
.L_overlay_start_0:
0x88: {  	s2 =	sld [smem:$0x3FD9]  }
0x89: {  	s3 =	sld [smem:$0x3FFE];
	_ =	sdelay $0x1  }
0x8a: {  	s1 =	srdreg.scid  }
0x8b: {  	s0 =	sand.u32 $0x1, s1  }
0x8c: {  	s17 =	sshll.u32 s0, $0xA;
	s2 =	sadd.s32 s3, s2  }
0x8d: {  	s2 =	sadd.s32 s2, s17  }
0x8e: {  	[smem:$0x3FA9] =	sst s2  }
0x8f: {  	_ = 	snop  }
0x90: {  	s2 =	sld [smem:$0x3FD0];
	(tm) =	ssettm $0x1  }
0x91: {  	s18 =	sld [smem:$0x3FFB];
	_ =	sdelay $0x3  }
0x92: {  	_ =	strace s18  }
0x93: {  	s3 =	sld [smem:$0x3FFC];
	_ =	sdelay $0x3  }
0x94: {  	_ =	strace s3  }
0x95: {  	s3 =	sld [smem:$0x3FFD];
	_ =	sdelay $0x3  }
0x96: {  	_ =	strace s3  }
0x97: {  	_ =	strace $0x8FFFFFFF  }
0x98: {  	s19 =	sld [smem:$0x3FDB];
	_ =	sdelay $0x1  }
0x99: {  	s4 =	simm.s32 $_scs_section_size  }
0x9a: {  	s5 =	simm.s32 $_size__tile_overlayer_lowered;
	s6 =	simm.s32 $_tile_overlayer_lowered  }
0x9b: {  	s22 =	simm.s32 $0x1BFF;
	s21 =	sshll.u32 s6, $0x1;
	s3 =	sadd.s32 s4, s19  }
0x9c: {  	s7 =	simm.s32 $0x0;
	s20 =	sshll.u32 s5, $0x1;
	s5 =	sadd.s32 s21, s3  }
0x9d: {  	[timem:s7], [sflag:s22] =	dma.local [hbm:s5], s20  }
0x9e: {  	_ =	swait.ge [sflag:s22], s20  }
0x9f: {  	s4 =	ssub.s32 $0x0, s20;
	[sflag:s22] =	ssyncset.done $0x0  }
0xa0: {  	[sflag:s22] =	ssyncadd.s32 s4;
	_ =	sdelay $0x1  }
0xa1: {  	s23 =	simm.s32 $0x1B8B  }
0xa2: {  	_ =	swait.ge [sflag:s23], $0x1  }
0xa3: {  	[sflag:s23] =	ssyncset.done $0x0  }
0xa4: {  	s25 =	simm.s32 $0x1B8E;
	s24 =	sld [smem:$0x3FFE];
	[sflag:s23] =	ssyncadd.s32 $0xFFFFFFFF  }
0xa5: {  	s26 =	simm.s32 $execute0_lowered;
	[smem:$0x3FD2] =	sst s25  }
0xa6: {  	s5 =	sshll.u32 s26, $0x1;
	_ =	strace $0x8000004C;
	[dreg:$0x1] =	wrdreg $0xFFFFFFFF  }
0xa7: {  	s28 =	simm.s32 $_size_execute0_lowered;
	s3 =	sadd.s32 s3, s5;
	[dreg:$0x0] =	wrdreg $0x0  }
0xa8: {  	s5 =	sshll.u32 s28, $0x1;
	[dreg:$0x2] =	wrdreg s3  }
0xa9: {  	[dreg:$0x3] =	wrdreg s5  }
0xaa: {  	[dreg:$0x4] =	wrdreg $0xC0  }
0xab: {  	_ =	task [dreg:s7], $0x5FFFF  }
0xac: {  	[dreg:$0x1] =	wrdreg $0xFFFFFFFF  }
0xad: {  	[dreg:$0x0] =	wrdreg $0x60  }
0xae: {  	[dreg:$0x2] =	wrdreg s2  }
0xaf: {  	[dreg:$0x3] =	wrdreg s24  }
0xb0: {  	[dreg:$0x4] =	wrdreg $0xB  }
0xb1: {  	_ =	task.clear_ibuf [dreg:s7], $0x5FFFF;
	_ =	strace $0x9000004C  }
0xb2: {  	s29 =	simm.s32 $0xB;
	_ =	strace $0x8000004E  }
0xb3: {  	_ =	swait.ge [sflag:s29], $0x1  }
0xb4: {  	[sflag:s29] =	ssyncadd.s32 $0xFFFFFFFF  }
0xb5: {  	_ =	strace $0x9000004E  }
0xb6: {  	_ =	sfence  }
0xb7: {  	s30 =	sld [smem:$0x0];
	_ =	sdelay $0x2  }
0xb8: {  	s31 =	sshll.u32 s1, $0xD;
	s1 =	sshrl.u32 s1, $0x2  }
0xb9: {  	s3 =	sand.u32 $0x4000, s31;
	s1 =	sadd.s32 s1, s30  }
0xba: {  	s0 =	sor.u32 s3, s0;
	s1 =	sshll.u32 s1, $0x11  }
0xbb: {  	s0 =	sor.u32 s1, s0  }
0xbc: {  	s0 =	sadd.s32 $0x8F2B, s0  }
0xbd: {  	[sflag:s0] =	ssyncadd.remote.s32 $0x1  }
0xbe: {  	_ =	sfence.sel $0xFFFF  }
0xbf: {  	[dreg:$0x0] =	wrdreg $0xFFFFFFFF;
	(pc) =	sbr.abs _section_cstart, $3  }
0xc0: {  	[dreg:$0x1] =	wrdreg $0xFFFFFFFF  }
0xc1: {  	_ =	task.clear_ibuf [dreg:s7], $0x2FFFF;
	_ =	strace $0x9FFFFFFF  }
0xc2: {  	(tm) =	ssettm $0x7FFFFFFF  }
0xc3: {  	_ =	shalt  }
tec
execute0_lowered:
.L_overlay_start_1:
0x0: {  	(tag) =	ssettag $0x1  }
0x1: {  	s1 =	rddreg [dreg:$0x0]  }
0x2: {  	s7 =	rddreg [dreg:$0x1]  }
0x3: {  	s0 =	rddreg [dreg:$0x2]  }
0x4: {  	s2 =	simm.s32 $0x0;
	s3 =	srdreg.scid;
	s14 =	simm.s32 $0x100  }
0x5: {  	s15 =	simm.s32 $0x4100;
	s16 =	simm.s32 $0x1;
	s17 =	simm.s32 $0x2  }
0x6: {  	s18 =	simm.s32 $0x0;
	[smem:$0x7FF] =	sst s2;
	s4 =	sadd.s32 $0x9800, s7  }
0x7: {  	s8 =	sand.u32 $0x1, s3;
	s5 =	sadd.s32 $0xB1C00, s7;
	s3 =	stileid.u32  }
0x8: {  	s6 =	sadd.s32 $0xAFC00, s7;
	_ =	strace $0x8000004D;
	s9 =	ssub.s32 $0x2, s8  }
0x9: {  	s11 =	sshll.u32 s3, $0x1;
	s12 =	sshll.u32 s3, $0xC;
	s30 =	sshll.u32 s3, $0x8  }
0xa: {  	s31 =	sshll.u32 s8, $0x7;
	s13 =	sshll.u32 s8, $0xB;
	s10 =	sshrl.u32 s9, $0x1  }
0xb: {  	s26 =	sor.u32 s11, s8;
	s28 =	sadd.s32 s12, s7;
	s12 =	simm.s32 $0x3  }
0xc: {  	s9 =	ssub.s32 s9, s10;
	s29 =	ssub.s32 $0x213, s26;
	s11 =	sadd.s32 s13, s28  }
0xd: {  	s13 =	simm.s32 $0x80;
	s7 =	smax.u32 s9, $0x1;
	s8 =	sshrl.u32 s29, $0x5  }
0xe: {  	s9 =	sor.u32 s31, s30;
	s10 =	sadd.s32 $0xBFC00, s11;
	s11 =	sadd.s32 $0x1B9C00, s11  }
.LBB2_1:
0xf: {  	p1 =	sne.s32 s8, $0x1  }
.Ltmp0:
0x10: {  	_ = 	snop;
	(pc) =	sbr.rel @!p1 .LBB2_2-.Ltmp0, $2  }
0x11: {  	_ =	sdelay $0x2  }
0x12: {  	s19 =	sadd.s32 $0xFFFFFFFF, s8;
	s23 =	sshrl.u32 s9, $0x3;
	p0 =	por $0x0, $0x0  }
0x13: {  	s20 =	sadd.s32 s5, s23  }
0x14: {  	[tilespmem:s2], [sflag:$0x3] =	stream.linear.gather [hbm4b:s20+s2], $0x80, $0x38;
	[tilespmem:$0x8100] =	vst v63  }
0x15: {  	_ =	swait.ge [sflag:s12], $0x80  }
0x16: {  	[sflag:s12] =	ssyncset.done $0x0  }
0x17: {  	s31 =	sadd.s32 s6, s23;
	[sflag:s12] =	ssyncadd.s32 $0xFFFFFF80  }
0x18: {  	[tilespmem:s13], [sflag:$0x3] =	stream.linear.gather [hbm4b:s31+s2], $0x80, $0x38;
	[tilespmem:$0x8100] =	vst v63  }
0x19: {  	_ =	swait.ge [sflag:s12], $0x80  }
0x1a: {  	[sflag:s12] =	ssyncset.done $0x0  }
0x1b: {  	[sflag:s12] =	ssyncadd.s32 $0xFFFFFF80  }
0x1c: {  	[tilespmem:s14], [sflag:$0x1] =	stream.indirect.gather [hbm4b:s1+s13], $0x80, s2, s13, $0xb8;
	[tilespmem:$0x8100] =	vst v63  }
0x1d: {  	_ = 	snop  }
0x1e: {  	[tilespmem:s15], [sflag:$0x2] =	stream.indirect.gather [hbm4b:s4+s13], $0x80, s13, s13, $0xb8;
	[tilespmem:$0x8100] =	vst v63  }
0x1f: {  	_ =	swait.ge [sflag:s16], $0x4000  }
0x20: {  	[sflag:s16] =	ssyncset.done $0x0  }
0x21: {  	[sflag:s16] =	ssyncadd.s32 $0xFFFFC000  }
0x22: {  	_ =	swait.ge [sflag:s17], $0x4000  }
0x23: {  	[sflag:s17] =	ssyncset.done $0x0  }
0x24: {  	[sflag:s17] =	ssyncadd.s32 $0xFFFFC000  }
0x25: {  	[hbm4b:s10+s2] =	stream.linear.scatter [tilespmem:s14], [sflag:$0x3], $0x4000, $0x38;
	[tilespmem:$0x8100] =	vst v63  }
0x26: {  	p1 =	sne.s32 s19, $0x1;
	_ =	swait.ge [sflag:s12], $0x4000  }
.Ltmp1:
0x27: {  	[sflag:s12] =	ssyncset.done $0x0;
	(pc) =	sbr.rel @!p1 .LBB2_4-.Ltmp1, $4  }
0x28: {  	s21 =	sadd.s32 $0x1000, s9;
	s22 =	sadd.s32 $0xFFFFFFFF, s19;
	[sflag:s12] =	ssyncadd.s32 $0xFFFFC000  }
0x29: {  	[hbm4b:s11+s2] =	stream.linear.scatter [tilespmem:s15], [sflag:$0x3], $0x4000, $0x38;
	[tilespmem:$0x8100] =	vst v63  }
0x2a: {  	s19 =	sadd.s32 $0x10000, s11;
	p0 =	por $0x1, $0x1;
	_ =	swait.ge [sflag:s12], $0x4000  }
0x2b: {  	s23 =	sshrl.u32 s21, $0x3;
	s20 =	smov.u32 s10;
	[sflag:s12] =	ssyncset.done $0x0  }
.LBB2_5:
0x2c: {  	s24 =	sadd.s32 s5, s23;
	[sflag:s12] =	ssyncadd.s32 $0xFFFFC000;
	s20 =	sadd.s32 $0x10000, s20  }
0x2d: {  	[tilespmem:s2], [sflag:$0x3] =	stream.linear.gather [hbm4b:s24+s2], $0x80, $0x38;
	[tilespmem:$0x8100] =	vst v63  }
0x2e: {  	p1 =	sne.s32 s22, $0x1;
	s22 =	sadd.s32 $0xFFFFFFFF, s22;
	_ =	swait.ge [sflag:s12], $0x80  }
0x2f: {  	[sflag:s12] =	ssyncset.done $0x0  }
0x30: {  	s23 =	sadd.s32 s6, s23;
	[sflag:s12] =	ssyncadd.s32 $0xFFFFFF80  }
0x31: {  	[tilespmem:s13], [sflag:$0x3] =	stream.linear.gather [hbm4b:s23+s2], $0x80, $0x38;
	[tilespmem:$0x8100] =	vst v63  }
0x32: {  	_ =	swait.ge [sflag:s12], $0x80  }
0x33: {  	[sflag:s12] =	ssyncset.done $0x0  }
0x34: {  	[sflag:s12] =	ssyncadd.s32 $0xFFFFFF80  }
0x35: {  	[tilespmem:s14], [sflag:$0x1] =	stream.indirect.gather [hbm4b:s1+s13], $0x80, s2, s13, $0xb8;
	[tilespmem:$0x8100] =	vst v63  }
0x36: {  	_ = 	snop  }
0x37: {  	[tilespmem:s15], [sflag:$0x2] =	stream.indirect.gather [hbm4b:s4+s13], $0x80, s13, s13, $0xb8;
	[tilespmem:$0x8100] =	vst v63  }
0x38: {  	_ =	swait.ge [sflag:s16], $0x4000  }
0x39: {  	[sflag:s16] =	ssyncset.done $0x0  }
0x3a: {  	[sflag:s16] =	ssyncadd.s32 $0xFFFFC000  }
0x3b: {  	_ =	swait.ge [sflag:s17], $0x4000  }
0x3c: {  	[sflag:s17] =	ssyncset.done $0x0  }
0x3d: {  	[sflag:s17] =	ssyncadd.s32 $0xFFFFC000  }
0x3e: {  	[hbm4b:s20+s2] =	stream.linear.scatter [tilespmem:s14], [sflag:$0x3], $0x4000, $0x38;
	[tilespmem:$0x8100] =	vst v63  }
0x3f: {  	_ =	swait.ge [sflag:s12], $0x4000  }
.Ltmp2:
0x40: {  	[sflag:s12] =	ssyncset.done $0x0;
	(pc) =	sbr.rel @p1 .LBB2_5-.Ltmp2, $4  }
0x41: {  	[sflag:s12] =	ssyncadd.s32 $0xFFFFC000  }
0x42: {  	[hbm4b:s19+s2] =	stream.linear.scatter [tilespmem:s15], [sflag:$0x3], $0x4000, $0x38;
	[tilespmem:$0x8100] =	vst v63  }
0x43: {  	s21 =	sadd.s32 $0x1000, s21;
	_ =	swait.ge [sflag:s12], $0x4000  }
0x44: {  	s23 =	sshrl.u32 s21, $0x3;
	s19 =	sadd.s32 $0x10000, s19;
	[sflag:s12] =	ssyncset.done $0x0  }
.LBB2_6:
0x45: {  	s21 =	sadd.s32 s5, s23;
	[sflag:s12] =	ssyncadd.s32 @p0 $0xFFFFC000  }
0x46: {  	[tilespmem:s2], [sflag:$0x3] =	stream.linear.gather [hbm4b:s21+s2], $0x80, $0x38;
	[tilespmem:$0x8100] =	vst v63  }
0x47: {  	_ =	swait.ge [sflag:s12], $0x80  }
0x48: {  	[sflag:s12] =	ssyncset.done $0x0  }
0x49: {  	s31 =	sadd.s32 s6, s23;
	[sflag:s12] =	ssyncadd.s32 $0xFFFFFF80  }
0x4a: {  	[tilespmem:s13], [sflag:$0x3] =	stream.linear.gather [hbm4b:s31+s2], $0x80, $0x38;
	[tilespmem:$0x8100] =	vst v63  }
0x4b: {  	_ =	swait.ge [sflag:s12], $0x80  }
0x4c: {  	[sflag:s12] =	ssyncset.done $0x0  }
0x4d: {  	[sflag:s12] =	ssyncadd.s32 $0xFFFFFF80  }
0x4e: {  	[tilespmem:s14], [sflag:$0x1] =	stream.indirect.gather [hbm4b:s1+s13], $0x80, s2, s13, $0xb8;
	[tilespmem:$0x8100] =	vst v63  }
0x4f: {  	_ = 	snop  }
0x50: {  	[tilespmem:s15], [sflag:$0x2] =	stream.indirect.gather [hbm4b:s4+s13], $0x80, s13, s13, $0xb8;
	[tilespmem:$0x8100] =	vst v63  }
0x51: {  	_ =	swait.ge [sflag:s16], $0x4000  }
0x52: {  	[sflag:s16] =	ssyncset.done $0x0  }
0x53: {  	[sflag:s16] =	ssyncadd.s32 $0xFFFFC000  }
0x54: {  	_ =	swait.ge [sflag:s17], $0x4000  }
0x55: {  	s20 =	sadd.s32 @p0 $0x10000, s20;
	s21 =	smov.u32 s10;
	[sflag:s17] =	ssyncset.done $0x0  }
0x56: {  	s21 =	smov.u32 @p0 s20;
	[sflag:s17] =	ssyncadd.s32 $0xFFFFC000  }
0x57: {  	[hbm4b:s21+s2] =	stream.linear.scatter [tilespmem:s14], [sflag:$0x3], $0x4000, $0x38;
	[tilespmem:$0x8100] =	vst v63  }
0x58: {  	_ =	swait.ge [sflag:s12], $0x4000  }
0x59: {  	s18 =	sadd.s32 $0x1, s18;
	[sflag:s12] =	ssyncset.done $0x0  }
0x5a: {  	p0 =	sne.s32 s18, s7;
	[sflag:s12] =	ssyncadd.s32 $0xFFFFC000  }
0x5b: {  	[hbm4b:s19+s2] =	stream.linear.scatter [tilespmem:s15], [sflag:$0x3], $0x4000, $0x38;
	[tilespmem:$0x8100] =	vst v63  }
.Ltmp3:
0x5c: {  	_ = 	snop;
	(pc) =	sbr.rel @p0 .LBB2_1-.Ltmp3, $4  }
.Ltmp4:
0x5d: {  	_ = 	snop;
	(pc) =	sbr.rel @!p0 .LBB2_7-.Ltmp4, $4  }
0x5e: {  	_ =	swait.ge [sflag:s12], $0x4000  }
0x5f: {  	[sflag:s12] =	ssyncset.done $0x0  }
0x60: {  	[sflag:s12] =	ssyncadd.s32 $0xFFFFC000  }
0x61: {  	_ = 	snop  }
.LBB2_2:
.Ltmp5:
0x62: {  	(pc) =	sbr.rel .LBB2_6-.Ltmp5, $2  }
0x63: {  	_ =	sdelay $0x2  }
0x64: {  	s20 =	smov.u32 s10;
	s19 =	smov.u32 s11  }
.LBB2_4:
.Ltmp6:
0x65: {  	(pc) =	sbr.rel .LBB2_6-.Ltmp6, $2  }
0x66: {  	_ =	sdelay $0x2  }
0x67: {  	s20 =	smov.u32 s10  }
.LBB2_7:
0x68: {  	_ =	sfence.sel $0x180000  }
0x69: {  	[bflag:$0x0] =	sbarrier.arrive $0xFFFF  }
0x6a: {  	p0 =	sne.s32 s3, $0x0;
	_ =	strace $0x9000004D  }
0x6b: {  	s0 =	sadd.s32 @!p0 $0x100000, s0;
	[bflag:$0x2] =	sbarrier.arrive $0xFFFF  }
0x6c: {  	[sflag:s0] =	ssyncadd.tile.s32 @!p0 $0x1;
	_ =	shalt  }
.Lfunc_end2:
_tile_overlayer_lowered:
.L_overlay_start_2:
0x6d: {  	(tag) =	ssettag $0x2  }
0x6e: {  	s0 =	rddreg [dreg:$0x0];
	s2 =	stileid.u32  }
0x6f: {  	s1 =	rddreg [dreg:$0x1];
	p0 =	sne.s32 s2, $0x0  }
0x70: {  	s3 =	rddreg [dreg:$0x2];
	[bflag:$0x3] =	sbarrier.arrive $0xFFFF;
	s2 =	simm.s32 @!p0 $0x1C03  }
0x71: {  	[timem:s3], [sflag:s2] =	dma.local @!p0 [hbm:s0], s1  }
0x72: {  	s0 =	simm.s32 @!p0 $0x3  }
0x73: {  	_ =	swait.ge @!p0 [sflag:s0], s1  }
0x74: {  	s1 =	ssub.s32 @!p0 $0x0, s1;
	[sflag:s0] =	ssyncset.done @!p0 $0x0  }
0x75: {  	[sflag:s0] =	ssyncadd.s32 @!p0 s1  }
0x76: {  	[bflag:$0x3] =	sbarrier.arrive $0xFFFF  }
0x77: {  	_ =	shalt  }

// kernel: gather_pair.16.cloned.1.call-start
scs
__scs_entry_jumppad:
0x0: {  	(pc) =	sbr.rel $0x88, $3  }
0x1: {  	(tag) =	ssettag $0x0;
	lr =	simm.s32 $0x1  }
0x2: {  	[smem:$0x3F82] =	sst lr;
	_ =	strace $0xD0000000  }
0x3: {  	_ = 	snop  }
0x4: {  	_ = 	snop  }
0x5: {  	_ = 	snop  }
0x6: {  	_ = 	snop  }
0x7: {  	_ = 	snop  }
__scs_overlays_trampoline_lowered:
0x8: {  	[smem:$0x3F91] =	sst s0  }
0x9: {  	[smem:$0x3F92] =	sst s1  }
0xa: {  	[smem:$0x3F93] =	sst s2  }
0xb: {  	[smem:$0x3F94] =	sst s3  }
0xc: {  	[smem:$0x3F95] =	sst s4  }
0xd: {  	[smem:$0x3F96] =	sst s5  }
0xe: {  	[smem:$0x3F97] =	sst s6  }
0xf: {  	[smem:$0x3F98] =	sst s7  }
0x10: {  	[smem:$0x3F99] =	sst s8  }
0x11: {  	[smem:$0x3F9A] =	sst s9;
	s0 =	simm.s32 @!p0 $0x0  }
0x12: {  	s1 =	sld [smem:$0x3F80];
	s0 =	simm.s32 @p0 $0x1  }
0x13: {  	[smem:$0x3F9B] =	sst s0;
	s0 =	simm.s32 @!p1 $0x0  }
0x14: {  	s2 =	sld [smem:$0x3F7F];
	s0 =	simm.s32 @p1 $0x1  }
0x15: {  	[smem:$0x3F9C] =	sst s0;
	s0 =	simm.s32 @!p2 $0x0  }
0x16: {  	s3 =	sld [smem:$0x3FDB];
	s0 =	simm.s32 @p2 $0x1  }
0x17: {  	s4 =	simm.s32 $0x1BF5;
	[smem:$0x3F9E] =	sst s0  }
0x18: {  	s0 =	sld [smem:$0x3F81];
	_ =	swait.ge [sflag:s4], $0x0  }
0x19: {  	s7 =	sld [smem:$0x3F82]  }
0x1a: {  	s8 =	sadd.s32 $0xFFFFE003, lr  }
0x1b: {  	s9 =	sadd.s32 $0xFFFFFEF7, lr;
	s5 =	simm.s32 $0xFFFFFFFF;
	p2 =	slt.u32 s8, $0xFFFFF086  }
0x1c: {  	p1 =	slt.u32 s9, $0xF7A;
	s5 =	simm.s32 @!p2 $0x0  }
0x1d: {  	s5 =	simm.s32 @p1 $0x1;
	p0 =	seq.s32 s7, s2  }
0x1e: {  	s7 =	smul.u32 @!p0 $0xF7A, s2;
	p2 =	seq.s32 @!p0 s5, $0x0  }
0x1f: {  	s9 =	smul.u32 $0xF7A, s1;
	s8 =	simm.s32 @!p0 $0x1BF5;
	p2 =	por !p2, p0  }
0x20: {  	[sflag:s8] =	ssyncset.s32 @!p0 $0xFFFFF086;
	s6 =	sadd.s32 @!p0 s3, s7;
	s7 =	simm.s32 @!p0 $0x108  }
0x21: {  	s3 =	sadd.s32 s3, s9;
	s6 =	sadd.s32 @!p0 $0x88, s6;
	s7 =	simm.s32 @p2 $0x1082  }
0x22: {  	[simem:s7], [sflag:s8] =	dma.local @!p0 [hbm:s6], $0xF7A  }
0x23: {  	s9 =	sor.u32 $0xD0000000, s2;
	s6 =	simm.s32 $0x108;
	_ =	swait.ge @!p0 [sflag:s8], $0x0  }
0x24: {  	s3 =	sadd.s32 $0x88, s3;
	s6 =	simm.s32 @!p1 $0x1082;
	[sflag:s4] =	ssyncset.s32 $0xFFFFF086  }
0x25: {  	[simem:s6], [sflag:s4] =	dma.local [hbm:s3], $0xF7A  }
0x26: {  	[smem:$0x3F82] =	sst s1;
	(tag) =	ssettag s2;
	_ =	strace s9  }
0x27: {  	s1 =	sld [smem:$0x3F92]  }
0x28: {  	s2 =	sld [smem:$0x3F93]  }
0x29: {  	s4 =	sld [smem:$0x3F95]  }
0x2a: {  	p0 =	seq.s32 s5, $0x0;
	s5 =	sld [smem:$0x3F96]  }
0x2b: {  	s6 =	sld [smem:$0x3F97]  }
0x2c: {  	s7 =	sld [smem:$0x3F98]  }
0x2d: {  	s3 =	simm.s32 $0x108;
	s8 =	sld [smem:$0x3F99]  }
0x2e: {  	s3 =	simm.s32 @!p0 $0x1082;
	s9 =	sld [smem:$0x3F9A]  }
0x2f: {  	lr =	sadd.s32 s0, s3;
	s0 =	sld [smem:$0x3F91]  }
0x30: {  	s3 =	sld [smem:$0x3F94]  }
0x31: {  	[smem:$0x3F9D] =	sst s10  }
0x32: {  	s10 =	sld [smem:$0x3F9B];
	_ =	sdelay $0x3  }
0x33: {  	p0 =	seq.s32 s10, $0x1;
	s10 =	sld [smem:$0x3F9D];
	_ =	sdelay $0x3  }
0x34: {  	[smem:$0x3F9D] =	sst s10  }
0x35: {  	s10 =	sld [smem:$0x3F9C];
	_ =	sdelay $0x3  }
0x36: {  	p1 =	seq.s32 s10, $0x1;
	s10 =	sld [smem:$0x3F9D];
	_ =	sdelay $0x3  }
0x37: {  	[smem:$0x3F9D] =	sst s10  }
0x38: {  	s10 =	sld [smem:$0x3F9E]  }
0x39: {  	_ = 	snop;
	(pc) =	sbr.ind lr, $3  }
0x3a: {  	_ = 	snop  }
0x3b: {  	_ = 	snop  }
0x3c: {  	p2 =	seq.s32 s10, $0x1;
	s10 =	sld [smem:$0x3F9D]  }
0x3d: {  	_ =	shalt  }
0x3e: {  	_ =	shalt  }
0x3f: {  	_ =	shalt  }
0x40: {  	_ =	shalt  }
0x41: {  	_ =	shalt  }
0x42: {  	_ =	shalt  }
0x43: {  	_ =	shalt  }
0x44: {  	_ =	shalt  }
0x45: {  	_ =	shalt  }
0x46: {  	_ =	shalt  }
0x47: {  	_ =	shalt  }
0x48: {  	_ =	shalt  }
0x49: {  	_ =	shalt  }
0x4a: {  	_ =	shalt  }
0x4b: {  	_ =	shalt  }
0x4c: {  	_ =	shalt  }
0x4d: {  	_ =	shalt  }
0x4e: {  	_ =	shalt  }
0x4f: {  	_ =	shalt  }
0x50: {  	_ =	shalt  }
0x51: {  	_ =	shalt  }
0x52: {  	_ =	shalt  }
0x53: {  	_ =	shalt  }
0x54: {  	_ =	shalt  }
0x55: {  	_ =	shalt  }
0x56: {  	_ =	shalt  }
0x57: {  	_ =	shalt  }
0x58: {  	_ =	shalt  }
0x59: {  	_ =	shalt  }
0x5a: {  	_ =	shalt  }
0x5b: {  	_ =	shalt  }
0x5c: {  	_ =	shalt  }
0x5d: {  	_ =	shalt  }
0x5e: {  	_ =	shalt  }
0x5f: {  	_ =	shalt  }
0x60: {  	_ =	shalt  }
0x61: {  	_ =	shalt  }
0x62: {  	_ =	shalt  }
0x63: {  	_ =	shalt  }
0x64: {  	_ =	shalt  }
0x65: {  	_ =	shalt  }
0x66: {  	_ =	shalt  }
0x67: {  	_ =	shalt  }
0x68: {  	_ =	shalt  }
0x69: {  	_ =	shalt  }
0x6a: {  	_ =	shalt  }
0x6b: {  	_ =	shalt  }
0x6c: {  	_ =	shalt  }
0x6d: {  	_ =	shalt  }
0x6e: {  	_ =	shalt  }
0x6f: {  	_ =	shalt  }
0x70: {  	_ =	shalt  }
0x71: {  	_ =	shalt  }
0x72: {  	_ =	shalt  }
0x73: {  	_ =	shalt  }
0x74: {  	_ =	shalt  }
0x75: {  	_ =	shalt  }
0x76: {  	_ =	shalt  }
0x77: {  	_ =	shalt  }
0x78: {  	_ =	shalt  }
0x79: {  	_ =	shalt  }
0x7a: {  	_ =	shalt  }
0x7b: {  	_ =	shalt  }
0x7c: {  	_ =	shalt  }
0x7d: {  	_ =	shalt  }
0x7e: {  	_ =	shalt  }
0x7f: {  	_ =	shalt  }
0x80: {  	_ =	shalt  }
0x81: {  	_ =	shalt  }
0x82: {  	_ =	shalt  }
0x83: {  	_ =	shalt  }
0x84: {  	_ =	shalt  }
0x85: {  	_ =	shalt  }
0x86: {  	_ =	shalt  }
0x87: {  	_ =	shalt  }
.Lfunc_end0:
.L_simem_size_0:
called_computation.5_lowered:
.L_overlay_start_0:
0x88: {  	s2 =	sld [smem:$0x3FD9]  }
0x89: {  	s3 =	sld [smem:$0x3FFE];
	_ =	sdelay $0x1  }
0x8a: {  	s1 =	srdreg.scid  }
0x8b: {  	s0 =	sand.u32 $0x1, s1  }
0x8c: {  	s17 =	sshll.u32 s0, $0xA;
	s2 =	sadd.s32 s3, s2  }
0x8d: {  	s2 =	sadd.s32 s2, s17  }
0x8e: {  	[smem:$0x3FA9] =	sst s2  }
0x8f: {  	_ = 	snop  }
0x90: {  	s18 =	sld [smem:$0x3FD0];
	(tm) =	ssettm $0x1  }
0x91: {  	s19 =	sld [smem:$0x3FFB];
	_ =	sdelay $0x3  }
0x92: {  	_ =	strace s19  }
0x93: {  	s2 =	sld [smem:$0x3FFC];
	_ =	sdelay $0x3  }
0x94: {  	_ =	strace s2  }
0x95: {  	s2 =	sld [smem:$0x3FFD];
	_ =	sdelay $0x3  }
0x96: {  	_ =	strace s2  }
0x97: {  	_ =	strace $0x8FFFFFFF  }
0x98: {  	s20 =	sld [smem:$0x3FDB];
	_ =	sdelay $0x1  }
0x99: {  	s4 =	simm.s32 $_scs_section_size  }
0x9a: {  	s5 =	simm.s32 $_size__tile_overlayer_lowered;
	s6 =	simm.s32 $_tile_overlayer_lowered  }
0x9b: {  	s7 =	simm.s32 $0x1BFF;
	s21 =	sshll.u32 s6, $0x1;
	s4 =	sadd.s32 s4, s20  }
0x9c: {  	s22 =	simm.s32 $0x0;
	s5 =	sshll.u32 s5, $0x1;
	s6 =	sadd.s32 s21, s4  }
0x9d: {  	[timem:s22], [sflag:s7] =	dma.local [hbm:s6], s5  }
0x9e: {  	_ =	swait.ge [sflag:s7], s5  }
0x9f: {  	s5 =	ssub.s32 $0x0, s5;
	[sflag:s7] =	ssyncset.done $0x0  }
0xa0: {  	[sflag:s7] =	ssyncadd.s32 s5;
	_ =	sdelay $0x1  }
0xa1: {  	s23 =	simm.s32 $0x1B8B  }
0xa2: {  	_ =	swait.ge [sflag:s23], $0x1  }
0xa3: {  	[sflag:s23] =	ssyncset.done $0x0  }
0xa4: {  	[sflag:s23] =	ssyncadd.s32 $0xFFFFFFFF  }
0xa5: {  	s5 =	sld [smem:$0x0]  }
0xa6: {  	s6 =	sand.u32 $0xFFFFFFFE, s1  }
0xa7: {  	p0 =	sne.s32 s1, s6  }
0xa8: {  	s6 =	sshll.u32 @p0 s6, $0xE  }
0xa9: {  	s6 =	sadd.s32 @p0 $0x11B8D, s6;
	s7 =	sshll.u32 @p0 s5, $0x11  }
0xaa: {  	s6 =	sor.u32 @p0 s7, s6  }
0xab: {  	[sflag:s6] =	ssyncadd.remote.s32 @p0 $0x1;
	_ =	sdelay $0x1  }
0xac: {  	s6 =	simm.s32 @p0 $0x1B8D  }
0xad: {  	_ =	swait.eq @p0 [sflag:s6], $0x1  }
0xae: {  	[sflag:s6] =	ssyncadd.s32 @p0 $0xFFFFFFFF  }
0xaf: {  	s7 =	sshll.u32 @!p0 s1, $0xE  }
0xb0: {  	s7 =	sor.u32 @!p0 $0x4000, s7;
	s6 =	simm.s32 @!p0 $0x1B8D  }
0xb1: {  	s5 =	sshll.u32 @!p0 s5, $0x11;
	s7 =	sadd.s32 @!p0 $0x11B8D, s7;
	_ =	swait.eq @!p0 [sflag:s6], $0x1  }
0xb2: {  	s5 =	sor.u32 @!p0 s5, s7;
	[sflag:s6] =	ssyncadd.s32 @!p0 $0xFFFFFFFF  }
0xb3: {  	s25 =	simm.s32 $0x1B8E;
	s24 =	sld [smem:$0x3FFE];
	[sflag:s5] =	ssyncadd.remote.s32 @!p0 $0x1  }
0xb4: {  	s26 =	simm.s32 $execute0_lowered;
	[smem:$0x3FD2] =	sst s25  }
0xb5: {  	s6 =	sshll.u32 s26, $0x1;
	_ =	strace $0x80000055;
	[dreg:$0x1] =	wrdreg $0xFFFFFFFF  }
0xb6: {  	s28 =	simm.s32 $_size_execute0_lowered;
	s4 =	sadd.s32 s4, s6;
	[dreg:$0x0] =	wrdreg $0x0  }
0xb7: {  	s6 =	sshll.u32 s28, $0x1;
	[dreg:$0x2] =	wrdreg s4  }
0xb8: {  	[dreg:$0x3] =	wrdreg s6  }
0xb9: {  	[dreg:$0x4] =	wrdreg $0xC0  }
0xba: {  	_ =	task [dreg:s22], $0x5FFFF  }
0xbb: {  	[dreg:$0x1] =	wrdreg $0xFFFFFFFF  }
0xbc: {  	[dreg:$0x0] =	wrdreg $0x60  }
0xbd: {  	[dreg:$0x2] =	wrdreg s18  }
0xbe: {  	[dreg:$0x3] =	wrdreg s24  }
0xbf: {  	[dreg:$0x4] =	wrdreg $0xC  }
0xc0: {  	_ =	task.clear_ibuf [dreg:s22], $0x5FFFF;
	_ =	strace $0x90000055  }
0xc1: {  	s29 =	simm.s32 $0xC;
	_ =	strace $0x80000057  }
0xc2: {  	_ =	swait.ge [sflag:s29], $0x1  }
0xc3: {  	[sflag:s29] =	ssyncadd.s32 $0xFFFFFFFF  }
0xc4: {  	_ =	strace $0x90000057  }
0xc5: {  	_ =	sfence  }
0xc6: {  	s30 =	sld [smem:$0x0];
	_ =	sdelay $0x2  }
0xc7: {  	s31 =	sshll.u32 s1, $0xD;
	s1 =	sshrl.u32 s1, $0x2  }
0xc8: {  	s4 =	sand.u32 $0x4000, s31;
	s1 =	sadd.s32 s1, s30  }
0xc9: {  	s0 =	sor.u32 s4, s0;
	s1 =	sshll.u32 s1, $0x11  }
0xca: {  	s0 =	sor.u32 s1, s0  }
0xcb: {  	s0 =	sadd.s32 $0x8F2B, s0  }
0xcc: {  	[sflag:s0] =	ssyncadd.remote.s32 $0x1  }
0xcd: {  	_ =	sfence.sel $0xFFFF  }
0xce: {  	[dreg:$0x0] =	wrdreg $0xFFFFFFFF;
	(pc) =	sbr.abs _section_cstart, $3  }
0xcf: {  	[dreg:$0x1] =	wrdreg $0xFFFFFFFF  }
0xd0: {  	_ =	task.clear_ibuf [dreg:s22], $0x2FFFF;
	_ =	strace $0x9FFFFFFF  }
0xd1: {  	(tm) =	ssettm $0x7FFFFFFF  }
tec
execute0_lowered:
.L_overlay_start_1:
0x0: {  	(tag) =	ssettag $0x1  }
0x1: {  	s1 =	rddreg [dreg:$0x0]  }
0x2: {  	s7 =	rddreg [dreg:$0x1]  }
0x3: {  	s0 =	rddreg [dreg:$0x2]  }
0x4: {  	s2 =	simm.s32 $0x0;
	s3 =	srdreg.scid;
	s14 =	simm.s32 $0x100  }
0x5: {  	s15 =	simm.s32 $0x4100;
	s16 =	simm.s32 $0x1;
	s17 =	simm.s32 $0x2  }
0x6: {  	s18 =	simm.s32 $0x0;
	[smem:$0x7FF] =	sst s2;
	s4 =	sadd.s32 $0x9800, s7  }
0x7: {  	s8 =	sand.u32 $0x1, s3;
	s5 =	sadd.s32 $0xB9C00, s7;
	s3 =	stileid.u32  }
0x8: {  	s6 =	sadd.s32 $0xB7C00, s7;
	_ =	strace $0x80000056;
	s9 =	ssub.s32 $0x2, s8  }
0x9: {  	s11 =	sshll.u32 s3, $0x1;
	s12 =	sshll.u32 s3, $0xC;
	s30 =	sshll.u32 s3, $0x8  }
0xa: {  	s31 =	sshll.u32 s8, $0x7;
	s13 =	sshll.u32 s8, $0xB;
	s10 =	sshrl.u32 s9, $0x1  }
0xb: {  	s26 =	sor.u32 s11, s8;
	s28 =	sadd.s32 s12, s7;
	s12 =	simm.s32 $0x3  }
0xc: {  	s9 =	ssub.s32 s9, s10;
	s29 =	ssub.s32 $0x213, s26;
	s11 =	sadd.s32 s13, s28  }
0xd: {  	s13 =	simm.s32 $0x80;
	s7 =	smax.u32 s9, $0x1;
	s8 =	sshrl.u32 s29, $0x5  }
0xe: {  	s9 =	sor.u32 s31, s30;
	s10 =	sadd.s32 $0x69BC00, s11;
	s11 =	sadd.s32 $0x795C00, s11  }
.LBB2_1:
0xf: {  	p1 =	sne.s32 s8, $0x1  }
.Ltmp0:
0x10: {  	_ = 	snop;
	(pc) =	sbr.rel @!p1 .LBB2_2-.Ltmp0, $2  }
0x11: {  	_ =	sdelay $0x2  }
0x12: {  	s19 =	sadd.s32 $0xFFFFFFFF, s8;
	s23 =	sshrl.u32 s9, $0x3;
	p0 =	por $0x0, $0x0  }
0x13: {  	s20 =	sadd.s32 s5, s23  }
0x14: {  	[tilespmem:s2], [sflag:$0x3] =	stream.linear.gather [hbm4b:s20+s2], $0x80, $0x38;
	[tilespmem:$0x8100] =	vst v63  }
0x15: {  	_ =	swait.ge [sflag:s12], $0x80  }
0x16: {  	[sflag:s12] =	ssyncset.done $0x0  }
0x17: {  	s31 =	sadd.s32 s6, s23;
	[sflag:s12] =	ssyncadd.s32 $0xFFFFFF80  }
0x18: {  	[tilespmem:s13], [sflag:$0x3] =	stream.linear.gather [hbm4b:s31+s2], $0x80, $0x38;
	[tilespmem:$0x8100] =	vst v63  }
0x19: {  	_ =	swait.ge [sflag:s12], $0x80  }
0x1a: {  	[sflag:s12] =	ssyncset.done $0x0  }
0x1b: {  	[sflag:s12] =	ssyncadd.s32 $0xFFFFFF80  }
0x1c: {  	[tilespmem:s14], [sflag:$0x1] =	stream.indirect.gather [hbm4b:s1+s13], $0x80, s2, s13, $0xb8;
	[tilespmem:$0x8100] =	vst v63  }
0x1d: {  	_ = 	snop  }
0x1e: {  	[tilespmem:s15], [sflag:$0x2] =	stream.indirect.gather [hbm4b:s4+s13], $0x80, s13, s13, $0xb8;
	[tilespmem:$0x8100] =	vst v63  }
0x1f: {  	_ =	swait.ge [sflag:s16], $0x4000  }
0x20: {  	[sflag:s16] =	ssyncset.done $0x0  }
0x21: {  	[sflag:s16] =	ssyncadd.s32 $0xFFFFC000  }
0x22: {  	_ =	swait.ge [sflag:s17], $0x4000  }
0x23: {  	[sflag:s17] =	ssyncset.done $0x0  }
0x24: {  	[sflag:s17] =	ssyncadd.s32 $0xFFFFC000  }
0x25: {  	[hbm4b:s10+s2] =	stream.linear.scatter [tilespmem:s14], [sflag:$0x3], $0x4000, $0x38;
	[tilespmem:$0x8100] =	vst v63  }
0x26: {  	p1 =	sne.s32 s19, $0x1;
	_ =	swait.ge [sflag:s12], $0x4000  }
.Ltmp1:
0x27: {  	[sflag:s12] =	ssyncset.done $0x0;
	(pc) =	sbr.rel @!p1 .LBB2_4-.Ltmp1, $4  }
0x28: {  	s21 =	sadd.s32 $0x1000, s9;
	s22 =	sadd.s32 $0xFFFFFFFF, s19;
	[sflag:s12] =	ssyncadd.s32 $0xFFFFC000  }
0x29: {  	[hbm4b:s11+s2] =	stream.linear.scatter [tilespmem:s15], [sflag:$0x3], $0x4000, $0x38;
	[tilespmem:$0x8100] =	vst v63  }
0x2a: {  	s19 =	sadd.s32 $0x10000, s11;
	p0 =	por $0x1, $0x1;
	_ =	swait.ge [sflag:s12], $0x4000  }
0x2b: {  	s23 =	sshrl.u32 s21, $0x3;
	s20 =	smov.u32 s10;
	[sflag:s12] =	ssyncset.done $0x0  }
.LBB2_5:
0x2c: {  	s24 =	sadd.s32 s5, s23;
	[sflag:s12] =	ssyncadd.s32 $0xFFFFC000;
	s20 =	sadd.s32 $0x10000, s20  }
0x2d: {  	[tilespmem:s2], [sflag:$0x3] =	stream.linear.gather [hbm4b:s24+s2], $0x80, $0x38;
	[tilespmem:$0x8100] =	vst v63  }
0x2e: {  	p1 =	sne.s32 s22, $0x1;
	s22 =	sadd.s32 $0xFFFFFFFF, s22;
	_ =	swait.ge [sflag:s12], $0x80  }
0x2f: {  	[sflag:s12] =	ssyncset.done $0x0  }
0x30: {  	s23 =	sadd.s32 s6, s23;
	[sflag:s12] =	ssyncadd.s32 $0xFFFFFF80  }
0x31: {  	[tilespmem:s13], [sflag:$0x3] =	stream.linear.gather [hbm4b:s23+s2], $0x80, $0x38;
	[tilespmem:$0x8100] =	vst v63  }
0x32: {  	_ =	swait.ge [sflag:s12], $0x80  }
0x33: {  	[sflag:s12] =	ssyncset.done $0x0  }
0x34: {  	[sflag:s12] =	ssyncadd.s32 $0xFFFFFF80  }
0x35: {  	[tilespmem:s14], [sflag:$0x1] =	stream.indirect.gather [hbm4b:s1+s13], $0x80, s2, s13, $0xb8;
	[tilespmem:$0x8100] =	vst v63  }
0x36: {  	_ = 	snop  }
0x37: {  	[tilespmem:s15], [sflag:$0x2] =	stream.indirect.gather [hbm4b:s4+s13], $0x80, s13, s13, $0xb8;
	[tilespmem:$0x8100] =	vst v63  }
0x38: {  	_ =	swait.ge [sflag:s16], $0x4000  }
0x39: {  	[sflag:s16] =	ssyncset.done $0x0  }
0x3a: {  	[sflag:s16] =	ssyncadd.s32 $0xFFFFC000  }
0x3b: {  	_ =	swait.ge [sflag:s17], $0x4000  }
0x3c: {  	[sflag:s17] =	ssyncset.done $0x0  }
0x3d: {  	[sflag:s17] =	ssyncadd.s32 $0xFFFFC000  }
0x3e: {  	[hbm4b:s20+s2] =	stream.linear.scatter [tilespmem:s14], [sflag:$0x3], $0x4000, $0x38;
	[tilespmem:$0x8100] =	vst v63  }
0x3f: {  	_ =	swait.ge [sflag:s12], $0x4000  }
.Ltmp2:
0x40: {  	[sflag:s12] =	ssyncset.done $0x0;
	(pc) =	sbr.rel @p1 .LBB2_5-.Ltmp2, $4  }
0x41: {  	[sflag:s12] =	ssyncadd.s32 $0xFFFFC000  }
0x42: {  	[hbm4b:s19+s2] =	stream.linear.scatter [tilespmem:s15], [sflag:$0x3], $0x4000, $0x38;
	[tilespmem:$0x8100] =	vst v63  }
0x43: {  	s21 =	sadd.s32 $0x1000, s21;
	_ =	swait.ge [sflag:s12], $0x4000  }
0x44: {  	s23 =	sshrl.u32 s21, $0x3;
	s19 =	sadd.s32 $0x10000, s19;
	[sflag:s12] =	ssyncset.done $0x0  }
.LBB2_6:
0x45: {  	s21 =	sadd.s32 s5, s23;
	[sflag:s12] =	ssyncadd.s32 @p0 $0xFFFFC000  }
0x46: {  	[tilespmem:s2], [sflag:$0x3] =	stream.linear.gather [hbm4b:s21+s2], $0x80, $0x38;
	[tilespmem:$0x8100] =	vst v63  }
0x47: {  	_ =	swait.ge [sflag:s12], $0x80  }
0x48: {  	[sflag:s12] =	ssyncset.done $0x0  }
0x49: {  	s31 =	sadd.s32 s6, s23;
	[sflag:s12] =	ssyncadd.s32 $0xFFFFFF80  }
0x4a: {  	[tilespmem:s13], [sflag:$0x3] =	stream.linear.gather [hbm4b:s31+s2], $0x80, $0x38;
	[tilespmem:$0x8100] =	vst v63  }
0x4b: {  	_ =	swait.ge [sflag:s12], $0x80  }
0x4c: {  	[sflag:s12] =	ssyncset.done $0x0  }
0x4d: {  	[sflag:s12] =	ssyncadd.s32 $0xFFFFFF80  }
0x4e: {  	[tilespmem:s14], [sflag:$0x1] =	stream.indirect.gather [hbm4b:s1+s13], $0x80, s2, s13, $0xb8;
	[tilespmem:$0x8100] =	vst v63  }
0x4f: {  	_ = 	snop  }
0x50: {  	[tilespmem:s15], [sflag:$0x2] =	stream.indirect.gather [hbm4b:s4+s13], $0x80, s13, s13, $0xb8;
	[tilespmem:$0x8100] =	vst v63  }
0x51: {  	_ =	swait.ge [sflag:s16], $0x4000  }
0x52: {  	[sflag:s16] =	ssyncset.done $0x0  }
0x53: {  	[sflag:s16] =	ssyncadd.s32 $0xFFFFC000  }
0x54: {  	_ =	swait.ge [sflag:s17], $0x4000  }
0x55: {  	s20 =	sadd.s32 @p0 $0x10000, s20;
	s21 =	smov.u32 s10;
	[sflag:s17] =	ssyncset.done $0x0  }
0x56: {  	s21 =	smov.u32 @p0 s20;
	[sflag:s17] =	ssyncadd.s32 $0xFFFFC000  }
0x57: {  	[hbm4b:s21+s2] =	stream.linear.scatter [tilespmem:s14], [sflag:$0x3], $0x4000, $0x38;
	[tilespmem:$0x8100] =	vst v63  }
0x58: {  	_ =	swait.ge [sflag:s12], $0x4000  }
0x59: {  	s18 =	sadd.s32 $0x1, s18;
	[sflag:s12] =	ssyncset.done $0x0  }
0x5a: {  	p0 =	sne.s32 s18, s7;
	[sflag:s12] =	ssyncadd.s32 $0xFFFFC000  }
0x5b: {  	[hbm4b:s19+s2] =	stream.linear.scatter [tilespmem:s15], [sflag:$0x3], $0x4000, $0x38;
	[tilespmem:$0x8100] =	vst v63  }
.Ltmp3:
0x5c: {  	_ = 	snop;
	(pc) =	sbr.rel @p0 .LBB2_1-.Ltmp3, $4  }
.Ltmp4:
0x5d: {  	_ = 	snop;
	(pc) =	sbr.rel @!p0 .LBB2_7-.Ltmp4, $4  }
0x5e: {  	_ =	swait.ge [sflag:s12], $0x4000  }
0x5f: {  	[sflag:s12] =	ssyncset.done $0x0  }
0x60: {  	[sflag:s12] =	ssyncadd.s32 $0xFFFFC000  }
0x61: {  	_ = 	snop  }
.LBB2_2:
.Ltmp5:
0x62: {  	(pc) =	sbr.rel .LBB2_6-.Ltmp5, $2  }
0x63: {  	_ =	sdelay $0x2  }
0x64: {  	s20 =	smov.u32 s10;
	s19 =	smov.u32 s11  }
.LBB2_4:
.Ltmp6:
0x65: {  	(pc) =	sbr.rel .LBB2_6-.Ltmp6, $2  }
0x66: {  	_ =	sdelay $0x2  }
0x67: {  	s20 =	smov.u32 s10  }
.LBB2_7:
0x68: {  	_ =	sfence.sel $0x180000  }
0x69: {  	[bflag:$0x0] =	sbarrier.arrive $0xFFFF  }
0x6a: {  	p0 =	sne.s32 s3, $0x0;
	_ =	strace $0x90000056  }
0x6b: {  	s0 =	sadd.s32 @!p0 $0x100000, s0;
	[bflag:$0x2] =	sbarrier.arrive $0xFFFF  }
0x6c: {  	[sflag:s0] =	ssyncadd.tile.s32 @!p0 $0x1;
	_ =	shalt  }
.Lfunc_end2:
_tile_overlayer_lowered:
.L_overlay_start_2:
0x6d: {  	(tag) =	ssettag $0x2  }
0x6e: {  	s0 =	rddreg [dreg:$0x0];
	s2 =	stileid.u32  }
0x6f: {  	s1 =	rddreg [dreg:$0x1];
	p0 =	sne.s32 s2, $0x0  }
0x70: {  	s3 =	rddreg [dreg:$0x2];
	[bflag:$0x3] =	sbarrier.arrive $0xFFFF;
	s2 =	simm.s32 @!p0 $0x1C03  }
0x71: {  	[timem:s3], [sflag:s2] =	dma.local @!p0 [hbm:s0], s1  }
0x72: {  	s0 =	simm.s32 @!p0 $0x3  }
0x73: {  	_ =	swait.ge @!p0 [sflag:s0], s1  }
0x74: {  	s1 =	ssub.s32 @!p0 $0x0, s1;
	[sflag:s0] =	ssyncset.done @!p0 $0x0  }
0x75: {  	[sflag:s0] =	ssyncadd.s32 @!p0 s1  }
0x76: {  	[bflag:$0x3] =	sbarrier.arrive $0xFFFF  }
0x77: {  	_ =	shalt  }

// kernel: gather_pair.19.cloned.1.call-start
scs
__scs_entry_jumppad:
0x0: {  	(pc) =	sbr.rel $0x88, $3  }
0x1: {  	(tag) =	ssettag $0x0;
	lr =	simm.s32 $0x1  }
0x2: {  	[smem:$0x3F82] =	sst lr;
	_ =	strace $0xD0000000  }
0x3: {  	_ = 	snop  }
0x4: {  	_ = 	snop  }
0x5: {  	_ = 	snop  }
0x6: {  	_ = 	snop  }
0x7: {  	_ = 	snop  }
__scs_overlays_trampoline_lowered:
0x8: {  	[smem:$0x3F91] =	sst s0  }
0x9: {  	[smem:$0x3F92] =	sst s1  }
0xa: {  	[smem:$0x3F93] =	sst s2  }
0xb: {  	[smem:$0x3F94] =	sst s3  }
0xc: {  	[smem:$0x3F95] =	sst s4  }
0xd: {  	[smem:$0x3F96] =	sst s5  }
0xe: {  	[smem:$0x3F97] =	sst s6  }
0xf: {  	[smem:$0x3F98] =	sst s7  }
0x10: {  	[smem:$0x3F99] =	sst s8  }
0x11: {  	[smem:$0x3F9A] =	sst s9;
	s0 =	simm.s32 @!p0 $0x0  }
0x12: {  	s1 =	sld [smem:$0x3F80];
	s0 =	simm.s32 @p0 $0x1  }
0x13: {  	[smem:$0x3F9B] =	sst s0;
	s0 =	simm.s32 @!p1 $0x0  }
0x14: {  	s2 =	sld [smem:$0x3F7F];
	s0 =	simm.s32 @p1 $0x1  }
0x15: {  	[smem:$0x3F9C] =	sst s0;
	s0 =	simm.s32 @!p2 $0x0  }
0x16: {  	s3 =	sld [smem:$0x3FDB];
	s0 =	simm.s32 @p2 $0x1  }
0x17: {  	s4 =	simm.s32 $0x1BF5;
	[smem:$0x3F9E] =	sst s0  }
0x18: {  	s0 =	sld [smem:$0x3F81];
	_ =	swait.ge [sflag:s4], $0x0  }
0x19: {  	s7 =	sld [smem:$0x3F82]  }
0x1a: {  	s8 =	sadd.s32 $0xFFFFE003, lr  }
0x1b: {  	s9 =	sadd.s32 $0xFFFFFEF7, lr;
	s5 =	simm.s32 $0xFFFFFFFF;
	p2 =	slt.u32 s8, $0xFFFFF086  }
0x1c: {  	p1 =	slt.u32 s9, $0xF7A;
	s5 =	simm.s32 @!p2 $0x0  }
0x1d: {  	s5 =	simm.s32 @p1 $0x1;
	p0 =	seq.s32 s7, s2  }
0x1e: {  	s7 =	smul.u32 @!p0 $0xF7A, s2;
	p2 =	seq.s32 @!p0 s5, $0x0  }
0x1f: {  	s9 =	smul.u32 $0xF7A, s1;
	s8 =	simm.s32 @!p0 $0x1BF5;
	p2 =	por !p2, p0  }
0x20: {  	[sflag:s8] =	ssyncset.s32 @!p0 $0xFFFFF086;
	s6 =	sadd.s32 @!p0 s3, s7;
	s7 =	simm.s32 @!p0 $0x108  }
0x21: {  	s3 =	sadd.s32 s3, s9;
	s6 =	sadd.s32 @!p0 $0x88, s6;
	s7 =	simm.s32 @p2 $0x1082  }
0x22: {  	[simem:s7], [sflag:s8] =	dma.local @!p0 [hbm:s6], $0xF7A  }
0x23: {  	s9 =	sor.u32 $0xD0000000, s2;
	s6 =	simm.s32 $0x108;
	_ =	swait.ge @!p0 [sflag:s8], $0x0  }
0x24: {  	s3 =	sadd.s32 $0x88, s3;
	s6 =	simm.s32 @!p1 $0x1082;
	[sflag:s4] =	ssyncset.s32 $0xFFFFF086  }
0x25: {  	[simem:s6], [sflag:s4] =	dma.local [hbm:s3], $0xF7A  }
0x26: {  	[smem:$0x3F82] =	sst s1;
	(tag) =	ssettag s2;
	_ =	strace s9  }
0x27: {  	s1 =	sld [smem:$0x3F92]  }
0x28: {  	s2 =	sld [smem:$0x3F93]  }
0x29: {  	s4 =	sld [smem:$0x3F95]  }
0x2a: {  	p0 =	seq.s32 s5, $0x0;
	s5 =	sld [smem:$0x3F96]  }
0x2b: {  	s6 =	sld [smem:$0x3F97]  }
0x2c: {  	s7 =	sld [smem:$0x3F98]  }
0x2d: {  	s3 =	simm.s32 $0x108;
	s8 =	sld [smem:$0x3F99]  }
0x2e: {  	s3 =	simm.s32 @!p0 $0x1082;
	s9 =	sld [smem:$0x3F9A]  }
0x2f: {  	lr =	sadd.s32 s0, s3;
	s0 =	sld [smem:$0x3F91]  }
0x30: {  	s3 =	sld [smem:$0x3F94]  }
0x31: {  	[smem:$0x3F9D] =	sst s10  }
0x32: {  	s10 =	sld [smem:$0x3F9B];
	_ =	sdelay $0x3  }
0x33: {  	p0 =	seq.s32 s10, $0x1;
	s10 =	sld [smem:$0x3F9D];
	_ =	sdelay $0x3  }
0x34: {  	[smem:$0x3F9D] =	sst s10  }
0x35: {  	s10 =	sld [smem:$0x3F9C];
	_ =	sdelay $0x3  }
0x36: {  	p1 =	seq.s32 s10, $0x1;
	s10 =	sld [smem:$0x3F9D];
	_ =	sdelay $0x3  }
0x37: {  	[smem:$0x3F9D] =	sst s10  }
0x38: {  	s10 =	sld [smem:$0x3F9E]  }
0x39: {  	_ = 	snop;
	(pc) =	sbr.ind lr, $3  }
0x3a: {  	_ = 	snop  }
0x3b: {  	_ = 	snop  }
0x3c: {  	p2 =	seq.s32 s10, $0x1;
	s10 =	sld [smem:$0x3F9D]  }
0x3d: {  	_ =	shalt  }
0x3e: {  	_ =	shalt  }
0x3f: {  	_ =	shalt  }
0x40: {  	_ =	shalt  }
0x41: {  	_ =	shalt  }
0x42: {  	_ =	shalt  }
0x43: {  	_ =	shalt  }
0x44: {  	_ =	shalt  }
0x45: {  	_ =	shalt  }
0x46: {  	_ =	shalt  }
0x47: {  	_ =	shalt  }
0x48: {  	_ =	shalt  }
0x49: {  	_ =	shalt  }
0x4a: {  	_ =	shalt  }
0x4b: {  	_ =	shalt  }
0x4c: {  	_ =	shalt  }
0x4d: {  	_ =	shalt  }
0x4e: {  	_ =	shalt  }
0x4f: {  	_ =	shalt  }
0x50: {  	_ =	shalt  }
0x51: {  	_ =	shalt  }
0x52: {  	_ =	shalt  }
0x53: {  	_ =	shalt  }
0x54: {  	_ =	shalt  }
0x55: {  	_ =	shalt  }
0x56: {  	_ =	shalt  }
0x57: {  	_ =	shalt  }
0x58: {  	_ =	shalt  }
0x59: {  	_ =	shalt  }
0x5a: {  	_ =	shalt  }
0x5b: {  	_ =	shalt  }
0x5c: {  	_ =	shalt  }
0x5d: {  	_ =	shalt  }
0x5e: {  	_ =	shalt  }
0x5f: {  	_ =	shalt  }
0x60: {  	_ =	shalt  }
0x61: {  	_ =	shalt  }
0x62: {  	_ =	shalt  }
0x63: {  	_ =	shalt  }
0x64: {  	_ =	shalt  }
0x65: {  	_ =	shalt  }
0x66: {  	_ =	shalt  }
0x67: {  	_ =	shalt  }
0x68: {  	_ =	shalt  }
0x69: {  	_ =	shalt  }
0x6a: {  	_ =	shalt  }
0x6b: {  	_ =	shalt  }
0x6c: {  	_ =	shalt  }
0x6d: {  	_ =	shalt  }
0x6e: {  	_ =	shalt  }
0x6f: {  	_ =	shalt  }
0x70: {  	_ =	shalt  }
0x71: {  	_ =	shalt  }
0x72: {  	_ =	shalt  }
0x73: {  	_ =	shalt  }
0x74: {  	_ =	shalt  }
0x75: {  	_ =	shalt  }
0x76: {  	_ =	shalt  }
0x77: {  	_ =	shalt  }
0x78: {  	_ =	shalt  }
0x79: {  	_ =	shalt  }
0x7a: {  	_ =	shalt  }
0x7b: {  	_ =	shalt  }
0x7c: {  	_ =	shalt  }
0x7d: {  	_ =	shalt  }
0x7e: {  	_ =	shalt  }
0x7f: {  	_ =	shalt  }
0x80: {  	_ =	shalt  }
0x81: {  	_ =	shalt  }
0x82: {  	_ =	shalt  }
0x83: {  	_ =	shalt  }
0x84: {  	_ =	shalt  }
0x85: {  	_ =	shalt  }
0x86: {  	_ =	shalt  }
0x87: {  	_ =	shalt  }
.Lfunc_end0:
.L_simem_size_0:
called_computation.6_lowered:
.L_overlay_start_0:
0x88: {  	s2 =	sld [smem:$0x3FD9]  }
0x89: {  	s3 =	sld [smem:$0x3FFE];
	_ =	sdelay $0x1  }
0x8a: {  	s1 =	srdreg.scid  }
0x8b: {  	s0 =	sand.u32 $0x1, s1  }
0x8c: {  	s17 =	sshll.u32 s0, $0xA;
	s2 =	sadd.s32 s3, s2  }
0x8d: {  	s2 =	sadd.s32 s2, s17  }
0x8e: {  	[smem:$0x3FA9] =	sst s2  }
0x8f: {  	_ = 	snop  }
0x90: {  	s18 =	sld [smem:$0x3FD0];
	(tm) =	ssettm $0x1  }
0x91: {  	s19 =	sld [smem:$0x3FFB];
	_ =	sdelay $0x3  }
0x92: {  	_ =	strace s19  }
0x93: {  	s2 =	sld [smem:$0x3FFC];
	_ =	sdelay $0x3  }
0x94: {  	_ =	strace s2  }
0x95: {  	s2 =	sld [smem:$0x3FFD];
	_ =	sdelay $0x3  }
0x96: {  	_ =	strace s2  }
0x97: {  	_ =	strace $0x8FFFFFFF  }
0x98: {  	s20 =	sld [smem:$0x3FDB];
	_ =	sdelay $0x1  }
0x99: {  	s4 =	simm.s32 $_scs_section_size  }
0x9a: {  	s5 =	simm.s32 $_size__tile_overlayer_lowered;
	s6 =	simm.s32 $_tile_overlayer_lowered  }
0x9b: {  	s7 =	simm.s32 $0x1BFF;
	s21 =	sshll.u32 s6, $0x1;
	s4 =	sadd.s32 s4, s20  }
0x9c: {  	s22 =	simm.s32 $0x0;
	s5 =	sshll.u32 s5, $0x1;
	s6 =	sadd.s32 s21, s4  }
0x9d: {  	[timem:s22], [sflag:s7] =	dma.local [hbm:s6], s5  }
0x9e: {  	_ =	swait.ge [sflag:s7], s5  }
0x9f: {  	s5 =	ssub.s32 $0x0, s5;
	[sflag:s7] =	ssyncset.done $0x0  }
0xa0: {  	[sflag:s7] =	ssyncadd.s32 s5;
	_ =	sdelay $0x1  }
0xa1: {  	s23 =	simm.s32 $0x1B8B  }
0xa2: {  	_ =	swait.ge [sflag:s23], $0x1  }
0xa3: {  	[sflag:s23] =	ssyncset.done $0x0  }
0xa4: {  	[sflag:s23] =	ssyncadd.s32 $0xFFFFFFFF  }
0xa5: {  	s5 =	sld [smem:$0x0]  }
0xa6: {  	s6 =	sand.u32 $0xFFFFFFFE, s1  }
0xa7: {  	p0 =	sne.s32 s1, s6  }
0xa8: {  	s6 =	sshll.u32 @p0 s6, $0xE  }
0xa9: {  	s6 =	sadd.s32 @p0 $0x11B8D, s6;
	s7 =	sshll.u32 @p0 s5, $0x11  }
0xaa: {  	s6 =	sor.u32 @p0 s7, s6  }
0xab: {  	[sflag:s6] =	ssyncadd.remote.s32 @p0 $0x1;
	_ =	sdelay $0x1  }
0xac: {  	s6 =	simm.s32 @p0 $0x1B8D  }
0xad: {  	_ =	swait.eq @p0 [sflag:s6], $0x1  }
0xae: {  	[sflag:s6] =	ssyncadd.s32 @p0 $0xFFFFFFFF  }
0xaf: {  	s7 =	sshll.u32 @!p0 s1, $0xE  }
0xb0: {  	s7 =	sor.u32 @!p0 $0x4000, s7;
	s6 =	simm.s32 @!p0 $0x1B8D  }
0xb1: {  	s5 =	sshll.u32 @!p0 s5, $0x11;
	s7 =	sadd.s32 @!p0 $0x11B8D, s7;
	_ =	swait.eq @!p0 [sflag:s6], $0x1  }
0xb2: {  	s5 =	sor.u32 @!p0 s5, s7;
	[sflag:s6] =	ssyncadd.s32 @!p0 $0xFFFFFFFF  }
0xb3: {  	s25 =	simm.s32 $0x1B8E;
	s24 =	sld [smem:$0x3FFE];
	[sflag:s5] =	ssyncadd.remote.s32 @!p0 $0x1  }
0xb4: {  	s26 =	simm.s32 $execute0_lowered;
	[smem:$0x3FD2] =	sst s25  }
0xb5: {  	s6 =	sshll.u32 s26, $0x1;
	_ =	strace $0x80000058;
	[dreg:$0x1] =	wrdreg $0xFFFFFFFF  }
0xb6: {  	s28 =	simm.s32 $_size_execute0_lowered;
	s4 =	sadd.s32 s4, s6;
	[dreg:$0x0] =	wrdreg $0x0  }
0xb7: {  	s6 =	sshll.u32 s28, $0x1;
	[dreg:$0x2] =	wrdreg s4  }
0xb8: {  	[dreg:$0x3] =	wrdreg s6  }
0xb9: {  	[dreg:$0x4] =	wrdreg $0xC0  }
0xba: {  	_ =	task [dreg:s22], $0x5FFFF  }
0xbb: {  	[dreg:$0x1] =	wrdreg $0xFFFFFFFF  }
0xbc: {  	[dreg:$0x0] =	wrdreg $0x60  }
0xbd: {  	[dreg:$0x2] =	wrdreg s18  }
0xbe: {  	[dreg:$0x3] =	wrdreg s24  }
0xbf: {  	[dreg:$0x4] =	wrdreg $0xD  }
0xc0: {  	_ =	task.clear_ibuf [dreg:s22], $0x5FFFF;
	_ =	strace $0x90000058  }
0xc1: {  	s29 =	simm.s32 $0xD;
	_ =	strace $0x8000005A  }
0xc2: {  	_ =	swait.ge [sflag:s29], $0x1  }
0xc3: {  	[sflag:s29] =	ssyncadd.s32 $0xFFFFFFFF  }
0xc4: {  	_ =	strace $0x9000005A  }
0xc5: {  	_ =	sfence  }
0xc6: {  	s30 =	sld [smem:$0x0];
	_ =	sdelay $0x2  }
0xc7: {  	s31 =	sshll.u32 s1, $0xD;
	s1 =	sshrl.u32 s1, $0x2  }
0xc8: {  	s4 =	sand.u32 $0x4000, s31;
	s1 =	sadd.s32 s1, s30  }
0xc9: {  	s0 =	sor.u32 s4, s0;
	s1 =	sshll.u32 s1, $0x11  }
0xca: {  	s0 =	sor.u32 s1, s0  }
0xcb: {  	s0 =	sadd.s32 $0x8F2B, s0  }
0xcc: {  	[sflag:s0] =	ssyncadd.remote.s32 $0x1  }
0xcd: {  	_ =	sfence.sel $0xFFFF  }
0xce: {  	[dreg:$0x0] =	wrdreg $0xFFFFFFFF;
	(pc) =	sbr.abs _section_cstart, $3  }
0xcf: {  	[dreg:$0x1] =	wrdreg $0xFFFFFFFF  }
0xd0: {  	_ =	task.clear_ibuf [dreg:s22], $0x2FFFF;
	_ =	strace $0x9FFFFFFF  }
0xd1: {  	(tm) =	ssettm $0x7FFFFFFF  }
tec
execute0_lowered:
.L_overlay_start_1:
0x0: {  	(tag) =	ssettag $0x1  }
0x1: {  	s1 =	rddreg [dreg:$0x0]  }
0x2: {  	s7 =	rddreg [dreg:$0x1]  }
0x3: {  	s0 =	rddreg [dreg:$0x2]  }
0x4: {  	s2 =	simm.s32 $0x0;
	s3 =	srdreg.scid;
	s14 =	simm.s32 $0x100  }
0x5: {  	s15 =	simm.s32 $0x4100;
	s16 =	simm.s32 $0x1;
	s17 =	simm.s32 $0x2  }
0x6: {  	s18 =	simm.s32 $0x0;
	[smem:$0x7FF] =	sst s2;
	s4 =	sadd.s32 $0x9800, s7  }
0x7: {  	s8 =	sand.u32 $0x1, s3;
	s5 =	sadd.s32 $0xBDC00, s7;
	s3 =	stileid.u32  }
0x8: {  	s6 =	sadd.s32 $0xBBC00, s7;
	_ =	strace $0x80000059;
	s9 =	ssub.s32 $0x2, s8  }
0x9: {  	s11 =	sshll.u32 s3, $0x1;
	s12 =	sshll.u32 s3, $0xC;
	s30 =	sshll.u32 s3, $0x8  }
0xa: {  	s31 =	sshll.u32 s8, $0x7;
	s13 =	sshll.u32 s8, $0xB;
	s10 =	sshrl.u32 s9, $0x1  }
0xb: {  	s26 =	sor.u32 s11, s8;
	s28 =	sadd.s32 s12, s7;
	s12 =	simm.s32 $0x3  }
0xc: {  	s9 =	ssub.s32 s9, s10;
	s29 =	ssub.s32 $0x213, s26;
	s11 =	sadd.s32 s13, s28  }
0xd: {  	s13 =	simm.s32 $0x80;
	s7 =	smax.u32 s9, $0x1;
	s8 =	sshrl.u32 s29, $0x5  }
0xe: {  	s9 =	sor.u32 s31, s30;
	s10 =	sadd.s32 $0x88FC00, s11;
	s11 =	sadd.s32 $0x989C00, s11  }
.LBB2_1:
0xf: {  	p1 =	sne.s32 s8, $0x1  }
.Ltmp0:
0x10: {  	_ = 	snop;
	(pc) =	sbr.rel @!p1 .LBB2_2-.Ltmp0, $2  }
0x11: {  	_ =	sdelay $0x2  }
0x12: {  	s19 =	sadd.s32 $0xFFFFFFFF, s8;
	s23 =	sshrl.u32 s9, $0x3;
	p0 =	por $0x0, $0x0  }
0x13: {  	s20 =	sadd.s32 s5, s23  }
0x14: {  	[tilespmem:s2], [sflag:$0x3] =	stream.linear.gather [hbm4b:s20+s2], $0x80, $0x38;
	[tilespmem:$0x8100] =	vst v63  }
0x15: {  	_ =	swait.ge [sflag:s12], $0x80  }
0x16: {  	[sflag:s12] =	ssyncset.done $0x0  }
0x17: {  	s31 =	sadd.s32 s6, s23;
	[sflag:s12] =	ssyncadd.s32 $0xFFFFFF80  }
0x18: {  	[tilespmem:s13], [sflag:$0x3] =	stream.linear.gather [hbm4b:s31+s2], $0x80, $0x38;
	[tilespmem:$0x8100] =	vst v63  }
0x19: {  	_ =	swait.ge [sflag:s12], $0x80  }
0x1a: {  	[sflag:s12] =	ssyncset.done $0x0  }
0x1b: {  	[sflag:s12] =	ssyncadd.s32 $0xFFFFFF80  }
0x1c: {  	[tilespmem:s14], [sflag:$0x1] =	stream.indirect.gather [hbm4b:s1+s13], $0x80, s2, s13, $0xb8;
	[tilespmem:$0x8100] =	vst v63  }
0x1d: {  	_ = 	snop  }
0x1e: {  	[tilespmem:s15], [sflag:$0x2] =	stream.indirect.gather [hbm4b:s4+s13], $0x80, s13, s13, $0xb8;
	[tilespmem:$0x8100] =	vst v63  }
0x1f: {  	_ =	swait.ge [sflag:s16], $0x4000  }
0x20: {  	[sflag:s16] =	ssyncset.done $0x0  }
0x21: {  	[sflag:s16] =	ssyncadd.s32 $0xFFFFC000  }
0x22: {  	_ =	swait.ge [sflag:s17], $0x4000  }
0x23: {  	[sflag:s17] =	ssyncset.done $0x0  }
0x24: {  	[sflag:s17] =	ssyncadd.s32 $0xFFFFC000  }
0x25: {  	[hbm4b:s10+s2] =	stream.linear.scatter [tilespmem:s14], [sflag:$0x3], $0x4000, $0x38;
	[tilespmem:$0x8100] =	vst v63  }
0x26: {  	p1 =	sne.s32 s19, $0x1;
	_ =	swait.ge [sflag:s12], $0x4000  }
.Ltmp1:
0x27: {  	[sflag:s12] =	ssyncset.done $0x0;
	(pc) =	sbr.rel @!p1 .LBB2_4-.Ltmp1, $4  }
0x28: {  	s21 =	sadd.s32 $0x1000, s9;
	s22 =	sadd.s32 $0xFFFFFFFF, s19;
	[sflag:s12] =	ssyncadd.s32 $0xFFFFC000  }
0x29: {  	[hbm4b:s11+s2] =	stream.linear.scatter [tilespmem:s15], [sflag:$0x3], $0x4000, $0x38;
	[tilespmem:$0x8100] =	vst v63  }
0x2a: {  	s19 =	sadd.s32 $0x10000, s11;
	p0 =	por $0x1, $0x1;
	_ =	swait.ge [sflag:s12], $0x4000  }
0x2b: {  	s23 =	sshrl.u32 s21, $0x3;
	s20 =	smov.u32 s10;
	[sflag:s12] =	ssyncset.done $0x0  }
.LBB2_5:
0x2c: {  	s24 =	sadd.s32 s5, s23;
	[sflag:s12] =	ssyncadd.s32 $0xFFFFC000;
	s20 =	sadd.s32 $0x10000, s20  }
0x2d: {  	[tilespmem:s2], [sflag:$0x3] =	stream.linear.gather [hbm4b:s24+s2], $0x80, $0x38;
	[tilespmem:$0x8100] =	vst v63  }
0x2e: {  	p1 =	sne.s32 s22, $0x1;
	s22 =	sadd.s32 $0xFFFFFFFF, s22;
	_ =	swait.ge [sflag:s12], $0x80  }
0x2f: {  	[sflag:s12] =	ssyncset.done $0x0  }
0x30: {  	s23 =	sadd.s32 s6, s23;
	[sflag:s12] =	ssyncadd.s32 $0xFFFFFF80  }
0x31: {  	[tilespmem:s13], [sflag:$0x3] =	stream.linear.gather [hbm4b:s23+s2], $0x80, $0x38;
	[tilespmem:$0x8100] =	vst v63  }
0x32: {  	_ =	swait.ge [sflag:s12], $0x80  }
0x33: {  	[sflag:s12] =	ssyncset.done $0x0  }
0x34: {  	[sflag:s12] =	ssyncadd.s32 $0xFFFFFF80  }
0x35: {  	[tilespmem:s14], [sflag:$0x1] =	stream.indirect.gather [hbm4b:s1+s13], $0x80, s2, s13, $0xb8;
	[tilespmem:$0x8100] =	vst v63  }
0x36: {  	_ = 	snop  }
0x37: {  	[tilespmem:s15], [sflag:$0x2] =	stream.indirect.gather [hbm4b:s4+s13], $0x80, s13, s13, $0xb8;
	[tilespmem:$0x8100] =	vst v63  }
0x38: {  	_ =	swait.ge [sflag:s16], $0x4000  }
0x39: {  	[sflag:s16] =	ssyncset.done $0x0  }
0x3a: {  	[sflag:s16] =	ssyncadd.s32 $0xFFFFC000  }
0x3b: {  	_ =	swait.ge [sflag:s17], $0x4000  }
0x3c: {  	[sflag:s17] =	ssyncset.done $0x0  }
0x3d: {  	[sflag:s17] =	ssyncadd.s32 $0xFFFFC000  }
0x3e: {  	[hbm4b:s20+s2] =	stream.linear.scatter [tilespmem:s14], [sflag:$0x3], $0x4000, $0x38;
	[tilespmem:$0x8100] =	vst v63  }
0x3f: {  	_ =	swait.ge [sflag:s12], $0x4000  }
.Ltmp2:
0x40: {  	[sflag:s12] =	ssyncset.done $0x0;
	(pc) =	sbr.rel @p1 .LBB2_5-.Ltmp2, $4  }
0x41: {  	[sflag:s12] =	ssyncadd.s32 $0xFFFFC000  }
0x42: {  	[hbm4b:s19+s2] =	stream.linear.scatter [tilespmem:s15], [sflag:$0x3], $0x4000, $0x38;
	[tilespmem:$0x8100] =	vst v63  }
0x43: {  	s21 =	sadd.s32 $0x1000, s21;
	_ =	swait.ge [sflag:s12], $0x4000  }
0x44: {  	s23 =	sshrl.u32 s21, $0x3;
	s19 =	sadd.s32 $0x10000, s19;
	[sflag:s12] =	ssyncset.done $0x0  }
.LBB2_6:
0x45: {  	s21 =	sadd.s32 s5, s23;
	[sflag:s12] =	ssyncadd.s32 @p0 $0xFFFFC000  }
0x46: {  	[tilespmem:s2], [sflag:$0x3] =	stream.linear.gather [hbm4b:s21+s2], $0x80, $0x38;
	[tilespmem:$0x8100] =	vst v63  }
0x47: {  	_ =	swait.ge [sflag:s12], $0x80  }
0x48: {  	[sflag:s12] =	ssyncset.done $0x0  }
0x49: {  	s31 =	sadd.s32 s6, s23;
	[sflag:s12] =	ssyncadd.s32 $0xFFFFFF80  }
0x4a: {  	[tilespmem:s13], [sflag:$0x3] =	stream.linear.gather [hbm4b:s31+s2], $0x80, $0x38;
	[tilespmem:$0x8100] =	vst v63  }
0x4b: {  	_ =	swait.ge [sflag:s12], $0x80  }
0x4c: {  	[sflag:s12] =	ssyncset.done $0x0  }
0x4d: {  	[sflag:s12] =	ssyncadd.s32 $0xFFFFFF80  }
0x4e: {  	[tilespmem:s14], [sflag:$0x1] =	stream.indirect.gather [hbm4b:s1+s13], $0x80, s2, s13, $0xb8;
	[tilespmem:$0x8100] =	vst v63  }
0x4f: {  	_ = 	snop  }
0x50: {  	[tilespmem:s15], [sflag:$0x2] =	stream.indirect.gather [hbm4b:s4+s13], $0x80, s13, s13, $0xb8;
	[tilespmem:$0x8100] =	vst v63  }
0x51: {  	_ =	swait.ge [sflag:s16], $0x4000  }
0x52: {  	[sflag:s16] =	ssyncset.done $0x0  }
0x53: {  	[sflag:s16] =	ssyncadd.s32 $0xFFFFC000  }
0x54: {  	_ =	swait.ge [sflag:s17], $0x4000  }
0x55: {  	s20 =	sadd.s32 @p0 $0x10000, s20;
	s21 =	smov.u32 s10;
	[sflag:s17] =	ssyncset.done $0x0  }
0x56: {  	s21 =	smov.u32 @p0 s20;
	[sflag:s17] =	ssyncadd.s32 $0xFFFFC000  }
0x57: {  	[hbm4b:s21+s2] =	stream.linear.scatter [tilespmem:s14], [sflag:$0x3], $0x4000, $0x38;
	[tilespmem:$0x8100] =	vst v63  }
0x58: {  	_ =	swait.ge [sflag:s12], $0x4000  }
0x59: {  	s18 =	sadd.s32 $0x1, s18;
	[sflag:s12] =	ssyncset.done $0x0  }
0x5a: {  	p0 =	sne.s32 s18, s7;
	[sflag:s12] =	ssyncadd.s32 $0xFFFFC000  }
0x5b: {  	[hbm4b:s19+s2] =	stream.linear.scatter [tilespmem:s15], [sflag:$0x3], $0x4000, $0x38;
	[tilespmem:$0x8100] =	vst v63  }
.Ltmp3:
0x5c: {  	_ = 	snop;
	(pc) =	sbr.rel @p0 .LBB2_1-.Ltmp3, $4  }
.Ltmp4:
0x5d: {  	_ = 	snop;
	(pc) =	sbr.rel @!p0 .LBB2_7-.Ltmp4, $4  }
0x5e: {  	_ =	swait.ge [sflag:s12], $0x4000  }
0x5f: {  	[sflag:s12] =	ssyncset.done $0x0  }
0x60: {  	[sflag:s12] =	ssyncadd.s32 $0xFFFFC000  }
0x61: {  	_ = 	snop  }
.LBB2_2:
.Ltmp5:
0x62: {  	(pc) =	sbr.rel .LBB2_6-.Ltmp5, $2  }
0x63: {  	_ =	sdelay $0x2  }
0x64: {  	s20 =	smov.u32 s10;
	s19 =	smov.u32 s11  }
.LBB2_4:
.Ltmp6:
0x65: {  	(pc) =	sbr.rel .LBB2_6-.Ltmp6, $2  }
0x66: {  	_ =	sdelay $0x2  }
0x67: {  	s20 =	smov.u32 s10  }
.LBB2_7:
0x68: {  	_ =	sfence.sel $0x180000  }
0x69: {  	[bflag:$0x0] =	sbarrier.arrive $0xFFFF  }
0x6a: {  	p0 =	sne.s32 s3, $0x0;
	_ =	strace $0x90000059  }
0x6b: {  	s0 =	sadd.s32 @!p0 $0x100000, s0;
	[bflag:$0x2] =	sbarrier.arrive $0xFFFF  }
0x6c: {  	[sflag:s0] =	ssyncadd.tile.s32 @!p0 $0x1;
	_ =	shalt  }
.Lfunc_end2:
_tile_overlayer_lowered:
.L_overlay_start_2:
0x6d: {  	(tag) =	ssettag $0x2  }
0x6e: {  	s0 =	rddreg [dreg:$0x0];
	s2 =	stileid.u32  }
0x6f: {  	s1 =	rddreg [dreg:$0x1];
	p0 =	sne.s32 s2, $0x0  }
0x70: {  	s3 =	rddreg [dreg:$0x2];
	[bflag:$0x3] =	sbarrier.arrive $0xFFFF;
	s2 =	simm.s32 @!p0 $0x1C03  }
0x71: {  	[timem:s3], [sflag:s2] =	dma.local @!p0 [hbm:s0], s1  }
0x72: {  	s0 =	simm.s32 @!p0 $0x3  }
0x73: {  	_ =	swait.ge @!p0 [sflag:s0], s1  }
0x74: {  	s1 =	ssub.s32 @!p0 $0x0, s1;
	[sflag:s0] =	ssyncset.done @!p0 $0x0  }
0x75: {  	[sflag:s0] =	ssyncadd.s32 @!p0 s1  }
0x76: {  	[bflag:$0x3] =	sbarrier.arrive $0xFFFF  }
0x77: {  	_ =	shalt  }

// kernel: gather_pair.7.cloned.1.call-start
scs
__scs_entry_jumppad:
0x0: {  	(pc) =	sbr.rel $0x88, $3  }
0x1: {  	(tag) =	ssettag $0x0;
	lr =	simm.s32 $0x1  }
0x2: {  	[smem:$0x3F82] =	sst lr;
	_ =	strace $0xD0000000  }
0x3: {  	_ = 	snop  }
0x4: {  	_ = 	snop  }
0x5: {  	_ = 	snop  }
0x6: {  	_ = 	snop  }
0x7: {  	_ = 	snop  }
__scs_overlays_trampoline_lowered:
0x8: {  	[smem:$0x3F91] =	sst s0  }
0x9: {  	[smem:$0x3F92] =	sst s1  }
0xa: {  	[smem:$0x3F93] =	sst s2  }
0xb: {  	[smem:$0x3F94] =	sst s3  }
0xc: {  	[smem:$0x3F95] =	sst s4  }
0xd: {  	[smem:$0x3F96] =	sst s5  }
0xe: {  	[smem:$0x3F97] =	sst s6  }
0xf: {  	[smem:$0x3F98] =	sst s7  }
0x10: {  	[smem:$0x3F99] =	sst s8  }
0x11: {  	[smem:$0x3F9A] =	sst s9;
	s0 =	simm.s32 @!p0 $0x0  }
0x12: {  	s1 =	sld [smem:$0x3F80];
	s0 =	simm.s32 @p0 $0x1  }
0x13: {  	[smem:$0x3F9B] =	sst s0;
	s0 =	simm.s32 @!p1 $0x0  }
0x14: {  	s2 =	sld [smem:$0x3F7F];
	s0 =	simm.s32 @p1 $0x1  }
0x15: {  	[smem:$0x3F9C] =	sst s0;
	s0 =	simm.s32 @!p2 $0x0  }
0x16: {  	s3 =	sld [smem:$0x3FDB];
	s0 =	simm.s32 @p2 $0x1  }
0x17: {  	s4 =	simm.s32 $0x1BF5;
	[smem:$0x3F9E] =	sst s0  }
0x18: {  	s0 =	sld [smem:$0x3F81];
	_ =	swait.ge [sflag:s4], $0x0  }
0x19: {  	s7 =	sld [smem:$0x3F82]  }
0x1a: {  	s8 =	sadd.s32 $0xFFFFE003, lr  }
0x1b: {  	s9 =	sadd.s32 $0xFFFFFEF7, lr;
	s5 =	simm.s32 $0xFFFFFFFF;
	p2 =	slt.u32 s8, $0xFFFFF086  }
0x1c: {  	p1 =	slt.u32 s9, $0xF7A;
	s5 =	simm.s32 @!p2 $0x0  }
0x1d: {  	s5 =	simm.s32 @p1 $0x1;
	p0 =	seq.s32 s7, s2  }
0x1e: {  	s7 =	smul.u32 @!p0 $0xF7A, s2;
	p2 =	seq.s32 @!p0 s5, $0x0  }
0x1f: {  	s9 =	smul.u32 $0xF7A, s1;
	s8 =	simm.s32 @!p0 $0x1BF5;
	p2 =	por !p2, p0  }
0x20: {  	[sflag:s8] =	ssyncset.s32 @!p0 $0xFFFFF086;
	s6 =	sadd.s32 @!p0 s3, s7;
	s7 =	simm.s32 @!p0 $0x108  }
0x21: {  	s3 =	sadd.s32 s3, s9;
	s6 =	sadd.s32 @!p0 $0x88, s6;
	s7 =	simm.s32 @p2 $0x1082  }
0x22: {  	[simem:s7], [sflag:s8] =	dma.local @!p0 [hbm:s6], $0xF7A  }
0x23: {  	s9 =	sor.u32 $0xD0000000, s2;
	s6 =	simm.s32 $0x108;
	_ =	swait.ge @!p0 [sflag:s8], $0x0  }
0x24: {  	s3 =	sadd.s32 $0x88, s3;
	s6 =	simm.s32 @!p1 $0x1082;
	[sflag:s4] =	ssyncset.s32 $0xFFFFF086  }
0x25: {  	[simem:s6], [sflag:s4] =	dma.local [hbm:s3], $0xF7A  }
0x26: {  	[smem:$0x3F82] =	sst s1;
	(tag) =	ssettag s2;
	_ =	strace s9  }
0x27: {  	s1 =	sld [smem:$0x3F92]  }
0x28: {  	s2 =	sld [smem:$0x3F93]  }
0x29: {  	s4 =	sld [smem:$0x3F95]  }
0x2a: {  	p0 =	seq.s32 s5, $0x0;
	s5 =	sld [smem:$0x3F96]  }
0x2b: {  	s6 =	sld [smem:$0x3F97]  }
0x2c: {  	s7 =	sld [smem:$0x3F98]  }
0x2d: {  	s3 =	simm.s32 $0x108;
	s8 =	sld [smem:$0x3F99]  }
0x2e: {  	s3 =	simm.s32 @!p0 $0x1082;
	s9 =	sld [smem:$0x3F9A]  }
0x2f: {  	lr =	sadd.s32 s0, s3;
	s0 =	sld [smem:$0x3F91]  }
0x30: {  	s3 =	sld [smem:$0x3F94]  }
0x31: {  	[smem:$0x3F9D] =	sst s10  }
0x32: {  	s10 =	sld [smem:$0x3F9B];
	_ =	sdelay $0x3  }
0x33: {  	p0 =	seq.s32 s10, $0x1;
	s10 =	sld [smem:$0x3F9D];
	_ =	sdelay $0x3  }
0x34: {  	[smem:$0x3F9D] =	sst s10  }
0x35: {  	s10 =	sld [smem:$0x3F9C];
	_ =	sdelay $0x3  }
0x36: {  	p1 =	seq.s32 s10, $0x1;
	s10 =	sld [smem:$0x3F9D];
	_ =	sdelay $0x3  }
0x37: {  	[smem:$0x3F9D] =	sst s10  }
0x38: {  	s10 =	sld [smem:$0x3F9E]  }
0x39: {  	_ = 	snop;
	(pc) =	sbr.ind lr, $3  }
0x3a: {  	_ = 	snop  }
0x3b: {  	_ = 	snop  }
0x3c: {  	p2 =	seq.s32 s10, $0x1;
	s10 =	sld [smem:$0x3F9D]  }
0x3d: {  	_ =	shalt  }
0x3e: {  	_ =	shalt  }
0x3f: {  	_ =	shalt  }
0x40: {  	_ =	shalt  }
0x41: {  	_ =	shalt  }
0x42: {  	_ =	shalt  }
0x43: {  	_ =	shalt  }
0x44: {  	_ =	shalt  }
0x45: {  	_ =	shalt  }
0x46: {  	_ =	shalt  }
0x47: {  	_ =	shalt  }
0x48: {  	_ =	shalt  }
0x49: {  	_ =	shalt  }
0x4a: {  	_ =	shalt  }
0x4b: {  	_ =	shalt  }
0x4c: {  	_ =	shalt  }
0x4d: {  	_ =	shalt  }
0x4e: {  	_ =	shalt  }
0x4f: {  	_ =	shalt  }
0x50: {  	_ =	shalt  }
0x51: {  	_ =	shalt  }
0x52: {  	_ =	shalt  }
0x53: {  	_ =	shalt  }
0x54: {  	_ =	shalt  }
0x55: {  	_ =	shalt  }
0x56: {  	_ =	shalt  }
0x57: {  	_ =	shalt  }
0x58: {  	_ =	shalt  }
0x59: {  	_ =	shalt  }
0x5a: {  	_ =	shalt  }
0x5b: {  	_ =	shalt  }
0x5c: {  	_ =	shalt  }
0x5d: {  	_ =	shalt  }
0x5e: {  	_ =	shalt  }
0x5f: {  	_ =	shalt  }
0x60: {  	_ =	shalt  }
0x61: {  	_ =	shalt  }
0x62: {  	_ =	shalt  }
0x63: {  	_ =	shalt  }
0x64: {  	_ =	shalt  }
0x65: {  	_ =	shalt  }
0x66: {  	_ =	shalt  }
0x67: {  	_ =	shalt  }
0x68: {  	_ =	shalt  }
0x69: {  	_ =	shalt  }
0x6a: {  	_ =	shalt  }
0x6b: {  	_ =	shalt  }
0x6c: {  	_ =	shalt  }
0x6d: {  	_ =	shalt  }
0x6e: {  	_ =	shalt  }
0x6f: {  	_ =	shalt  }
0x70: {  	_ =	shalt  }
0x71: {  	_ =	shalt  }
0x72: {  	_ =	shalt  }
0x73: {  	_ =	shalt  }
0x74: {  	_ =	shalt  }
0x75: {  	_ =	shalt  }
0x76: {  	_ =	shalt  }
0x77: {  	_ =	shalt  }
0x78: {  	_ =	shalt  }
0x79: {  	_ =	shalt  }
0x7a: {  	_ =	shalt  }
0x7b: {  	_ =	shalt  }
0x7c: {  	_ =	shalt  }
0x7d: {  	_ =	shalt  }
0x7e: {  	_ =	shalt  }
0x7f: {  	_ =	shalt  }
0x80: {  	_ =	shalt  }
0x81: {  	_ =	shalt  }
0x82: {  	_ =	shalt  }
0x83: {  	_ =	shalt  }
0x84: {  	_ =	shalt  }
0x85: {  	_ =	shalt  }
0x86: {  	_ =	shalt  }
0x87: {  	_ =	shalt  }
.Lfunc_end0:
.L_simem_size_0:
called_computation.2_lowered:
.L_overlay_start_0:
0x88: {  	s2 =	sld [smem:$0x3FD9]  }
0x89: {  	s3 =	sld [smem:$0x3FFE];
	_ =	sdelay $0x1  }
0x8a: {  	s1 =	srdreg.scid  }
0x8b: {  	s0 =	sand.u32 $0x1, s1  }
0x8c: {  	s17 =	sshll.u32 s0, $0xA;
	s2 =	sadd.s32 s3, s2  }
0x8d: {  	s2 =	sadd.s32 s2, s17  }
0x8e: {  	[smem:$0x3FA9] =	sst s2  }
0x8f: {  	_ = 	snop  }
0x90: {  	s18 =	sld [smem:$0x3FD0];
	(tm) =	ssettm $0x1  }
0x91: {  	s19 =	sld [smem:$0x3FFB];
	_ =	sdelay $0x3  }
0x92: {  	_ =	strace s19  }
0x93: {  	s2 =	sld [smem:$0x3FFC];
	_ =	sdelay $0x3  }
0x94: {  	_ =	strace s2  }
0x95: {  	s2 =	sld [smem:$0x3FFD];
	_ =	sdelay $0x3  }
0x96: {  	_ =	strace s2  }
0x97: {  	_ =	strace $0x8FFFFFFF  }
0x98: {  	s20 =	sld [smem:$0x3FDB];
	_ =	sdelay $0x1  }
0x99: {  	s4 =	simm.s32 $_scs_section_size  }
0x9a: {  	s5 =	simm.s32 $_size__tile_overlayer_lowered;
	s6 =	simm.s32 $_tile_overlayer_lowered  }
0x9b: {  	s7 =	simm.s32 $0x1BFF;
	s21 =	sshll.u32 s6, $0x1;
	s4 =	sadd.s32 s4, s20  }
0x9c: {  	s22 =	simm.s32 $0x0;
	s5 =	sshll.u32 s5, $0x1;
	s6 =	sadd.s32 s21, s4  }
0x9d: {  	[timem:s22], [sflag:s7] =	dma.local [hbm:s6], s5  }
0x9e: {  	_ =	swait.ge [sflag:s7], s5  }
0x9f: {  	s5 =	ssub.s32 $0x0, s5;
	[sflag:s7] =	ssyncset.done $0x0  }
0xa0: {  	[sflag:s7] =	ssyncadd.s32 s5;
	_ =	sdelay $0x1  }
0xa1: {  	s23 =	simm.s32 $0x1B8B  }
0xa2: {  	_ =	swait.ge [sflag:s23], $0x1  }
0xa3: {  	[sflag:s23] =	ssyncset.done $0x0  }
0xa4: {  	[sflag:s23] =	ssyncadd.s32 $0xFFFFFFFF  }
0xa5: {  	s5 =	sld [smem:$0x0]  }
0xa6: {  	s6 =	sand.u32 $0xFFFFFFFE, s1  }
0xa7: {  	p0 =	sne.s32 s1, s6  }
0xa8: {  	s6 =	sshll.u32 @p0 s6, $0xE  }
0xa9: {  	s6 =	sadd.s32 @p0 $0x11B8D, s6;
	s7 =	sshll.u32 @p0 s5, $0x11  }
0xaa: {  	s6 =	sor.u32 @p0 s7, s6  }
0xab: {  	[sflag:s6] =	ssyncadd.remote.s32 @p0 $0x1;
	_ =	sdelay $0x1  }
0xac: {  	s6 =	simm.s32 @p0 $0x1B8D  }
0xad: {  	_ =	swait.eq @p0 [sflag:s6], $0x1  }
0xae: {  	[sflag:s6] =	ssyncadd.s32 @p0 $0xFFFFFFFF  }
0xaf: {  	s7 =	sshll.u32 @!p0 s1, $0xE  }
0xb0: {  	s7 =	sor.u32 @!p0 $0x4000, s7;
	s6 =	simm.s32 @!p0 $0x1B8D  }
0xb1: {  	s5 =	sshll.u32 @!p0 s5, $0x11;
	s7 =	sadd.s32 @!p0 $0x11B8D, s7;
	_ =	swait.eq @!p0 [sflag:s6], $0x1  }
0xb2: {  	s5 =	sor.u32 @!p0 s5, s7;
	[sflag:s6] =	ssyncadd.s32 @!p0 $0xFFFFFFFF  }
0xb3: {  	s25 =	simm.s32 $0x1B8E;
	s24 =	sld [smem:$0x3FFE];
	[sflag:s5] =	ssyncadd.remote.s32 @!p0 $0x1  }
0xb4: {  	s26 =	simm.s32 $execute0_lowered;
	[smem:$0x3FD2] =	sst s25  }
0xb5: {  	s6 =	sshll.u32 s26, $0x1;
	_ =	strace $0x80000052;
	[dreg:$0x1] =	wrdreg $0xFFFFFFFF  }
0xb6: {  	s28 =	simm.s32 $_size_execute0_lowered;
	s4 =	sadd.s32 s4, s6;
	[dreg:$0x0] =	wrdreg $0x0  }
0xb7: {  	s6 =	sshll.u32 s28, $0x1;
	[dreg:$0x2] =	wrdreg s4  }
0xb8: {  	[dreg:$0x3] =	wrdreg s6  }
0xb9: {  	[dreg:$0x4] =	wrdreg $0xC0  }
0xba: {  	_ =	task [dreg:s22], $0x5FFFF  }
0xbb: {  	[dreg:$0x1] =	wrdreg $0xFFFFFFFF  }
0xbc: {  	[dreg:$0x0] =	wrdreg $0x60  }
0xbd: {  	[dreg:$0x2] =	wrdreg s18  }
0xbe: {  	[dreg:$0x3] =	wrdreg s24  }
0xbf: {  	[dreg:$0x4] =	wrdreg $0x9  }
0xc0: {  	_ =	task.clear_ibuf [dreg:s22], $0x5FFFF;
	_ =	strace $0x90000052  }
0xc1: {  	s29 =	simm.s32 $0x9;
	_ =	strace $0x80000054  }
0xc2: {  	_ =	swait.ge [sflag:s29], $0x1  }
0xc3: {  	[sflag:s29] =	ssyncadd.s32 $0xFFFFFFFF  }
0xc4: {  	_ =	strace $0x90000054  }
0xc5: {  	_ =	sfence  }
0xc6: {  	s30 =	sld [smem:$0x0];
	_ =	sdelay $0x2  }
0xc7: {  	s31 =	sshll.u32 s1, $0xD;
	s1 =	sshrl.u32 s1, $0x2  }
0xc8: {  	s4 =	sand.u32 $0x4000, s31;
	s1 =	sadd.s32 s1, s30  }
0xc9: {  	s0 =	sor.u32 s4, s0;
	s1 =	sshll.u32 s1, $0x11  }
0xca: {  	s0 =	sor.u32 s1, s0  }
0xcb: {  	s0 =	sadd.s32 $0x8F2B, s0  }
0xcc: {  	[sflag:s0] =	ssyncadd.remote.s32 $0x1  }
0xcd: {  	_ =	sfence.sel $0xFFFF  }
0xce: {  	[dreg:$0x0] =	wrdreg $0xFFFFFFFF;
	(pc) =	sbr.abs _section_cstart, $3  }
0xcf: {  	[dreg:$0x1] =	wrdreg $0xFFFFFFFF  }
0xd0: {  	_ =	task.clear_ibuf [dreg:s22], $0x2FFFF;
	_ =	strace $0x9FFFFFFF  }
0xd1: {  	(tm) =	ssettm $0x7FFFFFFF  }
tec
execute0_lowered:
.L_overlay_start_1:
0x0: {  	(tag) =	ssettag $0x1  }
0x1: {  	s1 =	rddreg [dreg:$0x0]  }
0x2: {  	s7 =	rddreg [dreg:$0x1]  }
0x3: {  	s0 =	rddreg [dreg:$0x2]  }
0x4: {  	s2 =	simm.s32 $0x0;
	s3 =	srdreg.scid;
	s14 =	simm.s32 $0x100  }
0x5: {  	s15 =	simm.s32 $0x4100;
	s16 =	simm.s32 $0x1;
	s17 =	simm.s32 $0x2  }
0x6: {  	s18 =	simm.s32 $0x0;
	[smem:$0x7FF] =	sst s2;
	s4 =	sadd.s32 $0x9800, s7  }
0x7: {  	s8 =	sand.u32 $0x1, s3;
	s5 =	sadd.s32 $0x32A00, s7;
	s3 =	stileid.u32  }
0x8: {  	s6 =	sadd.s32 $0x30A00, s7;
	_ =	strace $0x80000053;
	s9 =	ssub.s32 $0x2, s8  }
0x9: {  	s11 =	sshll.u32 s3, $0x1;
	s12 =	sshll.u32 s3, $0xC;
	s30 =	sshll.u32 s3, $0x8  }
0xa: {  	s31 =	sshll.u32 s8, $0x7;
	s13 =	sshll.u32 s8, $0xB;
	s10 =	sshrl.u32 s9, $0x1  }
0xb: {  	s26 =	sor.u32 s11, s8;
	s28 =	sadd.s32 s12, s7;
	s12 =	simm.s32 $0x3  }
0xc: {  	s9 =	ssub.s32 s9, s10;
	s29 =	ssub.s32 $0x213, s26;
	s11 =	sadd.s32 s13, s28  }
0xd: {  	s13 =	simm.s32 $0x80;
	s7 =	smax.u32 s9, $0x1;
	s8 =	sshrl.u32 s29, $0x5  }
0xe: {  	s9 =	sor.u32 s31, s30;
	s10 =	sadd.s32 $0x4A7C00, s11;
	s11 =	sadd.s32 $0x5A1C00, s11  }
.LBB2_1:
0xf: {  	p1 =	sne.s32 s8, $0x1  }
.Ltmp0:
0x10: {  	_ = 	snop;
	(pc) =	sbr.rel @!p1 .LBB2_2-.Ltmp0, $2  }
0x11: {  	_ =	sdelay $0x2  }
0x12: {  	s19 =	sadd.s32 $0xFFFFFFFF, s8;
	s23 =	sshrl.u32 s9, $0x3;
	p0 =	por $0x0, $0x0  }
0x13: {  	s20 =	sadd.s32 s5, s23  }
0x14: {  	[tilespmem:s2], [sflag:$0x3] =	stream.linear.gather [hbm4b:s20+s2], $0x80, $0x38;
	[tilespmem:$0x8100] =	vst v63  }
0x15: {  	_ =	swait.ge [sflag:s12], $0x80  }
0x16: {  	[sflag:s12] =	ssyncset.done $0x0  }
0x17: {  	s31 =	sadd.s32 s6, s23;
	[sflag:s12] =	ssyncadd.s32 $0xFFFFFF80  }
0x18: {  	[tilespmem:s13], [sflag:$0x3] =	stream.linear.gather [hbm4b:s31+s2], $0x80, $0x38;
	[tilespmem:$0x8100] =	vst v63  }
0x19: {  	_ =	swait.ge [sflag:s12], $0x80  }
0x1a: {  	[sflag:s12] =	ssyncset.done $0x0  }
0x1b: {  	[sflag:s12] =	ssyncadd.s32 $0xFFFFFF80  }
0x1c: {  	[tilespmem:s14], [sflag:$0x1] =	stream.indirect.gather [hbm4b:s1+s13], $0x80, s2, s13, $0xb8;
	[tilespmem:$0x8100] =	vst v63  }
0x1d: {  	_ = 	snop  }
0x1e: {  	[tilespmem:s15], [sflag:$0x2] =	stream.indirect.gather [hbm4b:s4+s13], $0x80, s13, s13, $0xb8;
	[tilespmem:$0x8100] =	vst v63  }
0x1f: {  	_ =	swait.ge [sflag:s16], $0x4000  }
0x20: {  	[sflag:s16] =	ssyncset.done $0x0  }
0x21: {  	[sflag:s16] =	ssyncadd.s32 $0xFFFFC000  }
0x22: {  	_ =	swait.ge [sflag:s17], $0x4000  }
0x23: {  	[sflag:s17] =	ssyncset.done $0x0  }
0x24: {  	[sflag:s17] =	ssyncadd.s32 $0xFFFFC000  }
0x25: {  	[hbm4b:s10+s2] =	stream.linear.scatter [tilespmem:s14], [sflag:$0x3], $0x4000, $0x38;
	[tilespmem:$0x8100] =	vst v63  }
0x26: {  	p1 =	sne.s32 s19, $0x1;
	_ =	swait.ge [sflag:s12], $0x4000  }
.Ltmp1:
0x27: {  	[sflag:s12] =	ssyncset.done $0x0;
	(pc) =	sbr.rel @!p1 .LBB2_4-.Ltmp1, $4  }
0x28: {  	s21 =	sadd.s32 $0x1000, s9;
	s22 =	sadd.s32 $0xFFFFFFFF, s19;
	[sflag:s12] =	ssyncadd.s32 $0xFFFFC000  }
0x29: {  	[hbm4b:s11+s2] =	stream.linear.scatter [tilespmem:s15], [sflag:$0x3], $0x4000, $0x38;
	[tilespmem:$0x8100] =	vst v63  }
0x2a: {  	s19 =	sadd.s32 $0x10000, s11;
	p0 =	por $0x1, $0x1;
	_ =	swait.ge [sflag:s12], $0x4000  }
0x2b: {  	s23 =	sshrl.u32 s21, $0x3;
	s20 =	smov.u32 s10;
	[sflag:s12] =	ssyncset.done $0x0  }
.LBB2_5:
0x2c: {  	s24 =	sadd.s32 s5, s23;
	[sflag:s12] =	ssyncadd.s32 $0xFFFFC000;
	s20 =	sadd.s32 $0x10000, s20  }
0x2d: {  	[tilespmem:s2], [sflag:$0x3] =	stream.linear.gather [hbm4b:s24+s2], $0x80, $0x38;
	[tilespmem:$0x8100] =	vst v63  }
0x2e: {  	p1 =	sne.s32 s22, $0x1;
	s22 =	sadd.s32 $0xFFFFFFFF, s22;
	_ =	swait.ge [sflag:s12], $0x80  }
0x2f: {  	[sflag:s12] =	ssyncset.done $0x0  }
0x30: {  	s23 =	sadd.s32 s6, s23;
	[sflag:s12] =	ssyncadd.s32 $0xFFFFFF80  }
0x31: {  	[tilespmem:s13], [sflag:$0x3] =	stream.linear.gather [hbm4b:s23+s2], $0x80, $0x38;
	[tilespmem:$0x8100] =	vst v63  }
0x32: {  	_ =	swait.ge [sflag:s12], $0x80  }
0x33: {  	[sflag:s12] =	ssyncset.done $0x0  }
0x34: {  	[sflag:s12] =	ssyncadd.s32 $0xFFFFFF80  }
0x35: {  	[tilespmem:s14], [sflag:$0x1] =	stream.indirect.gather [hbm4b:s1+s13], $0x80, s2, s13, $0xb8;
	[tilespmem:$0x8100] =	vst v63  }
0x36: {  	_ = 	snop  }
0x37: {  	[tilespmem:s15], [sflag:$0x2] =	stream.indirect.gather [hbm4b:s4+s13], $0x80, s13, s13, $0xb8;
	[tilespmem:$0x8100] =	vst v63  }
0x38: {  	_ =	swait.ge [sflag:s16], $0x4000  }
0x39: {  	[sflag:s16] =	ssyncset.done $0x0  }
0x3a: {  	[sflag:s16] =	ssyncadd.s32 $0xFFFFC000  }
0x3b: {  	_ =	swait.ge [sflag:s17], $0x4000  }
0x3c: {  	[sflag:s17] =	ssyncset.done $0x0  }
0x3d: {  	[sflag:s17] =	ssyncadd.s32 $0xFFFFC000  }
0x3e: {  	[hbm4b:s20+s2] =	stream.linear.scatter [tilespmem:s14], [sflag:$0x3], $0x4000, $0x38;
	[tilespmem:$0x8100] =	vst v63  }
0x3f: {  	_ =	swait.ge [sflag:s12], $0x4000  }
.Ltmp2:
0x40: {  	[sflag:s12] =	ssyncset.done $0x0;
	(pc) =	sbr.rel @p1 .LBB2_5-.Ltmp2, $4  }
0x41: {  	[sflag:s12] =	ssyncadd.s32 $0xFFFFC000  }
0x42: {  	[hbm4b:s19+s2] =	stream.linear.scatter [tilespmem:s15], [sflag:$0x3], $0x4000, $0x38;
	[tilespmem:$0x8100] =	vst v63  }
0x43: {  	s21 =	sadd.s32 $0x1000, s21;
	_ =	swait.ge [sflag:s12], $0x4000  }
0x44: {  	s23 =	sshrl.u32 s21, $0x3;
	s19 =	sadd.s32 $0x10000, s19;
	[sflag:s12] =	ssyncset.done $0x0  }
.LBB2_6:
0x45: {  	s21 =	sadd.s32 s5, s23;
	[sflag:s12] =	ssyncadd.s32 @p0 $0xFFFFC000  }
0x46: {  	[tilespmem:s2], [sflag:$0x3] =	stream.linear.gather [hbm4b:s21+s2], $0x80, $0x38;
	[tilespmem:$0x8100] =	vst v63  }
0x47: {  	_ =	swait.ge [sflag:s12], $0x80  }
0x48: {  	[sflag:s12] =	ssyncset.done $0x0  }
0x49: {  	s31 =	sadd.s32 s6, s23;
	[sflag:s12] =	ssyncadd.s32 $0xFFFFFF80  }
0x4a: {  	[tilespmem:s13], [sflag:$0x3] =	stream.linear.gather [hbm4b:s31+s2], $0x80, $0x38;
	[tilespmem:$0x8100] =	vst v63  }
0x4b: {  	_ =	swait.ge [sflag:s12], $0x80  }
0x4c: {  	[sflag:s12] =	ssyncset.done $0x0  }
0x4d: {  	[sflag:s12] =	ssyncadd.s32 $0xFFFFFF80  }
0x4e: {  	[tilespmem:s14], [sflag:$0x1] =	stream.indirect.gather [hbm4b:s1+s13], $0x80, s2, s13, $0xb8;
	[tilespmem:$0x8100] =	vst v63  }
0x4f: {  	_ = 	snop  }
0x50: {  	[tilespmem:s15], [sflag:$0x2] =	stream.indirect.gather [hbm4b:s4+s13], $0x80, s13, s13, $0xb8;
	[tilespmem:$0x8100] =	vst v63  }
0x51: {  	_ =	swait.ge [sflag:s16], $0x4000  }
0x52: {  	[sflag:s16] =	ssyncset.done $0x0  }
0x53: {  	[sflag:s16] =	ssyncadd.s32 $0xFFFFC000  }
0x54: {  	_ =	swait.ge [sflag:s17], $0x4000  }
0x55: {  	s20 =	sadd.s32 @p0 $0x10000, s20;
	s21 =	smov.u32 s10;
	[sflag:s17] =	ssyncset.done $0x0  }
0x56: {  	s21 =	smov.u32 @p0 s20;
	[sflag:s17] =	ssyncadd.s32 $0xFFFFC000  }
0x57: {  	[hbm4b:s21+s2] =	stream.linear.scatter [tilespmem:s14], [sflag:$0x3], $0x4000, $0x38;
	[tilespmem:$0x8100] =	vst v63  }
0x58: {  	_ =	swait.ge [sflag:s12], $0x4000  }
0x59: {  	s18 =	sadd.s32 $0x1, s18;
	[sflag:s12] =	ssyncset.done $0x0  }
0x5a: {  	p0 =	sne.s32 s18, s7;
	[sflag:s12] =	ssyncadd.s32 $0xFFFFC000  }
0x5b: {  	[hbm4b:s19+s2] =	stream.linear.scatter [tilespmem:s15], [sflag:$0x3], $0x4000, $0x38;
	[tilespmem:$0x8100] =	vst v63  }
.Ltmp3:
0x5c: {  	_ = 	snop;
	(pc) =	sbr.rel @p0 .LBB2_1-.Ltmp3, $4  }
.Ltmp4:
0x5d: {  	_ = 	snop;
	(pc) =	sbr.rel @!p0 .LBB2_7-.Ltmp4, $4  }
0x5e: {  	_ =	swait.ge [sflag:s12], $0x4000  }
0x5f: {  	[sflag:s12] =	ssyncset.done $0x0  }
0x60: {  	[sflag:s12] =	ssyncadd.s32 $0xFFFFC000  }
0x61: {  	_ = 	snop  }
.LBB2_2:
.Ltmp5:
0x62: {  	(pc) =	sbr.rel .LBB2_6-.Ltmp5, $2  }
0x63: {  	_ =	sdelay $0x2  }
0x64: {  	s20 =	smov.u32 s10;
	s19 =	smov.u32 s11  }
.LBB2_4:
.Ltmp6:
0x65: {  	(pc) =	sbr.rel .LBB2_6-.Ltmp6, $2  }
0x66: {  	_ =	sdelay $0x2  }
0x67: {  	s20 =	smov.u32 s10  }
.LBB2_7:
0x68: {  	_ =	sfence.sel $0x180000  }
0x69: {  	[bflag:$0x0] =	sbarrier.arrive $0xFFFF  }
0x6a: {  	p0 =	sne.s32 s3, $0x0;
	_ =	strace $0x90000053  }
0x6b: {  	s0 =	sadd.s32 @!p0 $0x100000, s0;
	[bflag:$0x2] =	sbarrier.arrive $0xFFFF  }
0x6c: {  	[sflag:s0] =	ssyncadd.tile.s32 @!p0 $0x1;
	_ =	shalt  }
.Lfunc_end2:
_tile_overlayer_lowered:
.L_overlay_start_2:
0x6d: {  	(tag) =	ssettag $0x2  }
0x6e: {  	s0 =	rddreg [dreg:$0x0];
	s2 =	stileid.u32  }
0x6f: {  	s1 =	rddreg [dreg:$0x1];
	p0 =	sne.s32 s2, $0x0  }
0x70: {  	s3 =	rddreg [dreg:$0x2];
	[bflag:$0x3] =	sbarrier.arrive $0xFFFF;
	s2 =	simm.s32 @!p0 $0x1C03  }
0x71: {  	[timem:s3], [sflag:s2] =	dma.local @!p0 [hbm:s0], s1  }
0x72: {  	s0 =	simm.s32 @!p0 $0x3  }
0x73: {  	_ =	swait.ge @!p0 [sflag:s0], s1  }
0x74: {  	s1 =	ssub.s32 @!p0 $0x0, s1;
	[sflag:s0] =	ssyncset.done @!p0 $0x0  }
0x75: {  	[sflag:s0] =	ssyncadd.s32 @!p0 s1  }
0x76: {  	[bflag:$0x3] =	sbarrier.arrive $0xFFFF  }
0x77: {  	_ =	shalt  }

// kernel: segsum_fsplit.4.cloned.1.call-start
scs
__scs_entry_jumppad:
0x0: {  	(pc) =	sbr.rel $0x88, $3  }
0x1: {  	(tag) =	ssettag $0x0;
	lr =	simm.s32 $0x1  }
0x2: {  	[smem:$0x3F82] =	sst lr;
	_ =	strace $0xD0000000  }
0x3: {  	_ = 	snop  }
0x4: {  	_ = 	snop  }
0x5: {  	_ = 	snop  }
0x6: {  	_ = 	snop  }
0x7: {  	_ = 	snop  }
__scs_overlays_trampoline_lowered:
0x8: {  	[smem:$0x3F91] =	sst s0  }
0x9: {  	[smem:$0x3F92] =	sst s1  }
0xa: {  	[smem:$0x3F93] =	sst s2  }
0xb: {  	[smem:$0x3F94] =	sst s3  }
0xc: {  	[smem:$0x3F95] =	sst s4  }
0xd: {  	[smem:$0x3F96] =	sst s5  }
0xe: {  	[smem:$0x3F97] =	sst s6  }
0xf: {  	[smem:$0x3F98] =	sst s7  }
0x10: {  	[smem:$0x3F99] =	sst s8  }
0x11: {  	[smem:$0x3F9A] =	sst s9;
	s0 =	simm.s32 @!p0 $0x0  }
0x12: {  	s1 =	sld [smem:$0x3F80];
	s0 =	simm.s32 @p0 $0x1  }
0x13: {  	[smem:$0x3F9B] =	sst s0;
	s0 =	simm.s32 @!p1 $0x0  }
0x14: {  	s2 =	sld [smem:$0x3F7F];
	s0 =	simm.s32 @p1 $0x1  }
0x15: {  	[smem:$0x3F9C] =	sst s0;
	s0 =	simm.s32 @!p2 $0x0  }
0x16: {  	s3 =	sld [smem:$0x3FDB];
	s0 =	simm.s32 @p2 $0x1  }
0x17: {  	s4 =	simm.s32 $0x1BF5;
	[smem:$0x3F9E] =	sst s0  }
0x18: {  	s0 =	sld [smem:$0x3F81];
	_ =	swait.ge [sflag:s4], $0x0  }
0x19: {  	s7 =	sld [smem:$0x3F82]  }
0x1a: {  	s8 =	sadd.s32 $0xFFFFE003, lr  }
0x1b: {  	s9 =	sadd.s32 $0xFFFFFEF7, lr;
	s5 =	simm.s32 $0xFFFFFFFF;
	p2 =	slt.u32 s8, $0xFFFFF086  }
0x1c: {  	p1 =	slt.u32 s9, $0xF7A;
	s5 =	simm.s32 @!p2 $0x0  }
0x1d: {  	s5 =	simm.s32 @p1 $0x1;
	p0 =	seq.s32 s7, s2  }
0x1e: {  	s7 =	smul.u32 @!p0 $0xF7A, s2;
	p2 =	seq.s32 @!p0 s5, $0x0  }
0x1f: {  	s9 =	smul.u32 $0xF7A, s1;
	s8 =	simm.s32 @!p0 $0x1BF5;
	p2 =	por !p2, p0  }
0x20: {  	[sflag:s8] =	ssyncset.s32 @!p0 $0xFFFFF086;
	s6 =	sadd.s32 @!p0 s3, s7;
	s7 =	simm.s32 @!p0 $0x108  }
0x21: {  	s3 =	sadd.s32 s3, s9;
	s6 =	sadd.s32 @!p0 $0x88, s6;
	s7 =	simm.s32 @p2 $0x1082  }
0x22: {  	[simem:s7], [sflag:s8] =	dma.local @!p0 [hbm:s6], $0xF7A  }
0x23: {  	s9 =	sor.u32 $0xD0000000, s2;
	s6 =	simm.s32 $0x108;
	_ =	swait.ge @!p0 [sflag:s8], $0x0  }
0x24: {  	s3 =	sadd.s32 $0x88, s3;
	s6 =	simm.s32 @!p1 $0x1082;
	[sflag:s4] =	ssyncset.s32 $0xFFFFF086  }
0x25: {  	[simem:s6], [sflag:s4] =	dma.local [hbm:s3], $0xF7A  }
0x26: {  	[smem:$0x3F82] =	sst s1;
	(tag) =	ssettag s2;
	_ =	strace s9  }
0x27: {  	s1 =	sld [smem:$0x3F92]  }
0x28: {  	s2 =	sld [smem:$0x3F93]  }
0x29: {  	s4 =	sld [smem:$0x3F95]  }
0x2a: {  	p0 =	seq.s32 s5, $0x0;
	s5 =	sld [smem:$0x3F96]  }
0x2b: {  	s6 =	sld [smem:$0x3F97]  }
0x2c: {  	s7 =	sld [smem:$0x3F98]  }
0x2d: {  	s3 =	simm.s32 $0x108;
	s8 =	sld [smem:$0x3F99]  }
0x2e: {  	s3 =	simm.s32 @!p0 $0x1082;
	s9 =	sld [smem:$0x3F9A]  }
0x2f: {  	lr =	sadd.s32 s0, s3;
	s0 =	sld [smem:$0x3F91]  }
0x30: {  	s3 =	sld [smem:$0x3F94]  }
0x31: {  	[smem:$0x3F9D] =	sst s10  }
0x32: {  	s10 =	sld [smem:$0x3F9B];
	_ =	sdelay $0x3  }
0x33: {  	p0 =	seq.s32 s10, $0x1;
	s10 =	sld [smem:$0x3F9D];
	_ =	sdelay $0x3  }
0x34: {  	[smem:$0x3F9D] =	sst s10  }
0x35: {  	s10 =	sld [smem:$0x3F9C];
	_ =	sdelay $0x3  }
0x36: {  	p1 =	seq.s32 s10, $0x1;
	s10 =	sld [smem:$0x3F9D];
	_ =	sdelay $0x3  }
0x37: {  	[smem:$0x3F9D] =	sst s10  }
0x38: {  	s10 =	sld [smem:$0x3F9E]  }
0x39: {  	_ = 	snop;
	(pc) =	sbr.ind lr, $3  }
0x3a: {  	_ = 	snop  }
0x3b: {  	_ = 	snop  }
0x3c: {  	p2 =	seq.s32 s10, $0x1;
	s10 =	sld [smem:$0x3F9D]  }
0x3d: {  	_ =	shalt  }
0x3e: {  	_ =	shalt  }
0x3f: {  	_ =	shalt  }
0x40: {  	_ =	shalt  }
0x41: {  	_ =	shalt  }
0x42: {  	_ =	shalt  }
0x43: {  	_ =	shalt  }
0x44: {  	_ =	shalt  }
0x45: {  	_ =	shalt  }
0x46: {  	_ =	shalt  }
0x47: {  	_ =	shalt  }
0x48: {  	_ =	shalt  }
0x49: {  	_ =	shalt  }
0x4a: {  	_ =	shalt  }
0x4b: {  	_ =	shalt  }
0x4c: {  	_ =	shalt  }
0x4d: {  	_ =	shalt  }
0x4e: {  	_ =	shalt  }
0x4f: {  	_ =	shalt  }
0x50: {  	_ =	shalt  }
0x51: {  	_ =	shalt  }
0x52: {  	_ =	shalt  }
0x53: {  	_ =	shalt  }
0x54: {  	_ =	shalt  }
0x55: {  	_ =	shalt  }
0x56: {  	_ =	shalt  }
0x57: {  	_ =	shalt  }
0x58: {  	_ =	shalt  }
0x59: {  	_ =	shalt  }
0x5a: {  	_ =	shalt  }
0x5b: {  	_ =	shalt  }
0x5c: {  	_ =	shalt  }
0x5d: {  	_ =	shalt  }
0x5e: {  	_ =	shalt  }
0x5f: {  	_ =	shalt  }
0x60: {  	_ =	shalt  }
0x61: {  	_ =	shalt  }
0x62: {  	_ =	shalt  }
0x63: {  	_ =	shalt  }
0x64: {  	_ =	shalt  }
0x65: {  	_ =	shalt  }
0x66: {  	_ =	shalt  }
0x67: {  	_ =	shalt  }
0x68: {  	_ =	shalt  }
0x69: {  	_ =	shalt  }
0x6a: {  	_ =	shalt  }
0x6b: {  	_ =	shalt  }
0x6c: {  	_ =	shalt  }
0x6d: {  	_ =	shalt  }
0x6e: {  	_ =	shalt  }
0x6f: {  	_ =	shalt  }
0x70: {  	_ =	shalt  }
0x71: {  	_ =	shalt  }
0x72: {  	_ =	shalt  }
0x73: {  	_ =	shalt  }
0x74: {  	_ =	shalt  }
0x75: {  	_ =	shalt  }
0x76: {  	_ =	shalt  }
0x77: {  	_ =	shalt  }
0x78: {  	_ =	shalt  }
0x79: {  	_ =	shalt  }
0x7a: {  	_ =	shalt  }
0x7b: {  	_ =	shalt  }
0x7c: {  	_ =	shalt  }
0x7d: {  	_ =	shalt  }
0x7e: {  	_ =	shalt  }
0x7f: {  	_ =	shalt  }
0x80: {  	_ =	shalt  }
0x81: {  	_ =	shalt  }
0x82: {  	_ =	shalt  }
0x83: {  	_ =	shalt  }
0x84: {  	_ =	shalt  }
0x85: {  	_ =	shalt  }
0x86: {  	_ =	shalt  }
0x87: {  	_ =	shalt  }
.Lfunc_end0:
.L_simem_size_0:
called_computation_lowered:
.L_overlay_start_0:
0x88: {  	s2 =	sld [smem:$0x3FD9]  }
0x89: {  	s3 =	sld [smem:$0x3FFE];
	_ =	sdelay $0x1  }
0x8a: {  	s1 =	srdreg.scid  }
0x8b: {  	s0 =	sand.u32 $0x1, s1  }
0x8c: {  	s17 =	sshll.u32 s0, $0xA;
	s2 =	sadd.s32 s3, s2  }
0x8d: {  	s2 =	sadd.s32 s2, s17  }
0x8e: {  	[smem:$0x3FA9] =	sst s2  }
0x8f: {  	_ = 	snop  }
0x90: {  	s2 =	sld [smem:$0x3FD0];
	(tm) =	ssettm $0x1  }
0x91: {  	s18 =	sld [smem:$0x3FFB];
	_ =	sdelay $0x3  }
0x92: {  	_ =	strace s18  }
0x93: {  	s3 =	sld [smem:$0x3FFC];
	_ =	sdelay $0x3  }
0x94: {  	_ =	strace s3  }
0x95: {  	s3 =	sld [smem:$0x3FFD];
	_ =	sdelay $0x3  }
0x96: {  	_ =	strace s3  }
0x97: {  	_ =	strace $0x8FFFFFFF  }
0x98: {  	s19 =	sld [smem:$0x3FDB];
	_ =	sdelay $0x1  }
0x99: {  	s4 =	simm.s32 $_scs_section_size  }
0x9a: {  	s5 =	simm.s32 $_size__tile_overlayer_lowered;
	s6 =	simm.s32 $_tile_overlayer_lowered  }
0x9b: {  	s22 =	simm.s32 $0x1BFF;
	s21 =	sshll.u32 s6, $0x1;
	s3 =	sadd.s32 s4, s19  }
0x9c: {  	s7 =	simm.s32 $0x0;
	s20 =	sshll.u32 s5, $0x1;
	s5 =	sadd.s32 s21, s3  }
0x9d: {  	[timem:s7], [sflag:s22] =	dma.local [hbm:s5], s20  }
0x9e: {  	_ =	swait.ge [sflag:s22], s20  }
0x9f: {  	s4 =	ssub.s32 $0x0, s20;
	[sflag:s22] =	ssyncset.done $0x0  }
0xa0: {  	[sflag:s22] =	ssyncadd.s32 s4;
	_ =	sdelay $0x1  }
0xa1: {  	s23 =	simm.s32 $0x1B8B  }
0xa2: {  	_ =	swait.ge [sflag:s23], $0x1  }
0xa3: {  	[sflag:s23] =	ssyncset.done $0x0  }
0xa4: {  	s25 =	simm.s32 $0x1B8E;
	s24 =	sld [smem:$0x3FFE];
	[sflag:s23] =	ssyncadd.s32 $0xFFFFFFFF  }
0xa5: {  	s26 =	simm.s32 $execute0_lowered;
	[smem:$0x3FD2] =	sst s25  }
0xa6: {  	s5 =	sshll.u32 s26, $0x1;
	_ =	strace $0x80000046;
	[dreg:$0x1] =	wrdreg $0xFFFFFFFF  }
0xa7: {  	s28 =	simm.s32 $_size_execute0_lowered;
	s3 =	sadd.s32 s3, s5;
	[dreg:$0x0] =	wrdreg $0x0  }
0xa8: {  	s5 =	sshll.u32 s28, $0x1;
	[dreg:$0x2] =	wrdreg s3  }
0xa9: {  	[dreg:$0x3] =	wrdreg s5  }
0xaa: {  	[dreg:$0x4] =	wrdreg $0xC0  }
0xab: {  	_ =	task [dreg:s7], $0x5FFFF  }
0xac: {  	[dreg:$0x1] =	wrdreg $0xFFFFFFFF  }
0xad: {  	[dreg:$0x0] =	wrdreg $0x60  }
0xae: {  	[dreg:$0x2] =	wrdreg s24  }
0xaf: {  	[dreg:$0x3] =	wrdreg s2  }
0xb0: {  	[dreg:$0x4] =	wrdreg $0xAB000  }
0xb1: {  	[dreg:$0x5] =	wrdreg $0x9  }
0xb2: {  	_ =	task.clear_ibuf [dreg:s7], $0x6FFFF;
	_ =	strace $0x90000046  }
0xb3: {  	s29 =	simm.s32 $0x9;
	_ =	strace $0x80000048  }
0xb4: {  	_ =	swait.ge [sflag:s29], $0x1  }
0xb5: {  	[sflag:s29] =	ssyncadd.s32 $0xFFFFFFFF  }
0xb6: {  	_ =	strace $0x90000048  }
0xb7: {  	_ =	sfence  }
0xb8: {  	s30 =	sld [smem:$0x0];
	_ =	sdelay $0x2  }
0xb9: {  	s31 =	sshll.u32 s1, $0xD;
	s1 =	sshrl.u32 s1, $0x2  }
0xba: {  	s3 =	sand.u32 $0x4000, s31;
	s1 =	sadd.s32 s1, s30  }
0xbb: {  	s0 =	sor.u32 s3, s0;
	s1 =	sshll.u32 s1, $0x11  }
0xbc: {  	s0 =	sor.u32 s1, s0  }
0xbd: {  	s0 =	sadd.s32 $0x8F2B, s0  }
0xbe: {  	[sflag:s0] =	ssyncadd.remote.s32 $0x1  }
0xbf: {  	_ =	sfence.sel $0xFFFF  }
0xc0: {  	[dreg:$0x0] =	wrdreg $0xFFFFFFFF;
	(pc) =	sbr.abs _section_cstart, $3  }
0xc1: {  	[dreg:$0x1] =	wrdreg $0xFFFFFFFF  }
0xc2: {  	_ =	task.clear_ibuf [dreg:s7], $0x2FFFF;
	_ =	strace $0x9FFFFFFF  }
0xc3: {  	(tm) =	ssettm $0x7FFFFFFF  }
tec
execute0_lowered:
.L_overlay_start_1:
0x0: {  	(tag) =	ssettag $0x1  }
0x1: {  	s3 =	rddreg [dreg:$0x0]  }
0x2: {  	s8 =	rddreg [dreg:$0x1]  }
0x3: {  	s1 =	rddreg [dreg:$0x2];
	s2 =	simm.s32 $0x0  }
0x4: {  	s4 =	srdreg.scid;
	s15 =	simm.s32 $0x80;
	s16 =	simm.s32 $0x100  }
0x5: {  	s17 =	simm.s32 $0x180;
	s18 =	simm.s32 $0x4180;
	s19 =	simm.s32 $0x4200  }
0x6: {  	s20 =	simm.s32 $0x4280;
	s21 =	simm.s32 $0x4300;
	s22 =	simm.s32 $0x1  }
0x7: {  	s23 =	simm.s32 $0x2;
	s25 =	simm.s32 $0x4;
	s26 =	simm.s32 $0x0  }
0x8: {  	[smem:$0x7FF] =	sst s2;
	s5 =	sand.u32 $0x1, s4;
	s4 =	sadd.s32 $0x13600, s3  }
0x9: {  	s9 =	sadd.s32 $0x9800, s3;
	s6 =	smul.u32 $0x27100, s5;
	s7 =	ssub.s32 $0x2, s5  }
0xa: {  	_ =	strace $0x80000047;
	s24 =	smul.u32 $0x2710, s5;
	s10 =	sshrl.u32 s7, $0x1  }
0xb: {  	s12 =	sadd.s32 s6, s3;
	s3 =	stileid.u32;
	s10 =	ssub.s32 s7, s10  }
0xc: {  	v0 =	vmov s24;
	s24 =	simm.s32 $0x3;
	s30 =	ssub.s32 $0x8C, s3;
	s13 =	smul.u32 $0xA000, s3  }
0xd: {  	s11 =	sshll.u32 s3, $0x4;
	s14 =	smul.u32 $0x500, s3;
	s10 =	smax.u32 s10, $0x1  }
0xe: {  	s6 =	sadd.s32 s8, s11;
	s7 =	sadd.s32 s9, s11;
	s11 =	sor.u32 $0x100, s11  }
0xf: {  	s5 =	sshrl.u32 s30, $0x4;
	s8 =	sadd.s32 s8, s11;
	s9 =	sadd.s32 s9, s11  }
0x10: {  	s31 =	sshrl.u32 s13, $0x2;
	s12 =	sadd.s32 s14, s12;
	s13 =	simm.s32 $0x8300  }
0x11: {  	v1 =	vimm.f32 $0.0e+00;
	s14 =	simm.s32 $0x5;
	s11 =	sadd.s32 s31, s1;
	s12 =	sadd.s32 $0x61800, s12  }
.LBB2_1:
0x12: {  	s28 =	simm.s32 $0x0;
	s29 =	simm.s32 $0x200  }
.LBB2_2:
0x13: {  	p0 =	sne.s32 s29, $0x9E00;
	[tilespmem:s28+$0x8370] =	vst v1  }
0x14: {  	[tilespmem:s28+$0x8300] =	vst v1  }
0x15: {  	[tilespmem:s28+$0x8310] =	vst v1  }
.Ltmp0:
0x16: {  	[tilespmem:s28+$0x8320] =	vst v1;
	(pc) =	sbr.rel @p0 .LBB2_2-.Ltmp0, $4  }
0x17: {  	[tilespmem:s28+$0x8330] =	vst v1  }
0x18: {  	[tilespmem:s28+$0x8340] =	vst v1  }
0x19: {  	[tilespmem:s28+$0x8350] =	vst v1  }
0x1a: {  	[tilespmem:s28+$0x8360] =	vst v1;
	s28 =	sshra.s32 s29, $0x2;
	s29 =	sadd.s32 $0x200, s29  }
0x1b: {  	[tilespmem:s28+$0x8370] =	vst v1  }
0x1c: {  	[tilespmem:s28+$0x8300] =	vst v1  }
0x1d: {  	[tilespmem:s28+$0x8310] =	vst v1  }
0x1e: {  	[tilespmem:s28+$0x8320] =	vst v1  }
0x1f: {  	[tilespmem:s28+$0x8330] =	vst v1  }
0x20: {  	[tilespmem:s28+$0x8340] =	vst v1;
	p0 =	sne.s32 s5, $0x1  }
.Ltmp1:
0x21: {  	[tilespmem:s28+$0x8350] =	vst v1;
	(pc) =	sbr.rel @!p0 .LBB2_5-.Ltmp1, $4  }
0x22: {  	[tilespmem:s28+$0x8360] =	vst v1  }
0x23: {  	[spmem:s11] =	stream.linear.scatter [tilespmem:s13], [sflag:$0x5], $0x2800, $0x38;
	[tilespmem:$0x1E3C0] =	vst v63  }
0x24: {  	_ =	swait.ge [sflag:s14], $0x2800  }
0x25: {  	s28 =	sadd.s32 $0xFFFFFFFF, s5;
	s29 =	smov.u32 s11;
	[sflag:s14] =	ssyncset.done $0x0  }
.LBB2_4:
0x26: {  	p1 =	sne.s32 s28, $0x1;
	[sflag:s14] =	ssyncadd.s32 $0xFFFFD800;
	s29 =	sadd.s32 $0x28000, s29  }
.Ltmp2:
0x27: {  	s28 =	sadd.s32 $0xFFFFFFFF, s28;
	(pc) =	sbr.rel @p1 .LBB2_4-.Ltmp2, $4  }
0x28: {  	_ = 	snop  }
0x29: {  	[spmem:s29] =	stream.linear.scatter [tilespmem:s13], [sflag:$0x5], $0x2800, $0x38;
	[tilespmem:$0x1E3C0] =	vst v63  }
0x2a: {  	_ =	swait.ge [sflag:s14], $0x2800  }
0x2b: {  	[sflag:s14] =	ssyncset.done $0x0  }
.LBB2_5:
0x2c: {  	[sflag:s14] =	ssyncadd.s32 $0xFFFFD800  }
0x2d: {  	[bflag:$0x0] =	sbarrier.arrive $0xFFFF  }
0x2e: {  	[tilespmem:s2], [sflag:$0x5] =	stream.linear.gather [hbm4b:s6+s2], $0x80, $0x38;
	[tilespmem:$0x1E3C0] =	vst v63  }
0x2f: {  	_ =	swait.ge [sflag:s14], $0x80  }
0x30: {  	[sflag:s14] =	ssyncset.done $0x0  }
0x31: {  	[sflag:s14] =	ssyncadd.s32 $0xFFFFFF80  }
0x32: {  	[tilespmem:s15], [sflag:$0x5] =	stream.linear.gather [hbm4b:s7+s2], $0x80, $0x38;
	[tilespmem:$0x1E3C0] =	vst v63  }
0x33: {  	_ =	swait.ge [sflag:s14], $0x80  }
0x34: {  	[sflag:s14] =	ssyncset.done $0x0  }
0x35: {  	[sflag:s14] =	ssyncadd.s32 $0xFFFFFF80  }
0x36: {  	v2 =	vld [tilespmem:$0x0]  }
0x37: {  	v3 =	vld [tilespmem:$0x10]  }
0x38: {  	v4 =	vld [tilespmem:$0x20]  }
0x39: {  	v5 =	vld [tilespmem:$0x30]  }
0x3a: {  	v6 =	vld [tilespmem:$0x40]  }
0x3b: {  	v7 =	vld [tilespmem:$0x50];
	v2 =	vadd.s32 v0, v2  }
0x3c: {  	[tilespmem:$0x100] =	vst v2;
	v2 =	vadd.s32 v0, v3;
	v3 =	vld [tilespmem:$0x60]  }
0x3d: {  	[tilespmem:$0x110] =	vst v2;
	v2 =	vadd.s32 v0, v4;
	v4 =	vld [tilespmem:$0x70]  }
0x3e: {  	[tilespmem:$0x120] =	vst v2;
	v2 =	vadd.s32 v0, v5  }
0x3f: {  	[tilespmem:$0x130] =	vst v2;
	v2 =	vadd.s32 v0, v6  }
0x40: {  	[tilespmem:$0x140] =	vst v2;
	v2 =	vadd.s32 v0, v7  }
0x41: {  	[tilespmem:$0x150] =	vst v2;
	v2 =	vadd.s32 v0, v3  }
0x42: {  	[tilespmem:$0x160] =	vst v2;
	v2 =	vadd.s32 v0, v4  }
0x43: {  	[tilespmem:$0x170] =	vst v2  }
0x44: {  	[tilespmem:s17], [sflag:$0x1] =	stream.indirect.gather [hbm4b:s4+s15], $0x80, s16, s15, $0xb8;
	[tilespmem:$0x1E3C0] =	vst v63  }
0x45: {  	_ = 	snop  }
0x46: {  	[tilespmem:s18], [sflag:$0x5] =	stream.linear.gather [hbm4b:s8+s2], $0x80, $0x38;
	[tilespmem:$0x1E3C0] =	vst v63  }
0x47: {  	_ =	swait.ge [sflag:s14], $0x80  }
0x48: {  	[sflag:s14] =	ssyncset.done $0x0  }
0x49: {  	[sflag:s14] =	ssyncadd.s32 $0xFFFFFF80  }
0x4a: {  	[tilespmem:s19], [sflag:$0x5] =	stream.linear.gather [hbm4b:s9+s2], $0x80, $0x38;
	[tilespmem:$0x1E3C0] =	vst v63  }
0x4b: {  	_ =	swait.ge [sflag:s14], $0x80  }
0x4c: {  	[sflag:s14] =	ssyncset.done $0x0  }
0x4d: {  	[sflag:s14] =	ssyncadd.s32 $0xFFFFFF80  }
0x4e: {  	v2 =	vld [tilespmem:$0x4180]  }
0x4f: {  	v3 =	vld [tilespmem:$0x4190]  }
0x50: {  	v4 =	vld [tilespmem:$0x41A0]  }
0x51: {  	v5 =	vld [tilespmem:$0x41B0]  }
0x52: {  	v57 =	vld [tilespmem:$0x41C0]  }
0x53: {  	v58 =	vld [tilespmem:$0x41D0];
	v2 =	vadd.s32 v0, v2  }
0x54: {  	[tilespmem:$0x4280] =	vst v2;
	v2 =	vadd.s32 v0, v3;
	v3 =	vld [tilespmem:$0x41E0]  }
0x55: {  	[tilespmem:$0x4290] =	vst v2;
	v2 =	vadd.s32 v0, v4;
	v4 =	vld [tilespmem:$0x41F0]  }
0x56: {  	[tilespmem:$0x42A0] =	vst v2;
	v2 =	vadd.s32 v0, v5  }
0x57: {  	[tilespmem:$0x42B0] =	vst v2;
	v2 =	vadd.s32 v0, v57  }
0x58: {  	[tilespmem:$0x42C0] =	vst v2;
	v2 =	vadd.s32 v0, v58  }
0x59: {  	[tilespmem:$0x42D0] =	vst v2;
	v2 =	vadd.s32 v0, v3  }
0x5a: {  	[tilespmem:$0x42E0] =	vst v2;
	v2 =	vadd.s32 v0, v4  }
0x5b: {  	[tilespmem:$0x42F0] =	vst v2  }
0x5c: {  	[tilespmem:s21], [sflag:$0x2] =	stream.indirect.gather [hbm4b:s4+s15], $0x80, s20, s15, $0xb8;
	[tilespmem:$0x1E3C0] =	vst v63  }
0x5d: {  	_ =	swait.ge [sflag:s22], $0x4000  }
0x5e: {  	[sflag:s22] =	ssyncset.done $0x0  }
0x5f: {  	[sflag:s22] =	ssyncadd.s32 $0xFFFFC000  }
0x60: {  	[spmem:s1] =	stream.indirect.scatter.add.f32 [tilespmem:s17], [sflag:$0x3], $0x80, s15, s15, $0xb8;
	[tilespmem:$0x1E3C0] =	vst v63  }
0x61: {  	_ =	swait.ge [sflag:s23], $0x4000  }
0x62: {  	[sflag:s23] =	ssyncset.done $0x0  }
0x63: {  	[sflag:s23] =	ssyncadd.s32 $0xFFFFC000  }
0x64: {  	[spmem:s1] =	stream.indirect.scatter.add.f32 [tilespmem:s21], [sflag:$0x4], $0x80, s19, s15, $0xb8;
	[tilespmem:$0x1E3C0] =	vst v63  }
0x65: {  	_ =	swait.ge [sflag:s24], $0x4000  }
0x66: {  	s28 =	sadd.s32 $0xFFFF6400, s6;
	[sflag:s24] =	ssyncset.done $0x0  }
0x67: {  	s29 =	sadd.s32 $0x9E00, s28;
	[sflag:s24] =	ssyncadd.s32 $0xFFFFC000  }
0x68: {  	[tilespmem:s2], [sflag:$0x5] =	stream.linear.gather [hbm4b:s29+s2], $0x80, $0x38;
	[tilespmem:$0x1E3C0] =	vst v63  }
0x69: {  	_ =	swait.ge [sflag:s14], $0x80  }
0x6a: {  	s29 =	sadd.s32 $0xFFFF6400, s7;
	[sflag:s14] =	ssyncset.done $0x0  }
0x6b: {  	s30 =	sadd.s32 $0x9E00, s29;
	[sflag:s14] =	ssyncadd.s32 $0xFFFFFF80  }
0x6c: {  	[tilespmem:s15], [sflag:$0x5] =	stream.linear.gather [hbm4b:s30+s2], $0x80, $0x38;
	[tilespmem:$0x1E3C0] =	vst v63  }
0x6d: {  	_ =	swait.ge [sflag:s14], $0x80  }
0x6e: {  	[sflag:s14] =	ssyncset.done $0x0  }
0x6f: {  	[sflag:s14] =	ssyncadd.s32 $0xFFFFFF80  }
0x70: {  	v2 =	vld [tilespmem:$0x60]  }
0x71: {  	v3 =	vld [tilespmem:$0x20]  }
0x72: {  	v4 =	vld [tilespmem:$0x70]  }
0x73: {  	v5 =	vld [tilespmem:$0x40]  }
0x74: {  	v59 =	vld [tilespmem:$0x50]  }
0x75: {  	v60 =	vld [tilespmem:$0x30];
	v2 =	vadd.s32 v0, v2  }
0x76: {  	v8 =	vld [tilespmem:$0x0];
	v3 =	vadd.s32 v0, v3;
	[tilespmem:$0x160] =	vst v2  }
0x77: {  	v2 =	vld [tilespmem:$0x10];
	[tilespmem:$0x120] =	vst v3;
	v3 =	vadd.s32 v0, v4  }
0x78: {  	v4 =	vadd.s32 v0, v5;
	[tilespmem:$0x170] =	vst v3  }
0x79: {  	[tilespmem:$0x140] =	vst v4;
	v3 =	vadd.s32 v0, v59  }
0x7a: {  	v4 =	vadd.s32 v0, v60;
	[tilespmem:$0x150] =	vst v3  }
0x7b: {  	v3 =	vadd.s32 v0, v8;
	[tilespmem:$0x130] =	vst v4  }
0x7c: {  	[tilespmem:$0x100] =	vst v3;
	v2 =	vadd.s32 v0, v2  }
0x7d: {  	[tilespmem:$0x110] =	vst v2  }
0x7e: {  	[tilespmem:s17], [sflag:$0x1] =	stream.indirect.gather [hbm4b:s4+s15], $0x80, s16, s15, $0xb8;
	[tilespmem:$0x1E3C0] =	vst v63  }
0x7f: {  	_ =	swait.ge [sflag:s25], $0x4000  }
0x80: {  	[sflag:s25] =	ssyncset.done $0x0  }
0x81: {  	s28 =	sadd.s32 $0x9F00, s28;
	[sflag:s25] =	ssyncadd.s32 $0xFFFFC000  }
0x82: {  	[tilespmem:s18], [sflag:$0x5] =	stream.linear.gather [hbm4b:s28+s2], $0x80, $0x38;
	[tilespmem:$0x1E3C0] =	vst v63  }
0x83: {  	_ =	swait.ge [sflag:s14], $0x80  }
0x84: {  	[sflag:s14] =	ssyncset.done $0x0  }
0x85: {  	s28 =	sadd.s32 $0x9F00, s29;
	[sflag:s14] =	ssyncadd.s32 $0xFFFFFF80  }
0x86: {  	[tilespmem:s19], [sflag:$0x5] =	stream.linear.gather [hbm4b:s28+s2], $0x80, $0x38;
	[tilespmem:$0x1E3C0] =	vst v63  }
0x87: {  	_ =	swait.ge [sflag:s14], $0x80  }
0x88: {  	[sflag:s14] =	ssyncset.done $0x0  }
0x89: {  	[sflag:s14] =	ssyncadd.s32 $0xFFFFFF80  }
0x8a: {  	v2 =	vld [tilespmem:$0x41D0]  }
0x8b: {  	v3 =	vld [tilespmem:$0x41E0]  }
0x8c: {  	v4 =	vld [tilespmem:$0x41B0]  }
0x8d: {  	v5 =	vld [tilespmem:$0x41C0]  }
0x8e: {  	v61 =	vld [tilespmem:$0x4190]  }
0x8f: {  	v62 =	vld [tilespmem:$0x41A0]  }
0x90: {  	v63 =	vld [tilespmem:$0x4180];
	v3 =	vadd.s32 v0, v3  }
0x91: {  	v4 =	vadd.s32 v0, v4;
	[tilespmem:$0x42E0] =	vst v3;
	v3 =	vld [tilespmem:$0x41F0]  }
0x92: {  	v2 =	vadd.s32 v0, v2;
	[tilespmem:$0x42B0] =	vst v4  }
0x93: {  	v4 =	vadd.s32 v0, v5;
	[tilespmem:$0x42D0] =	vst v2  }
0x94: {  	v5 =	vadd.s32 v0, v61;
	[tilespmem:$0x42C0] =	vst v4  }
0x95: {  	v4 =	vadd.s32 v0, v62;
	[tilespmem:$0x4290] =	vst v5  }
0x96: {  	s29 =	simm.s32 $0xFFFF6800;
	s28 =	simm.s32 $0xFFFF6600;
	v2 =	vadd.s32 v0, v63;
	[tilespmem:$0x42A0] =	vst v4;
	v3 =	vadd.s32 v0, v3  }
.LBB2_6:
0x97: {  	p1 =	sne.s32 s29, $0xFFFFFE00;
	[tilespmem:$0x4280] =	vst v2;
	s0 =	smov.u32 s29;
	s29 =	sadd.s32 $0x200, s29  }
0x98: {  	[tilespmem:$0x42F0] =	vst v3  }
0x99: {  	[tilespmem:s21], [sflag:$0x2] =	stream.indirect.gather [hbm4b:s4+s15], $0x80, s20, s15, $0xb8;
	[tilespmem:$0x1E3C0] =	vst v63  }
0x9a: {  	_ =	swait.ge [sflag:s22], $0x4000  }
0x9b: {  	[sflag:s22] =	ssyncset.done $0x0  }
0x9c: {  	[sflag:s22] =	ssyncadd.s32 $0xFFFFC000  }
0x9d: {  	[spmem:s1] =	stream.indirect.scatter.add.f32 [tilespmem:s17], [sflag:$0x3], $0x80, s15, s15, $0xb8;
	[tilespmem:$0x1E3C0] =	vst v63  }
0x9e: {  	_ =	swait.ge [sflag:s23], $0x4000  }
0x9f: {  	[sflag:s23] =	ssyncset.done $0x0  }
0xa0: {  	[sflag:s23] =	ssyncadd.s32 $0xFFFFC000  }
0xa1: {  	[spmem:s1] =	stream.indirect.scatter.add.f32 [tilespmem:s21], [sflag:$0x4], $0x80, s19, s15, $0xb8;
	[tilespmem:$0x1E3C0] =	vst v63  }
0xa2: {  	_ =	swait.ge [sflag:s24], $0x4000  }
0xa3: {  	s30 =	sadd.s32 s28, s6;
	[sflag:s24] =	ssyncset.done $0x0  }
0xa4: {  	s31 =	sadd.s32 $0x9E00, s30;
	[sflag:s24] =	ssyncadd.s32 $0xFFFFC000  }
0xa5: {  	[tilespmem:s2], [sflag:$0x5] =	stream.linear.gather [hbm4b:s31+s2], $0x80, $0x38;
	[tilespmem:$0x1E3C0] =	vst v63  }
0xa6: {  	_ =	swait.ge [sflag:s14], $0x80  }
0xa7: {  	s31 =	sadd.s32 s28, s7;
	s28 =	smov.u32 s0;
	[sflag:s14] =	ssyncset.done $0x0  }
0xa8: {  	s0 =	sadd.s32 $0x9E00, s31;
	[sflag:s14] =	ssyncadd.s32 $0xFFFFFF80  }
0xa9: {  	[tilespmem:s15], [sflag:$0x5] =	stream.linear.gather [hbm4b:s0+s2], $0x80, $0x38;
	[tilespmem:$0x1E3C0] =	vst v63  }
0xaa: {  	_ =	swait.ge [sflag:s14], $0x80  }
0xab: {  	[sflag:s14] =	ssyncset.done $0x0  }
0xac: {  	[sflag:s14] =	ssyncadd.s32 $0xFFFFFF80  }
0xad: {  	v2 =	vld [tilespmem:$0x60]  }
0xae: {  	v3 =	vld [tilespmem:$0x20]  }
0xaf: {  	v4 =	vld [tilespmem:$0x70]  }
0xb0: {  	v5 =	vld [tilespmem:$0x40]  }
0xb1: {  	v6 =	vld [tilespmem:$0x50]  }
0xb2: {  	v7 =	vld [tilespmem:$0x30];
	v2 =	vadd.s32 v0, v2  }
0xb3: {  	v8 =	vld [tilespmem:$0x0];
	v3 =	vadd.s32 v0, v3;
	[tilespmem:$0x160] =	vst v2  }
0xb4: {  	v2 =	vld [tilespmem:$0x10];
	[tilespmem:$0x120] =	vst v3;
	v3 =	vadd.s32 v0, v4  }
0xb5: {  	v4 =	vadd.s32 v0, v5;
	[tilespmem:$0x170] =	vst v3  }
0xb6: {  	[tilespmem:$0x140] =	vst v4;
	v3 =	vadd.s32 v0, v6  }
0xb7: {  	v4 =	vadd.s32 v0, v7;
	[tilespmem:$0x150] =	vst v3  }
0xb8: {  	v3 =	vadd.s32 v0, v8;
	[tilespmem:$0x130] =	vst v4  }
0xb9: {  	[tilespmem:$0x100] =	vst v3;
	v2 =	vadd.s32 v0, v2  }
0xba: {  	[tilespmem:$0x110] =	vst v2  }
0xbb: {  	[tilespmem:s17], [sflag:$0x1] =	stream.indirect.gather [hbm4b:s4+s15], $0x80, s16, s15, $0xb8;
	[tilespmem:$0x1E3C0] =	vst v63  }
0xbc: {  	_ =	swait.ge [sflag:s25], $0x4000  }
0xbd: {  	[sflag:s25] =	ssyncset.done $0x0  }
0xbe: {  	s0 =	sadd.s32 $0x9F00, s30;
	[sflag:s25] =	ssyncadd.s32 $0xFFFFC000  }
0xbf: {  	[tilespmem:s18], [sflag:$0x5] =	stream.linear.gather [hbm4b:s0+s2], $0x80, $0x38;
	[tilespmem:$0x1E3C0] =	vst v63  }
0xc0: {  	_ =	swait.ge [sflag:s14], $0x80  }
0xc1: {  	[sflag:s14] =	ssyncset.done $0x0  }
0xc2: {  	s0 =	sadd.s32 $0x9F00, s31;
	[sflag:s14] =	ssyncadd.s32 $0xFFFFFF80  }
0xc3: {  	[tilespmem:s19], [sflag:$0x5] =	stream.linear.gather [hbm4b:s0+s2], $0x80, $0x38;
	[tilespmem:$0x1E3C0] =	vst v63  }
0xc4: {  	_ =	swait.ge [sflag:s14], $0x80  }
0xc5: {  	[sflag:s14] =	ssyncset.done $0x0  }
0xc6: {  	[sflag:s14] =	ssyncadd.s32 $0xFFFFFF80  }
0xc7: {  	v2 =	vld [tilespmem:$0x41D0]  }
0xc8: {  	v3 =	vld [tilespmem:$0x41E0]  }
0xc9: {  	v4 =	vld [tilespmem:$0x41B0]  }
0xca: {  	v5 =	vld [tilespmem:$0x41C0]  }
0xcb: {  	v6 =	vld [tilespmem:$0x4190]  }
0xcc: {  	v7 =	vld [tilespmem:$0x41A0]  }
0xcd: {  	v8 =	vld [tilespmem:$0x4180];
	v3 =	vadd.s32 v0, v3  }
0xce: {  	v4 =	vadd.s32 v0, v4;
	[tilespmem:$0x42E0] =	vst v3;
	v3 =	vld [tilespmem:$0x41F0]  }
.Ltmp3:
0xcf: {  	[tilespmem:$0x42B0] =	vst v4;
	v4 =	vadd.s32 v0, v5;
	(pc) =	sbr.rel @p1 .LBB2_6-.Ltmp3, $4  }
0xd0: {  	v2 =	vadd.s32 v0, v2;
	v5 =	vadd.s32 v0, v6;
	[tilespmem:$0x42C0] =	vst v4  }
0xd1: {  	v4 =	vadd.s32 v0, v7;
	[tilespmem:$0x42D0] =	vst v2  }
0xd2: {  	v2 =	vadd.s32 v0, v8;
	[tilespmem:$0x42A0] =	vst v4  }
0xd3: {  	[tilespmem:$0x4290] =	vst v5;
	v3 =	vadd.s32 v0, v3  }
0xd4: {  	[tilespmem:$0x4280] =	vst v2  }
0xd5: {  	[tilespmem:$0x42F0] =	vst v3  }
0xd6: {  	[tilespmem:s21], [sflag:$0x2] =	stream.indirect.gather [hbm4b:s4+s15], $0x80, s20, s15, $0xb8;
	[tilespmem:$0x1E3C0] =	vst v63  }
0xd7: {  	_ =	swait.ge [sflag:s22], $0x4000  }
0xd8: {  	[sflag:s22] =	ssyncset.done $0x0  }
0xd9: {  	[sflag:s22] =	ssyncadd.s32 $0xFFFFC000  }
0xda: {  	[spmem:s1] =	stream.indirect.scatter.add.f32 [tilespmem:s17], [sflag:$0x3], $0x80, s15, s15, $0xb8;
	[tilespmem:$0x1E3C0] =	vst v63  }
0xdb: {  	_ =	swait.ge [sflag:s23], $0x4000  }
0xdc: {  	[sflag:s23] =	ssyncset.done $0x0  }
0xdd: {  	[sflag:s23] =	ssyncadd.s32 $0xFFFFC000  }
0xde: {  	[spmem:s1] =	stream.indirect.scatter.add.f32 [tilespmem:s21], [sflag:$0x4], $0x80, s19, s15, $0xb8;
	[tilespmem:$0x1E3C0] =	vst v63  }
0xdf: {  	_ =	swait.ge [sflag:s24], $0x4000  }
0xe0: {  	s0 =	sadd.s32 s28, s6;
	[sflag:s24] =	ssyncset.done $0x0  }
0xe1: {  	s29 =	sadd.s32 $0x9E00, s0;
	[sflag:s24] =	ssyncadd.s32 $0xFFFFC000  }
0xe2: {  	[tilespmem:s2], [sflag:$0x5] =	stream.linear.gather [hbm4b:s29+s2], $0x80, $0x38;
	[tilespmem:$0x1E3C0] =	vst v63  }
0xe3: {  	_ =	swait.ge [sflag:s14], $0x80  }
0xe4: {  	s28 =	sadd.s32 s28, s7;
	[sflag:s14] =	ssyncset.done $0x0  }
0xe5: {  	s29 =	sadd.s32 $0x9E00, s28;
	[sflag:s14] =	ssyncadd.s32 $0xFFFFFF80  }
0xe6: {  	[tilespmem:s15], [sflag:$0x5] =	stream.linear.gather [hbm4b:s29+s2], $0x80, $0x38;
	[tilespmem:$0x1E3C0] =	vst v63  }
0xe7: {  	_ =	swait.ge [sflag:s14], $0x80  }
0xe8: {  	[sflag:s14] =	ssyncset.done $0x0  }
0xe9: {  	[sflag:s14] =	ssyncadd.s32 $0xFFFFFF80  }
0xea: {  	v2 =	vld [tilespmem:$0x60]  }
0xeb: {  	v3 =	vld [tilespmem:$0x20]  }
0xec: {  	v5 =	vld [tilespmem:$0x40]  }
0xed: {  	v7 =	vld [tilespmem:$0x30]  }
0xee: {  	v4 =	vld [tilespmem:$0x70]  }
0xef: {  	v6 =	vld [tilespmem:$0x50];
	v2 =	vadd.s32 v0, v2  }
0xf0: {  	v8 =	vld [tilespmem:$0x0];
	v3 =	vadd.s32 v0, v3;
	[tilespmem:$0x160] =	vst v2  }
0xf1: {  	v55 =	vadd.s32 v0, v5;
	v2 =	vld [tilespmem:$0x10];
	[tilespmem:$0x120] =	vst v3  }
0xf2: {  	v56 =	vadd.s32 v0, v7;
	[tilespmem:$0x140] =	vst v55  }
0xf3: {  	v3 =	vadd.s32 v0, v4;
	[tilespmem:$0x130] =	vst v56  }
0xf4: {  	[tilespmem:$0x170] =	vst v3;
	v3 =	vadd.s32 v0, v6  }
0xf5: {  	[tilespmem:$0x150] =	vst v3;
	v3 =	vadd.s32 v0, v8  }
0xf6: {  	[tilespmem:$0x100] =	vst v3;
	v2 =	vadd.s32 v0, v2  }
0xf7: {  	[tilespmem:$0x110] =	vst v2  }
0xf8: {  	[tilespmem:s17], [sflag:$0x1] =	stream.indirect.gather [hbm4b:s4+s15], $0x80, s16, s15, $0xb8;
	[tilespmem:$0x1E3C0] =	vst v63  }
0xf9: {  	_ =	swait.ge [sflag:s25], $0x4000  }
0xfa: {  	[sflag:s25] =	ssyncset.done $0x0  }
0xfb: {  	s0 =	sadd.s32 $0x9F00, s0;
	[sflag:s25] =	ssyncadd.s32 $0xFFFFC000  }
0xfc: {  	[tilespmem:s18], [sflag:$0x5] =	stream.linear.gather [hbm4b:s0+s2], $0x80, $0x38;
	[tilespmem:$0x1E3C0] =	vst v63  }
0xfd: {  	_ =	swait.ge [sflag:s14], $0x80  }
0xfe: {  	[sflag:s14] =	ssyncset.done $0x0  }
0xff: {  	s0 =	sadd.s32 $0x9F00, s28;
	[sflag:s14] =	ssyncadd.s32 $0xFFFFFF80  }
0x100: {  	[tilespmem:s19], [sflag:$0x5] =	stream.linear.gather [hbm4b:s0+s2], $0x80, $0x38;
	[tilespmem:$0x1E3C0] =	vst v63  }
0x101: {  	_ =	swait.ge [sflag:s14], $0x80  }
0x102: {  	[sflag:s14] =	ssyncset.done $0x0  }
0x103: {  	[sflag:s14] =	ssyncadd.s32 $0xFFFFFF80  }
0x104: {  	v2 =	vld [tilespmem:$0x41E0]  }
0x105: {  	v3 =	vld [tilespmem:$0x41B0]  }
0x106: {  	v59 =	vld [tilespmem:$0x41A0]  }
0x107: {  	v61 =	vld [tilespmem:$0x4180]  }
0x108: {  	v57 =	vld [tilespmem:$0x41C0]  }
0x109: {  	v58 =	vld [tilespmem:$0x41D0];
	v2 =	vadd.s32 v0, v2  }
0x10a: {  	v60 =	vld [tilespmem:$0x4190];
	v3 =	vadd.s32 v0, v3;
	[tilespmem:$0x42E0] =	vst v2  }
0x10b: {  	v62 =	vadd.s32 v0, v59;
	v2 =	vld [tilespmem:$0x41F0];
	[tilespmem:$0x42B0] =	vst v3  }
0x10c: {  	v63 =	vadd.s32 v0, v61;
	[tilespmem:$0x42A0] =	vst v62  }
0x10d: {  	v3 =	vadd.s32 v0, v57;
	[tilespmem:$0x4280] =	vst v63  }
0x10e: {  	[tilespmem:$0x42C0] =	vst v3;
	v3 =	vadd.s32 v0, v58  }
0x10f: {  	[tilespmem:$0x42D0] =	vst v3;
	v3 =	vadd.s32 v0, v60  }
0x110: {  	[tilespmem:$0x4290] =	vst v3;
	v2 =	vadd.s32 v0, v2  }
0x111: {  	[tilespmem:$0x42F0] =	vst v2  }
0x112: {  	[tilespmem:s21], [sflag:$0x2] =	stream.indirect.gather [hbm4b:s4+s15], $0x80, s20, s15, $0xb8;
	[tilespmem:$0x1E3C0] =	vst v63  }
0x113: {  	_ =	swait.ge [sflag:s22], $0x4000  }
0x114: {  	[sflag:s22] =	ssyncset.done $0x0  }
0x115: {  	[sflag:s22] =	ssyncadd.s32 $0xFFFFC000  }
0x116: {  	[spmem:s1] =	stream.indirect.scatter.add.f32 [tilespmem:s17], [sflag:$0x3], $0x80, s15, s15, $0xb8;
	[tilespmem:$0x1E3C0] =	vst v63  }
0x117: {  	_ =	swait.ge [sflag:s23], $0x4000  }
0x118: {  	[sflag:s23] =	ssyncset.done $0x0  }
0x119: {  	[sflag:s23] =	ssyncadd.s32 $0xFFFFC000  }
0x11a: {  	[spmem:s1] =	stream.indirect.scatter.add.f32 [tilespmem:s21], [sflag:$0x4], $0x80, s19, s15, $0xb8;
	[tilespmem:$0x1E3C0] =	vst v63  }
0x11b: {  	_ =	swait.ge [sflag:s24], $0x4000  }
0x11c: {  	[sflag:s24] =	ssyncset.done $0x0  }
0x11d: {  	[sflag:s24] =	ssyncadd.s32 $0xFFFFC000  }
0x11e: {  	_ =	swait.ge [sflag:s25], $0x4000  }
.Ltmp4:
0x11f: {  	[sflag:s25] =	ssyncset.done $0x0;
	(pc) =	sbr.rel @!p0 .LBB2_9-.Ltmp4, $4  }
0x120: {  	s30 =	sadd.s32 $0x5000, s12;
	s0 =	sshll.u32 s3, $0x6;
	[sflag:s25] =	ssyncadd.s32 $0xFFFFC000  }
0x121: {  	s28 =	sor.u32 $0x1C05, s0;
	s0 =	sshrl.u32 s11, $0x3;
	[bflag:$0x0] =	sbarrier.arrive $0xFFFF  }
0x122: {  	[hbm:s12], [sflag:s28] =	dma.local [spmem:s0], $0x500  }
0x123: {  	s31 =	smov.u32 s11;
	s29 =	sadd.s32 $0xFFFFFFFF, s5;
	_ =	swait.ge [sflag:s14], $0x500  }
.LBB2_8:
0x124: {  	[sflag:s14] =	ssyncset.done $0x0;
	s31 =	sadd.s32 $0x28000, s31;
	p0 =	sne.s32 s29, $0x1  }
.Ltmp5:
0x125: {  	s0 =	sshrl.u32 s31, $0x3;
	[sflag:s14] =	ssyncadd.s32 $0xFFFFFB00;
	(pc) =	sbr.rel @p0 .LBB2_8-.Ltmp5, $3  }
0x126: {  	[hbm:s30], [sflag:s28] =	dma.local [spmem:s0], $0x500  }
0x127: {  	s29 =	sadd.s32 $0xFFFFFFFF, s29;
	_ =	sdelay $0x1  }
0x128: {  	s30 =	sadd.s32 $0x5000, s30;
	_ =	swait.ge [sflag:s14], $0x500  }
.LBB2_9:
0x129: {  	s26 =	sadd.s32 $0x1, s26  }
0x12a: {  	p0 =	sne.s32 s26, s10  }
.Ltmp6:
0x12b: {  	_ = 	snop;
	(pc) =	sbr.rel @p0 .LBB2_1-.Ltmp6, $3  }
0x12c: {  	_ =	sdelay $0x1  }
0x12d: {  	[sflag:s14] =	ssyncset.done $0x0  }
0x12e: {  	[sflag:s14] =	ssyncadd.s32 $0xFFFFFB00  }
0x12f: {  	_ =	sfence.sel $0x180000  }
0x130: {  	[bflag:$0x0] =	sbarrier.arrive $0xFFFF  }
0x131: {  	_ =	strace $0x90000047  }
0x132: {  	[bflag:$0x2] =	sbarrier.arrive $0xFFFF  }
0x133: {  	p0 =	sne.s32 s3, $0x0;
	s0 =	rddreg [dreg:$0x3]  }
0x134: {  	s0 =	sadd.s32 @!p0 $0x100000, s0  }
0x135: {  	[sflag:s0] =	ssyncadd.tile.s32 @!p0 $0x1;
	_ =	shalt  }
.Lfunc_end2:
_tile_overlayer_lowered:
.L_overlay_start_2:
0x136: {  	(tag) =	ssettag $0x2  }
0x137: {  	s0 =	rddreg [dreg:$0x0];
	s2 =	stileid.u32  }
0x138: {  	s1 =	rddreg [dreg:$0x1];
	p0 =	sne.s32 s2, $0x0  }
0x139: {  	s3 =	rddreg [dreg:$0x2];
	[bflag:$0x3] =	sbarrier.arrive $0xFFFF;
	s2 =	simm.s32 @!p0 $0x1C05  }
0x13a: {  	[timem:s3], [sflag:s2] =	dma.local @!p0 [hbm:s0], s1  }
0x13b: {  	s0 =	simm.s32 @!p0 $0x5  }
0x13c: {  	_ =	swait.ge @!p0 [sflag:s0], s1  }
0x13d: {  	s1 =	ssub.s32 @!p0 $0x0, s1;
	[sflag:s0] =	ssyncset.done @!p0 $0x0  }
0x13e: {  	[sflag:s0] =	ssyncadd.s32 @!p0 s1  }
0x13f: {  	[bflag:$0x3] =	sbarrier.arrive $0xFFFF  }
0x140: {  	_ =	shalt  }

// kernel: segsum_fsplit.7.cloned.1.call-start
scs
__scs_entry_jumppad:
0x0: {  	(pc) =	sbr.rel $0x88, $3  }
0x1: {  	(tag) =	ssettag $0x0;
	lr =	simm.s32 $0x1  }
0x2: {  	[smem:$0x3F82] =	sst lr;
	_ =	strace $0xD0000000  }
0x3: {  	_ = 	snop  }
0x4: {  	_ = 	snop  }
0x5: {  	_ = 	snop  }
0x6: {  	_ = 	snop  }
0x7: {  	_ = 	snop  }
__scs_overlays_trampoline_lowered:
0x8: {  	[smem:$0x3F91] =	sst s0  }
0x9: {  	[smem:$0x3F92] =	sst s1  }
0xa: {  	[smem:$0x3F93] =	sst s2  }
0xb: {  	[smem:$0x3F94] =	sst s3  }
0xc: {  	[smem:$0x3F95] =	sst s4  }
0xd: {  	[smem:$0x3F96] =	sst s5  }
0xe: {  	[smem:$0x3F97] =	sst s6  }
0xf: {  	[smem:$0x3F98] =	sst s7  }
0x10: {  	[smem:$0x3F99] =	sst s8  }
0x11: {  	[smem:$0x3F9A] =	sst s9;
	s0 =	simm.s32 @!p0 $0x0  }
0x12: {  	s1 =	sld [smem:$0x3F80];
	s0 =	simm.s32 @p0 $0x1  }
0x13: {  	[smem:$0x3F9B] =	sst s0;
	s0 =	simm.s32 @!p1 $0x0  }
0x14: {  	s2 =	sld [smem:$0x3F7F];
	s0 =	simm.s32 @p1 $0x1  }
0x15: {  	[smem:$0x3F9C] =	sst s0;
	s0 =	simm.s32 @!p2 $0x0  }
0x16: {  	s3 =	sld [smem:$0x3FDB];
	s0 =	simm.s32 @p2 $0x1  }
0x17: {  	s4 =	simm.s32 $0x1BF5;
	[smem:$0x3F9E] =	sst s0  }
0x18: {  	s0 =	sld [smem:$0x3F81];
	_ =	swait.ge [sflag:s4], $0x0  }
0x19: {  	s7 =	sld [smem:$0x3F82]  }
0x1a: {  	s8 =	sadd.s32 $0xFFFFE003, lr  }
0x1b: {  	s9 =	sadd.s32 $0xFFFFFEF7, lr;
	s5 =	simm.s32 $0xFFFFFFFF;
	p2 =	slt.u32 s8, $0xFFFFF086  }
0x1c: {  	p1 =	slt.u32 s9, $0xF7A;
	s5 =	simm.s32 @!p2 $0x0  }
0x1d: {  	s5 =	simm.s32 @p1 $0x1;
	p0 =	seq.s32 s7, s2  }
0x1e: {  	s7 =	smul.u32 @!p0 $0xF7A, s2;
	p2 =	seq.s32 @!p0 s5, $0x0  }
0x1f: {  	s9 =	smul.u32 $0xF7A, s1;
	s8 =	simm.s32 @!p0 $0x1BF5;
	p2 =	por !p2, p0  }
0x20: {  	[sflag:s8] =	ssyncset.s32 @!p0 $0xFFFFF086;
	s6 =	sadd.s32 @!p0 s3, s7;
	s7 =	simm.s32 @!p0 $0x108  }
0x21: {  	s3 =	sadd.s32 s3, s9;
	s6 =	sadd.s32 @!p0 $0x88, s6;
	s7 =	simm.s32 @p2 $0x1082  }
0x22: {  	[simem:s7], [sflag:s8] =	dma.local @!p0 [hbm:s6], $0xF7A  }
0x23: {  	s9 =	sor.u32 $0xD0000000, s2;
	s6 =	simm.s32 $0x108;
	_ =	swait.ge @!p0 [sflag:s8], $0x0  }
0x24: {  	s3 =	sadd.s32 $0x88, s3;
	s6 =	simm.s32 @!p1 $0x1082;
	[sflag:s4] =	ssyncset.s32 $0xFFFFF086  }
0x25: {  	[simem:s6], [sflag:s4] =	dma.local [hbm:s3], $0xF7A  }
0x26: {  	[smem:$0x3F82] =	sst s1;
	(tag) =	ssettag s2;
	_ =	strace s9  }
0x27: {  	s1 =	sld [smem:$0x3F92]  }
0x28: {  	s2 =	sld [smem:$0x3F93]  }
0x29: {  	s4 =	sld [smem:$0x3F95]  }
0x2a: {  	p0 =	seq.s32 s5, $0x0;
	s5 =	sld [smem:$0x3F96]  }
0x2b: {  	s6 =	sld [smem:$0x3F97]  }
0x2c: {  	s7 =	sld [smem:$0x3F98]  }
0x2d: {  	s3 =	simm.s32 $0x108;
	s8 =	sld [smem:$0x3F99]  }
0x2e: {  	s3 =	simm.s32 @!p0 $0x1082;
	s9 =	sld [smem:$0x3F9A]  }
0x2f: {  	lr =	sadd.s32 s0, s3;
	s0 =	sld [smem:$0x3F91]  }
0x30: {  	s3 =	sld [smem:$0x3F94]  }
0x31: {  	[smem:$0x3F9D] =	sst s10  }
0x32: {  	s10 =	sld [smem:$0x3F9B];
	_ =	sdelay $0x3  }
0x33: {  	p0 =	seq.s32 s10, $0x1;
	s10 =	sld [smem:$0x3F9D];
	_ =	sdelay $0x3  }
0x34: {  	[smem:$0x3F9D] =	sst s10  }
0x35: {  	s10 =	sld [smem:$0x3F9C];
	_ =	sdelay $0x3  }
0x36: {  	p1 =	seq.s32 s10, $0x1;
	s10 =	sld [smem:$0x3F9D];
	_ =	sdelay $0x3  }
0x37: {  	[smem:$0x3F9D] =	sst s10  }
0x38: {  	s10 =	sld [smem:$0x3F9E]  }
0x39: {  	_ = 	snop;
	(pc) =	sbr.ind lr, $3  }
0x3a: {  	_ = 	snop  }
0x3b: {  	_ = 	snop  }
0x3c: {  	p2 =	seq.s32 s10, $0x1;
	s10 =	sld [smem:$0x3F9D]  }
0x3d: {  	_ =	shalt  }
0x3e: {  	_ =	shalt  }
0x3f: {  	_ =	shalt  }
0x40: {  	_ =	shalt  }
0x41: {  	_ =	shalt  }
0x42: {  	_ =	shalt  }
0x43: {  	_ =	shalt  }
0x44: {  	_ =	shalt  }
0x45: {  	_ =	shalt  }
0x46: {  	_ =	shalt  }
0x47: {  	_ =	shalt  }
0x48: {  	_ =	shalt  }
0x49: {  	_ =	shalt  }
0x4a: {  	_ =	shalt  }
0x4b: {  	_ =	shalt  }
0x4c: {  	_ =	shalt  }
0x4d: {  	_ =	shalt  }
0x4e: {  	_ =	shalt  }
0x4f: {  	_ =	shalt  }
0x50: {  	_ =	shalt  }
0x51: {  	_ =	shalt  }
0x52: {  	_ =	shalt  }
0x53: {  	_ =	shalt  }
0x54: {  	_ =	shalt  }
0x55: {  	_ =	shalt  }
0x56: {  	_ =	shalt  }
0x57: {  	_ =	shalt  }
0x58: {  	_ =	shalt  }
0x59: {  	_ =	shalt  }
0x5a: {  	_ =	shalt  }
0x5b: {  	_ =	shalt  }
0x5c: {  	_ =	shalt  }
0x5d: {  	_ =	shalt  }
0x5e: {  	_ =	shalt  }
0x5f: {  	_ =	shalt  }
0x60: {  	_ =	shalt  }
0x61: {  	_ =	shalt  }
0x62: {  	_ =	shalt  }
0x63: {  	_ =	shalt  }
0x64: {  	_ =	shalt  }
0x65: {  	_ =	shalt  }
0x66: {  	_ =	shalt  }
0x67: {  	_ =	shalt  }
0x68: {  	_ =	shalt  }
0x69: {  	_ =	shalt  }
0x6a: {  	_ =	shalt  }
0x6b: {  	_ =	shalt  }
0x6c: {  	_ =	shalt  }
0x6d: {  	_ =	shalt  }
0x6e: {  	_ =	shalt  }
0x6f: {  	_ =	shalt  }
0x70: {  	_ =	shalt  }
0x71: {  	_ =	shalt  }
0x72: {  	_ =	shalt  }
0x73: {  	_ =	shalt  }
0x74: {  	_ =	shalt  }
0x75: {  	_ =	shalt  }
0x76: {  	_ =	shalt  }
0x77: {  	_ =	shalt  }
0x78: {  	_ =	shalt  }
0x79: {  	_ =	shalt  }
0x7a: {  	_ =	shalt  }
0x7b: {  	_ =	shalt  }
0x7c: {  	_ =	shalt  }
0x7d: {  	_ =	shalt  }
0x7e: {  	_ =	shalt  }
0x7f: {  	_ =	shalt  }
0x80: {  	_ =	shalt  }
0x81: {  	_ =	shalt  }
0x82: {  	_ =	shalt  }
0x83: {  	_ =	shalt  }
0x84: {  	_ =	shalt  }
0x85: {  	_ =	shalt  }
0x86: {  	_ =	shalt  }
0x87: {  	_ =	shalt  }
.Lfunc_end0:
.L_simem_size_0:
called_computation.1_lowered:
.L_overlay_start_0:
0x88: {  	s2 =	sld [smem:$0x3FD9]  }
0x89: {  	s3 =	sld [smem:$0x3FFE];
	_ =	sdelay $0x1  }
0x8a: {  	s1 =	srdreg.scid  }
0x8b: {  	s0 =	sand.u32 $0x1, s1  }
0x8c: {  	s17 =	sshll.u32 s0, $0xA;
	s2 =	sadd.s32 s3, s2  }
0x8d: {  	s2 =	sadd.s32 s2, s17  }
0x8e: {  	[smem:$0x3FA9] =	sst s2  }
0x8f: {  	_ = 	snop  }
0x90: {  	s2 =	sld [smem:$0x3FD0];
	(tm) =	ssettm $0x1  }
0x91: {  	s18 =	sld [smem:$0x3FFB];
	_ =	sdelay $0x3  }
0x92: {  	_ =	strace s18  }
0x93: {  	s3 =	sld [smem:$0x3FFC];
	_ =	sdelay $0x3  }
0x94: {  	_ =	strace s3  }
0x95: {  	s3 =	sld [smem:$0x3FFD];
	_ =	sdelay $0x3  }
0x96: {  	_ =	strace s3  }
0x97: {  	_ =	strace $0x8FFFFFFF  }
0x98: {  	s19 =	sld [smem:$0x3FDB];
	_ =	sdelay $0x1  }
0x99: {  	s4 =	simm.s32 $_scs_section_size  }
0x9a: {  	s5 =	simm.s32 $_size__tile_overlayer_lowered;
	s6 =	simm.s32 $_tile_overlayer_lowered  }
0x9b: {  	s22 =	simm.s32 $0x1BFF;
	s21 =	sshll.u32 s6, $0x1;
	s3 =	sadd.s32 s4, s19  }
0x9c: {  	s7 =	simm.s32 $0x0;
	s20 =	sshll.u32 s5, $0x1;
	s5 =	sadd.s32 s21, s3  }
0x9d: {  	[timem:s7], [sflag:s22] =	dma.local [hbm:s5], s20  }
0x9e: {  	_ =	swait.ge [sflag:s22], s20  }
0x9f: {  	s4 =	ssub.s32 $0x0, s20;
	[sflag:s22] =	ssyncset.done $0x0  }
0xa0: {  	[sflag:s22] =	ssyncadd.s32 s4;
	_ =	sdelay $0x1  }
0xa1: {  	s23 =	simm.s32 $0x1B8B  }
0xa2: {  	_ =	swait.ge [sflag:s23], $0x1  }
0xa3: {  	[sflag:s23] =	ssyncset.done $0x0  }
0xa4: {  	s25 =	simm.s32 $0x1B8E;
	s24 =	sld [smem:$0x3FFE];
	[sflag:s23] =	ssyncadd.s32 $0xFFFFFFFF  }
0xa5: {  	s26 =	simm.s32 $execute0_lowered;
	[smem:$0x3FD2] =	sst s25  }
0xa6: {  	s5 =	sshll.u32 s26, $0x1;
	_ =	strace $0x80000049;
	[dreg:$0x1] =	wrdreg $0xFFFFFFFF  }
0xa7: {  	s28 =	simm.s32 $_size_execute0_lowered;
	s3 =	sadd.s32 s3, s5;
	[dreg:$0x0] =	wrdreg $0x0  }
0xa8: {  	s5 =	sshll.u32 s28, $0x1;
	[dreg:$0x2] =	wrdreg s3  }
0xa9: {  	[dreg:$0x3] =	wrdreg s5  }
0xaa: {  	[dreg:$0x4] =	wrdreg $0xC0  }
0xab: {  	_ =	task [dreg:s7], $0x5FFFF  }
0xac: {  	[dreg:$0x1] =	wrdreg $0xFFFFFFFF  }
0xad: {  	[dreg:$0x0] =	wrdreg $0x60  }
0xae: {  	[dreg:$0x2] =	wrdreg s24  }
0xaf: {  	[dreg:$0x3] =	wrdreg s2  }
0xb0: {  	[dreg:$0x4] =	wrdreg $0xAB000  }
0xb1: {  	[dreg:$0x5] =	wrdreg $0x9  }
0xb2: {  	_ =	task.clear_ibuf [dreg:s7], $0x6FFFF;
	_ =	strace $0x90000049  }
0xb3: {  	s29 =	simm.s32 $0x9;
	_ =	strace $0x8000004B  }
0xb4: {  	_ =	swait.ge [sflag:s29], $0x1  }
0xb5: {  	[sflag:s29] =	ssyncadd.s32 $0xFFFFFFFF  }
0xb6: {  	_ =	strace $0x9000004B  }
0xb7: {  	_ =	sfence  }
0xb8: {  	s30 =	sld [smem:$0x0];
	_ =	sdelay $0x2  }
0xb9: {  	s31 =	sshll.u32 s1, $0xD;
	s1 =	sshrl.u32 s1, $0x2  }
0xba: {  	s3 =	sand.u32 $0x4000, s31;
	s1 =	sadd.s32 s1, s30  }
0xbb: {  	s0 =	sor.u32 s3, s0;
	s1 =	sshll.u32 s1, $0x11  }
0xbc: {  	s0 =	sor.u32 s1, s0  }
0xbd: {  	s0 =	sadd.s32 $0x8F2B, s0  }
0xbe: {  	[sflag:s0] =	ssyncadd.remote.s32 $0x1  }
0xbf: {  	_ =	sfence.sel $0xFFFF  }
0xc0: {  	[dreg:$0x0] =	wrdreg $0xFFFFFFFF;
	(pc) =	sbr.abs _section_cstart, $3  }
0xc1: {  	[dreg:$0x1] =	wrdreg $0xFFFFFFFF  }
0xc2: {  	_ =	task.clear_ibuf [dreg:s7], $0x2FFFF;
	_ =	strace $0x9FFFFFFF  }
0xc3: {  	(tm) =	ssettm $0x7FFFFFFF  }
tec
execute0_lowered:
.L_overlay_start_1:
0x0: {  	(tag) =	ssettag $0x1  }
0x1: {  	s3 =	rddreg [dreg:$0x0]  }
0x2: {  	s8 =	rddreg [dreg:$0x1]  }
0x3: {  	s1 =	rddreg [dreg:$0x2];
	s2 =	simm.s32 $0x0  }
0x4: {  	s4 =	srdreg.scid;
	s15 =	simm.s32 $0x80;
	s16 =	simm.s32 $0x100  }
0x5: {  	s17 =	simm.s32 $0x180;
	s18 =	simm.s32 $0x4180;
	s19 =	simm.s32 $0x4200  }
0x6: {  	s20 =	simm.s32 $0x4280;
	s21 =	simm.s32 $0x4300;
	s22 =	simm.s32 $0x1  }
0x7: {  	s23 =	simm.s32 $0x2;
	s25 =	simm.s32 $0x4;
	s26 =	simm.s32 $0x0  }
0x8: {  	[smem:$0x7FF] =	sst s2;
	s5 =	sand.u32 $0x1, s4;
	s4 =	sadd.s32 $0x13600, s3  }
0x9: {  	s9 =	sadd.s32 $0x9800, s3;
	s6 =	smul.u32 $0x27100, s5;
	s7 =	ssub.s32 $0x2, s5  }
0xa: {  	_ =	strace $0x8000004A;
	s24 =	smul.u32 $0x2710, s5;
	s10 =	sshrl.u32 s7, $0x1  }
0xb: {  	s12 =	sadd.s32 s6, s3;
	s3 =	stileid.u32;
	s10 =	ssub.s32 s7, s10  }
0xc: {  	v0 =	vmov s24;
	s24 =	simm.s32 $0x3;
	s30 =	ssub.s32 $0x8C, s3;
	s13 =	smul.u32 $0xA000, s3  }
0xd: {  	s11 =	sshll.u32 s3, $0x4;
	s14 =	smul.u32 $0x500, s3;
	s10 =	smax.u32 s10, $0x1  }
0xe: {  	s6 =	sadd.s32 s8, s11;
	s7 =	sadd.s32 s9, s11;
	s11 =	sor.u32 $0x100, s11  }
0xf: {  	s5 =	sshrl.u32 s30, $0x4;
	s8 =	sadd.s32 s8, s11;
	s9 =	sadd.s32 s9, s11  }
0x10: {  	s31 =	sshrl.u32 s13, $0x2;
	s12 =	sadd.s32 s14, s12;
	s13 =	simm.s32 $0x8300  }
0x11: {  	v1 =	vimm.f32 $0.0e+00;
	s14 =	simm.s32 $0x5;
	s11 =	sadd.s32 s31, s1;
	s12 =	sadd.s32 $0x61800, s12  }
.LBB2_1:
0x12: {  	s28 =	simm.s32 $0x0;
	s29 =	simm.s32 $0x200  }
.LBB2_2:
0x13: {  	p0 =	sne.s32 s29, $0x9E00;
	[tilespmem:s28+$0x8370] =	vst v1  }
0x14: {  	[tilespmem:s28+$0x8300] =	vst v1  }
0x15: {  	[tilespmem:s28+$0x8310] =	vst v1  }
.Ltmp0:
0x16: {  	[tilespmem:s28+$0x8320] =	vst v1;
	(pc) =	sbr.rel @p0 .LBB2_2-.Ltmp0, $4  }
0x17: {  	[tilespmem:s28+$0x8330] =	vst v1  }
0x18: {  	[tilespmem:s28+$0x8340] =	vst v1  }
0x19: {  	[tilespmem:s28+$0x8350] =	vst v1  }
0x1a: {  	[tilespmem:s28+$0x8360] =	vst v1;
	s28 =	sshra.s32 s29, $0x2;
	s29 =	sadd.s32 $0x200, s29  }
0x1b: {  	[tilespmem:s28+$0x8370] =	vst v1  }
0x1c: {  	[tilespmem:s28+$0x8300] =	vst v1  }
0x1d: {  	[tilespmem:s28+$0x8310] =	vst v1  }
0x1e: {  	[tilespmem:s28+$0x8320] =	vst v1  }
0x1f: {  	[tilespmem:s28+$0x8330] =	vst v1  }
0x20: {  	[tilespmem:s28+$0x8340] =	vst v1;
	p0 =	sne.s32 s5, $0x1  }
.Ltmp1:
0x21: {  	[tilespmem:s28+$0x8350] =	vst v1;
	(pc) =	sbr.rel @!p0 .LBB2_5-.Ltmp1, $4  }
0x22: {  	[tilespmem:s28+$0x8360] =	vst v1  }
0x23: {  	[spmem:s11] =	stream.linear.scatter [tilespmem:s13], [sflag:$0x5], $0x2800, $0x38;
	[tilespmem:$0x1E3C0] =	vst v63  }
0x24: {  	_ =	swait.ge [sflag:s14], $0x2800  }
0x25: {  	s28 =	sadd.s32 $0xFFFFFFFF, s5;
	s29 =	smov.u32 s11;
	[sflag:s14] =	ssyncset.done $0x0  }
.LBB2_4:
0x26: {  	p1 =	sne.s32 s28, $0x1;
	[sflag:s14] =	ssyncadd.s32 $0xFFFFD800;
	s29 =	sadd.s32 $0x28000, s29  }
.Ltmp2:
0x27: {  	s28 =	sadd.s32 $0xFFFFFFFF, s28;
	(pc) =	sbr.rel @p1 .LBB2_4-.Ltmp2, $4  }
0x28: {  	_ = 	snop  }
0x29: {  	[spmem:s29] =	stream.linear.scatter [tilespmem:s13], [sflag:$0x5], $0x2800, $0x38;
	[tilespmem:$0x1E3C0] =	vst v63  }
0x2a: {  	_ =	swait.ge [sflag:s14], $0x2800  }
0x2b: {  	[sflag:s14] =	ssyncset.done $0x0  }
.LBB2_5:
0x2c: {  	[sflag:s14] =	ssyncadd.s32 $0xFFFFD800  }
0x2d: {  	[bflag:$0x0] =	sbarrier.arrive $0xFFFF  }
0x2e: {  	[tilespmem:s2], [sflag:$0x5] =	stream.linear.gather [hbm4b:s6+s2], $0x80, $0x38;
	[tilespmem:$0x1E3C0] =	vst v63  }
0x2f: {  	_ =	swait.ge [sflag:s14], $0x80  }
0x30: {  	[sflag:s14] =	ssyncset.done $0x0  }
0x31: {  	[sflag:s14] =	ssyncadd.s32 $0xFFFFFF80  }
0x32: {  	[tilespmem:s15], [sflag:$0x5] =	stream.linear.gather [hbm4b:s7+s2], $0x80, $0x38;
	[tilespmem:$0x1E3C0] =	vst v63  }
0x33: {  	_ =	swait.ge [sflag:s14], $0x80  }
0x34: {  	[sflag:s14] =	ssyncset.done $0x0  }
0x35: {  	[sflag:s14] =	ssyncadd.s32 $0xFFFFFF80  }
0x36: {  	v2 =	vld [tilespmem:$0x0]  }
0x37: {  	v3 =	vld [tilespmem:$0x10]  }
0x38: {  	v4 =	vld [tilespmem:$0x20]  }
0x39: {  	v5 =	vld [tilespmem:$0x30]  }
0x3a: {  	v6 =	vld [tilespmem:$0x40]  }
0x3b: {  	v7 =	vld [tilespmem:$0x50];
	v2 =	vadd.s32 v0, v2  }
0x3c: {  	[tilespmem:$0x100] =	vst v2;
	v2 =	vadd.s32 v0, v3;
	v3 =	vld [tilespmem:$0x60]  }
0x3d: {  	[tilespmem:$0x110] =	vst v2;
	v2 =	vadd.s32 v0, v4;
	v4 =	vld [tilespmem:$0x70]  }
0x3e: {  	[tilespmem:$0x120] =	vst v2;
	v2 =	vadd.s32 v0, v5  }
0x3f: {  	[tilespmem:$0x130] =	vst v2;
	v2 =	vadd.s32 v0, v6  }
0x40: {  	[tilespmem:$0x140] =	vst v2;
	v2 =	vadd.s32 v0, v7  }
0x41: {  	[tilespmem:$0x150] =	vst v2;
	v2 =	vadd.s32 v0, v3  }
0x42: {  	[tilespmem:$0x160] =	vst v2;
	v2 =	vadd.s32 v0, v4  }
0x43: {  	[tilespmem:$0x170] =	vst v2  }
0x44: {  	[tilespmem:s17], [sflag:$0x1] =	stream.indirect.gather [hbm4b:s4+s15], $0x80, s16, s15, $0xb8;
	[tilespmem:$0x1E3C0] =	vst v63  }
0x45: {  	_ = 	snop  }
0x46: {  	[tilespmem:s18], [sflag:$0x5] =	stream.linear.gather [hbm4b:s8+s2], $0x80, $0x38;
	[tilespmem:$0x1E3C0] =	vst v63  }
0x47: {  	_ =	swait.ge [sflag:s14], $0x80  }
0x48: {  	[sflag:s14] =	ssyncset.done $0x0  }
0x49: {  	[sflag:s14] =	ssyncadd.s32 $0xFFFFFF80  }
0x4a: {  	[tilespmem:s19], [sflag:$0x5] =	stream.linear.gather [hbm4b:s9+s2], $0x80, $0x38;
	[tilespmem:$0x1E3C0] =	vst v63  }
0x4b: {  	_ =	swait.ge [sflag:s14], $0x80  }
0x4c: {  	[sflag:s14] =	ssyncset.done $0x0  }
0x4d: {  	[sflag:s14] =	ssyncadd.s32 $0xFFFFFF80  }
0x4e: {  	v2 =	vld [tilespmem:$0x4180]  }
0x4f: {  	v3 =	vld [tilespmem:$0x4190]  }
0x50: {  	v4 =	vld [tilespmem:$0x41A0]  }
0x51: {  	v5 =	vld [tilespmem:$0x41B0]  }
0x52: {  	v57 =	vld [tilespmem:$0x41C0]  }
0x53: {  	v58 =	vld [tilespmem:$0x41D0];
	v2 =	vadd.s32 v0, v2  }
0x54: {  	[tilespmem:$0x4280] =	vst v2;
	v2 =	vadd.s32 v0, v3;
	v3 =	vld [tilespmem:$0x41E0]  }
0x55: {  	[tilespmem:$0x4290] =	vst v2;
	v2 =	vadd.s32 v0, v4;
	v4 =	vld [tilespmem:$0x41F0]  }
0x56: {  	[tilespmem:$0x42A0] =	vst v2;
	v2 =	vadd.s32 v0, v5  }
0x57: {  	[tilespmem:$0x42B0] =	vst v2;
	v2 =	vadd.s32 v0, v57  }
0x58: {  	[tilespmem:$0x42C0] =	vst v2;
	v2 =	vadd.s32 v0, v58  }
0x59: {  	[tilespmem:$0x42D0] =	vst v2;
	v2 =	vadd.s32 v0, v3  }
0x5a: {  	[tilespmem:$0x42E0] =	vst v2;
	v2 =	vadd.s32 v0, v4  }
0x5b: {  	[tilespmem:$0x42F0] =	vst v2  }
0x5c: {  	[tilespmem:s21], [sflag:$0x2] =	stream.indirect.gather [hbm4b:s4+s15], $0x80, s20, s15, $0xb8;
	[tilespmem:$0x1E3C0] =	vst v63  }
0x5d: {  	_ =	swait.ge [sflag:s22], $0x4000  }
0x5e: {  	[sflag:s22] =	ssyncset.done $0x0  }
0x5f: {  	[sflag:s22] =	ssyncadd.s32 $0xFFFFC000  }
0x60: {  	[spmem:s1] =	stream.indirect.scatter.add.f32 [tilespmem:s17], [sflag:$0x3], $0x80, s15, s15, $0xb8;
	[tilespmem:$0x1E3C0] =	vst v63  }
0x61: {  	_ =	swait.ge [sflag:s23], $0x4000  }
0x62: {  	[sflag:s23] =	ssyncset.done $0x0  }
0x63: {  	[sflag:s23] =	ssyncadd.s32 $0xFFFFC000  }
0x64: {  	[spmem:s1] =	stream.indirect.scatter.add.f32 [tilespmem:s21], [sflag:$0x4], $0x80, s19, s15, $0xb8;
	[tilespmem:$0x1E3C0] =	vst v63  }
0x65: {  	_ =	swait.ge [sflag:s24], $0x4000  }
0x66: {  	s28 =	sadd.s32 $0xFFFF6400, s6;
	[sflag:s24] =	ssyncset.done $0x0  }
0x67: {  	s29 =	sadd.s32 $0x9E00, s28;
	[sflag:s24] =	ssyncadd.s32 $0xFFFFC000  }
0x68: {  	[tilespmem:s2], [sflag:$0x5] =	stream.linear.gather [hbm4b:s29+s2], $0x80, $0x38;
	[tilespmem:$0x1E3C0] =	vst v63  }
0x69: {  	_ =	swait.ge [sflag:s14], $0x80  }
0x6a: {  	s29 =	sadd.s32 $0xFFFF6400, s7;
	[sflag:s14] =	ssyncset.done $0x0  }
0x6b: {  	s30 =	sadd.s32 $0x9E00, s29;
	[sflag:s14] =	ssyncadd.s32 $0xFFFFFF80  }
0x6c: {  	[tilespmem:s15], [sflag:$0x5] =	stream.linear.gather [hbm4b:s30+s2], $0x80, $0x38;
	[tilespmem:$0x1E3C0] =	vst v63  }
0x6d: {  	_ =	swait.ge [sflag:s14], $0x80  }
0x6e: {  	[sflag:s14] =	ssyncset.done $0x0  }
0x6f: {  	[sflag:s14] =	ssyncadd.s32 $0xFFFFFF80  }
0x70: {  	v2 =	vld [tilespmem:$0x60]  }
0x71: {  	v3 =	vld [tilespmem:$0x20]  }
0x72: {  	v4 =	vld [tilespmem:$0x70]  }
0x73: {  	v5 =	vld [tilespmem:$0x40]  }
0x74: {  	v59 =	vld [tilespmem:$0x50]  }
0x75: {  	v60 =	vld [tilespmem:$0x30];
	v2 =	vadd.s32 v0, v2  }
0x76: {  	v8 =	vld [tilespmem:$0x0];
	v3 =	vadd.s32 v0, v3;
	[tilespmem:$0x160] =	vst v2  }
0x77: {  	v2 =	vld [tilespmem:$0x10];
	[tilespmem:$0x120] =	vst v3;
	v3 =	vadd.s32 v0, v4  }
0x78: {  	v4 =	vadd.s32 v0, v5;
	[tilespmem:$0x170] =	vst v3  }
0x79: {  	[tilespmem:$0x140] =	vst v4;
	v3 =	vadd.s32 v0, v59  }
0x7a: {  	v4 =	vadd.s32 v0, v60;
	[tilespmem:$0x150] =	vst v3  }
0x7b: {  	v3 =	vadd.s32 v0, v8;
	[tilespmem:$0x130] =	vst v4  }
0x7c: {  	[tilespmem:$0x100] =	vst v3;
	v2 =	vadd.s32 v0, v2  }
0x7d: {  	[tilespmem:$0x110] =	vst v2  }
0x7e: {  	[tilespmem:s17], [sflag:$0x1] =	stream.indirect.gather [hbm4b:s4+s15], $0x80, s16, s15, $0xb8;
	[tilespmem:$0x1E3C0] =	vst v63  }
0x7f: {  	_ =	swait.ge [sflag:s25], $0x4000  }
0x80: {  	[sflag:s25] =	ssyncset.done $0x0  }
0x81: {  	s28 =	sadd.s32 $0x9F00, s28;
	[sflag:s25] =	ssyncadd.s32 $0xFFFFC000  }
0x82: {  	[tilespmem:s18], [sflag:$0x5] =	stream.linear.gather [hbm4b:s28+s2], $0x80, $0x38;
	[tilespmem:$0x1E3C0] =	vst v63  }
0x83: {  	_ =	swait.ge [sflag:s14], $0x80  }
0x84: {  	[sflag:s14] =	ssyncset.done $0x0  }
0x85: {  	s28 =	sadd.s32 $0x9F00, s29;
	[sflag:s14] =	ssyncadd.s32 $0xFFFFFF80  }
0x86: {  	[tilespmem:s19], [sflag:$0x5] =	stream.linear.gather [hbm4b:s28+s2], $0x80, $0x38;
	[tilespmem:$0x1E3C0] =	vst v63  }
0x87: {  	_ =	swait.ge [sflag:s14], $0x80  }
0x88: {  	[sflag:s14] =	ssyncset.done $0x0  }
0x89: {  	[sflag:s14] =	ssyncadd.s32 $0xFFFFFF80  }
0x8a: {  	v2 =	vld [tilespmem:$0x41D0]  }
0x8b: {  	v3 =	vld [tilespmem:$0x41E0]  }
0x8c: {  	v4 =	vld [tilespmem:$0x41B0]  }
0x8d: {  	v5 =	vld [tilespmem:$0x41C0]  }
0x8e: {  	v61 =	vld [tilespmem:$0x4190]  }
0x8f: {  	v62 =	vld [tilespmem:$0x41A0]  }
0x90: {  	v63 =	vld [tilespmem:$0x4180];
	v3 =	vadd.s32 v0, v3  }
0x91: {  	v4 =	vadd.s32 v0, v4;
	[tilespmem:$0x42E0] =	vst v3;
	v3 =	vld [tilespmem:$0x41F0]  }
0x92: {  	v2 =	vadd.s32 v0, v2;
	[tilespmem:$0x42B0] =	vst v4  }
0x93: {  	v4 =	vadd.s32 v0, v5;
	[tilespmem:$0x42D0] =	vst v2  }
0x94: {  	v5 =	vadd.s32 v0, v61;
	[tilespmem:$0x42C0] =	vst v4  }
0x95: {  	v4 =	vadd.s32 v0, v62;
	[tilespmem:$0x4290] =	vst v5  }
0x96: {  	s29 =	simm.s32 $0xFFFF6800;
	s28 =	simm.s32 $0xFFFF6600;
	v2 =	vadd.s32 v0, v63;
	[tilespmem:$0x42A0] =	vst v4;
	v3 =	vadd.s32 v0, v3  }
.LBB2_6:
0x97: {  	p1 =	sne.s32 s29, $0xFFFFFE00;
	[tilespmem:$0x4280] =	vst v2;
	s0 =	smov.u32 s29;
	s29 =	sadd.s32 $0x200, s29  }
0x98: {  	[tilespmem:$0x42F0] =	vst v3  }
0x99: {  	[tilespmem:s21], [sflag:$0x2] =	stream.indirect.gather [hbm4b:s4+s15], $0x80, s20, s15, $0xb8;
	[tilespmem:$0x1E3C0] =	vst v63  }
0x9a: {  	_ =	swait.ge [sflag:s22], $0x4000  }
0x9b: {  	[sflag:s22] =	ssyncset.done $0x0  }
0x9c: {  	[sflag:s22] =	ssyncadd.s32 $0xFFFFC000  }
0x9d: {  	[spmem:s1] =	stream.indirect.scatter.add.f32 [tilespmem:s17], [sflag:$0x3], $0x80, s15, s15, $0xb8;
	[tilespmem:$0x1E3C0] =	vst v63  }
0x9e: {  	_ =	swait.ge [sflag:s23], $0x4000  }
0x9f: {  	[sflag:s23] =	ssyncset.done $0x0  }
0xa0: {  	[sflag:s23] =	ssyncadd.s32 $0xFFFFC000  }
0xa1: {  	[spmem:s1] =	stream.indirect.scatter.add.f32 [tilespmem:s21], [sflag:$0x4], $0x80, s19, s15, $0xb8;
	[tilespmem:$0x1E3C0] =	vst v63  }
0xa2: {  	_ =	swait.ge [sflag:s24], $0x4000  }
0xa3: {  	s30 =	sadd.s32 s28, s6;
	[sflag:s24] =	ssyncset.done $0x0  }
0xa4: {  	s31 =	sadd.s32 $0x9E00, s30;
	[sflag:s24] =	ssyncadd.s32 $0xFFFFC000  }
0xa5: {  	[tilespmem:s2], [sflag:$0x5] =	stream.linear.gather [hbm4b:s31+s2], $0x80, $0x38;
	[tilespmem:$0x1E3C0] =	vst v63  }
0xa6: {  	_ =	swait.ge [sflag:s14], $0x80  }
0xa7: {  	s31 =	sadd.s32 s28, s7;
	s28 =	smov.u32 s0;
	[sflag:s14] =	ssyncset.done $0x0  }
0xa8: {  	s0 =	sadd.s32 $0x9E00, s31;
	[sflag:s14] =	ssyncadd.s32 $0xFFFFFF80  }
0xa9: {  	[tilespmem:s15], [sflag:$0x5] =	stream.linear.gather [hbm4b:s0+s2], $0x80, $0x38;
	[tilespmem:$0x1E3C0] =	vst v63  }
0xaa: {  	_ =	swait.ge [sflag:s14], $0x80  }
0xab: {  	[sflag:s14] =	ssyncset.done $0x0  }
0xac: {  	[sflag:s14] =	ssyncadd.s32 $0xFFFFFF80  }
0xad: {  	v2 =	vld [tilespmem:$0x60]  }
0xae: {  	v3 =	vld [tilespmem:$0x20]  }
0xaf: {  	v4 =	vld [tilespmem:$0x70]  }
0xb0: {  	v5 =	vld [tilespmem:$0x40]  }
0xb1: {  	v6 =	vld [tilespmem:$0x50]  }
0xb2: {  	v7 =	vld [tilespmem:$0x30];
	v2 =	vadd.s32 v0, v2  }
0xb3: {  	v8 =	vld [tilespmem:$0x0];
	v3 =	vadd.s32 v0, v3;
	[tilespmem:$0x160] =	vst v2  }
0xb4: {  	v2 =	vld [tilespmem:$0x10];
	[tilespmem:$0x120] =	vst v3;
	v3 =	vadd.s32 v0, v4  }
0xb5: {  	v4 =	vadd.s32 v0, v5;
	[tilespmem:$0x170] =	vst v3  }
0xb6: {  	[tilespmem:$0x140] =	vst v4;
	v3 =	vadd.s32 v0, v6  }
0xb7: {  	v4 =	vadd.s32 v0, v7;
	[tilespmem:$0x150] =	vst v3  }
0xb8: {  	v3 =	vadd.s32 v0, v8;
	[tilespmem:$0x130] =	vst v4  }
0xb9: {  	[tilespmem:$0x100] =	vst v3;
	v2 =	vadd.s32 v0, v2  }
0xba: {  	[tilespmem:$0x110] =	vst v2  }
0xbb: {  	[tilespmem:s17], [sflag:$0x1] =	stream.indirect.gather [hbm4b:s4+s15], $0x80, s16, s15, $0xb8;
	[tilespmem:$0x1E3C0] =	vst v63  }
0xbc: {  	_ =	swait.ge [sflag:s25], $0x4000  }
0xbd: {  	[sflag:s25] =	ssyncset.done $0x0  }
0xbe: {  	s0 =	sadd.s32 $0x9F00, s30;
	[sflag:s25] =	ssyncadd.s32 $0xFFFFC000  }
0xbf: {  	[tilespmem:s18], [sflag:$0x5] =	stream.linear.gather [hbm4b:s0+s2], $0x80, $0x38;
	[tilespmem:$0x1E3C0] =	vst v63  }
0xc0: {  	_ =	swait.ge [sflag:s14], $0x80  }
0xc1: {  	[sflag:s14] =	ssyncset.done $0x0  }
0xc2: {  	s0 =	sadd.s32 $0x9F00, s31;
	[sflag:s14] =	ssyncadd.s32 $0xFFFFFF80  }
0xc3: {  	[tilespmem:s19], [sflag:$0x5] =	stream.linear.gather [hbm4b:s0+s2], $0x80, $0x38;
	[tilespmem:$0x1E3C0] =	vst v63  }
0xc4: {  	_ =	swait.ge [sflag:s14], $0x80  }
0xc5: {  	[sflag:s14] =	ssyncset.done $0x0  }
0xc6: {  	[sflag:s14] =	ssyncadd.s32 $0xFFFFFF80  }
0xc7: {  	v2 =	vld [tilespmem:$0x41D0]  }
0xc8: {  	v3 =	vld [tilespmem:$0x41E0]  }
0xc9: {  	v4 =	vld [tilespmem:$0x41B0]  }
0xca: {  	v5 =	vld [tilespmem:$0x41C0]  }
0xcb: {  	v6 =	vld [tilespmem:$0x4190]  }
0xcc: {  	v7 =	vld [tilespmem:$0x41A0]  }
0xcd: {  	v8 =	vld [tilespmem:$0x4180];
	v3 =	vadd.s32 v0, v3  }
0xce: {  	v4 =	vadd.s32 v0, v4;
	[tilespmem:$0x42E0] =	vst v3;
	v3 =	vld [tilespmem:$0x41F0]  }
.Ltmp3:
0xcf: {  	[tilespmem:$0x42B0] =	vst v4;
	v4 =	vadd.s32 v0, v5;
	(pc) =	sbr.rel @p1 .LBB2_6-.Ltmp3, $4  }
0xd0: {  	v2 =	vadd.s32 v0, v2;
	v5 =	vadd.s32 v0, v6;
	[tilespmem:$0x42C0] =	vst v4  }
0xd1: {  	v4 =	vadd.s32 v0, v7;
	[tilespmem:$0x42D0] =	vst v2  }
0xd2: {  	v2 =	vadd.s32 v0, v8;
	[tilespmem:$0x42A0] =	vst v4  }
0xd3: {  	[tilespmem:$0x4290] =	vst v5;
	v3 =	vadd.s32 v0, v3  }
0xd4: {  	[tilespmem:$0x4280] =	vst v2  }
0xd5: {  	[tilespmem:$0x42F0] =	vst v3  }
0xd6: {  	[tilespmem:s21], [sflag:$0x2] =	stream.indirect.gather [hbm4b:s4+s15], $0x80, s20, s15, $0xb8;
	[tilespmem:$0x1E3C0] =	vst v63  }
0xd7: {  	_ =	swait.ge [sflag:s22], $0x4000  }
0xd8: {  	[sflag:s22] =	ssyncset.done $0x0  }
0xd9: {  	[sflag:s22] =	ssyncadd.s32 $0xFFFFC000  }
0xda: {  	[spmem:s1] =	stream.indirect.scatter.add.f32 [tilespmem:s17], [sflag:$0x3], $0x80, s15, s15, $0xb8;
	[tilespmem:$0x1E3C0] =	vst v63  }
0xdb: {  	_ =	swait.ge [sflag:s23], $0x4000  }
0xdc: {  	[sflag:s23] =	ssyncset.done $0x0  }
0xdd: {  	[sflag:s23] =	ssyncadd.s32 $0xFFFFC000  }
0xde: {  	[spmem:s1] =	stream.indirect.scatter.add.f32 [tilespmem:s21], [sflag:$0x4], $0x80, s19, s15, $0xb8;
	[tilespmem:$0x1E3C0] =	vst v63  }
0xdf: {  	_ =	swait.ge [sflag:s24], $0x4000  }
0xe0: {  	s0 =	sadd.s32 s28, s6;
	[sflag:s24] =	ssyncset.done $0x0  }
0xe1: {  	s29 =	sadd.s32 $0x9E00, s0;
	[sflag:s24] =	ssyncadd.s32 $0xFFFFC000  }
0xe2: {  	[tilespmem:s2], [sflag:$0x5] =	stream.linear.gather [hbm4b:s29+s2], $0x80, $0x38;
	[tilespmem:$0x1E3C0] =	vst v63  }
0xe3: {  	_ =	swait.ge [sflag:s14], $0x80  }
0xe4: {  	s28 =	sadd.s32 s28, s7;
	[sflag:s14] =	ssyncset.done $0x0  }
0xe5: {  	s29 =	sadd.s32 $0x9E00, s28;
	[sflag:s14] =	ssyncadd.s32 $0xFFFFFF80  }
0xe6: {  	[tilespmem:s15], [sflag:$0x5] =	stream.linear.gather [hbm4b:s29+s2], $0x80, $0x38;
	[tilespmem:$0x1E3C0] =	vst v63  }
0xe7: {  	_ =	swait.ge [sflag:s14], $0x80  }
0xe8: {  	[sflag:s14] =	ssyncset.done $0x0  }
0xe9: {  	[sflag:s14] =	ssyncadd.s32 $0xFFFFFF80  }
0xea: {  	v2 =	vld [tilespmem:$0x60]  }
0xeb: {  	v3 =	vld [tilespmem:$0x20]  }
0xec: {  	v5 =	vld [tilespmem:$0x40]  }
0xed: {  	v7 =	vld [tilespmem:$0x30]  }
0xee: {  	v4 =	vld [tilespmem:$0x70]  }
0xef: {  	v6 =	vld [tilespmem:$0x50];
	v2 =	vadd.s32 v0, v2  }
0xf0: {  	v8 =	vld [tilespmem:$0x0];
	v3 =	vadd.s32 v0, v3;
	[tilespmem:$0x160] =	vst v2  }
0xf1: {  	v55 =	vadd.s32 v0, v5;
	v2 =	vld [tilespmem:$0x10];
	[tilespmem:$0x120] =	vst v3  }
0xf2: {  	v56 =	vadd.s32 v0, v7;
	[tilespmem:$0x140] =	vst v55  }
0xf3: {  	v3 =	vadd.s32 v0, v4;
	[tilespmem:$0x130] =	vst v56  }
0xf4: {  	[tilespmem:$0x170] =	vst v3;
	v3 =	vadd.s32 v0, v6  }
0xf5: {  	[tilespmem:$0x150] =	vst v3;
	v3 =	vadd.s32 v0, v8  }
0xf6: {  	[tilespmem:$0x100] =	vst v3;
	v2 =	vadd.s32 v0, v2  }
0xf7: {  	[tilespmem:$0x110] =	vst v2  }
0xf8: {  	[tilespmem:s17], [sflag:$0x1] =	stream.indirect.gather [hbm4b:s4+s15], $0x80, s16, s15, $0xb8;
	[tilespmem:$0x1E3C0] =	vst v63  }
0xf9: {  	_ =	swait.ge [sflag:s25], $0x4000  }
0xfa: {  	[sflag:s25] =	ssyncset.done $0x0  }
0xfb: {  	s0 =	sadd.s32 $0x9F00, s0;
	[sflag:s25] =	ssyncadd.s32 $0xFFFFC000  }
0xfc: {  	[tilespmem:s18], [sflag:$0x5] =	stream.linear.gather [hbm4b:s0+s2], $0x80, $0x38;
	[tilespmem:$0x1E3C0] =	vst v63  }
0xfd: {  	_ =	swait.ge [sflag:s14], $0x80  }
0xfe: {  	[sflag:s14] =	ssyncset.done $0x0  }
0xff: {  	s0 =	sadd.s32 $0x9F00, s28;
	[sflag:s14] =	ssyncadd.s32 $0xFFFFFF80  }
0x100: {  	[tilespmem:s19], [sflag:$0x5] =	stream.linear.gather [hbm4b:s0+s2], $0x80, $0x38;
	[tilespmem:$0x1E3C0] =	vst v63  }
0x101: {  	_ =	swait.ge [sflag:s14], $0x80  }
0x102: {  	[sflag:s14] =	ssyncset.done $0x0  }
0x103: {  	[sflag:s14] =	ssyncadd.s32 $0xFFFFFF80  }
0x104: {  	v2 =	vld [tilespmem:$0x41E0]  }
0x105: {  	v3 =	vld [tilespmem:$0x41B0]  }
0x106: {  	v59 =	vld [tilespmem:$0x41A0]  }
0x107: {  	v61 =	vld [tilespmem:$0x4180]  }
0x108: {  	v57 =	vld [tilespmem:$0x41C0]  }
0x109: {  	v58 =	vld [tilespmem:$0x41D0];
	v2 =	vadd.s32 v0, v2  }
0x10a: {  	v60 =	vld [tilespmem:$0x4190];
	v3 =	vadd.s32 v0, v3;
	[tilespmem:$0x42E0] =	vst v2  }
0x10b: {  	v62 =	vadd.s32 v0, v59;
	v2 =	vld [tilespmem:$0x41F0];
	[tilespmem:$0x42B0] =	vst v3  }
0x10c: {  	v63 =	vadd.s32 v0, v61;
	[tilespmem:$0x42A0] =	vst v62  }
0x10d: {  	v3 =	vadd.s32 v0, v57;
	[tilespmem:$0x4280] =	vst v63  }
0x10e: {  	[tilespmem:$0x42C0] =	vst v3;
	v3 =	vadd.s32 v0, v58  }
0x10f: {  	[tilespmem:$0x42D0] =	vst v3;
	v3 =	vadd.s32 v0, v60  }
0x110: {  	[tilespmem:$0x4290] =	vst v3;
	v2 =	vadd.s32 v0, v2  }
0x111: {  	[tilespmem:$0x42F0] =	vst v2  }
0x112: {  	[tilespmem:s21], [sflag:$0x2] =	stream.indirect.gather [hbm4b:s4+s15], $0x80, s20, s15, $0xb8;
	[tilespmem:$0x1E3C0] =	vst v63  }
0x113: {  	_ =	swait.ge [sflag:s22], $0x4000  }
0x114: {  	[sflag:s22] =	ssyncset.done $0x0  }
0x115: {  	[sflag:s22] =	ssyncadd.s32 $0xFFFFC000  }
0x116: {  	[spmem:s1] =	stream.indirect.scatter.add.f32 [tilespmem:s17], [sflag:$0x3], $0x80, s15, s15, $0xb8;
	[tilespmem:$0x1E3C0] =	vst v63  }
0x117: {  	_ =	swait.ge [sflag:s23], $0x4000  }
0x118: {  	[sflag:s23] =	ssyncset.done $0x0  }
0x119: {  	[sflag:s23] =	ssyncadd.s32 $0xFFFFC000  }
0x11a: {  	[spmem:s1] =	stream.indirect.scatter.add.f32 [tilespmem:s21], [sflag:$0x4], $0x80, s19, s15, $0xb8;
	[tilespmem:$0x1E3C0] =	vst v63  }
0x11b: {  	_ =	swait.ge [sflag:s24], $0x4000  }
0x11c: {  	[sflag:s24] =	ssyncset.done $0x0  }
0x11d: {  	[sflag:s24] =	ssyncadd.s32 $0xFFFFC000  }
0x11e: {  	_ =	swait.ge [sflag:s25], $0x4000  }
.Ltmp4:
0x11f: {  	[sflag:s25] =	ssyncset.done $0x0;
	(pc) =	sbr.rel @!p0 .LBB2_9-.Ltmp4, $4  }
0x120: {  	s30 =	sadd.s32 $0x5000, s12;
	s0 =	sshll.u32 s3, $0x6;
	[sflag:s25] =	ssyncadd.s32 $0xFFFFC000  }
0x121: {  	s28 =	sor.u32 $0x1C05, s0;
	s0 =	sshrl.u32 s11, $0x3;
	[bflag:$0x0] =	sbarrier.arrive $0xFFFF  }
0x122: {  	[hbm:s12], [sflag:s28] =	dma.local [spmem:s0], $0x500  }
0x123: {  	s31 =	smov.u32 s11;
	s29 =	sadd.s32 $0xFFFFFFFF, s5;
	_ =	swait.ge [sflag:s14], $0x500  }
.LBB2_8:
0x124: {  	[sflag:s14] =	ssyncset.done $0x0;
	s31 =	sadd.s32 $0x28000, s31;
	p0 =	sne.s32 s29, $0x1  }
.Ltmp5:
0x125: {  	s0 =	sshrl.u32 s31, $0x3;
	[sflag:s14] =	ssyncadd.s32 $0xFFFFFB00;
	(pc) =	sbr.rel @p0 .LBB2_8-.Ltmp5, $3  }
0x126: {  	[hbm:s30], [sflag:s28] =	dma.local [spmem:s0], $0x500  }
0x127: {  	s29 =	sadd.s32 $0xFFFFFFFF, s29;
	_ =	sdelay $0x1  }
0x128: {  	s30 =	sadd.s32 $0x5000, s30;
	_ =	swait.ge [sflag:s14], $0x500  }
.LBB2_9:
0x129: {  	s26 =	sadd.s32 $0x1, s26  }
0x12a: {  	p0 =	sne.s32 s26, s10  }
.Ltmp6:
0x12b: {  	_ = 	snop;
	(pc) =	sbr.rel @p0 .LBB2_1-.Ltmp6, $3  }
0x12c: {  	_ =	sdelay $0x1  }
0x12d: {  	[sflag:s14] =	ssyncset.done $0x0  }
0x12e: {  	[sflag:s14] =	ssyncadd.s32 $0xFFFFFB00  }
0x12f: {  	_ =	sfence.sel $0x180000  }
0x130: {  	[bflag:$0x0] =	sbarrier.arrive $0xFFFF  }
0x131: {  	_ =	strace $0x9000004A  }
0x132: {  	[bflag:$0x2] =	sbarrier.arrive $0xFFFF  }
0x133: {  	p0 =	sne.s32 s3, $0x0;
	s0 =	rddreg [dreg:$0x3]  }
0x134: {  	s0 =	sadd.s32 @!p0 $0x100000, s0  }
0x135: {  	[sflag:s0] =	ssyncadd.tile.s32 @!p0 $0x1;
	_ =	shalt  }
.Lfunc_end2:
_tile_overlayer_lowered:
.L_overlay_start_2:
0x136: {  	(tag) =	ssettag $0x2  }
0x137: {  	s0 =	rddreg [dreg:$0x0];
	s2 =	stileid.u32  }
0x138: {  	s1 =	rddreg [dreg:$0x1];
	p0 =	sne.s32 s2, $0x0  }
0x139: {  	s3 =	rddreg [dreg:$0x2];
	[bflag:$0x3] =	sbarrier.arrive $0xFFFF;
	s2 =	simm.s32 @!p0 $0x1C05  }
0x13a: {  	[timem:s3], [sflag:s2] =	dma.local @!p0 [hbm:s0], s1  }
0x13b: {  	s0 =	simm.s32 @!p0 $0x5  }
0x13c: {  	_ =	swait.ge @!p0 [sflag:s0], s1  }
0x13d: {  	s1 =	ssub.s32 @!p0 $0x0, s1;
	[sflag:s0] =	ssyncset.done @!p0 $0x0  }
0x13e: {  	[sflag:s0] =	ssyncadd.s32 @!p0 s1  }
0x13f: {  	[bflag:$0x3] =	sbarrier.arrive $0xFFFF  }
0x140: {  	_ =	shalt  }

</sc_bundles>
